<compile_context>
chip_gen: v7x
topology: tpu7x:2x2x1
jax: 0.10.2.dev20260603
libtpu: 0.0.44.dev20260713+nightly
codegen_flags: <defaults>
</compile_context>

<pallas_src>
import jax
import jax.numpy as jnp
from jax import lax
from jax.experimental import pallas as pl
from jax.experimental.pallas import tpu as pltpu
from jax.experimental.pallas import tpu_sc as plsc

_H = 256
_V = 100000
_B = 2048
_K = 128
_NC = 2
_NS = 16
_NW = _NC * _NS
_APW = _B // _NW
_VBLK = 4000
_L = 16


def _tc_transform_body(emb_ref, w2_ref, b2_ref, stims_ref, w1_ref, b1_ref,
                       t_ref, x_ref):
    t_ref[...] = jnp.maximum(
        jnp.dot(emb_ref[...], w2_ref[...],
                preferred_element_type=jnp.float32) + b2_ref[...], 0.0)

    @pl.when(pl.program_id(0) == 0)
    def _():
        x_ref[...] = jnp.maximum(
            jnp.dot(stims_ref[...], w1_ref[...],
                    preferred_element_type=jnp.float32) + b1_ref[...], 0.0)


def _tc_transform(embed_table, W2, b2, stims, W1, b1):
    return pl.pallas_call(
        _tc_transform_body,
        grid=(_V // _VBLK,),
        in_specs=[
            pl.BlockSpec((_VBLK, _H), lambda i: (i, 0)),
            pl.BlockSpec((_H, _H), lambda i: (0, 0)),
            pl.BlockSpec((1, _H), lambda i: (0, 0)),
            pl.BlockSpec((_B, _H), lambda i: (0, 0)),
            pl.BlockSpec((_H, _H), lambda i: (0, 0)),
            pl.BlockSpec((1, _H), lambda i: (0, 0)),
        ],
        out_specs=[
            pl.BlockSpec((_VBLK, _H), lambda i: (i, 0)),
            pl.BlockSpec((_B, _H), lambda i: (0, 0)),
        ],
        out_shape=[
            jax.ShapeDtypeStruct((_V, _H), jnp.float32),
            jax.ShapeDtypeStruct((_B, _H), jnp.float32),
        ],
    )(embed_table, W2, b2, stims, W1, b1)


_XCH = 8
_SCH = 16


def _sc_names_body(nm_hbm, atn_hbm, names_out, atn_v, names_v, sem_n):
    wid = lax.axis_index("s") * _NC + lax.axis_index("c")
    base = wid * _APW
    pltpu.sync_copy(atn_hbm.at[pl.ds(base, _APW)], atn_v)

    def name_chunk(ch, carry):
        for u in range(8):
            pltpu.async_copy(nm_hbm.at[atn_v.at[ch * 8 + u]],
                             names_v.at[ch * 8 + u], sem_n)
        for u in range(8):
            pltpu.make_async_copy(nm_hbm.at[atn_v.at[ch * 8 + u]],
                                  names_v.at[ch * 8 + u], sem_n).wait()
        return carry

    lax.fori_loop(0, _APW // 8, name_chunk, 0)
    pltpu.sync_copy(names_v, names_out.at[pl.ds(base, _APW)])


def _sc_names(name_map, atn):
    mesh = plsc.VectorSubcoreMesh(core_axis_name="c", subcore_axis_name="s",
                                  num_cores=_NC, num_subcores=_NS)
    fn = pl.kernel(
        _sc_names_body,
        mesh=mesh,
        out_type=jax.ShapeDtypeStruct((_B, _K), jnp.int32),
        scratch_types=[
            pltpu.VMEM((_APW, _K), jnp.int32),
            pltpu.VMEM((_APW, _K), jnp.int32),
            pltpu.SemaphoreType.DMA,
        ],
        compiler_params=pltpu.CompilerParams(needs_layout_passes=False),
    )
    return fn(name_map, atn)


def _sc_body(t_hbm, x_hbm, names_hbm, scores_hbm, idx_hbm,
             names_v, xb, rows_v, sc_h, ix_v,
             sem_n, sem_x, sem_r0, sem_r1, sem_r2):
    wid = lax.axis_index("s") * _NC + lax.axis_index("c")
    base = wid * _APW
    lanes = lax.iota(jnp.int32, _L)
    sems = [sem_r0, sem_r1, sem_r2]

    def x_chunk_copy(g, slot):
        src = x_hbm.at[pl.ds(pl.multiple_of(base + g * _XCH, 8), _XCH)]
        return pltpu.make_async_copy(src, xb.at[slot], sem_x)

    x_chunk_copy(0, 0).start()
    pltpu.async_copy(names_hbm.at[pl.ds(base, _APW)], names_v, sem_n).wait()

    def compute(a, slot):
        xs = lax.rem(lax.div(a, _XCH), 2)
        xr = lax.rem(a, _XCH)
        xc = [xb[xs, xr, pl.ds(c * _L, _L)] for c in range(_H // _L)]

        def kg_body(kg, kc):
            bval, bidx = kc
            sv = jnp.zeros((_L,), jnp.float32)
            for kk in range(_L):
                k = kg * _L + kk
                acc = xc[0] * rows_v[slot, k, pl.ds(0, _L)]
                for c in range(1, _H // _L):
                    acc = acc + xc[c] * rows_v[slot, k, pl.ds(c * _L, _L)]
                s = jnp.sum(acc)
                sv = jnp.where(lanes == kk, s, sv)
            sc_h[lax.rem(a, _SCH), pl.ds(kg * _L, _L)] = sv
            upd = sv > bval
            bval = jnp.where(upd, sv, bval)
            bidx = jnp.where(upd, kg * _L + lanes, bidx)
            return bval, bidx

        bval0 = jnp.full((_L,), -1.0, jnp.float32)
        bidx0 = jnp.zeros((_L,), jnp.int32)
        bval, bidx = lax.fori_loop(0, _K // _L, kg_body, (bval0, bidx0))
        m = jnp.max(bval)
        cand = jnp.where(bval == m, bidx, jnp.int32(_K))
        amax = jnp.min(cand)
        ix_v[a, ...] = jnp.full((_L,), amax, jnp.int32)
        @pl.when(lax.rem(a, _SCH) == _SCH - 1)
        def _():
            blk_base = pl.multiple_of(base + (a - (_SCH - 1)), 8)
            pltpu.sync_copy(sc_h, scores_hbm.at[pl.ds(blk_base, _SCH)])

    def row_gather(a, slot):
        pltpu.async_copy(t_hbm.at[names_v.at[a]], rows_v.at[slot], sems[slot])

    def row_wait(a, slot):
        pltpu.make_async_copy(t_hbm.at[names_v.at[a]], rows_v.at[slot],
                              sems[slot]).wait()

    row_gather(0, 0)
    row_gather(1, 1)
    row_gather(2, 2)

    def agent_body(a, carry):
        u = lax.rem(a, 3)

        @pl.when(lax.rem(a, _XCH) == 0)
        def _():
            g = lax.div(a, _XCH)
            x_chunk_copy(g, lax.rem(g, 2)).wait()

            @pl.when(a + _XCH < _APW)
            def _():
                x_chunk_copy(g + 1, lax.rem(g + 1, 2)).start()

        for s in range(3):
            @pl.when(u == s)
            def _():
                row_wait(a, s)

        compute(a, u)

        @pl.when(a + 3 < _APW)
        def _():
            for s in range(3):
                @pl.when(u == s)
                def _():
                    row_gather(a + 3, s)

        return carry

    lax.fori_loop(0, _APW, agent_body, 0)
    pltpu.sync_copy(ix_v, idx_hbm.at[pl.ds(base, _APW)])


def _sc_classify(T, X, names):
    mesh = plsc.VectorSubcoreMesh(core_axis_name="c", subcore_axis_name="s",
                                  num_cores=_NC, num_subcores=_NS)
    fn = pl.kernel(
        _sc_body,
        mesh=mesh,
        out_type=(
            jax.ShapeDtypeStruct((_B, _K), jnp.float32),
            jax.ShapeDtypeStruct((_B, _L), jnp.int32),
        ),
        scratch_types=[
            pltpu.VMEM((_APW, _K), jnp.int32),
            pltpu.VMEM((2, _XCH, _H), jnp.float32),
            pltpu.VMEM((3, _K, _H), jnp.float32),
            pltpu.VMEM((_SCH, _K), jnp.float32),
            pltpu.VMEM((_APW, _L), jnp.int32),
            pltpu.SemaphoreType.DMA,
            pltpu.SemaphoreType.DMA,
            pltpu.SemaphoreType.DMA,
            pltpu.SemaphoreType.DMA,
            pltpu.SemaphoreType.DMA,
        ],
        compiler_params=pltpu.CompilerParams(needs_layout_passes=False),
    )
    return fn(T, X, names)


def kernel(stims, embed_table, name_map, atn_tensor, W1, b1, W2, b2):
    i, j, k, _n = atn_tensor.shape
    atn = atn_tensor.reshape(_B, _K)
    names = _sc_names(name_map, atn)
    T, X = _tc_transform(embed_table, W2, b2.reshape(1, _H), stims, W1,
                         b1.reshape(1, _H))
    scores, idx16 = _sc_classify(T, X, names)
    return scores.reshape(i, j, k), idx16[:, :1].reshape(i, j)

# --- scband reference (transcript-rebuilt; emitter-appended) ---
"""Pipeline reference for scband-net-tree-29841432773200 (READ-ONLY COPY).

The authoritative reference and input builder live on the scoring server;
editing this copy changes nothing except your own understanding.
"""

import jax, jax.numpy as jnp
import numpy as np

H = 256
V = 100000
B = 2048
J = 1
K = 128


def setup_inputs(seed: int = 0) -> dict:
    key = jax.random.key(seed)
    ks = jax.random.split(key, 8)
    stims = jax.random.normal(ks[0], (B, H), dtype=jnp.float32)
    embed_table = jax.random.normal(ks[1], (V, H), dtype=jnp.float32) * 0.05
    name_map = jax.random.randint(ks[2], (V,), 0, V, dtype=jnp.int32)
    atn_tensor = jax.random.randint(ks[3], (B, J, K, 1), 0, V, dtype=jnp.int32)
    s = 1.0 / np.sqrt(H)
    W1 = (jax.random.normal(ks[4], (H, H), dtype=jnp.float32) * s)
    b1 = jnp.zeros((H,), dtype=jnp.float32)
    W2 = (jax.random.normal(ks[5], (H, H), dtype=jnp.float32) * s)
    b2 = jnp.zeros((H,), dtype=jnp.float32)
    return {"stims": stims, "embed_table": embed_table, "name_map": name_map,
            "atn_tensor": atn_tensor, "W1": W1, "b1": b1, "W2": W2, "b2": b2}


def reference(stims, embed_table, name_map, atn_tensor, W1, b1, W2, b2):
    # NetTree.buffered path:
    i, j, k, n = atn_tensor.shape
    flat = atn_tensor.reshape(-1, n)
    # self.names(nameMap, targs): dict lookup of each action tuple -> embedding row index
    names = jnp.take(name_map, flat[:, 0], axis=0)
    # targs = embed[names]; reshape to (i, j, k, h)
    targs = jnp.take(embed_table, names, axis=0).reshape(i, j, k, -1)
    # stim = stim.unsqueeze(1).unsqueeze(1)
    stim = stims[:, None, None, :]
    # VariableDiscreteAction -> attention.DotReluBlock(h):
    x = jax.nn.relu(jnp.dot(stim, W1) + b1)      # (i,1,1,h)
    t = jax.nn.relu(jnp.dot(targs, W2) + b2)     # (i,j,k,h)
    scores = jnp.sum(x * t, axis=-1)             # (i,j,k) dot-relu attention logits
    # Action.forward -> functional.classify (greedy index over candidates)
    idx = jnp.argmax(scores, axis=-1)
    # NetTree.forward returns (atnArgsList=None, outList=scores)
    return scores, idx

if __name__ == "__main__":
    import jax
    _d = setup_inputs()
    print(jax.jit(kernel)(*tuple(_d.values())))

</pallas_src>

<mosaic_0001>
#map = affine_map<(d0, d1) -> (0)>
#map1 = affine_map<(d0, d1) -> (0, 0)>
module attributes {stable_mosaic.version = 14 : i64} {
  func.func @_sc_names_body(%arg0: i32, %arg1: i32, %arg2: memref<100000xi32, #tpu.memory_space<hbm>>, %arg3: memref<2048x128xi32, #tpu.memory_space<hbm>>, %arg4: memref<2048x128xi32, #tpu.memory_space<hbm>>, %arg5: memref<64x128xi32, #tpu.memory_space<vmem>>, %arg6: memref<64x128xi32, #tpu.memory_space<vmem>>, %arg7: memref<!tpu.dma_semaphore, #tpu.memory_space<semaphore_mem>>) attributes {dimension_semantics = [#tpu.dimension_semantics<core_parallel>, #tpu.dimension_semantics<subcore_parallel>], iteration_bounds = array<i64: 2, 16>, scalar_prefetch = 0 : i64, scratch_operands = 3 : i64, tpu.core_type = #tpu.core_type<sc_vector_subcore>, window_params = [{transform_indices = #map}, {transform_indices = #map1}, {transform_indices = #map1}]} {
    %mul3A = arith.constant 2 : i32
    %mul3A_0 = arith.muli %arg1, %mul3A : i32
    %add3A = arith.addi %mul3A_0, %arg0 : i32
    %mul3A_1 = arith.constant 64 : i32
    %mul3A_2 = arith.muli %add3A, %mul3A_1 : i32
    "tpu.region"() ({
      %run_scoped3A = tpu.sem_alloc : memref<!tpu.dma_semaphore, #tpu.memory_space<semaphore_mem>>
      %dma_start3A = arith.constant 0 : i32
      %dma_start3A_8 = tpu.memref_slice %arg3[%mul3A_2, %dma_start3A] : memref<2048x128xi32, #tpu.memory_space<hbm>> -> memref<64x128xi32, #tpu.memory_space<hbm>>
      %dma_start3A_9 = arith.constant 0 : i32
      %dma_start3A_10 = tpu.memref_slice %arg3[%mul3A_2, %dma_start3A_9] : memref<2048x128xi32, #tpu.memory_space<hbm>> -> memref<64x128xi32, #tpu.memory_space<hbm>>
      tpu.enqueue_dma source(%dma_start3A_10 : memref<64x128xi32, #tpu.memory_space<hbm>>) target(%arg5 : memref<64x128xi32, #tpu.memory_space<vmem>>) target_semaphore(%run_scoped3A : memref<!tpu.dma_semaphore, #tpu.memory_space<semaphore_mem>>)
      %dma_wait3A = arith.constant 0 : i32
      %dma_wait3A_11 = tpu.memref_slice %arg3[%mul3A_2, %dma_wait3A] : memref<2048x128xi32, #tpu.memory_space<hbm>> -> memref<64x128xi32, #tpu.memory_space<hbm>>
      %dma_wait3A_12 = arith.constant 0 : i32
      %dma_wait3A_13 = tpu.memref_slice %arg3[%mul3A_2, %dma_wait3A_12] : memref<2048x128xi32, #tpu.memory_space<hbm>> -> memref<64x128xi32, #tpu.memory_space<hbm>>
      tpu.wait_dma2 semaphore(%run_scoped3A : memref<!tpu.dma_semaphore, #tpu.memory_space<semaphore_mem>>) src(%dma_wait3A_13 : memref<64x128xi32, #tpu.memory_space<hbm>>) dst(%arg5 : memref<64x128xi32, #tpu.memory_space<vmem>>)
      tpu.yield
    }) : () -> ()
    %scan3A = arith.constant 0 : i32
    %scan3A_3 = arith.constant 0 : i32
    %scan3A_4 = arith.constant 8 : i32
    %scan3A_5 = arith.addi %scan3A_3, %scan3A_4 : i32
    %scan3A_6 = arith.constant 1 : i32
    scf.for %scan3A_8 = %scan3A_3 to %scan3A_5 step %scan3A_6  : i32 {
      %mul3A_9 = arith.constant 8 : i32
      %mul3A_10 = arith.muli %scan3A_8, %mul3A_9 : i32
      %add3A_11 = arith.constant 0 : i32
      %add3A_12 = arith.addi %mul3A_10, %add3A_11 : i32
      %mul3A_13 = arith.constant 8 : i32
      %mul3A_14 = arith.muli %scan3A_8, %mul3A_13 : i32
      %add3A_15 = arith.constant 0 : i32
      %add3A_16 = arith.addi %mul3A_14, %add3A_15 : i32
      %dma_start3A = arith.constant 0 : i32
      %dma_start3A_17 = tpu.memref_slice %arg6[%add3A_16, %dma_start3A] : memref<64x128xi32, #tpu.memory_space<vmem>> -> memref<1x128xi32, #tpu.memory_space<vmem>>
      %dma_start3A_18 = tpu.memref_squeeze %dma_start3A_17 : memref<1x128xi32, #tpu.memory_space<vmem>> -> memref<128xi32, #tpu.memory_space<vmem>>
      %dma_start3A_19 = arith.constant 0 : i32
      %dma_start3A_20 = tpu.memref_slice %arg5[%add3A_12, %dma_start3A_19] : memref<64x128xi32, #tpu.memory_space<vmem>> -> memref<1x128xi32, #tpu.memory_space<vmem>>
      %dma_start3A_21 = tpu.memref_squeeze %dma_start3A_20 : memref<1x128xi32, #tpu.memory_space<vmem>> -> memref<128xi32, #tpu.memory_space<vmem>>
      %dma_start3A_22 = arith.constant 0 : i32
      %dma_start3A_23 = tpu.memref_slice %arg2[%dma_start3A_22] : memref<100000xi32, #tpu.memory_space<hbm>> -> memref<100000xi32, #tpu.memory_space<hbm>>
      tpu.enqueue_indirect_dma source(%dma_start3A_23 : memref<100000xi32, #tpu.memory_space<hbm>>) target(%dma_start3A_18 : memref<128xi32, #tpu.memory_space<vmem>>) offsets(%dma_start3A_21 : memref<128xi32, #tpu.memory_space<vmem>>) semaphore(%arg7 : memref<!tpu.dma_semaphore, #tpu.memory_space<semaphore_mem>>)
      %mul3A_24 = arith.constant 8 : i32
      %mul3A_25 = arith.muli %scan3A_8, %mul3A_24 : i32
      %add3A_26 = arith.constant 1 : i32
      %add3A_27 = arith.addi %mul3A_25, %add3A_26 : i32
      %mul3A_28 = arith.constant 8 : i32
      %mul3A_29 = arith.muli %scan3A_8, %mul3A_28 : i32
      %add3A_30 = arith.constant 1 : i32
      %add3A_31 = arith.addi %mul3A_29, %add3A_30 : i32
      %dma_start3A_32 = arith.constant 0 : i32
      %dma_start3A_33 = tpu.memref_slice %arg6[%add3A_31, %dma_start3A_32] : memref<64x128xi32, #tpu.memory_space<vmem>> -> memref<1x128xi32, #tpu.memory_space<vmem>>
      %dma_start3A_34 = tpu.memref_squeeze %dma_start3A_33 : memref<1x128xi32, #tpu.memory_space<vmem>> -> memref<128xi32, #tpu.memory_space<vmem>>
      %dma_start3A_35 = arith.constant 0 : i32
      %dma_start3A_36 = tpu.memref_slice %arg5[%add3A_27, %dma_start3A_35] : memref<64x128xi32, #tpu.memory_space<vmem>> -> memref<1x128xi32, #tpu.memory_space<vmem>>
      %dma_start3A_37 = tpu.memref_squeeze %dma_start3A_36 : memref<1x128xi32, #tpu.memory_space<vmem>> -> memref<128xi32, #tpu.memory_space<vmem>>
      %dma_start3A_38 = arith.constant 0 : i32
      %dma_start3A_39 = tpu.memref_slice %arg2[%dma_start3A_38] : memref<100000xi32, #tpu.memory_space<hbm>> -> memref<100000xi32, #tpu.memory_space<hbm>>
      tpu.enqueue_indirect_dma source(%dma_start3A_39 : memref<100000xi32, #tpu.memory_space<hbm>>) target(%dma_start3A_34 : memref<128xi32, #tpu.memory_space<vmem>>) offsets(%dma_start3A_37 : memref<128xi32, #tpu.memory_space<vmem>>) semaphore(%arg7 : memref<!tpu.dma_semaphore, #tpu.memory_space<semaphore_mem>>)
      %mul3A_40 = arith.constant 8 : i32
      %mul3A_41 = arith.muli %scan3A_8, %mul3A_40 : i32
      %add3A_42 = arith.constant 2 : i32
      %add3A_43 = arith.addi %mul3A_41, %add3A_42 : i32
      %mul3A_44 = arith.constant 8 : i32
      %mul3A_45 = arith.muli %scan3A_8, %mul3A_44 : i32
      %add3A_46 = arith.constant 2 : i32
      %add3A_47 = arith.addi %mul3A_45, %add3A_46 : i32
      %dma_start3A_48 = arith.constant 0 : i32
      %dma_start3A_49 = tpu.memref_slice %arg6[%add3A_47, %dma_start3A_48] : memref<64x128xi32, #tpu.memory_space<vmem>> -> memref<1x128xi32, #tpu.memory_space<vmem>>
      %dma_start3A_50 = tpu.memref_squeeze %dma_start3A_49 : memref<1x128xi32, #tpu.memory_space<vmem>> -> memref<128xi32, #tpu.memory_space<vmem>>
      %dma_start3A_51 = arith.constant 0 : i32
      %dma_start3A_52 = tpu.memref_slice %arg5[%add3A_43, %dma_start3A_51] : memref<64x128xi32, #tpu.memory_space<vmem>> -> memref<1x128xi32, #tpu.memory_space<vmem>>
      %dma_start3A_53 = tpu.memref_squeeze %dma_start3A_52 : memref<1x128xi32, #tpu.memory_space<vmem>> -> memref<128xi32, #tpu.memory_space<vmem>>
      %dma_start3A_54 = arith.constant 0 : i32
      %dma_start3A_55 = tpu.memref_slice %arg2[%dma_start3A_54] : memref<100000xi32, #tpu.memory_space<hbm>> -> memref<100000xi32, #tpu.memory_space<hbm>>
      tpu.enqueue_indirect_dma source(%dma_start3A_55 : memref<100000xi32, #tpu.memory_space<hbm>>) target(%dma_start3A_50 : memref<128xi32, #tpu.memory_space<vmem>>) offsets(%dma_start3A_53 : memref<128xi32, #tpu.memory_space<vmem>>) semaphore(%arg7 : memref<!tpu.dma_semaphore, #tpu.memory_space<semaphore_mem>>)
      %mul3A_56 = arith.constant 8 : i32
      %mul3A_57 = arith.muli %scan3A_8, %mul3A_56 : i32
      %add3A_58 = arith.constant 3 : i32
      %add3A_59 = arith.addi %mul3A_57, %add3A_58 : i32
      %mul3A_60 = arith.constant 8 : i32
      %mul3A_61 = arith.muli %scan3A_8, %mul3A_60 : i32
      %add3A_62 = arith.constant 3 : i32
      %add3A_63 = arith.addi %mul3A_61, %add3A_62 : i32
      %dma_start3A_64 = arith.constant 0 : i32
      %dma_start3A_65 = tpu.memref_slice %arg6[%add3A_63, %dma_start3A_64] : memref<64x128xi32, #tpu.memory_space<vmem>> -> memref<1x128xi32, #tpu.memory_space<vmem>>
      %dma_start3A_66 = tpu.memref_squeeze %dma_start3A_65 : memref<1x128xi32, #tpu.memory_space<vmem>> -> memref<128xi32, #tpu.memory_space<vmem>>
      %dma_start3A_67 = arith.constant 0 : i32
      %dma_start3A_68 = tpu.memref_slice %arg5[%add3A_59, %dma_start3A_67] : memref<64x128xi32, #tpu.memory_space<vmem>> -> memref<1x128xi32, #tpu.memory_space<vmem>>
      %dma_start3A_69 = tpu.memref_squeeze %dma_start3A_68 : memref<1x128xi32, #tpu.memory_space<vmem>> -> memref<128xi32, #tpu.memory_space<vmem>>
      %dma_start3A_70 = arith.constant 0 : i32
      %dma_start3A_71 = tpu.memref_slice %arg2[%dma_start3A_70] : memref<100000xi32, #tpu.memory_space<hbm>> -> memref<100000xi32, #tpu.memory_space<hbm>>
      tpu.enqueue_indirect_dma source(%dma_start3A_71 : memref<100000xi32, #tpu.memory_space<hbm>>) target(%dma_start3A_66 : memref<128xi32, #tpu.memory_space<vmem>>) offsets(%dma_start3A_69 : memref<128xi32, #tpu.memory_space<vmem>>) semaphore(%arg7 : memref<!tpu.dma_semaphore, #tpu.memory_space<semaphore_mem>>)
      %mul3A_72 = arith.constant 8 : i32
      %mul3A_73 = arith.muli %scan3A_8, %mul3A_72 : i32
      %add3A_74 = arith.constant 4 : i32
      %add3A_75 = arith.addi %mul3A_73, %add3A_74 : i32
      %mul3A_76 = arith.constant 8 : i32
      %mul3A_77 = arith.muli %scan3A_8, %mul3A_76 : i32
      %add3A_78 = arith.constant 4 : i32
      %add3A_79 = arith.addi %mul3A_77, %add3A_78 : i32
      %dma_start3A_80 = arith.constant 0 : i32
      %dma_start3A_81 = tpu.memref_slice %arg6[%add3A_79, %dma_start3A_80] : memref<64x128xi32, #tpu.memory_space<vmem>> -> memref<1x128xi32, #tpu.memory_space<vmem>>
      %dma_start3A_82 = tpu.memref_squeeze %dma_start3A_81 : memref<1x128xi32, #tpu.memory_space<vmem>> -> memref<128xi32, #tpu.memory_space<vmem>>
      %dma_start3A_83 = arith.constant 0 : i32
      %dma_start3A_84 = tpu.memref_slice %arg5[%add3A_75, %dma_start3A_83] : memref<64x128xi32, #tpu.memory_space<vmem>> -> memref<1x128xi32, #tpu.memory_space<vmem>>
      %dma_start3A_85 = tpu.memref_squeeze %dma_start3A_84 : memref<1x128xi32, #tpu.memory_space<vmem>> -> memref<128xi32, #tpu.memory_space<vmem>>
      %dma_start3A_86 = arith.constant 0 : i32
      %dma_start3A_87 = tpu.memref_slice %arg2[%dma_start3A_86] : memref<100000xi32, #tpu.memory_space<hbm>> -> memref<100000xi32, #tpu.memory_space<hbm>>
      tpu.enqueue_indirect_dma source(%dma_start3A_87 : memref<100000xi32, #tpu.memory_space<hbm>>) target(%dma_start3A_82 : memref<128xi32, #tpu.memory_space<vmem>>) offsets(%dma_start3A_85 : memref<128xi32, #tpu.memory_space<vmem>>) semaphore(%arg7 : memref<!tpu.dma_semaphore, #tpu.memory_space<semaphore_mem>>)
      %mul3A_88 = arith.constant 8 : i32
      %mul3A_89 = arith.muli %scan3A_8, %mul3A_88 : i32
      %add3A_90 = arith.constant 5 : i32
      %add3A_91 = arith.addi %mul3A_89, %add3A_90 : i32
      %mul3A_92 = arith.constant 8 : i32
      %mul3A_93 = arith.muli %scan3A_8, %mul3A_92 : i32
      %add3A_94 = arith.constant 5 : i32
      %add3A_95 = arith.addi %mul3A_93, %add3A_94 : i32
      %dma_start3A_96 = arith.constant 0 : i32
      %dma_start3A_97 = tpu.memref_slice %arg6[%add3A_95, %dma_start3A_96] : memref<64x128xi32, #tpu.memory_space<vmem>> -> memref<1x128xi32, #tpu.memory_space<vmem>>
      %dma_start3A_98 = tpu.memref_squeeze %dma_start3A_97 : memref<1x128xi32, #tpu.memory_space<vmem>> -> memref<128xi32, #tpu.memory_space<vmem>>
      %dma_start3A_99 = arith.constant 0 : i32
      %dma_start3A_100 = tpu.memref_slice %arg5[%add3A_91, %dma_start3A_99] : memref<64x128xi32, #tpu.memory_space<vmem>> -> memref<1x128xi32, #tpu.memory_space<vmem>>
      %dma_start3A_101 = tpu.memref_squeeze %dma_start3A_100 : memref<1x128xi32, #tpu.memory_space<vmem>> -> memref<128xi32, #tpu.memory_space<vmem>>
      %dma_start3A_102 = arith.constant 0 : i32
      %dma_start3A_103 = tpu.memref_slice %arg2[%dma_start3A_102] : memref<100000xi32, #tpu.memory_space<hbm>> -> memref<100000xi32, #tpu.memory_space<hbm>>
      tpu.enqueue_indirect_dma source(%dma_start3A_103 : memref<100000xi32, #tpu.memory_space<hbm>>) target(%dma_start3A_98 : memref<128xi32, #tpu.memory_space<vmem>>) offsets(%dma_start3A_101 : memref<128xi32, #tpu.memory_space<vmem>>) semaphore(%arg7 : memref<!tpu.dma_semaphore, #tpu.memory_space<semaphore_mem>>)
      %mul3A_104 = arith.constant 8 : i32
      %mul3A_105 = arith.muli %scan3A_8, %mul3A_104 : i32
      %add3A_106 = arith.constant 6 : i32
      %add3A_107 = arith.addi %mul3A_105, %add3A_106 : i32
      %mul3A_108 = arith.constant 8 : i32
      %mul3A_109 = arith.muli %scan3A_8, %mul3A_108 : i32
      %add3A_110 = arith.constant 6 : i32
      %add3A_111 = arith.addi %mul3A_109, %add3A_110 : i32
      %dma_start3A_112 = arith.constant 0 : i32
      %dma_start3A_113 = tpu.memref_slice %arg6[%add3A_111, %dma_start3A_112] : memref<64x128xi32, #tpu.memory_space<vmem>> -> memref<1x128xi32, #tpu.memory_space<vmem>>
      %dma_start3A_114 = tpu.memref_squeeze %dma_start3A_113 : memref<1x128xi32, #tpu.memory_space<vmem>> -> memref<128xi32, #tpu.memory_space<vmem>>
      %dma_start3A_115 = arith.constant 0 : i32
      %dma_start3A_116 = tpu.memref_slice %arg5[%add3A_107, %dma_start3A_115] : memref<64x128xi32, #tpu.memory_space<vmem>> -> memref<1x128xi32, #tpu.memory_space<vmem>>
      %dma_start3A_117 = tpu.memref_squeeze %dma_start3A_116 : memref<1x128xi32, #tpu.memory_space<vmem>> -> memref<128xi32, #tpu.memory_space<vmem>>
      %dma_start3A_118 = arith.constant 0 : i32
      %dma_start3A_119 = tpu.memref_slice %arg2[%dma_start3A_118] : memref<100000xi32, #tpu.memory_space<hbm>> -> memref<100000xi32, #tpu.memory_space<hbm>>
      tpu.enqueue_indirect_dma source(%dma_start3A_119 : memref<100000xi32, #tpu.memory_space<hbm>>) target(%dma_start3A_114 : memref<128xi32, #tpu.memory_space<vmem>>) offsets(%dma_start3A_117 : memref<128xi32, #tpu.memory_space<vmem>>) semaphore(%arg7 : memref<!tpu.dma_semaphore, #tpu.memory_space<semaphore_mem>>)
      %mul3A_120 = arith.constant 8 : i32
      %mul3A_121 = arith.muli %scan3A_8, %mul3A_120 : i32
      %add3A_122 = arith.constant 7 : i32
      %add3A_123 = arith.addi %mul3A_121, %add3A_122 : i32
      %mul3A_124 = arith.constant 8 : i32
      %mul3A_125 = arith.muli %scan3A_8, %mul3A_124 : i32
      %add3A_126 = arith.constant 7 : i32
      %add3A_127 = arith.addi %mul3A_125, %add3A_126 : i32
      %dma_start3A_128 = arith.constant 0 : i32
      %dma_start3A_129 = tpu.memref_slice %arg6[%add3A_127, %dma_start3A_128] : memref<64x128xi32, #tpu.memory_space<vmem>> -> memref<1x128xi32, #tpu.memory_space<vmem>>
      %dma_start3A_130 = tpu.memref_squeeze %dma_start3A_129 : memref<1x128xi32, #tpu.memory_space<vmem>> -> memref<128xi32, #tpu.memory_space<vmem>>
      %dma_start3A_131 = arith.constant 0 : i32
      %dma_start3A_132 = tpu.memref_slice %arg5[%add3A_123, %dma_start3A_131] : memref<64x128xi32, #tpu.memory_space<vmem>> -> memref<1x128xi32, #tpu.memory_space<vmem>>
      %dma_start3A_133 = tpu.memref_squeeze %dma_start3A_132 : memref<1x128xi32, #tpu.memory_space<vmem>> -> memref<128xi32, #tpu.memory_space<vmem>>
      %dma_start3A_134 = arith.constant 0 : i32
      %dma_start3A_135 = tpu.memref_slice %arg2[%dma_start3A_134] : memref<100000xi32, #tpu.memory_space<hbm>> -> memref<100000xi32, #tpu.memory_space<hbm>>
      tpu.enqueue_indirect_dma source(%dma_start3A_135 : memref<100000xi32, #tpu.memory_space<hbm>>) target(%dma_start3A_130 : memref<128xi32, #tpu.memory_space<vmem>>) offsets(%dma_start3A_133 : memref<128xi32, #tpu.memory_space<vmem>>) semaphore(%arg7 : memref<!tpu.dma_semaphore, #tpu.memory_space<semaphore_mem>>)
      %mul3A_136 = arith.constant 8 : i32
      %mul3A_137 = arith.muli %scan3A_8, %mul3A_136 : i32
      %add3A_138 = arith.constant 0 : i32
      %add3A_139 = arith.addi %mul3A_137, %add3A_138 : i32
      %mul3A_140 = arith.constant 8 : i32
      %mul3A_141 = arith.muli %scan3A_8, %mul3A_140 : i32
      %add3A_142 = arith.constant 0 : i32
      %add3A_143 = arith.addi %mul3A_141, %add3A_142 : i32
      %dma_wait3A = arith.constant 0 : i32
      %dma_wait3A_144 = tpu.memref_slice %arg6[%add3A_143, %dma_wait3A] : memref<64x128xi32, #tpu.memory_space<vmem>> -> memref<1x128xi32, #tpu.memory_space<vmem>>
      %dma_wait3A_145 = tpu.memref_squeeze %dma_wait3A_144 : memref<1x128xi32, #tpu.memory_space<vmem>> -> memref<128xi32, #tpu.memory_space<vmem>>
      %dma_wait3A_146 = arith.constant 0 : i32
      %dma_wait3A_147 = tpu.memref_slice %arg5[%add3A_139, %dma_wait3A_146] : memref<64x128xi32, #tpu.memory_space<vmem>> -> memref<1x128xi32, #tpu.memory_space<vmem>>
      %dma_wait3A_148 = tpu.memref_squeeze %dma_wait3A_147 : memref<1x128xi32, #tpu.memory_space<vmem>> -> memref<128xi32, #tpu.memory_space<vmem>>
      %dma_wait3A_149 = arith.constant 0 : i32
      %dma_wait3A_150 = tpu.memref_slice %arg2[%dma_wait3A_149] : memref<100000xi32, #tpu.memory_space<hbm>> -> memref<100000xi32, #tpu.memory_space<hbm>>
      tpu.wait_indirect_dma semaphore(%arg7 : memref<!tpu.dma_semaphore, #tpu.memory_space<semaphore_mem>>) src(%dma_wait3A_150 : memref<100000xi32, #tpu.memory_space<hbm>>) dst(%dma_wait3A_145 : memref<128xi32, #tpu.memory_space<vmem>>)
      %mul3A_151 = arith.constant 8 : i32
      %mul3A_152 = arith.muli %scan3A_8, %mul3A_151 : i32
      %add3A_153 = arith.constant 1 : i32
      %add3A_154 = arith.addi %mul3A_152, %add3A_153 : i32
      %mul3A_155 = arith.constant 8 : i32
      %mul3A_156 = arith.muli %scan3A_8, %mul3A_155 : i32
      %add3A_157 = arith.constant 1 : i32
      %add3A_158 = arith.addi %mul3A_156, %add3A_157 : i32
      %dma_wait3A_159 = arith.constant 0 : i32
      %dma_wait3A_160 = tpu.memref_slice %arg6[%add3A_158, %dma_wait3A_159] : memref<64x128xi32, #tpu.memory_space<vmem>> -> memref<1x128xi32, #tpu.memory_space<vmem>>
      %dma_wait3A_161 = tpu.memref_squeeze %dma_wait3A_160 : memref<1x128xi32, #tpu.memory_space<vmem>> -> memref<128xi32, #tpu.memory_space<vmem>>
      %dma_wait3A_162 = arith.constant 0 : i32
      %dma_wait3A_163 = tpu.memref_slice %arg5[%add3A_154, %dma_wait3A_162] : memref<64x128xi32, #tpu.memory_space<vmem>> -> memref<1x128xi32, #tpu.memory_space<vmem>>
      %dma_wait3A_164 = tpu.memref_squeeze %dma_wait3A_163 : memref<1x128xi32, #tpu.memory_space<vmem>> -> memref<128xi32, #tpu.memory_space<vmem>>
      %dma_wait3A_165 = arith.constant 0 : i32
      %dma_wait3A_166 = tpu.memref_slice %arg2[%dma_wait3A_165] : memref<100000xi32, #tpu.memory_space<hbm>> -> memref<100000xi32, #tpu.memory_space<hbm>>
      tpu.wait_indirect_dma semaphore(%arg7 : memref<!tpu.dma_semaphore, #tpu.memory_space<semaphore_mem>>) src(%dma_wait3A_166 : memref<100000xi32, #tpu.memory_space<hbm>>) dst(%dma_wait3A_161 : memref<128xi32, #tpu.memory_space<vmem>>)
      %mul3A_167 = arith.constant 8 : i32
      %mul3A_168 = arith.muli %scan3A_8, %mul3A_167 : i32
      %add3A_169 = arith.constant 2 : i32
      %add3A_170 = arith.addi %mul3A_168, %add3A_169 : i32
      %mul3A_171 = arith.constant 8 : i32
      %mul3A_172 = arith.muli %scan3A_8, %mul3A_171 : i32
      %add3A_173 = arith.constant 2 : i32
      %add3A_174 = arith.addi %mul3A_172, %add3A_173 : i32
      %dma_wait3A_175 = arith.constant 0 : i32
      %dma_wait3A_176 = tpu.memref_slice %arg6[%add3A_174, %dma_wait3A_175] : memref<64x128xi32, #tpu.memory_space<vmem>> -> memref<1x128xi32, #tpu.memory_space<vmem>>
      %dma_wait3A_177 = tpu.memref_squeeze %dma_wait3A_176 : memref<1x128xi32, #tpu.memory_space<vmem>> -> memref<128xi32, #tpu.memory_space<vmem>>
      %dma_wait3A_178 = arith.constant 0 : i32
      %dma_wait3A_179 = tpu.memref_slice %arg5[%add3A_170, %dma_wait3A_178] : memref<64x128xi32, #tpu.memory_space<vmem>> -> memref<1x128xi32, #tpu.memory_space<vmem>>
      %dma_wait3A_180 = tpu.memref_squeeze %dma_wait3A_179 : memref<1x128xi32, #tpu.memory_space<vmem>> -> memref<128xi32, #tpu.memory_space<vmem>>
      %dma_wait3A_181 = arith.constant 0 : i32
      %dma_wait3A_182 = tpu.memref_slice %arg2[%dma_wait3A_181] : memref<100000xi32, #tpu.memory_space<hbm>> -> memref<100000xi32, #tpu.memory_space<hbm>>
      tpu.wait_indirect_dma semaphore(%arg7 : memref<!tpu.dma_semaphore, #tpu.memory_space<semaphore_mem>>) src(%dma_wait3A_182 : memref<100000xi32, #tpu.memory_space<hbm>>) dst(%dma_wait3A_177 : memref<128xi32, #tpu.memory_space<vmem>>)
      %mul3A_183 = arith.constant 8 : i32
      %mul3A_184 = arith.muli %scan3A_8, %mul3A_183 : i32
      %add3A_185 = arith.constant 3 : i32
      %add3A_186 = arith.addi %mul3A_184, %add3A_185 : i32
      %mul3A_187 = arith.constant 8 : i32
      %mul3A_188 = arith.muli %scan3A_8, %mul3A_187 : i32
      %add3A_189 = arith.constant 3 : i32
      %add3A_190 = arith.addi %mul3A_188, %add3A_189 : i32
      %dma_wait3A_191 = arith.constant 0 : i32
      %dma_wait3A_192 = tpu.memref_slice %arg6[%add3A_190, %dma_wait3A_191] : memref<64x128xi32, #tpu.memory_space<vmem>> -> memref<1x128xi32, #tpu.memory_space<vmem>>
      %dma_wait3A_193 = tpu.memref_squeeze %dma_wait3A_192 : memref<1x128xi32, #tpu.memory_space<vmem>> -> memref<128xi32, #tpu.memory_space<vmem>>
      %dma_wait3A_194 = arith.constant 0 : i32
      %dma_wait3A_195 = tpu.memref_slice %arg5[%add3A_186, %dma_wait3A_194] : memref<64x128xi32, #tpu.memory_space<vmem>> -> memref<1x128xi32, #tpu.memory_space<vmem>>
      %dma_wait3A_196 = tpu.memref_squeeze %dma_wait3A_195 : memref<1x128xi32, #tpu.memory_space<vmem>> -> memref<128xi32, #tpu.memory_space<vmem>>
      %dma_wait3A_197 = arith.constant 0 : i32
      %dma_wait3A_198 = tpu.memref_slice %arg2[%dma_wait3A_197] : memref<100000xi32, #tpu.memory_space<hbm>> -> memref<100000xi32, #tpu.memory_space<hbm>>
      tpu.wait_indirect_dma semaphore(%arg7 : memref<!tpu.dma_semaphore, #tpu.memory_space<semaphore_mem>>) src(%dma_wait3A_198 : memref<100000xi32, #tpu.memory_space<hbm>>) dst(%dma_wait3A_193 : memref<128xi32, #tpu.memory_space<vmem>>)
      %mul3A_199 = arith.constant 8 : i32
      %mul3A_200 = arith.muli %scan3A_8, %mul3A_199 : i32
      %add3A_201 = arith.constant 4 : i32
      %add3A_202 = arith.addi %mul3A_200, %add3A_201 : i32
      %mul3A_203 = arith.constant 8 : i32
      %mul3A_204 = arith.muli %scan3A_8, %mul3A_203 : i32
      %add3A_205 = arith.constant 4 : i32
      %add3A_206 = arith.addi %mul3A_204, %add3A_205 : i32
      %dma_wait3A_207 = arith.constant 0 : i32
      %dma_wait3A_208 = tpu.memref_slice %arg6[%add3A_206, %dma_wait3A_207] : memref<64x128xi32, #tpu.memory_space<vmem>> -> memref<1x128xi32, #tpu.memory_space<vmem>>
      %dma_wait3A_209 = tpu.memref_squeeze %dma_wait3A_208 : memref<1x128xi32, #tpu.memory_space<vmem>> -> memref<128xi32, #tpu.memory_space<vmem>>
      %dma_wait3A_210 = arith.constant 0 : i32
      %dma_wait3A_211 = tpu.memref_slice %arg5[%add3A_202, %dma_wait3A_210] : memref<64x128xi32, #tpu.memory_space<vmem>> -> memref<1x128xi32, #tpu.memory_space<vmem>>
      %dma_wait3A_212 = tpu.memref_squeeze %dma_wait3A_211 : memref<1x128xi32, #tpu.memory_space<vmem>> -> memref<128xi32, #tpu.memory_space<vmem>>
      %dma_wait3A_213 = arith.constant 0 : i32
      %dma_wait3A_214 = tpu.memref_slice %arg2[%dma_wait3A_213] : memref<100000xi32, #tpu.memory_space<hbm>> -> memref<100000xi32, #tpu.memory_space<hbm>>
      tpu.wait_indirect_dma semaphore(%arg7 : memref<!tpu.dma_semaphore, #tpu.memory_space<semaphore_mem>>) src(%dma_wait3A_214 : memref<100000xi32, #tpu.memory_space<hbm>>) dst(%dma_wait3A_209 : memref<128xi32, #tpu.memory_space<vmem>>)
      %mul3A_215 = arith.constant 8 : i32
      %mul3A_216 = arith.muli %scan3A_8, %mul3A_215 : i32
      %add3A_217 = arith.constant 5 : i32
      %add3A_218 = arith.addi %mul3A_216, %add3A_217 : i32
      %mul3A_219 = arith.constant 8 : i32
      %mul3A_220 = arith.muli %scan3A_8, %mul3A_219 : i32
      %add3A_221 = arith.constant 5 : i32
      %add3A_222 = arith.addi %mul3A_220, %add3A_221 : i32
      %dma_wait3A_223 = arith.constant 0 : i32
      %dma_wait3A_224 = tpu.memref_slice %arg6[%add3A_222, %dma_wait3A_223] : memref<64x128xi32, #tpu.memory_space<vmem>> -> memref<1x128xi32, #tpu.memory_space<vmem>>
      %dma_wait3A_225 = tpu.memref_squeeze %dma_wait3A_224 : memref<1x128xi32, #tpu.memory_space<vmem>> -> memref<128xi32, #tpu.memory_space<vmem>>
      %dma_wait3A_226 = arith.constant 0 : i32
      %dma_wait3A_227 = tpu.memref_slice %arg5[%add3A_218, %dma_wait3A_226] : memref<64x128xi32, #tpu.memory_space<vmem>> -> memref<1x128xi32, #tpu.memory_space<vmem>>
      %dma_wait3A_228 = tpu.memref_squeeze %dma_wait3A_227 : memref<1x128xi32, #tpu.memory_space<vmem>> -> memref<128xi32, #tpu.memory_space<vmem>>
      %dma_wait3A_229 = arith.constant 0 : i32
      %dma_wait3A_230 = tpu.memref_slice %arg2[%dma_wait3A_229] : memref<100000xi32, #tpu.memory_space<hbm>> -> memref<100000xi32, #tpu.memory_space<hbm>>
      tpu.wait_indirect_dma semaphore(%arg7 : memref<!tpu.dma_semaphore, #tpu.memory_space<semaphore_mem>>) src(%dma_wait3A_230 : memref<100000xi32, #tpu.memory_space<hbm>>) dst(%dma_wait3A_225 : memref<128xi32, #tpu.memory_space<vmem>>)
      %mul3A_231 = arith.constant 8 : i32
      %mul3A_232 = arith.muli %scan3A_8, %mul3A_231 : i32
      %add3A_233 = arith.constant 6 : i32
      %add3A_234 = arith.addi %mul3A_232, %add3A_233 : i32
      %mul3A_235 = arith.constant 8 : i32
      %mul3A_236 = arith.muli %scan3A_8, %mul3A_235 : i32
      %add3A_237 = arith.constant 6 : i32
      %add3A_238 = arith.addi %mul3A_236, %add3A_237 : i32
      %dma_wait3A_239 = arith.constant 0 : i32
      %dma_wait3A_240 = tpu.memref_slice %arg6[%add3A_238, %dma_wait3A_239] : memref<64x128xi32, #tpu.memory_space<vmem>> -> memref<1x128xi32, #tpu.memory_space<vmem>>
      %dma_wait3A_241 = tpu.memref_squeeze %dma_wait3A_240 : memref<1x128xi32, #tpu.memory_space<vmem>> -> memref<128xi32, #tpu.memory_space<vmem>>
      %dma_wait3A_242 = arith.constant 0 : i32
      %dma_wait3A_243 = tpu.memref_slice %arg5[%add3A_234, %dma_wait3A_242] : memref<64x128xi32, #tpu.memory_space<vmem>> -> memref<1x128xi32, #tpu.memory_space<vmem>>
      %dma_wait3A_244 = tpu.memref_squeeze %dma_wait3A_243 : memref<1x128xi32, #tpu.memory_space<vmem>> -> memref<128xi32, #tpu.memory_space<vmem>>
      %dma_wait3A_245 = arith.constant 0 : i32
      %dma_wait3A_246 = tpu.memref_slice %arg2[%dma_wait3A_245] : memref<100000xi32, #tpu.memory_space<hbm>> -> memref<100000xi32, #tpu.memory_space<hbm>>
      tpu.wait_indirect_dma semaphore(%arg7 : memref<!tpu.dma_semaphore, #tpu.memory_space<semaphore_mem>>) src(%dma_wait3A_246 : memref<100000xi32, #tpu.memory_space<hbm>>) dst(%dma_wait3A_241 : memref<128xi32, #tpu.memory_space<vmem>>)
      %mul3A_247 = arith.constant 8 : i32
      %mul3A_248 = arith.muli %scan3A_8, %mul3A_247 : i32
      %add3A_249 = arith.constant 7 : i32
      %add3A_250 = arith.addi %mul3A_248, %add3A_249 : i32
      %mul3A_251 = arith.constant 8 : i32
      %mul3A_252 = arith.muli %scan3A_8, %mul3A_251 : i32
      %add3A_253 = arith.constant 7 : i32
      %add3A_254 = arith.addi %mul3A_252, %add3A_253 : i32
      %dma_wait3A_255 = arith.constant 0 : i32
      %dma_wait3A_256 = tpu.memref_slice %arg6[%add3A_254, %dma_wait3A_255] : memref<64x128xi32, #tpu.memory_space<vmem>> -> memref<1x128xi32, #tpu.memory_space<vmem>>
      %dma_wait3A_257 = tpu.memref_squeeze %dma_wait3A_256 : memref<1x128xi32, #tpu.memory_space<vmem>> -> memref<128xi32, #tpu.memory_space<vmem>>
      %dma_wait3A_258 = arith.constant 0 : i32
      %dma_wait3A_259 = tpu.memref_slice %arg5[%add3A_250, %dma_wait3A_258] : memref<64x128xi32, #tpu.memory_space<vmem>> -> memref<1x128xi32, #tpu.memory_space<vmem>>
      %dma_wait3A_260 = tpu.memref_squeeze %dma_wait3A_259 : memref<1x128xi32, #tpu.memory_space<vmem>> -> memref<128xi32, #tpu.memory_space<vmem>>
      %dma_wait3A_261 = arith.constant 0 : i32
      %dma_wait3A_262 = tpu.memref_slice %arg2[%dma_wait3A_261] : memref<100000xi32, #tpu.memory_space<hbm>> -> memref<100000xi32, #tpu.memory_space<hbm>>
      tpu.wait_indirect_dma semaphore(%arg7 : memref<!tpu.dma_semaphore, #tpu.memory_space<semaphore_mem>>) src(%dma_wait3A_262 : memref<100000xi32, #tpu.memory_space<hbm>>) dst(%dma_wait3A_257 : memref<128xi32, #tpu.memory_space<vmem>>)
    }
    %scan3A_7 = arith.constant 8 : i32
    "tpu.region"() ({
      %run_scoped3A = tpu.sem_alloc : memref<!tpu.dma_semaphore, #tpu.memory_space<semaphore_mem>>
      %dma_start3A = arith.constant 0 : i32
      %dma_start3A_8 = tpu.memref_slice %arg4[%mul3A_2, %dma_start3A] : memref<2048x128xi32, #tpu.memory_space<hbm>> -> memref<64x128xi32, #tpu.memory_space<hbm>>
      %dma_start3A_9 = arith.constant 0 : i32
      %dma_start3A_10 = tpu.memref_slice %arg4[%mul3A_2, %dma_start3A_9] : memref<2048x128xi32, #tpu.memory_space<hbm>> -> memref<64x128xi32, #tpu.memory_space<hbm>>
      tpu.enqueue_dma source(%arg6 : memref<64x128xi32, #tpu.memory_space<vmem>>) target(%dma_start3A_10 : memref<64x128xi32, #tpu.memory_space<hbm>>) target_semaphore(%run_scoped3A : memref<!tpu.dma_semaphore, #tpu.memory_space<semaphore_mem>>)
      %dma_wait3A = arith.constant 0 : i32
      %dma_wait3A_11 = tpu.memref_slice %arg4[%mul3A_2, %dma_wait3A] : memref<2048x128xi32, #tpu.memory_space<hbm>> -> memref<64x128xi32, #tpu.memory_space<hbm>>
      %dma_wait3A_12 = arith.constant 0 : i32
      %dma_wait3A_13 = tpu.memref_slice %arg4[%mul3A_2, %dma_wait3A_12] : memref<2048x128xi32, #tpu.memory_space<hbm>> -> memref<64x128xi32, #tpu.memory_space<hbm>>
      tpu.wait_dma2 semaphore(%run_scoped3A : memref<!tpu.dma_semaphore, #tpu.memory_space<semaphore_mem>>) src(%arg6 : memref<64x128xi32, #tpu.memory_space<vmem>>) dst(%dma_wait3A_13 : memref<64x128xi32, #tpu.memory_space<hbm>>)
      tpu.yield
    }) : () -> ()
    return
  }
}

#map = affine_map<(d0, d1) -> (0, 0)>
module attributes {stable_mosaic.version = 14 : i64} {
  func.func @_sc_body(%arg0: i32, %arg1: i32, %arg2: memref<100000x256xf32, #tpu.memory_space<hbm>>, %arg3: memref<2048x256xf32, #tpu.memory_space<hbm>>, %arg4: memref<2048x128xi32, #tpu.memory_space<hbm>>, %arg5: memref<2048x128xf32, #tpu.memory_space<hbm>>, %arg6: memref<2048x16xi32, #tpu.memory_space<hbm>>, %arg7: memref<64x128xi32, #tpu.memory_space<vmem>>, %arg8: memref<2x8x256xf32, #tpu.memory_space<vmem>>, %arg9: memref<3x128x256xf32, #tpu.memory_space<vmem>>, %arg10: memref<16x128xf32, #tpu.memory_space<vmem>>, %arg11: memref<64x16xi32, #tpu.memory_space<vmem>>, %arg12: memref<!tpu.dma_semaphore, #tpu.memory_space<semaphore_mem>>, %arg13: memref<!tpu.dma_semaphore, #tpu.memory_space<semaphore_mem>>, %arg14: memref<!tpu.dma_semaphore, #tpu.memory_space<semaphore_mem>>, %arg15: memref<!tpu.dma_semaphore, #tpu.memory_space<semaphore_mem>>, %arg16: memref<!tpu.dma_semaphore, #tpu.memory_space<semaphore_mem>>) attributes {dimension_semantics = [#tpu.dimension_semantics<core_parallel>, #tpu.dimension_semantics<subcore_parallel>], iteration_bounds = array<i64: 2, 16>, scalar_prefetch = 0 : i64, scratch_operands = 10 : i64, tpu.core_type = #tpu.core_type<sc_vector_subcore>, window_params = [{transform_indices = #map}, {transform_indices = #map}, {transform_indices = #map}, {transform_indices = #map}, {transform_indices = #map}]} {
    %mul3A = arith.constant 2 : i32
    %mul3A_0 = arith.muli %arg1, %mul3A : i32
    %add3A = arith.addi %mul3A_0, %arg0 : i32
    %mul3A_1 = arith.constant 64 : i32
    %mul3A_2 = arith.muli %add3A, %mul3A_1 : i32
    %iota3A = tpu.iota {dimensions = array<i32: 0>} : vector<16xi32>
    %add3A_3 = arith.constant 0 : i32
    %add3A_4 = arith.addi %mul3A_2, %add3A_3 : i32
    %multiple_of3A = tpu.assume_multiple %add3A_4, 8 : i32
    %dma_start3A = arith.constant 0 : i32
    %dma_start3A_5 = arith.constant 0 : i32
    %dma_start3A_6 = arith.constant 0 : i32
    %dma_start3A_7 = tpu.memref_slice %arg8[%dma_start3A, %dma_start3A_5, %dma_start3A_6] : memref<2x8x256xf32, #tpu.memory_space<vmem>> -> memref<1x8x256xf32, #tpu.memory_space<vmem>>
    %dma_start3A_8 = tpu.memref_squeeze %dma_start3A_7 : memref<1x8x256xf32, #tpu.memory_space<vmem>> -> memref<8x256xf32, #tpu.memory_space<vmem>>
    %dma_start3A_9 = arith.constant 0 : i32
    %dma_start3A_10 = tpu.memref_slice %arg3[%multiple_of3A, %dma_start3A_9] : memref<2048x256xf32, #tpu.memory_space<hbm>> -> memref<8x256xf32, #tpu.memory_space<hbm>>
    %dma_start3A_11 = arith.constant 0 : i32
    %dma_start3A_12 = arith.constant 0 : i32
    %dma_start3A_13 = tpu.memref_slice %arg8[%dma_start3A, %dma_start3A_11, %dma_start3A_12] : memref<2x8x256xf32, #tpu.memory_space<vmem>> -> memref<1x8x256xf32, #tpu.memory_space<vmem>>
    %dma_start3A_14 = tpu.memref_squeeze %dma_start3A_13 : memref<1x8x256xf32, #tpu.memory_space<vmem>> -> memref<8x256xf32, #tpu.memory_space<vmem>>
    %dma_start3A_15 = arith.constant 0 : i32
    %dma_start3A_16 = tpu.memref_slice %arg3[%multiple_of3A, %dma_start3A_15] : memref<2048x256xf32, #tpu.memory_space<hbm>> -> memref<8x256xf32, #tpu.memory_space<hbm>>
    tpu.enqueue_dma source(%dma_start3A_16 : memref<8x256xf32, #tpu.memory_space<hbm>>) target(%dma_start3A_14 : memref<8x256xf32, #tpu.memory_space<vmem>>) target_semaphore(%arg13 : memref<!tpu.dma_semaphore, #tpu.memory_space<semaphore_mem>>)
    %dma_start3A_17 = arith.constant 0 : i32
    %dma_start3A_18 = tpu.memref_slice %arg4[%mul3A_2, %dma_start3A_17] : memref<2048x128xi32, #tpu.memory_space<hbm>> -> memref<64x128xi32, #tpu.memory_space<hbm>>
    %dma_start3A_19 = arith.constant 0 : i32
    %dma_start3A_20 = tpu.memref_slice %arg4[%mul3A_2, %dma_start3A_19] : memref<2048x128xi32, #tpu.memory_space<hbm>> -> memref<64x128xi32, #tpu.memory_space<hbm>>
    tpu.enqueue_dma source(%dma_start3A_20 : memref<64x128xi32, #tpu.memory_space<hbm>>) target(%arg7 : memref<64x128xi32, #tpu.memory_space<vmem>>) target_semaphore(%arg12 : memref<!tpu.dma_semaphore, #tpu.memory_space<semaphore_mem>>)
    %dma_wait3A = arith.constant 0 : i32
    %dma_wait3A_21 = tpu.memref_slice %arg4[%mul3A_2, %dma_wait3A] : memref<2048x128xi32, #tpu.memory_space<hbm>> -> memref<64x128xi32, #tpu.memory_space<hbm>>
    %dma_wait3A_22 = arith.constant 0 : i32
    %dma_wait3A_23 = tpu.memref_slice %arg4[%mul3A_2, %dma_wait3A_22] : memref<2048x128xi32, #tpu.memory_space<hbm>> -> memref<64x128xi32, #tpu.memory_space<hbm>>
    tpu.wait_dma2 semaphore(%arg12 : memref<!tpu.dma_semaphore, #tpu.memory_space<semaphore_mem>>) src(%dma_wait3A_23 : memref<64x128xi32, #tpu.memory_space<hbm>>) dst(%arg7 : memref<64x128xi32, #tpu.memory_space<vmem>>)
    %dma_start3A_24 = arith.constant 0 : i32
    %dma_start3A_25 = arith.constant 0 : i32
    %dma_start3A_26 = arith.constant 0 : i32
    %dma_start3A_27 = arith.constant 0 : i32
    %dma_start3A_28 = tpu.memref_slice %arg9[%dma_start3A_25, %dma_start3A_26, %dma_start3A_27] : memref<3x128x256xf32, #tpu.memory_space<vmem>> -> memref<1x128x256xf32, #tpu.memory_space<vmem>>
    %dma_start3A_29 = tpu.memref_squeeze %dma_start3A_28 : memref<1x128x256xf32, #tpu.memory_space<vmem>> -> memref<128x256xf32, #tpu.memory_space<vmem>>
    %dma_start3A_30 = arith.constant 0 : i32
    %dma_start3A_31 = tpu.memref_slice %arg7[%dma_start3A_24, %dma_start3A_30] : memref<64x128xi32, #tpu.memory_space<vmem>> -> memref<1x128xi32, #tpu.memory_space<vmem>>
    %dma_start3A_32 = tpu.memref_squeeze %dma_start3A_31 : memref<1x128xi32, #tpu.memory_space<vmem>> -> memref<128xi32, #tpu.memory_space<vmem>>
    %dma_start3A_33 = arith.constant 0 : i32
    %dma_start3A_34 = arith.constant 0 : i32
    %dma_start3A_35 = tpu.memref_slice %arg2[%dma_start3A_33, %dma_start3A_34] : memref<100000x256xf32, #tpu.memory_space<hbm>> -> memref<100000x256xf32, #tpu.memory_space<hbm>>
    tpu.enqueue_indirect_dma source(%dma_start3A_35 : memref<100000x256xf32, #tpu.memory_space<hbm>>) target(%dma_start3A_29 : memref<128x256xf32, #tpu.memory_space<vmem>>) offsets(%dma_start3A_32 : memref<128xi32, #tpu.memory_space<vmem>>) semaphore(%arg14 : memref<!tpu.dma_semaphore, #tpu.memory_space<semaphore_mem>>)
    %dma_start3A_36 = arith.constant 1 : i32
    %dma_start3A_37 = arith.constant 1 : i32
    %dma_start3A_38 = arith.constant 0 : i32
    %dma_start3A_39 = arith.constant 0 : i32
    %dma_start3A_40 = tpu.memref_slice %arg9[%dma_start3A_37, %dma_start3A_38, %dma_start3A_39] : memref<3x128x256xf32, #tpu.memory_space<vmem>> -> memref<1x128x256xf32, #tpu.memory_space<vmem>>
    %dma_start3A_41 = tpu.memref_squeeze %dma_start3A_40 : memref<1x128x256xf32, #tpu.memory_space<vmem>> -> memref<128x256xf32, #tpu.memory_space<vmem>>
    %dma_start3A_42 = arith.constant 0 : i32
    %dma_start3A_43 = tpu.memref_slice %arg7[%dma_start3A_36, %dma_start3A_42] : memref<64x128xi32, #tpu.memory_space<vmem>> -> memref<1x128xi32, #tpu.memory_space<vmem>>
    %dma_start3A_44 = tpu.memref_squeeze %dma_start3A_43 : memref<1x128xi32, #tpu.memory_space<vmem>> -> memref<128xi32, #tpu.memory_space<vmem>>
    %dma_start3A_45 = arith.constant 0 : i32
    %dma_start3A_46 = arith.constant 0 : i32
    %dma_start3A_47 = tpu.memref_slice %arg2[%dma_start3A_45, %dma_start3A_46] : memref<100000x256xf32, #tpu.memory_space<hbm>> -> memref<100000x256xf32, #tpu.memory_space<hbm>>
    tpu.enqueue_indirect_dma source(%dma_start3A_47 : memref<100000x256xf32, #tpu.memory_space<hbm>>) target(%dma_start3A_41 : memref<128x256xf32, #tpu.memory_space<vmem>>) offsets(%dma_start3A_44 : memref<128xi32, #tpu.memory_space<vmem>>) semaphore(%arg15 : memref<!tpu.dma_semaphore, #tpu.memory_space<semaphore_mem>>)
    %dma_start3A_48 = arith.constant 2 : i32
    %dma_start3A_49 = arith.constant 2 : i32
    %dma_start3A_50 = arith.constant 0 : i32
    %dma_start3A_51 = arith.constant 0 : i32
    %dma_start3A_52 = tpu.memref_slice %arg9[%dma_start3A_49, %dma_start3A_50, %dma_start3A_51] : memref<3x128x256xf32, #tpu.memory_space<vmem>> -> memref<1x128x256xf32, #tpu.memory_space<vmem>>
    %dma_start3A_53 = tpu.memref_squeeze %dma_start3A_52 : memref<1x128x256xf32, #tpu.memory_space<vmem>> -> memref<128x256xf32, #tpu.memory_space<vmem>>
    %dma_start3A_54 = arith.constant 0 : i32
    %dma_start3A_55 = tpu.memref_slice %arg7[%dma_start3A_48, %dma_start3A_54] : memref<64x128xi32, #tpu.memory_space<vmem>> -> memref<1x128xi32, #tpu.memory_space<vmem>>
    %dma_start3A_56 = tpu.memref_squeeze %dma_start3A_55 : memref<1x128xi32, #tpu.memory_space<vmem>> -> memref<128xi32, #tpu.memory_space<vmem>>
    %dma_start3A_57 = arith.constant 0 : i32
    %dma_start3A_58 = arith.constant 0 : i32
    %dma_start3A_59 = tpu.memref_slice %arg2[%dma_start3A_57, %dma_start3A_58] : memref<100000x256xf32, #tpu.memory_space<hbm>> -> memref<100000x256xf32, #tpu.memory_space<hbm>>
    tpu.enqueue_indirect_dma source(%dma_start3A_59 : memref<100000x256xf32, #tpu.memory_space<hbm>>) target(%dma_start3A_53 : memref<128x256xf32, #tpu.memory_space<vmem>>) offsets(%dma_start3A_56 : memref<128xi32, #tpu.memory_space<vmem>>) semaphore(%arg16 : memref<!tpu.dma_semaphore, #tpu.memory_space<semaphore_mem>>)
    %scan3A = arith.constant 0 : i32
    %scan3A_60 = arith.constant 0 : i32
    %scan3A_61 = arith.constant 64 : i32
    %scan3A_62 = arith.addi %scan3A_60, %scan3A_61 : i32
    %scan3A_63 = arith.constant 1 : i32
    scf.for %scan3A_65 = %scan3A_60 to %scan3A_62 step %scan3A_63  : i32 {
      %rem3A = arith.constant 3 : i32
      %rem3A_66 = arith.remsi %scan3A_65, %rem3A : i32
      %rem3A_67 = arith.constant 8 : i32
      %rem3A_68 = arith.remsi %scan3A_65, %rem3A_67 : i32
      %eq3A = arith.constant 0 : i32
      %eq3A_69 = arith.cmpi eq, %rem3A_68, %eq3A : i32
      %convert_element_type3A = arith.extui %eq3A_69 : i1 to i32
      %cond3A = arith.constant 0 : i32
      %cond3A_70 = arith.cmpi ne, %convert_element_type3A, %cond3A : i32
      scf.if %cond3A_70 {
        %div3A_192 = arith.constant 8 : i32
        %div3A_193 = arith.divsi %scan3A_65, %div3A_192 : i32
        %rem3A_194 = arith.constant 2 : i32
        %rem3A_195 = arith.remsi %div3A_193, %rem3A_194 : i32
        %mul3A_196 = arith.constant 8 : i32
        %mul3A_197 = arith.muli %div3A_193, %mul3A_196 : i32
        %add3A_198 = arith.addi %mul3A_2, %mul3A_197 : i32
        %multiple_of3A_199 = tpu.assume_multiple %add3A_198, 8 : i32
        %dma_wait3A_200 = arith.constant 0 : i32
        %dma_wait3A_201 = arith.constant 0 : i32
        %dma_wait3A_202 = tpu.memref_slice %arg8[%rem3A_195, %dma_wait3A_200, %dma_wait3A_201] : memref<2x8x256xf32, #tpu.memory_space<vmem>> -> memref<1x8x256xf32, #tpu.memory_space<vmem>>
        %dma_wait3A_203 = tpu.memref_squeeze %dma_wait3A_202 : memref<1x8x256xf32, #tpu.memory_space<vmem>> -> memref<8x256xf32, #tpu.memory_space<vmem>>
        %dma_wait3A_204 = arith.constant 0 : i32
        %dma_wait3A_205 = tpu.memref_slice %arg3[%multiple_of3A_199, %dma_wait3A_204] : memref<2048x256xf32, #tpu.memory_space<hbm>> -> memref<8x256xf32, #tpu.memory_space<hbm>>
        %dma_wait3A_206 = arith.constant 0 : i32
        %dma_wait3A_207 = arith.constant 0 : i32
        %dma_wait3A_208 = tpu.memref_slice %arg8[%rem3A_195, %dma_wait3A_206, %dma_wait3A_207] : memref<2x8x256xf32, #tpu.memory_space<vmem>> -> memref<1x8x256xf32, #tpu.memory_space<vmem>>
        %dma_wait3A_209 = tpu.memref_squeeze %dma_wait3A_208 : memref<1x8x256xf32, #tpu.memory_space<vmem>> -> memref<8x256xf32, #tpu.memory_space<vmem>>
        %dma_wait3A_210 = arith.constant 0 : i32
        %dma_wait3A_211 = tpu.memref_slice %arg3[%multiple_of3A_199, %dma_wait3A_210] : memref<2048x256xf32, #tpu.memory_space<hbm>> -> memref<8x256xf32, #tpu.memory_space<hbm>>
        tpu.wait_dma2 semaphore(%arg13 : memref<!tpu.dma_semaphore, #tpu.memory_space<semaphore_mem>>) src(%dma_wait3A_211 : memref<8x256xf32, #tpu.memory_space<hbm>>) dst(%dma_wait3A_209 : memref<8x256xf32, #tpu.memory_space<vmem>>)
        %add3A_212 = arith.constant 8 : i32
        %add3A_213 = arith.addi %scan3A_65, %add3A_212 : i32
        %lt3A_214 = arith.constant 64 : i32
        %lt3A_215 = arith.cmpi slt, %add3A_213, %lt3A_214 : i32
        %convert_element_type3A_216 = arith.extui %lt3A_215 : i1 to i32
        %cond3A_217 = arith.constant 0 : i32
        %cond3A_218 = arith.cmpi ne, %convert_element_type3A_216, %cond3A_217 : i32
        scf.if %cond3A_218 {
          %add3A_219 = arith.constant 1 : i32
          %add3A_220 = arith.addi %div3A_193, %add3A_219 : i32
          %add3A_221 = arith.constant 1 : i32
          %add3A_222 = arith.addi %div3A_193, %add3A_221 : i32
          %rem3A_223 = arith.constant 2 : i32
          %rem3A_224 = arith.remsi %add3A_222, %rem3A_223 : i32
          %mul3A_225 = arith.constant 8 : i32
          %mul3A_226 = arith.muli %add3A_220, %mul3A_225 : i32
          %add3A_227 = arith.addi %mul3A_2, %mul3A_226 : i32
          %multiple_of3A_228 = tpu.assume_multiple %add3A_227, 8 : i32
          %dma_start3A_229 = arith.constant 0 : i32
          %dma_start3A_230 = arith.constant 0 : i32
          %dma_start3A_231 = tpu.memref_slice %arg8[%rem3A_224, %dma_start3A_229, %dma_start3A_230] : memref<2x8x256xf32, #tpu.memory_space<vmem>> -> memref<1x8x256xf32, #tpu.memory_space<vmem>>
          %dma_start3A_232 = tpu.memref_squeeze %dma_start3A_231 : memref<1x8x256xf32, #tpu.memory_space<vmem>> -> memref<8x256xf32, #tpu.memory_space<vmem>>
          %dma_start3A_233 = arith.constant 0 : i32
          %dma_start3A_234 = tpu.memref_slice %arg3[%multiple_of3A_228, %dma_start3A_233] : memref<2048x256xf32, #tpu.memory_space<hbm>> -> memref<8x256xf32, #tpu.memory_space<hbm>>
          %dma_start3A_235 = arith.constant 0 : i32
          %dma_start3A_236 = arith.constant 0 : i32
          %dma_start3A_237 = tpu.memref_slice %arg8[%rem3A_224, %dma_start3A_235, %dma_start3A_236] : memref<2x8x256xf32, #tpu.memory_space<vmem>> -> memref<1x8x256xf32, #tpu.memory_space<vmem>>
          %dma_start3A_238 = tpu.memref_squeeze %dma_start3A_237 : memref<1x8x256xf32, #tpu.memory_space<vmem>> -> memref<8x256xf32, #tpu.memory_space<vmem>>
          %dma_start3A_239 = arith.constant 0 : i32
          %dma_start3A_240 = tpu.memref_slice %arg3[%multiple_of3A_228, %dma_start3A_239] : memref<2048x256xf32, #tpu.memory_space<hbm>> -> memref<8x256xf32, #tpu.memory_space<hbm>>
          tpu.enqueue_dma source(%dma_start3A_240 : memref<8x256xf32, #tpu.memory_space<hbm>>) target(%dma_start3A_238 : memref<8x256xf32, #tpu.memory_space<vmem>>) target_semaphore(%arg13 : memref<!tpu.dma_semaphore, #tpu.memory_space<semaphore_mem>>)
        } else {
        }
      } else {
      }
      %eq3A_71 = arith.constant 0 : i32
      %eq3A_72 = arith.cmpi eq, %rem3A_66, %eq3A_71 : i32
      %convert_element_type3A_73 = arith.extui %eq3A_72 : i1 to i32
      %cond3A_74 = arith.constant 0 : i32
      %cond3A_75 = arith.cmpi ne, %convert_element_type3A_73, %cond3A_74 : i32
      scf.if %cond3A_75 {
        %dma_wait3A_192 = arith.constant 0 : i32
        %dma_wait3A_193 = arith.constant 0 : i32
        %dma_wait3A_194 = arith.constant 0 : i32
        %dma_wait3A_195 = tpu.memref_slice %arg9[%dma_wait3A_192, %dma_wait3A_193, %dma_wait3A_194] : memref<3x128x256xf32, #tpu.memory_space<vmem>> -> memref<1x128x256xf32, #tpu.memory_space<vmem>>
        %dma_wait3A_196 = tpu.memref_squeeze %dma_wait3A_195 : memref<1x128x256xf32, #tpu.memory_space<vmem>> -> memref<128x256xf32, #tpu.memory_space<vmem>>
        %dma_wait3A_197 = arith.constant 0 : i32
        %dma_wait3A_198 = tpu.memref_slice %arg7[%scan3A_65, %dma_wait3A_197] : memref<64x128xi32, #tpu.memory_space<vmem>> -> memref<1x128xi32, #tpu.memory_space<vmem>>
        %dma_wait3A_199 = tpu.memref_squeeze %dma_wait3A_198 : memref<1x128xi32, #tpu.memory_space<vmem>> -> memref<128xi32, #tpu.memory_space<vmem>>
        %dma_wait3A_200 = arith.constant 0 : i32
        %dma_wait3A_201 = arith.constant 0 : i32
        %dma_wait3A_202 = tpu.memref_slice %arg2[%dma_wait3A_200, %dma_wait3A_201] : memref<100000x256xf32, #tpu.memory_space<hbm>> -> memref<100000x256xf32, #tpu.memory_space<hbm>>
        tpu.wait_indirect_dma semaphore(%arg14 : memref<!tpu.dma_semaphore, #tpu.memory_space<semaphore_mem>>) src(%dma_wait3A_202 : memref<100000x256xf32, #tpu.memory_space<hbm>>) dst(%dma_wait3A_196 : memref<128x256xf32, #tpu.memory_space<vmem>>)
      } else {
      }
      %eq3A_76 = arith.constant 1 : i32
      %eq3A_77 = arith.cmpi eq, %rem3A_66, %eq3A_76 : i32
      %convert_element_type3A_78 = arith.extui %eq3A_77 : i1 to i32
      %cond3A_79 = arith.constant 0 : i32
      %cond3A_80 = arith.cmpi ne, %convert_element_type3A_78, %cond3A_79 : i32
      scf.if %cond3A_80 {
        %dma_wait3A_192 = arith.constant 1 : i32
        %dma_wait3A_193 = arith.constant 0 : i32
        %dma_wait3A_194 = arith.constant 0 : i32
        %dma_wait3A_195 = tpu.memref_slice %arg9[%dma_wait3A_192, %dma_wait3A_193, %dma_wait3A_194] : memref<3x128x256xf32, #tpu.memory_space<vmem>> -> memref<1x128x256xf32, #tpu.memory_space<vmem>>
        %dma_wait3A_196 = tpu.memref_squeeze %dma_wait3A_195 : memref<1x128x256xf32, #tpu.memory_space<vmem>> -> memref<128x256xf32, #tpu.memory_space<vmem>>
        %dma_wait3A_197 = arith.constant 0 : i32
        %dma_wait3A_198 = tpu.memref_slice %arg7[%scan3A_65, %dma_wait3A_197] : memref<64x128xi32, #tpu.memory_space<vmem>> -> memref<1x128xi32, #tpu.memory_space<vmem>>
        %dma_wait3A_199 = tpu.memref_squeeze %dma_wait3A_198 : memref<1x128xi32, #tpu.memory_space<vmem>> -> memref<128xi32, #tpu.memory_space<vmem>>
        %dma_wait3A_200 = arith.constant 0 : i32
        %dma_wait3A_201 = arith.constant 0 : i32
        %dma_wait3A_202 = tpu.memref_slice %arg2[%dma_wait3A_200, %dma_wait3A_201] : memref<100000x256xf32, #tpu.memory_space<hbm>> -> memref<100000x256xf32, #tpu.memory_space<hbm>>
        tpu.wait_indirect_dma semaphore(%arg15 : memref<!tpu.dma_semaphore, #tpu.memory_space<semaphore_mem>>) src(%dma_wait3A_202 : memref<100000x256xf32, #tpu.memory_space<hbm>>) dst(%dma_wait3A_196 : memref<128x256xf32, #tpu.memory_space<vmem>>)
      } else {
      }
      %eq3A_81 = arith.constant 2 : i32
      %eq3A_82 = arith.cmpi eq, %rem3A_66, %eq3A_81 : i32
      %convert_element_type3A_83 = arith.extui %eq3A_82 : i1 to i32
      %cond3A_84 = arith.constant 0 : i32
      %cond3A_85 = arith.cmpi ne, %convert_element_type3A_83, %cond3A_84 : i32
      scf.if %cond3A_85 {
        %dma_wait3A_192 = arith.constant 2 : i32
        %dma_wait3A_193 = arith.constant 0 : i32
        %dma_wait3A_194 = arith.constant 0 : i32
        %dma_wait3A_195 = tpu.memref_slice %arg9[%dma_wait3A_192, %dma_wait3A_193, %dma_wait3A_194] : memref<3x128x256xf32, #tpu.memory_space<vmem>> -> memref<1x128x256xf32, #tpu.memory_space<vmem>>
        %dma_wait3A_196 = tpu.memref_squeeze %dma_wait3A_195 : memref<1x128x256xf32, #tpu.memory_space<vmem>> -> memref<128x256xf32, #tpu.memory_space<vmem>>
        %dma_wait3A_197 = arith.constant 0 : i32
        %dma_wait3A_198 = tpu.memref_slice %arg7[%scan3A_65, %dma_wait3A_197] : memref<64x128xi32, #tpu.memory_space<vmem>> -> memref<1x128xi32, #tpu.memory_space<vmem>>
        %dma_wait3A_199 = tpu.memref_squeeze %dma_wait3A_198 : memref<1x128xi32, #tpu.memory_space<vmem>> -> memref<128xi32, #tpu.memory_space<vmem>>
        %dma_wait3A_200 = arith.constant 0 : i32
        %dma_wait3A_201 = arith.constant 0 : i32
        %dma_wait3A_202 = tpu.memref_slice %arg2[%dma_wait3A_200, %dma_wait3A_201] : memref<100000x256xf32, #tpu.memory_space<hbm>> -> memref<100000x256xf32, #tpu.memory_space<hbm>>
        tpu.wait_indirect_dma semaphore(%arg16 : memref<!tpu.dma_semaphore, #tpu.memory_space<semaphore_mem>>) src(%dma_wait3A_202 : memref<100000x256xf32, #tpu.memory_space<hbm>>) dst(%dma_wait3A_196 : memref<128x256xf32, #tpu.memory_space<vmem>>)
      } else {
      }
      %div3A = arith.constant 8 : i32
      %div3A_86 = arith.divsi %scan3A_65, %div3A : i32
      %rem3A_87 = arith.constant 2 : i32
      %rem3A_88 = arith.remsi %div3A_86, %rem3A_87 : i32
      %rem3A_89 = arith.constant 8 : i32
      %rem3A_90 = arith.remsi %scan3A_65, %rem3A_89 : i32
      %get3A = arith.index_cast %rem3A_88 : i32 to index
      %get3A_91 = arith.index_cast %rem3A_90 : i32 to index
      %get3A_92 = arith.constant 0 : index
      %get3A_93 = tpu.vector_load %arg8[%get3A, %get3A_91, %get3A_92] {strides = array<i32>} : memref<2x8x256xf32, #tpu.memory_space<vmem>>, vector<16xf32>,
      %get3A_94 = arith.index_cast %rem3A_88 : i32 to index
      %get3A_95 = arith.index_cast %rem3A_90 : i32 to index
      %get3A_96 = arith.constant 16 : index
      %get3A_97 = tpu.vector_load %arg8[%get3A_94, %get3A_95, %get3A_96] {strides = array<i32>} : memref<2x8x256xf32, #tpu.memory_space<vmem>>, vector<16xf32>,
      %get3A_98 = arith.index_cast %rem3A_88 : i32 to index
      %get3A_99 = arith.index_cast %rem3A_90 : i32 to index
      %get3A_100 = arith.constant 32 : index
      %get3A_101 = tpu.vector_load %arg8[%get3A_98, %get3A_99, %get3A_100] {strides = array<i32>} : memref<2x8x256xf32, #tpu.memory_space<vmem>>, vector<16xf32>,
      %get3A_102 = arith.index_cast %rem3A_88 : i32 to index
      %get3A_103 = arith.index_cast %rem3A_90 : i32 to index
      %get3A_104 = arith.constant 48 : index
      %get3A_105 = tpu.vector_load %arg8[%get3A_102, %get3A_103, %get3A_104] {strides = array<i32>} : memref<2x8x256xf32, #tpu.memory_space<vmem>>, vector<16xf32>,
      %get3A_106 = arith.index_cast %rem3A_88 : i32 to index
      %get3A_107 = arith.index_cast %rem3A_90 : i32 to index
      %get3A_108 = arith.constant 64 : index
      %get3A_109 = tpu.vector_load %arg8[%get3A_106, %get3A_107, %get3A_108] {strides = array<i32>} : memref<2x8x256xf32, #tpu.memory_space<vmem>>, vector<16xf32>,
      %get3A_110 = arith.index_cast %rem3A_88 : i32 to index
      %get3A_111 = arith.index_cast %rem3A_90 : i32 to index
      %get3A_112 = arith.constant 80 : index
      %get3A_113 = tpu.vector_load %arg8[%get3A_110, %get3A_111, %get3A_112] {strides = array<i32>} : memref<2x8x256xf32, #tpu.memory_space<vmem>>, vector<16xf32>,
      %get3A_114 = arith.index_cast %rem3A_88 : i32 to index
      %get3A_115 = arith.index_cast %rem3A_90 : i32 to index
      %get3A_116 = arith.constant 96 : index
      %get3A_117 = tpu.vector_load %arg8[%get3A_114, %get3A_115, %get3A_116] {strides = array<i32>} : memref<2x8x256xf32, #tpu.memory_space<vmem>>, vector<16xf32>,
      %get3A_118 = arith.index_cast %rem3A_88 : i32 to index
      %get3A_119 = arith.index_cast %rem3A_90 : i32 to index
      %get3A_120 = arith.constant 112 : index
      %get3A_121 = tpu.vector_load %arg8[%get3A_118, %get3A_119, %get3A_120] {strides = array<i32>} : memref<2x8x256xf32, #tpu.memory_space<vmem>>, vector<16xf32>,
      %get3A_122 = arith.index_cast %rem3A_88 : i32 to index
      %get3A_123 = arith.index_cast %rem3A_90 : i32 to index
      %get3A_124 = arith.constant 128 : index
      %get3A_125 = tpu.vector_load %arg8[%get3A_122, %get3A_123, %get3A_124] {strides = array<i32>} : memref<2x8x256xf32, #tpu.memory_space<vmem>>, vector<16xf32>,
      %get3A_126 = arith.index_cast %rem3A_88 : i32 to index
      %get3A_127 = arith.index_cast %rem3A_90 : i32 to index
      %get3A_128 = arith.constant 144 : index
      %get3A_129 = tpu.vector_load %arg8[%get3A_126, %get3A_127, %get3A_128] {strides = array<i32>} : memref<2x8x256xf32, #tpu.memory_space<vmem>>, vector<16xf32>,
      %get3A_130 = arith.index_cast %rem3A_88 : i32 to index
      %get3A_131 = arith.index_cast %rem3A_90 : i32 to index
      %get3A_132 = arith.constant 160 : index
      %get3A_133 = tpu.vector_load %arg8[%get3A_130, %get3A_131, %get3A_132] {strides = array<i32>} : memref<2x8x256xf32, #tpu.memory_space<vmem>>, vector<16xf32>,
      %get3A_134 = arith.index_cast %rem3A_88 : i32 to index
      %get3A_135 = arith.index_cast %rem3A_90 : i32 to index
      %get3A_136 = arith.constant 176 : index
      %get3A_137 = tpu.vector_load %arg8[%get3A_134, %get3A_135, %get3A_136] {strides = array<i32>} : memref<2x8x256xf32, #tpu.memory_space<vmem>>, vector<16xf32>,
      %get3A_138 = arith.index_cast %rem3A_88 : i32 to index
      %get3A_139 = arith.index_cast %rem3A_90 : i32 to index
      %get3A_140 = arith.constant 192 : index
      %get3A_141 = tpu.vector_load %arg8[%get3A_138, %get3A_139, %get3A_140] {strides = array<i32>} : memref<2x8x256xf32, #tpu.memory_space<vmem>>, vector<16xf32>,
      %get3A_142 = arith.index_cast %rem3A_88 : i32 to index
      %get3A_143 = arith.index_cast %rem3A_90 : i32 to index
      %get3A_144 = arith.constant 208 : index
      %get3A_145 = tpu.vector_load %arg8[%get3A_142, %get3A_143, %get3A_144] {strides = array<i32>} : memref<2x8x256xf32, #tpu.memory_space<vmem>>, vector<16xf32>,
      %get3A_146 = arith.index_cast %rem3A_88 : i32 to index
      %get3A_147 = arith.index_cast %rem3A_90 : i32 to index
      %get3A_148 = arith.constant 224 : index
      %get3A_149 = tpu.vector_load %arg8[%get3A_146, %get3A_147, %get3A_148] {strides = array<i32>} : memref<2x8x256xf32, #tpu.memory_space<vmem>>, vector<16xf32>,
      %get3A_150 = arith.index_cast %rem3A_88 : i32 to index
      %get3A_151 = arith.index_cast %rem3A_90 : i32 to index
      %get3A_152 = arith.constant 240 : index
      %get3A_153 = tpu.vector_load %arg8[%get3A_150, %get3A_151, %get3A_152] {strides = array<i32>} : memref<2x8x256xf32, #tpu.memory_space<vmem>>, vector<16xf32>,
      %broadcast_in_dim3A = arith.constant -1.000000e+00 : f32
      %broadcast_in_dim3A_154 = vector.broadcast %broadcast_in_dim3A : f32 to vector<16xf32>
      %broadcast_in_dim3A_155 = arith.constant 0 : i32
      %broadcast_in_dim3A_156 = vector.broadcast %broadcast_in_dim3A_155 : i32 to vector<16xi32>
      %scan3A_157 = arith.constant 0 : i32
      %scan3A_158 = arith.constant 8 : i32
      %scan3A_159 = arith.addi %scan3A_157, %scan3A_158 : i32
      %scan3A_160 = arith.constant 1 : i32
      %scan3A_161:2 = scf.for %scan3A_192 = %scan3A_157 to %scan3A_159 step %scan3A_160 iter_args(%scan3A_193 = %broadcast_in_dim3A_154, %scan3A_194 = %broadcast_in_dim3A_156) -> (vector<16xf32>, vector<16xi32>)  : i32 {
        %broadcast_in_dim3A_195 = arith.constant 0.000000e+00 : f32
        %broadcast_in_dim3A_196 = vector.broadcast %broadcast_in_dim3A_195 : f32 to vector<16xf32>
        %mul3A_197 = arith.constant 16 : i32
        %mul3A_198 = arith.muli %scan3A_192, %mul3A_197 : i32
        %add3A_199 = arith.constant 0 : i32
        %add3A_200 = arith.addi %mul3A_198, %add3A_199 : i32
        %get3A_201 = arith.index_cast %rem3A_66 : i32 to index
        %get3A_202 = arith.index_cast %add3A_200 : i32 to index
        %get3A_203 = arith.constant 0 : index
        %get3A_204 = tpu.vector_load %arg9[%get3A_201, %get3A_202, %get3A_203] {strides = array<i32>} : memref<3x128x256xf32, #tpu.memory_space<vmem>>, vector<16xf32>,
        %mul3A_205 = arith.mulf %get3A_93, %get3A_204 : vector<16xf32>
        %get3A_206 = arith.index_cast %rem3A_66 : i32 to index
        %get3A_207 = arith.index_cast %add3A_200 : i32 to index
        %get3A_208 = arith.constant 16 : index
        %get3A_209 = tpu.vector_load %arg9[%get3A_206, %get3A_207, %get3A_208] {strides = array<i32>} : memref<3x128x256xf32, #tpu.memory_space<vmem>>, vector<16xf32>,
        %mul3A_210 = arith.mulf %get3A_97, %get3A_209 : vector<16xf32>
        %add3A_211 = arith.addf %mul3A_205, %mul3A_210 : vector<16xf32>
        %get3A_212 = arith.index_cast %rem3A_66 : i32 to index
        %get3A_213 = arith.index_cast %add3A_200 : i32 to index
        %get3A_214 = arith.constant 32 : index
        %get3A_215 = tpu.vector_load %arg9[%get3A_212, %get3A_213, %get3A_214] {strides = array<i32>} : memref<3x128x256xf32, #tpu.memory_space<vmem>>, vector<16xf32>,
        %mul3A_216 = arith.mulf %get3A_101, %get3A_215 : vector<16xf32>
        %add3A_217 = arith.addf %add3A_211, %mul3A_216 : vector<16xf32>
        %get3A_218 = arith.index_cast %rem3A_66 : i32 to index
        %get3A_219 = arith.index_cast %add3A_200 : i32 to index
        %get3A_220 = arith.constant 48 : index
        %get3A_221 = tpu.vector_load %arg9[%get3A_218, %get3A_219, %get3A_220] {strides = array<i32>} : memref<3x128x256xf32, #tpu.memory_space<vmem>>, vector<16xf32>,
        %mul3A_222 = arith.mulf %get3A_105, %get3A_221 : vector<16xf32>
        %add3A_223 = arith.addf %add3A_217, %mul3A_222 : vector<16xf32>
        %get3A_224 = arith.index_cast %rem3A_66 : i32 to index
        %get3A_225 = arith.index_cast %add3A_200 : i32 to index
        %get3A_226 = arith.constant 64 : index
        %get3A_227 = tpu.vector_load %arg9[%get3A_224, %get3A_225, %get3A_226] {strides = array<i32>} : memref<3x128x256xf32, #tpu.memory_space<vmem>>, vector<16xf32>,
        %mul3A_228 = arith.mulf %get3A_109, %get3A_227 : vector<16xf32>
        %add3A_229 = arith.addf %add3A_223, %mul3A_228 : vector<16xf32>
        %get3A_230 = arith.index_cast %rem3A_66 : i32 to index
        %get3A_231 = arith.index_cast %add3A_200 : i32 to index
        %get3A_232 = arith.constant 80 : index
        %get3A_233 = tpu.vector_load %arg9[%get3A_230, %get3A_231, %get3A_232] {strides = array<i32>} : memref<3x128x256xf32, #tpu.memory_space<vmem>>, vector<16xf32>,
        %mul3A_234 = arith.mulf %get3A_113, %get3A_233 : vector<16xf32>
        %add3A_235 = arith.addf %add3A_229, %mul3A_234 : vector<16xf32>
        %get3A_236 = arith.index_cast %rem3A_66 : i32 to index
        %get3A_237 = arith.index_cast %add3A_200 : i32 to index
        %get3A_238 = arith.constant 96 : index
        %get3A_239 = tpu.vector_load %arg9[%get3A_236, %get3A_237, %get3A_238] {strides = array<i32>} : memref<3x128x256xf32, #tpu.memory_space<vmem>>, vector<16xf32>,
        %mul3A_240 = arith.mulf %get3A_117, %get3A_239 : vector<16xf32>
        %add3A_241 = arith.addf %add3A_235, %mul3A_240 : vector<16xf32>
        %get3A_242 = arith.index_cast %rem3A_66 : i32 to index
        %get3A_243 = arith.index_cast %add3A_200 : i32 to index
        %get3A_244 = arith.constant 112 : index
        %get3A_245 = tpu.vector_load %arg9[%get3A_242, %get3A_243, %get3A_244] {strides = array<i32>} : memref<3x128x256xf32, #tpu.memory_space<vmem>>, vector<16xf32>,
        %mul3A_246 = arith.mulf %get3A_121, %get3A_245 : vector<16xf32>
        %add3A_247 = arith.addf %add3A_241, %mul3A_246 : vector<16xf32>
        %get3A_248 = arith.index_cast %rem3A_66 : i32 to index
        %get3A_249 = arith.index_cast %add3A_200 : i32 to index
        %get3A_250 = arith.constant 128 : index
        %get3A_251 = tpu.vector_load %arg9[%get3A_248, %get3A_249, %get3A_250] {strides = array<i32>} : memref<3x128x256xf32, #tpu.memory_space<vmem>>, vector<16xf32>,
        %mul3A_252 = arith.mulf %get3A_125, %get3A_251 : vector<16xf32>
        %add3A_253 = arith.addf %add3A_247, %mul3A_252 : vector<16xf32>
        %get3A_254 = arith.index_cast %rem3A_66 : i32 to index
        %get3A_255 = arith.index_cast %add3A_200 : i32 to index
        %get3A_256 = arith.constant 144 : index
        %get3A_257 = tpu.vector_load %arg9[%get3A_254, %get3A_255, %get3A_256] {strides = array<i32>} : memref<3x128x256xf32, #tpu.memory_space<vmem>>, vector<16xf32>,
        %mul3A_258 = arith.mulf %get3A_129, %get3A_257 : vector<16xf32>
        %add3A_259 = arith.addf %add3A_253, %mul3A_258 : vector<16xf32>
        %get3A_260 = arith.index_cast %rem3A_66 : i32 to index
        %get3A_261 = arith.index_cast %add3A_200 : i32 to index
        %get3A_262 = arith.constant 160 : index
        %get3A_263 = tpu.vector_load %arg9[%get3A_260, %get3A_261, %get3A_262] {strides = array<i32>} : memref<3x128x256xf32, #tpu.memory_space<vmem>>, vector<16xf32>,
        %mul3A_264 = arith.mulf %get3A_133, %get3A_263 : vector<16xf32>
        %add3A_265 = arith.addf %add3A_259, %mul3A_264 : vector<16xf32>
        %get3A_266 = arith.index_cast %rem3A_66 : i32 to index
        %get3A_267 = arith.index_cast %add3A_200 : i32 to index
        %get3A_268 = arith.constant 176 : index
        %get3A_269 = tpu.vector_load %arg9[%get3A_266, %get3A_267, %get3A_268] {strides = array<i32>} : memref<3x128x256xf32, #tpu.memory_space<vmem>>, vector<16xf32>,
        %mul3A_270 = arith.mulf %get3A_137, %get3A_269 : vector<16xf32>
        %add3A_271 = arith.addf %add3A_265, %mul3A_270 : vector<16xf32>
        %get3A_272 = arith.index_cast %rem3A_66 : i32 to index
        %get3A_273 = arith.index_cast %add3A_200 : i32 to index
        %get3A_274 = arith.constant 192 : index
        %get3A_275 = tpu.vector_load %arg9[%get3A_272, %get3A_273, %get3A_274] {strides = array<i32>} : memref<3x128x256xf32, #tpu.memory_space<vmem>>, vector<16xf32>,
        %mul3A_276 = arith.mulf %get3A_141, %get3A_275 : vector<16xf32>
        %add3A_277 = arith.addf %add3A_271, %mul3A_276 : vector<16xf32>
        %get3A_278 = arith.index_cast %rem3A_66 : i32 to index
        %get3A_279 = arith.index_cast %add3A_200 : i32 to index
        %get3A_280 = arith.constant 208 : index
        %get3A_281 = tpu.vector_load %arg9[%get3A_278, %get3A_279, %get3A_280] {strides = array<i32>} : memref<3x128x256xf32, #tpu.memory_space<vmem>>, vector<16xf32>,
        %mul3A_282 = arith.mulf %get3A_145, %get3A_281 : vector<16xf32>
        %add3A_283 = arith.addf %add3A_277, %mul3A_282 : vector<16xf32>
        %get3A_284 = arith.index_cast %rem3A_66 : i32 to index
        %get3A_285 = arith.index_cast %add3A_200 : i32 to index
        %get3A_286 = arith.constant 224 : index
        %get3A_287 = tpu.vector_load %arg9[%get3A_284, %get3A_285, %get3A_286] {strides = array<i32>} : memref<3x128x256xf32, #tpu.memory_space<vmem>>, vector<16xf32>,
        %mul3A_288 = arith.mulf %get3A_149, %get3A_287 : vector<16xf32>
        %add3A_289 = arith.addf %add3A_283, %mul3A_288 : vector<16xf32>
        %get3A_290 = arith.index_cast %rem3A_66 : i32 to index
        %get3A_291 = arith.index_cast %add3A_200 : i32 to index
        %get3A_292 = arith.constant 240 : index
        %get3A_293 = tpu.vector_load %arg9[%get3A_290, %get3A_291, %get3A_292] {strides = array<i32>} : memref<3x128x256xf32, #tpu.memory_space<vmem>>, vector<16xf32>,
        %mul3A_294 = arith.mulf %get3A_153, %get3A_293 : vector<16xf32>
        %add3A_295 = arith.addf %add3A_289, %mul3A_294 : vector<16xf32>
        %reduce_sum3A = arith.constant true
        %reduce_sum3A_296 = vector.broadcast %reduce_sum3A : i1 to vector<16xi1>
        %reduce_sum3A_297 = tpu.scan <sum>, %add3A_295 masked %reduce_sum3A_296 : vector<16xf32>, vector<16xi1> -> vector<16xf32>
        %reduce_sum3A_298 = vector.extract %reduce_sum3A_297[15] : f32 from vector<16xf32>
        %eq3A_299 = arith.constant 0 : i32
        %eq3A_300 = vector.broadcast %eq3A_299 : i32 to vector<16xi32>
        %eq3A_301 = arith.cmpi eq, %iota3A, %eq3A_300 : vector<16xi32>
        %broadcast_in_dim3A_302 = vector.broadcast %reduce_sum3A_298 : f32 to vector<16xf32>
        %select_n3A_303 = arith.select %eq3A_301, %broadcast_in_dim3A_302, %broadcast_in_dim3A_196 : vector<16xi1>, vector<16xf32>
        %mul3A_304 = arith.constant 16 : i32
        %mul3A_305 = arith.muli %scan3A_192, %mul3A_304 : i32
        %add3A_306 = arith.constant 1 : i32
        %add3A_307 = arith.addi %mul3A_305, %add3A_306 : i32
        %get3A_308 = arith.index_cast %rem3A_66 : i32 to index
        %get3A_309 = arith.index_cast %add3A_307 : i32 to index
        %get3A_310 = arith.constant 0 : index
        %get3A_311 = tpu.vector_load %arg9[%get3A_308, %get3A_309, %get3A_310] {strides = array<i32>} : memref<3x128x256xf32, #tpu.memory_space<vmem>>, vector<16xf32>,
        %mul3A_312 = arith.mulf %get3A_93, %get3A_311 : vector<16xf32>
        %get3A_313 = arith.index_cast %rem3A_66 : i32 to index
        %get3A_314 = arith.index_cast %add3A_307 : i32 to index
        %get3A_315 = arith.constant 16 : index
        %get3A_316 = tpu.vector_load %arg9[%get3A_313, %get3A_314, %get3A_315] {strides = array<i32>} : memref<3x128x256xf32, #tpu.memory_space<vmem>>, vector<16xf32>,
        %mul3A_317 = arith.mulf %get3A_97, %get3A_316 : vector<16xf32>
        %add3A_318 = arith.addf %mul3A_312, %mul3A_317 : vector<16xf32>
        %get3A_319 = arith.index_cast %rem3A_66 : i32 to index
        %get3A_320 = arith.index_cast %add3A_307 : i32 to index
        %get3A_321 = arith.constant 32 : index
        %get3A_322 = tpu.vector_load %arg9[%get3A_319, %get3A_320, %get3A_321] {strides = array<i32>} : memref<3x128x256xf32, #tpu.memory_space<vmem>>, vector<16xf32>,
        %mul3A_323 = arith.mulf %get3A_101, %get3A_322 : vector<16xf32>
        %add3A_324 = arith.addf %add3A_318, %mul3A_323 : vector<16xf32>
        %get3A_325 = arith.index_cast %rem3A_66 : i32 to index
        %get3A_326 = arith.index_cast %add3A_307 : i32 to index
        %get3A_327 = arith.constant 48 : index
        %get3A_328 = tpu.vector_load %arg9[%get3A_325, %get3A_326, %get3A_327] {strides = array<i32>} : memref<3x128x256xf32, #tpu.memory_space<vmem>>, vector<16xf32>,
        %mul3A_329 = arith.mulf %get3A_105, %get3A_328 : vector<16xf32>
        %add3A_330 = arith.addf %add3A_324, %mul3A_329 : vector<16xf32>
        %get3A_331 = arith.index_cast %rem3A_66 : i32 to index
        %get3A_332 = arith.index_cast %add3A_307 : i32 to index
        %get3A_333 = arith.constant 64 : index
        %get3A_334 = tpu.vector_load %arg9[%get3A_331, %get3A_332, %get3A_333] {strides = array<i32>} : memref<3x128x256xf32, #tpu.memory_space<vmem>>, vector<16xf32>,
        %mul3A_335 = arith.mulf %get3A_109, %get3A_334 : vector<16xf32>
        %add3A_336 = arith.addf %add3A_330, %mul3A_335 : vector<16xf32>
        %get3A_337 = arith.index_cast %rem3A_66 : i32 to index
        %get3A_338 = arith.index_cast %add3A_307 : i32 to index
        %get3A_339 = arith.constant 80 : index
        %get3A_340 = tpu.vector_load %arg9[%get3A_337, %get3A_338, %get3A_339] {strides = array<i32>} : memref<3x128x256xf32, #tpu.memory_space<vmem>>, vector<16xf32>,
        %mul3A_341 = arith.mulf %get3A_113, %get3A_340 : vector<16xf32>
        %add3A_342 = arith.addf %add3A_336, %mul3A_341 : vector<16xf32>
        %get3A_343 = arith.index_cast %rem3A_66 : i32 to index
        %get3A_344 = arith.index_cast %add3A_307 : i32 to index
        %get3A_345 = arith.constant 96 : index
        %get3A_346 = tpu.vector_load %arg9[%get3A_343, %get3A_344, %get3A_345] {strides = array<i32>} : memref<3x128x256xf32, #tpu.memory_space<vmem>>, vector<16xf32>,
        %mul3A_347 = arith.mulf %get3A_117, %get3A_346 : vector<16xf32>
        %add3A_348 = arith.addf %add3A_342, %mul3A_347 : vector<16xf32>
        %get3A_349 = arith.index_cast %rem3A_66 : i32 to index
        %get3A_350 = arith.index_cast %add3A_307 : i32 to index
        %get3A_351 = arith.constant 112 : index
        %get3A_352 = tpu.vector_load %arg9[%get3A_349, %get3A_350, %get3A_351] {strides = array<i32>} : memref<3x128x256xf32, #tpu.memory_space<vmem>>, vector<16xf32>,
        %mul3A_353 = arith.mulf %get3A_121, %get3A_352 : vector<16xf32>
        %add3A_354 = arith.addf %add3A_348, %mul3A_353 : vector<16xf32>
        %get3A_355 = arith.index_cast %rem3A_66 : i32 to index
        %get3A_356 = arith.index_cast %add3A_307 : i32 to index
        %get3A_357 = arith.constant 128 : index
        %get3A_358 = tpu.vector_load %arg9[%get3A_355, %get3A_356, %get3A_357] {strides = array<i32>} : memref<3x128x256xf32, #tpu.memory_space<vmem>>, vector<16xf32>,
        %mul3A_359 = arith.mulf %get3A_125, %get3A_358 : vector<16xf32>
        %add3A_360 = arith.addf %add3A_354, %mul3A_359 : vector<16xf32>
        %get3A_361 = arith.index_cast %rem3A_66 : i32 to index
        %get3A_362 = arith.index_cast %add3A_307 : i32 to index
        %get3A_363 = arith.constant 144 : index
        %get3A_364 = tpu.vector_load %arg9[%get3A_361, %get3A_362, %get3A_363] {strides = array<i32>} : memref<3x128x256xf32, #tpu.memory_space<vmem>>, vector<16xf32>,
        %mul3A_365 = arith.mulf %get3A_129, %get3A_364 : vector<16xf32>
        %add3A_366 = arith.addf %add3A_360, %mul3A_365 : vector<16xf32>
        %get3A_367 = arith.index_cast %rem3A_66 : i32 to index
        %get3A_368 = arith.index_cast %add3A_307 : i32 to index
        %get3A_369 = arith.constant 160 : index
        %get3A_370 = tpu.vector_load %arg9[%get3A_367, %get3A_368, %get3A_369] {strides = array<i32>} : memref<3x128x256xf32, #tpu.memory_space<vmem>>, vector<16xf32>,
        %mul3A_371 = arith.mulf %get3A_133, %get3A_370 : vector<16xf32>
        %add3A_372 = arith.addf %add3A_366, %mul3A_371 : vector<16xf32>
        %get3A_373 = arith.index_cast %rem3A_66 : i32 to index
        %get3A_374 = arith.index_cast %add3A_307 : i32 to index
        %get3A_375 = arith.constant 176 : index
        %get3A_376 = tpu.vector_load %arg9[%get3A_373, %get3A_374, %get3A_375] {strides = array<i32>} : memref<3x128x256xf32, #tpu.memory_space<vmem>>, vector<16xf32>,
        %mul3A_377 = arith.mulf %get3A_137, %get3A_376 : vector<16xf32>
        %add3A_378 = arith.addf %add3A_372, %mul3A_377 : vector<16xf32>
        %get3A_379 = arith.index_cast %rem3A_66 : i32 to index
        %get3A_380 = arith.index_cast %add3A_307 : i32 to index
        %get3A_381 = arith.constant 192 : index
        %get3A_382 = tpu.vector_load %arg9[%get3A_379, %get3A_380, %get3A_381] {strides = array<i32>} : memref<3x128x256xf32, #tpu.memory_space<vmem>>, vector<16xf32>,
        %mul3A_383 = arith.mulf %get3A_141, %get3A_382 : vector<16xf32>
        %add3A_384 = arith.addf %add3A_378, %mul3A_383 : vector<16xf32>
        %get3A_385 = arith.index_cast %rem3A_66 : i32 to index
        %get3A_386 = arith.index_cast %add3A_307 : i32 to index
        %get3A_387 = arith.constant 208 : index
        %get3A_388 = tpu.vector_load %arg9[%get3A_385, %get3A_386, %get3A_387] {strides = array<i32>} : memref<3x128x256xf32, #tpu.memory_space<vmem>>, vector<16xf32>,
        %mul3A_389 = arith.mulf %get3A_145, %get3A_388 : vector<16xf32>
        %add3A_390 = arith.addf %add3A_384, %mul3A_389 : vector<16xf32>
        %get3A_391 = arith.index_cast %rem3A_66 : i32 to index
        %get3A_392 = arith.index_cast %add3A_307 : i32 to index
        %get3A_393 = arith.constant 224 : index
        %get3A_394 = tpu.vector_load %arg9[%get3A_391, %get3A_392, %get3A_393] {strides = array<i32>} : memref<3x128x256xf32, #tpu.memory_space<vmem>>, vector<16xf32>,
        %mul3A_395 = arith.mulf %get3A_149, %get3A_394 : vector<16xf32>
        %add3A_396 = arith.addf %add3A_390, %mul3A_395 : vector<16xf32>
        %get3A_397 = arith.index_cast %rem3A_66 : i32 to index
        %get3A_398 = arith.index_cast %add3A_307 : i32 to index
        %get3A_399 = arith.constant 240 : index
        %get3A_400 = tpu.vector_load %arg9[%get3A_397, %get3A_398, %get3A_399] {strides = array<i32>} : memref<3x128x256xf32, #tpu.memory_space<vmem>>, vector<16xf32>,
        %mul3A_401 = arith.mulf %get3A_153, %get3A_400 : vector<16xf32>
        %add3A_402 = arith.addf %add3A_396, %mul3A_401 : vector<16xf32>
        %reduce_sum3A_403 = arith.constant true
        %reduce_sum3A_404 = vector.broadcast %reduce_sum3A_403 : i1 to vector<16xi1>
        %reduce_sum3A_405 = tpu.scan <sum>, %add3A_402 masked %reduce_sum3A_404 : vector<16xf32>, vector<16xi1> -> vector<16xf32>
        %reduce_sum3A_406 = vector.extract %reduce_sum3A_405[15] : f32 from vector<16xf32>
        %eq3A_407 = arith.constant 1 : i32
        %eq3A_408 = vector.broadcast %eq3A_407 : i32 to vector<16xi32>
        %eq3A_409 = arith.cmpi eq, %iota3A, %eq3A_408 : vector<16xi32>
        %broadcast_in_dim3A_410 = vector.broadcast %reduce_sum3A_406 : f32 to vector<16xf32>
        %select_n3A_411 = arith.select %eq3A_409, %broadcast_in_dim3A_410, %select_n3A_303 : vector<16xi1>, vector<16xf32>
        %mul3A_412 = arith.constant 16 : i32
        %mul3A_413 = arith.muli %scan3A_192, %mul3A_412 : i32
        %add3A_414 = arith.constant 2 : i32
        %add3A_415 = arith.addi %mul3A_413, %add3A_414 : i32
        %get3A_416 = arith.index_cast %rem3A_66 : i32 to index
        %get3A_417 = arith.index_cast %add3A_415 : i32 to index
        %get3A_418 = arith.constant 0 : index
        %get3A_419 = tpu.vector_load %arg9[%get3A_416, %get3A_417, %get3A_418] {strides = array<i32>} : memref<3x128x256xf32, #tpu.memory_space<vmem>>, vector<16xf32>,
        %mul3A_420 = arith.mulf %get3A_93, %get3A_419 : vector<16xf32>
        %get3A_421 = arith.index_cast %rem3A_66 : i32 to index
        %get3A_422 = arith.index_cast %add3A_415 : i32 to index
        %get3A_423 = arith.constant 16 : index
        %get3A_424 = tpu.vector_load %arg9[%get3A_421, %get3A_422, %get3A_423] {strides = array<i32>} : memref<3x128x256xf32, #tpu.memory_space<vmem>>, vector<16xf32>,
        %mul3A_425 = arith.mulf %get3A_97, %get3A_424 : vector<16xf32>
        %add3A_426 = arith.addf %mul3A_420, %mul3A_425 : vector<16xf32>
        %get3A_427 = arith.index_cast %rem3A_66 : i32 to index
        %get3A_428 = arith.index_cast %add3A_415 : i32 to index
        %get3A_429 = arith.constant 32 : index
        %get3A_430 = tpu.vector_load %arg9[%get3A_427, %get3A_428, %get3A_429] {strides = array<i32>} : memref<3x128x256xf32, #tpu.memory_space<vmem>>, vector<16xf32>,
        %mul3A_431 = arith.mulf %get3A_101, %get3A_430 : vector<16xf32>
        %add3A_432 = arith.addf %add3A_426, %mul3A_431 : vector<16xf32>
        %get3A_433 = arith.index_cast %rem3A_66 : i32 to index
        %get3A_434 = arith.index_cast %add3A_415 : i32 to index
        %get3A_435 = arith.constant 48 : index
        %get3A_436 = tpu.vector_load %arg9[%get3A_433, %get3A_434, %get3A_435] {strides = array<i32>} : memref<3x128x256xf32, #tpu.memory_space<vmem>>, vector<16xf32>,
        %mul3A_437 = arith.mulf %get3A_105, %get3A_436 : vector<16xf32>
        %add3A_438 = arith.addf %add3A_432, %mul3A_437 : vector<16xf32>
        %get3A_439 = arith.index_cast %rem3A_66 : i32 to index
        %get3A_440 = arith.index_cast %add3A_415 : i32 to index
        %get3A_441 = arith.constant 64 : index
        %get3A_442 = tpu.vector_load %arg9[%get3A_439, %get3A_440, %get3A_441] {strides = array<i32>} : memref<3x128x256xf32, #tpu.memory_space<vmem>>, vector<16xf32>,
        %mul3A_443 = arith.mulf %get3A_109, %get3A_442 : vector<16xf32>
        %add3A_444 = arith.addf %add3A_438, %mul3A_443 : vector<16xf32>
        %get3A_445 = arith.index_cast %rem3A_66 : i32 to index
        %get3A_446 = arith.index_cast %add3A_415 : i32 to index
        %get3A_447 = arith.constant 80 : index
        %get3A_448 = tpu.vector_load %arg9[%get3A_445, %get3A_446, %get3A_447] {strides = array<i32>} : memref<3x128x256xf32, #tpu.memory_space<vmem>>, vector<16xf32>,
        %mul3A_449 = arith.mulf %get3A_113, %get3A_448 : vector<16xf32>
        %add3A_450 = arith.addf %add3A_444, %mul3A_449 : vector<16xf32>
        %get3A_451 = arith.index_cast %rem3A_66 : i32 to index
        %get3A_452 = arith.index_cast %add3A_415 : i32 to index
        %get3A_453 = arith.constant 96 : index
        %get3A_454 = tpu.vector_load %arg9[%get3A_451, %get3A_452, %get3A_453] {strides = array<i32>} : memref<3x128x256xf32, #tpu.memory_space<vmem>>, vector<16xf32>,
        %mul3A_455 = arith.mulf %get3A_117, %get3A_454 : vector<16xf32>
        %add3A_456 = arith.addf %add3A_450, %mul3A_455 : vector<16xf32>
        %get3A_457 = arith.index_cast %rem3A_66 : i32 to index
        %get3A_458 = arith.index_cast %add3A_415 : i32 to index
        %get3A_459 = arith.constant 112 : index
        %get3A_460 = tpu.vector_load %arg9[%get3A_457, %get3A_458, %get3A_459] {strides = array<i32>} : memref<3x128x256xf32, #tpu.memory_space<vmem>>, vector<16xf32>,
        %mul3A_461 = arith.mulf %get3A_121, %get3A_460 : vector<16xf32>
        %add3A_462 = arith.addf %add3A_456, %mul3A_461 : vector<16xf32>
        %get3A_463 = arith.index_cast %rem3A_66 : i32 to index
        %get3A_464 = arith.index_cast %add3A_415 : i32 to index
        %get3A_465 = arith.constant 128 : index
        %get3A_466 = tpu.vector_load %arg9[%get3A_463, %get3A_464, %get3A_465] {strides = array<i32>} : memref<3x128x256xf32, #tpu.memory_space<vmem>>, vector<16xf32>,
        %mul3A_467 = arith.mulf %get3A_125, %get3A_466 : vector<16xf32>
        %add3A_468 = arith.addf %add3A_462, %mul3A_467 : vector<16xf32>
        %get3A_469 = arith.index_cast %rem3A_66 : i32 to index
        %get3A_470 = arith.index_cast %add3A_415 : i32 to index
        %get3A_471 = arith.constant 144 : index
        %get3A_472 = tpu.vector_load %arg9[%get3A_469, %get3A_470, %get3A_471] {strides = array<i32>} : memref<3x128x256xf32, #tpu.memory_space<vmem>>, vector<16xf32>,
        %mul3A_473 = arith.mulf %get3A_129, %get3A_472 : vector<16xf32>
        %add3A_474 = arith.addf %add3A_468, %mul3A_473 : vector<16xf32>
        %get3A_475 = arith.index_cast %rem3A_66 : i32 to index
        %get3A_476 = arith.index_cast %add3A_415 : i32 to index
        %get3A_477 = arith.constant 160 : index
        %get3A_478 = tpu.vector_load %arg9[%get3A_475, %get3A_476, %get3A_477] {strides = array<i32>} : memref<3x128x256xf32, #tpu.memory_space<vmem>>, vector<16xf32>,
        %mul3A_479 = arith.mulf %get3A_133, %get3A_478 : vector<16xf32>
        %add3A_480 = arith.addf %add3A_474, %mul3A_479 : vector<16xf32>
        %get3A_481 = arith.index_cast %rem3A_66 : i32 to index
        %get3A_482 = arith.index_cast %add3A_415 : i32 to index
        %get3A_483 = arith.constant 176 : index
        %get3A_484 = tpu.vector_load %arg9[%get3A_481, %get3A_482, %get3A_483] {strides = array<i32>} : memref<3x128x256xf32, #tpu.memory_space<vmem>>, vector<16xf32>,
        %mul3A_485 = arith.mulf %get3A_137, %get3A_484 : vector<16xf32>
        %add3A_486 = arith.addf %add3A_480, %mul3A_485 : vector<16xf32>
        %get3A_487 = arith.index_cast %rem3A_66 : i32 to index
        %get3A_488 = arith.index_cast %add3A_415 : i32 to index
        %get3A_489 = arith.constant 192 : index
        %get3A_490 = tpu.vector_load %arg9[%get3A_487, %get3A_488, %get3A_489] {strides = array<i32>} : memref<3x128x256xf32, #tpu.memory_space<vmem>>, vector<16xf32>,
        %mul3A_491 = arith.mulf %get3A_141, %get3A_490 : vector<16xf32>
        %add3A_492 = arith.addf %add3A_486, %mul3A_491 : vector<16xf32>
        %get3A_493 = arith.index_cast %rem3A_66 : i32 to index
        %get3A_494 = arith.index_cast %add3A_415 : i32 to index
        %get3A_495 = arith.constant 208 : index
        %get3A_496 = tpu.vector_load %arg9[%get3A_493, %get3A_494, %get3A_495] {strides = array<i32>} : memref<3x128x256xf32, #tpu.memory_space<vmem>>, vector<16xf32>,
        %mul3A_497 = arith.mulf %get3A_145, %get3A_496 : vector<16xf32>
        %add3A_498 = arith.addf %add3A_492, %mul3A_497 : vector<16xf32>
        %get3A_499 = arith.index_cast %rem3A_66 : i32 to index
        %get3A_500 = arith.index_cast %add3A_415 : i32 to index
        %get3A_501 = arith.constant 224 : index
        %get3A_502 = tpu.vector_load %arg9[%get3A_499, %get3A_500, %get3A_501] {strides = array<i32>} : memref<3x128x256xf32, #tpu.memory_space<vmem>>, vector<16xf32>,
        %mul3A_503 = arith.mulf %get3A_149, %get3A_502 : vector<16xf32>
        %add3A_504 = arith.addf %add3A_498, %mul3A_503 : vector<16xf32>
        %get3A_505 = arith.index_cast %rem3A_66 : i32 to index
        %get3A_506 = arith.index_cast %add3A_415 : i32 to index
        %get3A_507 = arith.constant 240 : index
        %get3A_508 = tpu.vector_load %arg9[%get3A_505, %get3A_506, %get3A_507] {strides = array<i32>} : memref<3x128x256xf32, #tpu.memory_space<vmem>>, vector<16xf32>,
        %mul3A_509 = arith.mulf %get3A_153, %get3A_508 : vector<16xf32>
        %add3A_510 = arith.addf %add3A_504, %mul3A_509 : vector<16xf32>
        %reduce_sum3A_511 = arith.constant true
        %reduce_sum3A_512 = vector.broadcast %reduce_sum3A_511 : i1 to vector<16xi1>
        %reduce_sum3A_513 = tpu.scan <sum>, %add3A_510 masked %reduce_sum3A_512 : vector<16xf32>, vector<16xi1> -> vector<16xf32>
        %reduce_sum3A_514 = vector.extract %reduce_sum3A_513[15] : f32 from vector<16xf32>
        %eq3A_515 = arith.constant 2 : i32
        %eq3A_516 = vector.broadcast %eq3A_515 : i32 to vector<16xi32>
        %eq3A_517 = arith.cmpi eq, %iota3A, %eq3A_516 : vector<16xi32>
        %broadcast_in_dim3A_518 = vector.broadcast %reduce_sum3A_514 : f32 to vector<16xf32>
        %select_n3A_519 = arith.select %eq3A_517, %broadcast_in_dim3A_518, %select_n3A_411 : vector<16xi1>, vector<16xf32>
        %mul3A_520 = arith.constant 16 : i32
        %mul3A_521 = arith.muli %scan3A_192, %mul3A_520 : i32
        %add3A_522 = arith.constant 3 : i32
        %add3A_523 = arith.addi %mul3A_521, %add3A_522 : i32
        %get3A_524 = arith.index_cast %rem3A_66 : i32 to index
        %get3A_525 = arith.index_cast %add3A_523 : i32 to index
        %get3A_526 = arith.constant 0 : index
        %get3A_527 = tpu.vector_load %arg9[%get3A_524, %get3A_525, %get3A_526] {strides = array<i32>} : memref<3x128x256xf32, #tpu.memory_space<vmem>>, vector<16xf32>,
        %mul3A_528 = arith.mulf %get3A_93, %get3A_527 : vector<16xf32>
        %get3A_529 = arith.index_cast %rem3A_66 : i32 to index
        %get3A_530 = arith.index_cast %add3A_523 : i32 to index
        %get3A_531 = arith.constant 16 : index
        %get3A_532 = tpu.vector_load %arg9[%get3A_529, %get3A_530, %get3A_531] {strides = array<i32>} : memref<3x128x256xf32, #tpu.memory_space<vmem>>, vector<16xf32>,
        %mul3A_533 = arith.mulf %get3A_97, %get3A_532 : vector<16xf32>
        %add3A_534 = arith.addf %mul3A_528, %mul3A_533 : vector<16xf32>
        %get3A_535 = arith.index_cast %rem3A_66 : i32 to index
        %get3A_536 = arith.index_cast %add3A_523 : i32 to index
        %get3A_537 = arith.constant 32 : index
        %get3A_538 = tpu.vector_load %arg9[%get3A_535, %get3A_536, %get3A_537] {strides = array<i32>} : memref<3x128x256xf32, #tpu.memory_space<vmem>>, vector<16xf32>,
        %mul3A_539 = arith.mulf %get3A_101, %get3A_538 : vector<16xf32>
        %add3A_540 = arith.addf %add3A_534, %mul3A_539 : vector<16xf32>
        %get3A_541 = arith.index_cast %rem3A_66 : i32 to index
        %get3A_542 = arith.index_cast %add3A_523 : i32 to index
        %get3A_543 = arith.constant 48 : index
        %get3A_544 = tpu.vector_load %arg9[%get3A_541, %get3A_542, %get3A_543] {strides = array<i32>} : memref<3x128x256xf32, #tpu.memory_space<vmem>>, vector<16xf32>,
        %mul3A_545 = arith.mulf %get3A_105, %get3A_544 : vector<16xf32>
        %add3A_546 = arith.addf %add3A_540, %mul3A_545 : vector<16xf32>
        %get3A_547 = arith.index_cast %rem3A_66 : i32 to index
        %get3A_548 = arith.index_cast %add3A_523 : i32 to index
        %get3A_549 = arith.constant 64 : index
        %get3A_550 = tpu.vector_load %arg9[%get3A_547, %get3A_548, %get3A_549] {strides = array<i32>} : memref<3x128x256xf32, #tpu.memory_space<vmem>>, vector<16xf32>,
        %mul3A_551 = arith.mulf %get3A_109, %get3A_550 : vector<16xf32>
        %add3A_552 = arith.addf %add3A_546, %mul3A_551 : vector<16xf32>
        %get3A_553 = arith.index_cast %rem3A_66 : i32 to index
        %get3A_554 = arith.index_cast %add3A_523 : i32 to index
        %get3A_555 = arith.constant 80 : index
        %get3A_556 = tpu.vector_load %arg9[%get3A_553, %get3A_554, %get3A_555] {strides = array<i32>} : memref<3x128x256xf32, #tpu.memory_space<vmem>>, vector<16xf32>,
        %mul3A_557 = arith.mulf %get3A_113, %get3A_556 : vector<16xf32>
        %add3A_558 = arith.addf %add3A_552, %mul3A_557 : vector<16xf32>
        %get3A_559 = arith.index_cast %rem3A_66 : i32 to index
        %get3A_560 = arith.index_cast %add3A_523 : i32 to index
        %get3A_561 = arith.constant 96 : index
        %get3A_562 = tpu.vector_load %arg9[%get3A_559, %get3A_560, %get3A_561] {strides = array<i32>} : memref<3x128x256xf32, #tpu.memory_space<vmem>>, vector<16xf32>,
        %mul3A_563 = arith.mulf %get3A_117, %get3A_562 : vector<16xf32>
        %add3A_564 = arith.addf %add3A_558, %mul3A_563 : vector<16xf32>
        %get3A_565 = arith.index_cast %rem3A_66 : i32 to index
        %get3A_566 = arith.index_cast %add3A_523 : i32 to index
        %get3A_567 = arith.constant 112 : index
        %get3A_568 = tpu.vector_load %arg9[%get3A_565, %get3A_566, %get3A_567] {strides = array<i32>} : memref<3x128x256xf32, #tpu.memory_space<vmem>>, vector<16xf32>,
        %mul3A_569 = arith.mulf %get3A_121, %get3A_568 : vector<16xf32>
        %add3A_570 = arith.addf %add3A_564, %mul3A_569 : vector<16xf32>
        %get3A_571 = arith.index_cast %rem3A_66 : i32 to index
        %get3A_572 = arith.index_cast %add3A_523 : i32 to index
        %get3A_573 = arith.constant 128 : index
        %get3A_574 = tpu.vector_load %arg9[%get3A_571, %get3A_572, %get3A_573] {strides = array<i32>} : memref<3x128x256xf32, #tpu.memory_space<vmem>>, vector<16xf32>,
        %mul3A_575 = arith.mulf %get3A_125, %get3A_574 : vector<16xf32>
        %add3A_576 = arith.addf %add3A_570, %mul3A_575 : vector<16xf32>
        %get3A_577 = arith.index_cast %rem3A_66 : i32 to index
        %get3A_578 = arith.index_cast %add3A_523 : i32 to index
        %get3A_579 = arith.constant 144 : index
        %get3A_580 = tpu.vector_load %arg9[%get3A_577, %get3A_578, %get3A_579] {strides = array<i32>} : memref<3x128x256xf32, #tpu.memory_space<vmem>>, vector<16xf32>,
        %mul3A_581 = arith.mulf %get3A_129, %get3A_580 : vector<16xf32>
        %add3A_582 = arith.addf %add3A_576, %mul3A_581 : vector<16xf32>
        %get3A_583 = arith.index_cast %rem3A_66 : i32 to index
        %get3A_584 = arith.index_cast %add3A_523 : i32 to index
        %get3A_585 = arith.constant 160 : index
        %get3A_586 = tpu.vector_load %arg9[%get3A_583, %get3A_584, %get3A_585] {strides = array<i32>} : memref<3x128x256xf32, #tpu.memory_space<vmem>>, vector<16xf32>,
        %mul3A_587 = arith.mulf %get3A_133, %get3A_586 : vector<16xf32>
        %add3A_588 = arith.addf %add3A_582, %mul3A_587 : vector<16xf32>
        %get3A_589 = arith.index_cast %rem3A_66 : i32 to index
        %get3A_590 = arith.index_cast %add3A_523 : i32 to index
        %get3A_591 = arith.constant 176 : index
        %get3A_592 = tpu.vector_load %arg9[%get3A_589, %get3A_590, %get3A_591] {strides = array<i32>} : memref<3x128x256xf32, #tpu.memory_space<vmem>>, vector<16xf32>,
        %mul3A_593 = arith.mulf %get3A_137, %get3A_592 : vector<16xf32>
        %add3A_594 = arith.addf %add3A_588, %mul3A_593 : vector<16xf32>
        %get3A_595 = arith.index_cast %rem3A_66 : i32 to index
        %get3A_596 = arith.index_cast %add3A_523 : i32 to index
        %get3A_597 = arith.constant 192 : index
        %get3A_598 = tpu.vector_load %arg9[%get3A_595, %get3A_596, %get3A_597] {strides = array<i32>} : memref<3x128x256xf32, #tpu.memory_space<vmem>>, vector<16xf32>,
        %mul3A_599 = arith.mulf %get3A_141, %get3A_598 : vector<16xf32>
        %add3A_600 = arith.addf %add3A_594, %mul3A_599 : vector<16xf32>
        %get3A_601 = arith.index_cast %rem3A_66 : i32 to index
        %get3A_602 = arith.index_cast %add3A_523 : i32 to index
        %get3A_603 = arith.constant 208 : index
        %get3A_604 = tpu.vector_load %arg9[%get3A_601, %get3A_602, %get3A_603] {strides = array<i32>} : memref<3x128x256xf32, #tpu.memory_space<vmem>>, vector<16xf32>,
        %mul3A_605 = arith.mulf %get3A_145, %get3A_604 : vector<16xf32>
        %add3A_606 = arith.addf %add3A_600, %mul3A_605 : vector<16xf32>
        %get3A_607 = arith.index_cast %rem3A_66 : i32 to index
        %get3A_608 = arith.index_cast %add3A_523 : i32 to index
        %get3A_609 = arith.constant 224 : index
        %get3A_610 = tpu.vector_load %arg9[%get3A_607, %get3A_608, %get3A_609] {strides = array<i32>} : memref<3x128x256xf32, #tpu.memory_space<vmem>>, vector<16xf32>,
        %mul3A_611 = arith.mulf %get3A_149, %get3A_610 : vector<16xf32>
        %add3A_612 = arith.addf %add3A_606, %mul3A_611 : vector<16xf32>
        %get3A_613 = arith.index_cast %rem3A_66 : i32 to index
        %get3A_614 = arith.index_cast %add3A_523 : i32 to index
        %get3A_615 = arith.constant 240 : index
        %get3A_616 = tpu.vector_load %arg9[%get3A_613, %get3A_614, %get3A_615] {strides = array<i32>} : memref<3x128x256xf32, #tpu.memory_space<vmem>>, vector<16xf32>,
        %mul3A_617 = arith.mulf %get3A_153, %get3A_616 : vector<16xf32>
        %add3A_618 = arith.addf %add3A_612, %mul3A_617 : vector<16xf32>
        %reduce_sum3A_619 = arith.constant true
        %reduce_sum3A_620 = vector.broadcast %reduce_sum3A_619 : i1 to vector<16xi1>
        %reduce_sum3A_621 = tpu.scan <sum>, %add3A_618 masked %reduce_sum3A_620 : vector<16xf32>, vector<16xi1> -> vector<16xf32>
        %reduce_sum3A_622 = vector.extract %reduce_sum3A_621[15] : f32 from vector<16xf32>
        %eq3A_623 = arith.constant 3 : i32
        %eq3A_624 = vector.broadcast %eq3A_623 : i32 to vector<16xi32>
        %eq3A_625 = arith.cmpi eq, %iota3A, %eq3A_624 : vector<16xi32>
        %broadcast_in_dim3A_626 = vector.broadcast %reduce_sum3A_622 : f32 to vector<16xf32>
        %select_n3A_627 = arith.select %eq3A_625, %broadcast_in_dim3A_626, %select_n3A_519 : vector<16xi1>, vector<16xf32>
        %mul3A_628 = arith.constant 16 : i32
        %mul3A_629 = arith.muli %scan3A_192, %mul3A_628 : i32
        %add3A_630 = arith.constant 4 : i32
        %add3A_631 = arith.addi %mul3A_629, %add3A_630 : i32
        %get3A_632 = arith.index_cast %rem3A_66 : i32 to index
        %get3A_633 = arith.index_cast %add3A_631 : i32 to index
        %get3A_634 = arith.constant 0 : index
        %get3A_635 = tpu.vector_load %arg9[%get3A_632, %get3A_633, %get3A_634] {strides = array<i32>} : memref<3x128x256xf32, #tpu.memory_space<vmem>>, vector<16xf32>,
        %mul3A_636 = arith.mulf %get3A_93, %get3A_635 : vector<16xf32>
        %get3A_637 = arith.index_cast %rem3A_66 : i32 to index
        %get3A_638 = arith.index_cast %add3A_631 : i32 to index
        %get3A_639 = arith.constant 16 : index
        %get3A_640 = tpu.vector_load %arg9[%get3A_637, %get3A_638, %get3A_639] {strides = array<i32>} : memref<3x128x256xf32, #tpu.memory_space<vmem>>, vector<16xf32>,
        %mul3A_641 = arith.mulf %get3A_97, %get3A_640 : vector<16xf32>
        %add3A_642 = arith.addf %mul3A_636, %mul3A_641 : vector<16xf32>
        %get3A_643 = arith.index_cast %rem3A_66 : i32 to index
        %get3A_644 = arith.index_cast %add3A_631 : i32 to index
        %get3A_645 = arith.constant 32 : index
        %get3A_646 = tpu.vector_load %arg9[%get3A_643, %get3A_644, %get3A_645] {strides = array<i32>} : memref<3x128x256xf32, #tpu.memory_space<vmem>>, vector<16xf32>,
        %mul3A_647 = arith.mulf %get3A_101, %get3A_646 : vector<16xf32>
        %add3A_648 = arith.addf %add3A_642, %mul3A_647 : vector<16xf32>
        %get3A_649 = arith.index_cast %rem3A_66 : i32 to index
        %get3A_650 = arith.index_cast %add3A_631 : i32 to index
        %get3A_651 = arith.constant 48 : index
        %get3A_652 = tpu.vector_load %arg9[%get3A_649, %get3A_650, %get3A_651] {strides = array<i32>} : memref<3x128x256xf32, #tpu.memory_space<vmem>>, vector<16xf32>,
        %mul3A_653 = arith.mulf %get3A_105, %get3A_652 : vector<16xf32>
        %add3A_654 = arith.addf %add3A_648, %mul3A_653 : vector<16xf32>
        %get3A_655 = arith.index_cast %rem3A_66 : i32 to index
        %get3A_656 = arith.index_cast %add3A_631 : i32 to index
        %get3A_657 = arith.constant 64 : index
        %get3A_658 = tpu.vector_load %arg9[%get3A_655, %get3A_656, %get3A_657] {strides = array<i32>} : memref<3x128x256xf32, #tpu.memory_space<vmem>>, vector<16xf32>,
        %mul3A_659 = arith.mulf %get3A_109, %get3A_658 : vector<16xf32>
        %add3A_660 = arith.addf %add3A_654, %mul3A_659 : vector<16xf32>
        %get3A_661 = arith.index_cast %rem3A_66 : i32 to index
        %get3A_662 = arith.index_cast %add3A_631 : i32 to index
        %get3A_663 = arith.constant 80 : index
        %get3A_664 = tpu.vector_load %arg9[%get3A_661, %get3A_662, %get3A_663] {strides = array<i32>} : memref<3x128x256xf32, #tpu.memory_space<vmem>>, vector<16xf32>,
        %mul3A_665 = arith.mulf %get3A_113, %get3A_664 : vector<16xf32>
        %add3A_666 = arith.addf %add3A_660, %mul3A_665 : vector<16xf32>
        %get3A_667 = arith.index_cast %rem3A_66 : i32 to index
        %get3A_668 = arith.index_cast %add3A_631 : i32 to index
        %get3A_669 = arith.constant 96 : index
        %get3A_670 = tpu.vector_load %arg9[%get3A_667, %get3A_668, %get3A_669] {strides = array<i32>} : memref<3x128x256xf32, #tpu.memory_space<vmem>>, vector<16xf32>,
        %mul3A_671 = arith.mulf %get3A_117, %get3A_670 : vector<16xf32>
        %add3A_672 = arith.addf %add3A_666, %mul3A_671 : vector<16xf32>
        %get3A_673 = arith.index_cast %rem3A_66 : i32 to index
        %get3A_674 = arith.index_cast %add3A_631 : i32 to index
        %get3A_675 = arith.constant 112 : index
        %get3A_676 = tpu.vector_load %arg9[%get3A_673, %get3A_674, %get3A_675] {strides = array<i32>} : memref<3x128x256xf32, #tpu.memory_space<vmem>>, vector<16xf32>,
        %mul3A_677 = arith.mulf %get3A_121, %get3A_676 : vector<16xf32>
        %add3A_678 = arith.addf %add3A_672, %mul3A_677 : vector<16xf32>
        %get3A_679 = arith.index_cast %rem3A_66 : i32 to index
        %get3A_680 = arith.index_cast %add3A_631 : i32 to index
        %get3A_681 = arith.constant 128 : index
        %get3A_682 = tpu.vector_load %arg9[%get3A_679, %get3A_680, %get3A_681] {strides = array<i32>} : memref<3x128x256xf32, #tpu.memory_space<vmem>>, vector<16xf32>,
        %mul3A_683 = arith.mulf %get3A_125, %get3A_682 : vector<16xf32>
        %add3A_684 = arith.addf %add3A_678, %mul3A_683 : vector<16xf32>
        %get3A_685 = arith.index_cast %rem3A_66 : i32 to index
        %get3A_686 = arith.index_cast %add3A_631 : i32 to index
        %get3A_687 = arith.constant 144 : index
        %get3A_688 = tpu.vector_load %arg9[%get3A_685, %get3A_686, %get3A_687] {strides = array<i32>} : memref<3x128x256xf32, #tpu.memory_space<vmem>>, vector<16xf32>,
        %mul3A_689 = arith.mulf %get3A_129, %get3A_688 : vector<16xf32>
        %add3A_690 = arith.addf %add3A_684, %mul3A_689 : vector<16xf32>
        %get3A_691 = arith.index_cast %rem3A_66 : i32 to index
        %get3A_692 = arith.index_cast %add3A_631 : i32 to index
        %get3A_693 = arith.constant 160 : index
        %get3A_694 = tpu.vector_load %arg9[%get3A_691, %get3A_692, %get3A_693] {strides = array<i32>} : memref<3x128x256xf32, #tpu.memory_space<vmem>>, vector<16xf32>,
        %mul3A_695 = arith.mulf %get3A_133, %get3A_694 : vector<16xf32>
        %add3A_696 = arith.addf %add3A_690, %mul3A_695 : vector<16xf32>
        %get3A_697 = arith.index_cast %rem3A_66 : i32 to index
        %get3A_698 = arith.index_cast %add3A_631 : i32 to index
        %get3A_699 = arith.constant 176 : index
        %get3A_700 = tpu.vector_load %arg9[%get3A_697, %get3A_698, %get3A_699] {strides = array<i32>} : memref<3x128x256xf32, #tpu.memory_space<vmem>>, vector<16xf32>,
        %mul3A_701 = arith.mulf %get3A_137, %get3A_700 : vector<16xf32>
        %add3A_702 = arith.addf %add3A_696, %mul3A_701 : vector<16xf32>
        %get3A_703 = arith.index_cast %rem3A_66 : i32 to index
        %get3A_704 = arith.index_cast %add3A_631 : i32 to index
        %get3A_705 = arith.constant 192 : index
        %get3A_706 = tpu.vector_load %arg9[%get3A_703, %get3A_704, %get3A_705] {strides = array<i32>} : memref<3x128x256xf32, #tpu.memory_space<vmem>>, vector<16xf32>,
        %mul3A_707 = arith.mulf %get3A_141, %get3A_706 : vector<16xf32>
        %add3A_708 = arith.addf %add3A_702, %mul3A_707 : vector<16xf32>
        %get3A_709 = arith.index_cast %rem3A_66 : i32 to index
        %get3A_710 = arith.index_cast %add3A_631 : i32 to index
        %get3A_711 = arith.constant 208 : index
        %get3A_712 = tpu.vector_load %arg9[%get3A_709, %get3A_710, %get3A_711] {strides = array<i32>} : memref<3x128x256xf32, #tpu.memory_space<vmem>>, vector<16xf32>,
        %mul3A_713 = arith.mulf %get3A_145, %get3A_712 : vector<16xf32>
        %add3A_714 = arith.addf %add3A_708, %mul3A_713 : vector<16xf32>
        %get3A_715 = arith.index_cast %rem3A_66 : i32 to index
        %get3A_716 = arith.index_cast %add3A_631 : i32 to index
        %get3A_717 = arith.constant 224 : index
        %get3A_718 = tpu.vector_load %arg9[%get3A_715, %get3A_716, %get3A_717] {strides = array<i32>} : memref<3x128x256xf32, #tpu.memory_space<vmem>>, vector<16xf32>,
        %mul3A_719 = arith.mulf %get3A_149, %get3A_718 : vector<16xf32>
        %add3A_720 = arith.addf %add3A_714, %mul3A_719 : vector<16xf32>
        %get3A_721 = arith.index_cast %rem3A_66 : i32 to index
        %get3A_722 = arith.index_cast %add3A_631 : i32 to index
        %get3A_723 = arith.constant 240 : index
        %get3A_724 = tpu.vector_load %arg9[%get3A_721, %get3A_722, %get3A_723] {strides = array<i32>} : memref<3x128x256xf32, #tpu.memory_space<vmem>>, vector<16xf32>,
        %mul3A_725 = arith.mulf %get3A_153, %get3A_724 : vector<16xf32>
        %add3A_726 = arith.addf %add3A_720, %mul3A_725 : vector<16xf32>
        %reduce_sum3A_727 = arith.constant true
        %reduce_sum3A_728 = vector.broadcast %reduce_sum3A_727 : i1 to vector<16xi1>
        %reduce_sum3A_729 = tpu.scan <sum>, %add3A_726 masked %reduce_sum3A_728 : vector<16xf32>, vector<16xi1> -> vector<16xf32>
        %reduce_sum3A_730 = vector.extract %reduce_sum3A_729[15] : f32 from vector<16xf32>
        %eq3A_731 = arith.constant 4 : i32
        %eq3A_732 = vector.broadcast %eq3A_731 : i32 to vector<16xi32>
        %eq3A_733 = arith.cmpi eq, %iota3A, %eq3A_732 : vector<16xi32>
        %broadcast_in_dim3A_734 = vector.broadcast %reduce_sum3A_730 : f32 to vector<16xf32>
        %select_n3A_735 = arith.select %eq3A_733, %broadcast_in_dim3A_734, %select_n3A_627 : vector<16xi1>, vector<16xf32>
        %mul3A_736 = arith.constant 16 : i32
        %mul3A_737 = arith.muli %scan3A_192, %mul3A_736 : i32
        %add3A_738 = arith.constant 5 : i32
        %add3A_739 = arith.addi %mul3A_737, %add3A_738 : i32
        %get3A_740 = arith.index_cast %rem3A_66 : i32 to index
        %get3A_741 = arith.index_cast %add3A_739 : i32 to index
        %get3A_742 = arith.constant 0 : index
        %get3A_743 = tpu.vector_load %arg9[%get3A_740, %get3A_741, %get3A_742] {strides = array<i32>} : memref<3x128x256xf32, #tpu.memory_space<vmem>>, vector<16xf32>,
        %mul3A_744 = arith.mulf %get3A_93, %get3A_743 : vector<16xf32>
        %get3A_745 = arith.index_cast %rem3A_66 : i32 to index
        %get3A_746 = arith.index_cast %add3A_739 : i32 to index
        %get3A_747 = arith.constant 16 : index
        %get3A_748 = tpu.vector_load %arg9[%get3A_745, %get3A_746, %get3A_747] {strides = array<i32>} : memref<3x128x256xf32, #tpu.memory_space<vmem>>, vector<16xf32>,
        %mul3A_749 = arith.mulf %get3A_97, %get3A_748 : vector<16xf32>
        %add3A_750 = arith.addf %mul3A_744, %mul3A_749 : vector<16xf32>
        %get3A_751 = arith.index_cast %rem3A_66 : i32 to index
        %get3A_752 = arith.index_cast %add3A_739 : i32 to index
        %get3A_753 = arith.constant 32 : index
        %get3A_754 = tpu.vector_load %arg9[%get3A_751, %get3A_752, %get3A_753] {strides = array<i32>} : memref<3x128x256xf32, #tpu.memory_space<vmem>>, vector<16xf32>,
        %mul3A_755 = arith.mulf %get3A_101, %get3A_754 : vector<16xf32>
        %add3A_756 = arith.addf %add3A_750, %mul3A_755 : vector<16xf32>
        %get3A_757 = arith.index_cast %rem3A_66 : i32 to index
        %get3A_758 = arith.index_cast %add3A_739 : i32 to index
        %get3A_759 = arith.constant 48 : index
        %get3A_760 = tpu.vector_load %arg9[%get3A_757, %get3A_758, %get3A_759] {strides = array<i32>} : memref<3x128x256xf32, #tpu.memory_space<vmem>>, vector<16xf32>,
        %mul3A_761 = arith.mulf %get3A_105, %get3A_760 : vector<16xf32>
        %add3A_762 = arith.addf %add3A_756, %mul3A_761 : vector<16xf32>
        %get3A_763 = arith.index_cast %rem3A_66 : i32 to index
        %get3A_764 = arith.index_cast %add3A_739 : i32 to index
        %get3A_765 = arith.constant 64 : index
        %get3A_766 = tpu.vector_load %arg9[%get3A_763, %get3A_764, %get3A_765] {strides = array<i32>} : memref<3x128x256xf32, #tpu.memory_space<vmem>>, vector<16xf32>,
        %mul3A_767 = arith.mulf %get3A_109, %get3A_766 : vector<16xf32>
        %add3A_768 = arith.addf %add3A_762, %mul3A_767 : vector<16xf32>
        %get3A_769 = arith.index_cast %rem3A_66 : i32 to index
        %get3A_770 = arith.index_cast %add3A_739 : i32 to index
        %get3A_771 = arith.constant 80 : index
        %get3A_772 = tpu.vector_load %arg9[%get3A_769, %get3A_770, %get3A_771] {strides = array<i32>} : memref<3x128x256xf32, #tpu.memory_space<vmem>>, vector<16xf32>,
        %mul3A_773 = arith.mulf %get3A_113, %get3A_772 : vector<16xf32>
        %add3A_774 = arith.addf %add3A_768, %mul3A_773 : vector<16xf32>
        %get3A_775 = arith.index_cast %rem3A_66 : i32 to index
        %get3A_776 = arith.index_cast %add3A_739 : i32 to index
        %get3A_777 = arith.constant 96 : index
        %get3A_778 = tpu.vector_load %arg9[%get3A_775, %get3A_776, %get3A_777] {strides = array<i32>} : memref<3x128x256xf32, #tpu.memory_space<vmem>>, vector<16xf32>,
        %mul3A_779 = arith.mulf %get3A_117, %get3A_778 : vector<16xf32>
        %add3A_780 = arith.addf %add3A_774, %mul3A_779 : vector<16xf32>
        %get3A_781 = arith.index_cast %rem3A_66 : i32 to index
        %get3A_782 = arith.index_cast %add3A_739 : i32 to index
        %get3A_783 = arith.constant 112 : index
        %get3A_784 = tpu.vector_load %arg9[%get3A_781, %get3A_782, %get3A_783] {strides = array<i32>} : memref<3x128x256xf32, #tpu.memory_space<vmem>>, vector<16xf32>,
        %mul3A_785 = arith.mulf %get3A_121, %get3A_784 : vector<16xf32>
        %add3A_786 = arith.addf %add3A_780, %mul3A_785 : vector<16xf32>
        %get3A_787 = arith.index_cast %rem3A_66 : i32 to index
        %get3A_788 = arith.index_cast %add3A_739 : i32 to index
        %get3A_789 = arith.constant 128 : index
        %get3A_790 = tpu.vector_load %arg9[%get3A_787, %get3A_788, %get3A_789] {strides = array<i32>} : memref<3x128x256xf32, #tpu.memory_space<vmem>>, vector<16xf32>,
        %mul3A_791 = arith.mulf %get3A_125, %get3A_790 : vector<16xf32>
        %add3A_792 = arith.addf %add3A_786, %mul3A_791 : vector<16xf32>
        %get3A_793 = arith.index_cast %rem3A_66 : i32 to index
        %get3A_794 = arith.index_cast %add3A_739 : i32 to index
        %get3A_795 = arith.constant 144 : index
        %get3A_796 = tpu.vector_load %arg9[%get3A_793, %get3A_794, %get3A_795] {strides = array<i32>} : memref<3x128x256xf32, #tpu.memory_space<vmem>>, vector<16xf32>,
        %mul3A_797 = arith.mulf %get3A_129, %get3A_796 : vector<16xf32>
        %add3A_798 = arith.addf %add3A_792, %mul3A_797 : vector<16xf32>
        %get3A_799 = arith.index_cast %rem3A_66 : i32 to index
        %get3A_800 = arith.index_cast %add3A_739 : i32 to index
        %get3A_801 = arith.constant 160 : index
        %get3A_802 = tpu.vector_load %arg9[%get3A_799, %get3A_800, %get3A_801] {strides = array<i32>} : memref<3x128x256xf32, #tpu.memory_space<vmem>>, vector<16xf32>,
        %mul3A_803 = arith.mulf %get3A_133, %get3A_802 : vector<16xf32>
        %add3A_804 = arith.addf %add3A_798, %mul3A_803 : vector<16xf32>
        %get3A_805 = arith.index_cast %rem3A_66 : i32 to index
        %get3A_806 = arith.index_cast %add3A_739 : i32 to index
        %get3A_807 = arith.constant 176 : index
        %get3A_808 = tpu.vector_load %arg9[%get3A_805, %get3A_806, %get3A_807] {strides = array<i32>} : memref<3x128x256xf32, #tpu.memory_space<vmem>>, vector<16xf32>,
        %mul3A_809 = arith.mulf %get3A_137, %get3A_808 : vector<16xf32>
        %add3A_810 = arith.addf %add3A_804, %mul3A_809 : vector<16xf32>
        %get3A_811 = arith.index_cast %rem3A_66 : i32 to index
        %get3A_812 = arith.index_cast %add3A_739 : i32 to index
        %get3A_813 = arith.constant 192 : index
        %get3A_814 = tpu.vector_load %arg9[%get3A_811, %get3A_812, %get3A_813] {strides = array<i32>} : memref<3x128x256xf32, #tpu.memory_space<vmem>>, vector<16xf32>,
        %mul3A_815 = arith.mulf %get3A_141, %get3A_814 : vector<16xf32>
        %add3A_816 = arith.addf %add3A_810, %mul3A_815 : vector<16xf32>
        %get3A_817 = arith.index_cast %rem3A_66 : i32 to index
        %get3A_818 = arith.index_cast %add3A_739 : i32 to index
        %get3A_819 = arith.constant 208 : index
        %get3A_820 = tpu.vector_load %arg9[%get3A_817, %get3A_818, %get3A_819] {strides = array<i32>} : memref<3x128x256xf32, #tpu.memory_space<vmem>>, vector<16xf32>,
        %mul3A_821 = arith.mulf %get3A_145, %get3A_820 : vector<16xf32>
        %add3A_822 = arith.addf %add3A_816, %mul3A_821 : vector<16xf32>
        %get3A_823 = arith.index_cast %rem3A_66 : i32 to index
        %get3A_824 = arith.index_cast %add3A_739 : i32 to index
        %get3A_825 = arith.constant 224 : index
        %get3A_826 = tpu.vector_load %arg9[%get3A_823, %get3A_824, %get3A_825] {strides = array<i32>} : memref<3x128x256xf32, #tpu.memory_space<vmem>>, vector<16xf32>,
        %mul3A_827 = arith.mulf %get3A_149, %get3A_826 : vector<16xf32>
        %add3A_828 = arith.addf %add3A_822, %mul3A_827 : vector<16xf32>
        %get3A_829 = arith.index_cast %rem3A_66 : i32 to index
        %get3A_830 = arith.index_cast %add3A_739 : i32 to index
        %get3A_831 = arith.constant 240 : index
        %get3A_832 = tpu.vector_load %arg9[%get3A_829, %get3A_830, %get3A_831] {strides = array<i32>} : memref<3x128x256xf32, #tpu.memory_space<vmem>>, vector<16xf32>,
        %mul3A_833 = arith.mulf %get3A_153, %get3A_832 : vector<16xf32>
        %add3A_834 = arith.addf %add3A_828, %mul3A_833 : vector<16xf32>
        %reduce_sum3A_835 = arith.constant true
        %reduce_sum3A_836 = vector.broadcast %reduce_sum3A_835 : i1 to vector<16xi1>
        %reduce_sum3A_837 = tpu.scan <sum>, %add3A_834 masked %reduce_sum3A_836 : vector<16xf32>, vector<16xi1> -> vector<16xf32>
        %reduce_sum3A_838 = vector.extract %reduce_sum3A_837[15] : f32 from vector<16xf32>
        %eq3A_839 = arith.constant 5 : i32
        %eq3A_840 = vector.broadcast %eq3A_839 : i32 to vector<16xi32>
        %eq3A_841 = arith.cmpi eq, %iota3A, %eq3A_840 : vector<16xi32>
        %broadcast_in_dim3A_842 = vector.broadcast %reduce_sum3A_838 : f32 to vector<16xf32>
        %select_n3A_843 = arith.select %eq3A_841, %broadcast_in_dim3A_842, %select_n3A_735 : vector<16xi1>, vector<16xf32>
        %mul3A_844 = arith.constant 16 : i32
        %mul3A_845 = arith.muli %scan3A_192, %mul3A_844 : i32
        %add3A_846 = arith.constant 6 : i32
        %add3A_847 = arith.addi %mul3A_845, %add3A_846 : i32
        %get3A_848 = arith.index_cast %rem3A_66 : i32 to index
        %get3A_849 = arith.index_cast %add3A_847 : i32 to index
        %get3A_850 = arith.constant 0 : index
        %get3A_851 = tpu.vector_load %arg9[%get3A_848, %get3A_849, %get3A_850] {strides = array<i32>} : memref<3x128x256xf32, #tpu.memory_space<vmem>>, vector<16xf32>,
        %mul3A_852 = arith.mulf %get3A_93, %get3A_851 : vector<16xf32>
        %get3A_853 = arith.index_cast %rem3A_66 : i32 to index
        %get3A_854 = arith.index_cast %add3A_847 : i32 to index
        %get3A_855 = arith.constant 16 : index
        %get3A_856 = tpu.vector_load %arg9[%get3A_853, %get3A_854, %get3A_855] {strides = array<i32>} : memref<3x128x256xf32, #tpu.memory_space<vmem>>, vector<16xf32>,
        %mul3A_857 = arith.mulf %get3A_97, %get3A_856 : vector<16xf32>
        %add3A_858 = arith.addf %mul3A_852, %mul3A_857 : vector<16xf32>
        %get3A_859 = arith.index_cast %rem3A_66 : i32 to index
        %get3A_860 = arith.index_cast %add3A_847 : i32 to index
        %get3A_861 = arith.constant 32 : index
        %get3A_862 = tpu.vector_load %arg9[%get3A_859, %get3A_860, %get3A_861] {strides = array<i32>} : memref<3x128x256xf32, #tpu.memory_space<vmem>>, vector<16xf32>,
        %mul3A_863 = arith.mulf %get3A_101, %get3A_862 : vector<16xf32>
        %add3A_864 = arith.addf %add3A_858, %mul3A_863 : vector<16xf32>
        %get3A_865 = arith.index_cast %rem3A_66 : i32 to index
        %get3A_866 = arith.index_cast %add3A_847 : i32 to index
        %get3A_867 = arith.constant 48 : index
        %get3A_868 = tpu.vector_load %arg9[%get3A_865, %get3A_866, %get3A_867] {strides = array<i32>} : memref<3x128x256xf32, #tpu.memory_space<vmem>>, vector<16xf32>,
        %mul3A_869 = arith.mulf %get3A_105, %get3A_868 : vector<16xf32>
        %add3A_870 = arith.addf %add3A_864, %mul3A_869 : vector<16xf32>
        %get3A_871 = arith.index_cast %rem3A_66 : i32 to index
        %get3A_872 = arith.index_cast %add3A_847 : i32 to index
        %get3A_873 = arith.constant 64 : index
        %get3A_874 = tpu.vector_load %arg9[%get3A_871, %get3A_872, %get3A_873] {strides = array<i32>} : memref<3x128x256xf32, #tpu.memory_space<vmem>>, vector<16xf32>,
        %mul3A_875 = arith.mulf %get3A_109, %get3A_874 : vector<16xf32>
        %add3A_876 = arith.addf %add3A_870, %mul3A_875 : vector<16xf32>
        %get3A_877 = arith.index_cast %rem3A_66 : i32 to index
        %get3A_878 = arith.index_cast %add3A_847 : i32 to index
        %get3A_879 = arith.constant 80 : index
        %get3A_880 = tpu.vector_load %arg9[%get3A_877, %get3A_878, %get3A_879] {strides = array<i32>} : memref<3x128x256xf32, #tpu.memory_space<vmem>>, vector<16xf32>,
        %mul3A_881 = arith.mulf %get3A_113, %get3A_880 : vector<16xf32>
        %add3A_882 = arith.addf %add3A_876, %mul3A_881 : vector<16xf32>
        %get3A_883 = arith.index_cast %rem3A_66 : i32 to index
        %get3A_884 = arith.index_cast %add3A_847 : i32 to index
        %get3A_885 = arith.constant 96 : index
        %get3A_886 = tpu.vector_load %arg9[%get3A_883, %get3A_884, %get3A_885] {strides = array<i32>} : memref<3x128x256xf32, #tpu.memory_space<vmem>>, vector<16xf32>,
        %mul3A_887 = arith.mulf %get3A_117, %get3A_886 : vector<16xf32>
        %add3A_888 = arith.addf %add3A_882, %mul3A_887 : vector<16xf32>
        %get3A_889 = arith.index_cast %rem3A_66 : i32 to index
        %get3A_890 = arith.index_cast %add3A_847 : i32 to index
        %get3A_891 = arith.constant 112 : index
        %get3A_892 = tpu.vector_load %arg9[%get3A_889, %get3A_890, %get3A_891] {strides = array<i32>} : memref<3x128x256xf32, #tpu.memory_space<vmem>>, vector<16xf32>,
        %mul3A_893 = arith.mulf %get3A_121, %get3A_892 : vector<16xf32>
        %add3A_894 = arith.addf %add3A_888, %mul3A_893 : vector<16xf32>
        %get3A_895 = arith.index_cast %rem3A_66 : i32 to index
        %get3A_896 = arith.index_cast %add3A_847 : i32 to index
        %get3A_897 = arith.constant 128 : index
        %get3A_898 = tpu.vector_load %arg9[%get3A_895, %get3A_896, %get3A_897] {strides = array<i32>} : memref<3x128x256xf32, #tpu.memory_space<vmem>>, vector<16xf32>,
        %mul3A_899 = arith.mulf %get3A_125, %get3A_898 : vector<16xf32>
        %add3A_900 = arith.addf %add3A_894, %mul3A_899 : vector<16xf32>
        %get3A_901 = arith.index_cast %rem3A_66 : i32 to index
        %get3A_902 = arith.index_cast %add3A_847 : i32 to index
        %get3A_903 = arith.constant 144 : index
        %get3A_904 = tpu.vector_load %arg9[%get3A_901, %get3A_902, %get3A_903] {strides = array<i32>} : memref<3x128x256xf32, #tpu.memory_space<vmem>>, vector<16xf32>,
        %mul3A_905 = arith.mulf %get3A_129, %get3A_904 : vector<16xf32>
        %add3A_906 = arith.addf %add3A_900, %mul3A_905 : vector<16xf32>
        %get3A_907 = arith.index_cast %rem3A_66 : i32 to index
        %get3A_908 = arith.index_cast %add3A_847 : i32 to index
        %get3A_909 = arith.constant 160 : index
        %get3A_910 = tpu.vector_load %arg9[%get3A_907, %get3A_908, %get3A_909] {strides = array<i32>} : memref<3x128x256xf32, #tpu.memory_space<vmem>>, vector<16xf32>,
        %mul3A_911 = arith.mulf %get3A_133, %get3A_910 : vector<16xf32>
        %add3A_912 = arith.addf %add3A_906, %mul3A_911 : vector<16xf32>
        %get3A_913 = arith.index_cast %rem3A_66 : i32 to index
        %get3A_914 = arith.index_cast %add3A_847 : i32 to index
        %get3A_915 = arith.constant 176 : index
        %get3A_916 = tpu.vector_load %arg9[%get3A_913, %get3A_914, %get3A_915] {strides = array<i32>} : memref<3x128x256xf32, #tpu.memory_space<vmem>>, vector<16xf32>,
        %mul3A_917 = arith.mulf %get3A_137, %get3A_916 : vector<16xf32>
        %add3A_918 = arith.addf %add3A_912, %mul3A_917 : vector<16xf32>
        %get3A_919 = arith.index_cast %rem3A_66 : i32 to index
        %get3A_920 = arith.index_cast %add3A_847 : i32 to index
        %get3A_921 = arith.constant 192 : index
        %get3A_922 = tpu.vector_load %arg9[%get3A_919, %get3A_920, %get3A_921] {strides = array<i32>} : memref<3x128x256xf32, #tpu.memory_space<vmem>>, vector<16xf32>,
        %mul3A_923 = arith.mulf %get3A_141, %get3A_922 : vector<16xf32>
        %add3A_924 = arith.addf %add3A_918, %mul3A_923 : vector<16xf32>
        %get3A_925 = arith.index_cast %rem3A_66 : i32 to index
        %get3A_926 = arith.index_cast %add3A_847 : i32 to index
        %get3A_927 = arith.constant 208 : index
        %get3A_928 = tpu.vector_load %arg9[%get3A_925, %get3A_926, %get3A_927] {strides = array<i32>} : memref<3x128x256xf32, #tpu.memory_space<vmem>>, vector<16xf32>,
        %mul3A_929 = arith.mulf %get3A_145, %get3A_928 : vector<16xf32>
        %add3A_930 = arith.addf %add3A_924, %mul3A_929 : vector<16xf32>
        %get3A_931 = arith.index_cast %rem3A_66 : i32 to index
        %get3A_932 = arith.index_cast %add3A_847 : i32 to index
        %get3A_933 = arith.constant 224 : index
        %get3A_934 = tpu.vector_load %arg9[%get3A_931, %get3A_932, %get3A_933] {strides = array<i32>} : memref<3x128x256xf32, #tpu.memory_space<vmem>>, vector<16xf32>,
        %mul3A_935 = arith.mulf %get3A_149, %get3A_934 : vector<16xf32>
        %add3A_936 = arith.addf %add3A_930, %mul3A_935 : vector<16xf32>
        %get3A_937 = arith.index_cast %rem3A_66 : i32 to index
        %get3A_938 = arith.index_cast %add3A_847 : i32 to index
        %get3A_939 = arith.constant 240 : index
        %get3A_940 = tpu.vector_load %arg9[%get3A_937, %get3A_938, %get3A_939] {strides = array<i32>} : memref<3x128x256xf32, #tpu.memory_space<vmem>>, vector<16xf32>,
        %mul3A_941 = arith.mulf %get3A_153, %get3A_940 : vector<16xf32>
        %add3A_942 = arith.addf %add3A_936, %mul3A_941 : vector<16xf32>
        %reduce_sum3A_943 = arith.constant true
        %reduce_sum3A_944 = vector.broadcast %reduce_sum3A_943 : i1 to vector<16xi1>
        %reduce_sum3A_945 = tpu.scan <sum>, %add3A_942 masked %reduce_sum3A_944 : vector<16xf32>, vector<16xi1> -> vector<16xf32>
        %reduce_sum3A_946 = vector.extract %reduce_sum3A_945[15] : f32 from vector<16xf32>
        %eq3A_947 = arith.constant 6 : i32
        %eq3A_948 = vector.broadcast %eq3A_947 : i32 to vector<16xi32>
        %eq3A_949 = arith.cmpi eq, %iota3A, %eq3A_948 : vector<16xi32>
        %broadcast_in_dim3A_950 = vector.broadcast %reduce_sum3A_946 : f32 to vector<16xf32>
        %select_n3A_951 = arith.select %eq3A_949, %broadcast_in_dim3A_950, %select_n3A_843 : vector<16xi1>, vector<16xf32>
        %mul3A_952 = arith.constant 16 : i32
        %mul3A_953 = arith.muli %scan3A_192, %mul3A_952 : i32
        %add3A_954 = arith.constant 7 : i32
        %add3A_955 = arith.addi %mul3A_953, %add3A_954 : i32
        %get3A_956 = arith.index_cast %rem3A_66 : i32 to index
        %get3A_957 = arith.index_cast %add3A_955 : i32 to index
        %get3A_958 = arith.constant 0 : index
        %get3A_959 = tpu.vector_load %arg9[%get3A_956, %get3A_957, %get3A_958] {strides = array<i32>} : memref<3x128x256xf32, #tpu.memory_space<vmem>>, vector<16xf32>,
        %mul3A_960 = arith.mulf %get3A_93, %get3A_959 : vector<16xf32>
        %get3A_961 = arith.index_cast %rem3A_66 : i32 to index
        %get3A_962 = arith.index_cast %add3A_955 : i32 to index
        %get3A_963 = arith.constant 16 : index
        %get3A_964 = tpu.vector_load %arg9[%get3A_961, %get3A_962, %get3A_963] {strides = array<i32>} : memref<3x128x256xf32, #tpu.memory_space<vmem>>, vector<16xf32>,
        %mul3A_965 = arith.mulf %get3A_97, %get3A_964 : vector<16xf32>
        %add3A_966 = arith.addf %mul3A_960, %mul3A_965 : vector<16xf32>
        %get3A_967 = arith.index_cast %rem3A_66 : i32 to index
        %get3A_968 = arith.index_cast %add3A_955 : i32 to index
        %get3A_969 = arith.constant 32 : index
        %get3A_970 = tpu.vector_load %arg9[%get3A_967, %get3A_968, %get3A_969] {strides = array<i32>} : memref<3x128x256xf32, #tpu.memory_space<vmem>>, vector<16xf32>,
        %mul3A_971 = arith.mulf %get3A_101, %get3A_970 : vector<16xf32>
        %add3A_972 = arith.addf %add3A_966, %mul3A_971 : vector<16xf32>
        %get3A_973 = arith.index_cast %rem3A_66 : i32 to index
        %get3A_974 = arith.index_cast %add3A_955 : i32 to index
        %get3A_975 = arith.constant 48 : index
        %get3A_976 = tpu.vector_load %arg9[%get3A_973, %get3A_974, %get3A_975] {strides = array<i32>} : memref<3x128x256xf32, #tpu.memory_space<vmem>>, vector<16xf32>,
        %mul3A_977 = arith.mulf %get3A_105, %get3A_976 : vector<16xf32>
        %add3A_978 = arith.addf %add3A_972, %mul3A_977 : vector<16xf32>
        %get3A_979 = arith.index_cast %rem3A_66 : i32 to index
        %get3A_980 = arith.index_cast %add3A_955 : i32 to index
        %get3A_981 = arith.constant 64 : index
        %get3A_982 = tpu.vector_load %arg9[%get3A_979, %get3A_980, %get3A_981] {strides = array<i32>} : memref<3x128x256xf32, #tpu.memory_space<vmem>>, vector<16xf32>,
        %mul3A_983 = arith.mulf %get3A_109, %get3A_982 : vector<16xf32>
        %add3A_984 = arith.addf %add3A_978, %mul3A_983 : vector<16xf32>
        %get3A_985 = arith.index_cast %rem3A_66 : i32 to index
        %get3A_986 = arith.index_cast %add3A_955 : i32 to index
        %get3A_987 = arith.constant 80 : index
        %get3A_988 = tpu.vector_load %arg9[%get3A_985, %get3A_986, %get3A_987] {strides = array<i32>} : memref<3x128x256xf32, #tpu.memory_space<vmem>>, vector<16xf32>,
        %mul3A_989 = arith.mulf %get3A_113, %get3A_988 : vector<16xf32>
        %add3A_990 = arith.addf %add3A_984, %mul3A_989 : vector<16xf32>
        %get3A_991 = arith.index_cast %rem3A_66 : i32 to index
        %get3A_992 = arith.index_cast %add3A_955 : i32 to index
        %get3A_993 = arith.constant 96 : index
        %get3A_994 = tpu.vector_load %arg9[%get3A_991, %get3A_992, %get3A_993] {strides = array<i32>} : memref<3x128x256xf32, #tpu.memory_space<vmem>>, vector<16xf32>,
        %mul3A_995 = arith.mulf %get3A_117, %get3A_994 : vector<16xf32>
        %add3A_996 = arith.addf %add3A_990, %mul3A_995 : vector<16xf32>
        %get3A_997 = arith.index_cast %rem3A_66 : i32 to index
        %get3A_998 = arith.index_cast %add3A_955 : i32 to index
        %get3A_999 = arith.constant 112 : index
        %get3A_1000 = tpu.vector_load %arg9[%get3A_997, %get3A_998, %get3A_999] {strides = array<i32>} : memref<3x128x256xf32, #tpu.memory_space<vmem>>, vector<16xf32>,
        %mul3A_1001 = arith.mulf %get3A_121, %get3A_1000 : vector<16xf32>
        %add3A_1002 = arith.addf %add3A_996, %mul3A_1001 : vector<16xf32>
        %get3A_1003 = arith.index_cast %rem3A_66 : i32 to index
        %get3A_1004 = arith.index_cast %add3A_955 : i32 to index
        %get3A_1005 = arith.constant 128 : index
        %get3A_1006 = tpu.vector_load %arg9[%get3A_1003, %get3A_1004, %get3A_1005] {strides = array<i32>} : memref<3x128x256xf32, #tpu.memory_space<vmem>>, vector<16xf32>,
        %mul3A_1007 = arith.mulf %get3A_125, %get3A_1006 : vector<16xf32>
        %add3A_1008 = arith.addf %add3A_1002, %mul3A_1007 : vector<16xf32>
        %get3A_1009 = arith.index_cast %rem3A_66 : i32 to index
        %get3A_1010 = arith.index_cast %add3A_955 : i32 to index
        %get3A_1011 = arith.constant 144 : index
        %get3A_1012 = tpu.vector_load %arg9[%get3A_1009, %get3A_1010, %get3A_1011] {strides = array<i32>} : memref<3x128x256xf32, #tpu.memory_space<vmem>>, vector<16xf32>,
        %mul3A_1013 = arith.mulf %get3A_129, %get3A_1012 : vector<16xf32>
        %add3A_1014 = arith.addf %add3A_1008, %mul3A_1013 : vector<16xf32>
        %get3A_1015 = arith.index_cast %rem3A_66 : i32 to index
        %get3A_1016 = arith.index_cast %add3A_955 : i32 to index
        %get3A_1017 = arith.constant 160 : index
        %get3A_1018 = tpu.vector_load %arg9[%get3A_1015, %get3A_1016, %get3A_1017] {strides = array<i32>} : memref<3x128x256xf32, #tpu.memory_space<vmem>>, vector<16xf32>,
        %mul3A_1019 = arith.mulf %get3A_133, %get3A_1018 : vector<16xf32>
        %add3A_1020 = arith.addf %add3A_1014, %mul3A_1019 : vector<16xf32>
        %get3A_1021 = arith.index_cast %rem3A_66 : i32 to index
        %get3A_1022 = arith.index_cast %add3A_955 : i32 to index
        %get3A_1023 = arith.constant 176 : index
        %get3A_1024 = tpu.vector_load %arg9[%get3A_1021, %get3A_1022, %get3A_1023] {strides = array<i32>} : memref<3x128x256xf32, #tpu.memory_space<vmem>>, vector<16xf32>,
        %mul3A_1025 = arith.mulf %get3A_137, %get3A_1024 : vector<16xf32>
        %add3A_1026 = arith.addf %add3A_1020, %mul3A_1025 : vector<16xf32>
        %get3A_1027 = arith.index_cast %rem3A_66 : i32 to index
        %get3A_1028 = arith.index_cast %add3A_955 : i32 to index
        %get3A_1029 = arith.constant 192 : index
        %get3A_1030 = tpu.vector_load %arg9[%get3A_1027, %get3A_1028, %get3A_1029] {strides = array<i32>} : memref<3x128x256xf32, #tpu.memory_space<vmem>>, vector<16xf32>,
        %mul3A_1031 = arith.mulf %get3A_141, %get3A_1030 : vector<16xf32>
        %add3A_1032 = arith.addf %add3A_1026, %mul3A_1031 : vector<16xf32>
        %get3A_1033 = arith.index_cast %rem3A_66 : i32 to index
        %get3A_1034 = arith.index_cast %add3A_955 : i32 to index
        %get3A_1035 = arith.constant 208 : index
        %get3A_1036 = tpu.vector_load %arg9[%get3A_1033, %get3A_1034, %get3A_1035] {strides = array<i32>} : memref<3x128x256xf32, #tpu.memory_space<vmem>>, vector<16xf32>,
        %mul3A_1037 = arith.mulf %get3A_145, %get3A_1036 : vector<16xf32>
        %add3A_1038 = arith.addf %add3A_1032, %mul3A_1037 : vector<16xf32>
        %get3A_1039 = arith.index_cast %rem3A_66 : i32 to index
        %get3A_1040 = arith.index_cast %add3A_955 : i32 to index
        %get3A_1041 = arith.constant 224 : index
        %get3A_1042 = tpu.vector_load %arg9[%get3A_1039, %get3A_1040, %get3A_1041] {strides = array<i32>} : memref<3x128x256xf32, #tpu.memory_space<vmem>>, vector<16xf32>,
        %mul3A_1043 = arith.mulf %get3A_149, %get3A_1042 : vector<16xf32>
        %add3A_1044 = arith.addf %add3A_1038, %mul3A_1043 : vector<16xf32>
        %get3A_1045 = arith.index_cast %rem3A_66 : i32 to index
        %get3A_1046 = arith.index_cast %add3A_955 : i32 to index
        %get3A_1047 = arith.constant 240 : index
        %get3A_1048 = tpu.vector_load %arg9[%get3A_1045, %get3A_1046, %get3A_1047] {strides = array<i32>} : memref<3x128x256xf32, #tpu.memory_space<vmem>>, vector<16xf32>,
        %mul3A_1049 = arith.mulf %get3A_153, %get3A_1048 : vector<16xf32>
        %add3A_1050 = arith.addf %add3A_1044, %mul3A_1049 : vector<16xf32>
        %reduce_sum3A_1051 = arith.constant true
        %reduce_sum3A_1052 = vector.broadcast %reduce_sum3A_1051 : i1 to vector<16xi1>
        %reduce_sum3A_1053 = tpu.scan <sum>, %add3A_1050 masked %reduce_sum3A_1052 : vector<16xf32>, vector<16xi1> -> vector<16xf32>
        %reduce_sum3A_1054 = vector.extract %reduce_sum3A_1053[15] : f32 from vector<16xf32>
        %eq3A_1055 = arith.constant 7 : i32
        %eq3A_1056 = vector.broadcast %eq3A_1055 : i32 to vector<16xi32>
        %eq3A_1057 = arith.cmpi eq, %iota3A, %eq3A_1056 : vector<16xi32>
        %broadcast_in_dim3A_1058 = vector.broadcast %reduce_sum3A_1054 : f32 to vector<16xf32>
        %select_n3A_1059 = arith.select %eq3A_1057, %broadcast_in_dim3A_1058, %select_n3A_951 : vector<16xi1>, vector<16xf32>
        %mul3A_1060 = arith.constant 16 : i32
        %mul3A_1061 = arith.muli %scan3A_192, %mul3A_1060 : i32
        %add3A_1062 = arith.constant 8 : i32
        %add3A_1063 = arith.addi %mul3A_1061, %add3A_1062 : i32
        %get3A_1064 = arith.index_cast %rem3A_66 : i32 to index
        %get3A_1065 = arith.index_cast %add3A_1063 : i32 to index
        %get3A_1066 = arith.constant 0 : index
        %get3A_1067 = tpu.vector_load %arg9[%get3A_1064, %get3A_1065, %get3A_1066] {strides = array<i32>} : memref<3x128x256xf32, #tpu.memory_space<vmem>>, vector<16xf32>,
        %mul3A_1068 = arith.mulf %get3A_93, %get3A_1067 : vector<16xf32>
        %get3A_1069 = arith.index_cast %rem3A_66 : i32 to index
        %get3A_1070 = arith.index_cast %add3A_1063 : i32 to index
        %get3A_1071 = arith.constant 16 : index
        %get3A_1072 = tpu.vector_load %arg9[%get3A_1069, %get3A_1070, %get3A_1071] {strides = array<i32>} : memref<3x128x256xf32, #tpu.memory_space<vmem>>, vector<16xf32>,
        %mul3A_1073 = arith.mulf %get3A_97, %get3A_1072 : vector<16xf32>
        %add3A_1074 = arith.addf %mul3A_1068, %mul3A_1073 : vector<16xf32>
        %get3A_1075 = arith.index_cast %rem3A_66 : i32 to index
        %get3A_1076 = arith.index_cast %add3A_1063 : i32 to index
        %get3A_1077 = arith.constant 32 : index
        %get3A_1078 = tpu.vector_load %arg9[%get3A_1075, %get3A_1076, %get3A_1077] {strides = array<i32>} : memref<3x128x256xf32, #tpu.memory_space<vmem>>, vector<16xf32>,
        %mul3A_1079 = arith.mulf %get3A_101, %get3A_1078 : vector<16xf32>
        %add3A_1080 = arith.addf %add3A_1074, %mul3A_1079 : vector<16xf32>
        %get3A_1081 = arith.index_cast %rem3A_66 : i32 to index
        %get3A_1082 = arith.index_cast %add3A_1063 : i32 to index
        %get3A_1083 = arith.constant 48 : index
        %get3A_1084 = tpu.vector_load %arg9[%get3A_1081, %get3A_1082, %get3A_1083] {strides = array<i32>} : memref<3x128x256xf32, #tpu.memory_space<vmem>>, vector<16xf32>,
        %mul3A_1085 = arith.mulf %get3A_105, %get3A_1084 : vector<16xf32>
        %add3A_1086 = arith.addf %add3A_1080, %mul3A_1085 : vector<16xf32>
        %get3A_1087 = arith.index_cast %rem3A_66 : i32 to index
        %get3A_1088 = arith.index_cast %add3A_1063 : i32 to index
        %get3A_1089 = arith.constant 64 : index
        %get3A_1090 = tpu.vector_load %arg9[%get3A_1087, %get3A_1088, %get3A_1089] {strides = array<i32>} : memref<3x128x256xf32, #tpu.memory_space<vmem>>, vector<16xf32>,
        %mul3A_1091 = arith.mulf %get3A_109, %get3A_1090 : vector<16xf32>
        %add3A_1092 = arith.addf %add3A_1086, %mul3A_1091 : vector<16xf32>
        %get3A_1093 = arith.index_cast %rem3A_66 : i32 to index
        %get3A_1094 = arith.index_cast %add3A_1063 : i32 to index
        %get3A_1095 = arith.constant 80 : index
        %get3A_1096 = tpu.vector_load %arg9[%get3A_1093, %get3A_1094, %get3A_1095] {strides = array<i32>} : memref<3x128x256xf32, #tpu.memory_space<vmem>>, vector<16xf32>,
        %mul3A_1097 = arith.mulf %get3A_113, %get3A_1096 : vector<16xf32>
        %add3A_1098 = arith.addf %add3A_1092, %mul3A_1097 : vector<16xf32>
        %get3A_1099 = arith.index_cast %rem3A_66 : i32 to index
        %get3A_1100 = arith.index_cast %add3A_1063 : i32 to index
        %get3A_1101 = arith.constant 96 : index
        %get3A_1102 = tpu.vector_load %arg9[%get3A_1099, %get3A_1100, %get3A_1101] {strides = array<i32>} : memref<3x128x256xf32, #tpu.memory_space<vmem>>, vector<16xf32>,
        %mul3A_1103 = arith.mulf %get3A_117, %get3A_1102 : vector<16xf32>
        %add3A_1104 = arith.addf %add3A_1098, %mul3A_1103 : vector<16xf32>
        %get3A_1105 = arith.index_cast %rem3A_66 : i32 to index
        %get3A_1106 = arith.index_cast %add3A_1063 : i32 to index
        %get3A_1107 = arith.constant 112 : index
        %get3A_1108 = tpu.vector_load %arg9[%get3A_1105, %get3A_1106, %get3A_1107] {strides = array<i32>} : memref<3x128x256xf32, #tpu.memory_space<vmem>>, vector<16xf32>,
        %mul3A_1109 = arith.mulf %get3A_121, %get3A_1108 : vector<16xf32>
        %add3A_1110 = arith.addf %add3A_1104, %mul3A_1109 : vector<16xf32>
        %get3A_1111 = arith.index_cast %rem3A_66 : i32 to index
        %get3A_1112 = arith.index_cast %add3A_1063 : i32 to index
        %get3A_1113 = arith.constant 128 : index
        %get3A_1114 = tpu.vector_load %arg9[%get3A_1111, %get3A_1112, %get3A_1113] {strides = array<i32>} : memref<3x128x256xf32, #tpu.memory_space<vmem>>, vector<16xf32>,
        %mul3A_1115 = arith.mulf %get3A_125, %get3A_1114 : vector<16xf32>
        %add3A_1116 = arith.addf %add3A_1110, %mul3A_1115 : vector<16xf32>
        %get3A_1117 = arith.index_cast %rem3A_66 : i32 to index
        %get3A_1118 = arith.index_cast %add3A_1063 : i32 to index
        %get3A_1119 = arith.constant 144 : index
        %get3A_1120 = tpu.vector_load %arg9[%get3A_1117, %get3A_1118, %get3A_1119] {strides = array<i32>} : memref<3x128x256xf32, #tpu.memory_space<vmem>>, vector<16xf32>,
        %mul3A_1121 = arith.mulf %get3A_129, %get3A_1120 : vector<16xf32>
        %add3A_1122 = arith.addf %add3A_1116, %mul3A_1121 : vector<16xf32>
        %get3A_1123 = arith.index_cast %rem3A_66 : i32 to index
        %get3A_1124 = arith.index_cast %add3A_1063 : i32 to index
        %get3A_1125 = arith.constant 160 : index
        %get3A_1126 = tpu.vector_load %arg9[%get3A_1123, %get3A_1124, %get3A_1125] {strides = array<i32>} : memref<3x128x256xf32, #tpu.memory_space<vmem>>, vector<16xf32>,
        %mul3A_1127 = arith.mulf %get3A_133, %get3A_1126 : vector<16xf32>
        %add3A_1128 = arith.addf %add3A_1122, %mul3A_1127 : vector<16xf32>
        %get3A_1129 = arith.index_cast %rem3A_66 : i32 to index
        %get3A_1130 = arith.index_cast %add3A_1063 : i32 to index
        %get3A_1131 = arith.constant 176 : index
        %get3A_1132 = tpu.vector_load %arg9[%get3A_1129, %get3A_1130, %get3A_1131] {strides = array<i32>} : memref<3x128x256xf32, #tpu.memory_space<vmem>>, vector<16xf32>,
        %mul3A_1133 = arith.mulf %get3A_137, %get3A_1132 : vector<16xf32>
        %add3A_1134 = arith.addf %add3A_1128, %mul3A_1133 : vector<16xf32>
        %get3A_1135 = arith.index_cast %rem3A_66 : i32 to index
        %get3A_1136 = arith.index_cast %add3A_1063 : i32 to index
        %get3A_1137 = arith.constant 192 : index
        %get3A_1138 = tpu.vector_load %arg9[%get3A_1135, %get3A_1136, %get3A_1137] {strides = array<i32>} : memref<3x128x256xf32, #tpu.memory_space<vmem>>, vector<16xf32>,
        %mul3A_1139 = arith.mulf %get3A_141, %get3A_1138 : vector<16xf32>
        %add3A_1140 = arith.addf %add3A_1134, %mul3A_1139 : vector<16xf32>
        %get3A_1141 = arith.index_cast %rem3A_66 : i32 to index
        %get3A_1142 = arith.index_cast %add3A_1063 : i32 to index
        %get3A_1143 = arith.constant 208 : index
        %get3A_1144 = tpu.vector_load %arg9[%get3A_1141, %get3A_1142, %get3A_1143] {strides = array<i32>} : memref<3x128x256xf32, #tpu.memory_space<vmem>>, vector<16xf32>,
        %mul3A_1145 = arith.mulf %get3A_145, %get3A_1144 : vector<16xf32>
        %add3A_1146 = arith.addf %add3A_1140, %mul3A_1145 : vector<16xf32>
        %get3A_1147 = arith.index_cast %rem3A_66 : i32 to index
        %get3A_1148 = arith.index_cast %add3A_1063 : i32 to index
        %get3A_1149 = arith.constant 224 : index
        %get3A_1150 = tpu.vector_load %arg9[%get3A_1147, %get3A_1148, %get3A_1149] {strides = array<i32>} : memref<3x128x256xf32, #tpu.memory_space<vmem>>, vector<16xf32>,
        %mul3A_1151 = arith.mulf %get3A_149, %get3A_1150 : vector<16xf32>
        %add3A_1152 = arith.addf %add3A_1146, %mul3A_1151 : vector<16xf32>
        %get3A_1153 = arith.index_cast %rem3A_66 : i32 to index
        %get3A_1154 = arith.index_cast %add3A_1063 : i32 to index
        %get3A_1155 = arith.constant 240 : index
        %get3A_1156 = tpu.vector_load %arg9[%get3A_1153, %get3A_1154, %get3A_1155] {strides = array<i32>} : memref<3x128x256xf32, #tpu.memory_space<vmem>>, vector<16xf32>,
        %mul3A_1157 = arith.mulf %get3A_153, %get3A_1156 : vector<16xf32>
        %add3A_1158 = arith.addf %add3A_1152, %mul3A_1157 : vector<16xf32>
        %reduce_sum3A_1159 = arith.constant true
        %reduce_sum3A_1160 = vector.broadcast %reduce_sum3A_1159 : i1 to vector<16xi1>
        %reduce_sum3A_1161 = tpu.scan <sum>, %add3A_1158 masked %reduce_sum3A_1160 : vector<16xf32>, vector<16xi1> -> vector<16xf32>
        %reduce_sum3A_1162 = vector.extract %reduce_sum3A_1161[15] : f32 from vector<16xf32>
        %eq3A_1163 = arith.constant 8 : i32
        %eq3A_1164 = vector.broadcast %eq3A_1163 : i32 to vector<16xi32>
        %eq3A_1165 = arith.cmpi eq, %iota3A, %eq3A_1164 : vector<16xi32>
        %broadcast_in_dim3A_1166 = vector.broadcast %reduce_sum3A_1162 : f32 to vector<16xf32>
        %select_n3A_1167 = arith.select %eq3A_1165, %broadcast_in_dim3A_1166, %select_n3A_1059 : vector<16xi1>, vector<16xf32>
        %mul3A_1168 = arith.constant 16 : i32
        %mul3A_1169 = arith.muli %scan3A_192, %mul3A_1168 : i32
        %add3A_1170 = arith.constant 9 : i32
        %add3A_1171 = arith.addi %mul3A_1169, %add3A_1170 : i32
        %get3A_1172 = arith.index_cast %rem3A_66 : i32 to index
        %get3A_1173 = arith.index_cast %add3A_1171 : i32 to index
        %get3A_1174 = arith.constant 0 : index
        %get3A_1175 = tpu.vector_load %arg9[%get3A_1172, %get3A_1173, %get3A_1174] {strides = array<i32>} : memref<3x128x256xf32, #tpu.memory_space<vmem>>, vector<16xf32>,
        %mul3A_1176 = arith.mulf %get3A_93, %get3A_1175 : vector<16xf32>
        %get3A_1177 = arith.index_cast %rem3A_66 : i32 to index
        %get3A_1178 = arith.index_cast %add3A_1171 : i32 to index
        %get3A_1179 = arith.constant 16 : index
        %get3A_1180 = tpu.vector_load %arg9[%get3A_1177, %get3A_1178, %get3A_1179] {strides = array<i32>} : memref<3x128x256xf32, #tpu.memory_space<vmem>>, vector<16xf32>,
        %mul3A_1181 = arith.mulf %get3A_97, %get3A_1180 : vector<16xf32>
        %add3A_1182 = arith.addf %mul3A_1176, %mul3A_1181 : vector<16xf32>
        %get3A_1183 = arith.index_cast %rem3A_66 : i32 to index
        %get3A_1184 = arith.index_cast %add3A_1171 : i32 to index
        %get3A_1185 = arith.constant 32 : index
        %get3A_1186 = tpu.vector_load %arg9[%get3A_1183, %get3A_1184, %get3A_1185] {strides = array<i32>} : memref<3x128x256xf32, #tpu.memory_space<vmem>>, vector<16xf32>,
        %mul3A_1187 = arith.mulf %get3A_101, %get3A_1186 : vector<16xf32>
        %add3A_1188 = arith.addf %add3A_1182, %mul3A_1187 : vector<16xf32>
        %get3A_1189 = arith.index_cast %rem3A_66 : i32 to index
        %get3A_1190 = arith.index_cast %add3A_1171 : i32 to index
        %get3A_1191 = arith.constant 48 : index
        %get3A_1192 = tpu.vector_load %arg9[%get3A_1189, %get3A_1190, %get3A_1191] {strides = array<i32>} : memref<3x128x256xf32, #tpu.memory_space<vmem>>, vector<16xf32>,
        %mul3A_1193 = arith.mulf %get3A_105, %get3A_1192 : vector<16xf32>
        %add3A_1194 = arith.addf %add3A_1188, %mul3A_1193 : vector<16xf32>
        %get3A_1195 = arith.index_cast %rem3A_66 : i32 to index
        %get3A_1196 = arith.index_cast %add3A_1171 : i32 to index
        %get3A_1197 = arith.constant 64 : index
        %get3A_1198 = tpu.vector_load %arg9[%get3A_1195, %get3A_1196, %get3A_1197] {strides = array<i32>} : memref<3x128x256xf32, #tpu.memory_space<vmem>>, vector<16xf32>,
        %mul3A_1199 = arith.mulf %get3A_109, %get3A_1198 : vector<16xf32>
        %add3A_1200 = arith.addf %add3A_1194, %mul3A_1199 : vector<16xf32>
        %get3A_1201 = arith.index_cast %rem3A_66 : i32 to index
        %get3A_1202 = arith.index_cast %add3A_1171 : i32 to index
        %get3A_1203 = arith.constant 80 : index
        %get3A_1204 = tpu.vector_load %arg9[%get3A_1201, %get3A_1202, %get3A_1203] {strides = array<i32>} : memref<3x128x256xf32, #tpu.memory_space<vmem>>, vector<16xf32>,
        %mul3A_1205 = arith.mulf %get3A_113, %get3A_1204 : vector<16xf32>
        %add3A_1206 = arith.addf %add3A_1200, %mul3A_1205 : vector<16xf32>
        %get3A_1207 = arith.index_cast %rem3A_66 : i32 to index
        %get3A_1208 = arith.index_cast %add3A_1171 : i32 to index
        %get3A_1209 = arith.constant 96 : index
        %get3A_1210 = tpu.vector_load %arg9[%get3A_1207, %get3A_1208, %get3A_1209] {strides = array<i32>} : memref<3x128x256xf32, #tpu.memory_space<vmem>>, vector<16xf32>,
        %mul3A_1211 = arith.mulf %get3A_117, %get3A_1210 : vector<16xf32>
        %add3A_1212 = arith.addf %add3A_1206, %mul3A_1211 : vector<16xf32>
        %get3A_1213 = arith.index_cast %rem3A_66 : i32 to index
        %get3A_1214 = arith.index_cast %add3A_1171 : i32 to index
        %get3A_1215 = arith.constant 112 : index
        %get3A_1216 = tpu.vector_load %arg9[%get3A_1213, %get3A_1214, %get3A_1215] {strides = array<i32>} : memref<3x128x256xf32, #tpu.memory_space<vmem>>, vector<16xf32>,
        %mul3A_1217 = arith.mulf %get3A_121, %get3A_1216 : vector<16xf32>
        %add3A_1218 = arith.addf %add3A_1212, %mul3A_1217 : vector<16xf32>
        %get3A_1219 = arith.index_cast %rem3A_66 : i32 to index
        %get3A_1220 = arith.index_cast %add3A_1171 : i32 to index
        %get3A_1221 = arith.constant 128 : index
        %get3A_1222 = tpu.vector_load %arg9[%get3A_1219, %get3A_1220, %get3A_1221] {strides = array<i32>} : memref<3x128x256xf32, #tpu.memory_space<vmem>>, vector<16xf32>,
        %mul3A_1223 = arith.mulf %get3A_125, %get3A_1222 : vector<16xf32>
        %add3A_1224 = arith.addf %add3A_1218, %mul3A_1223 : vector<16xf32>
        %get3A_1225 = arith.index_cast %rem3A_66 : i32 to index
        %get3A_1226 = arith.index_cast %add3A_1171 : i32 to index
        %get3A_1227 = arith.constant 144 : index
        %get3A_1228 = tpu.vector_load %arg9[%get3A_1225, %get3A_1226, %get3A_1227] {strides = array<i32>} : memref<3x128x256xf32, #tpu.memory_space<vmem>>, vector<16xf32>,
        %mul3A_1229 = arith.mulf %get3A_129, %get3A_1228 : vector<16xf32>
        %add3A_1230 = arith.addf %add3A_1224, %mul3A_1229 : vector<16xf32>
        %get3A_1231 = arith.index_cast %rem3A_66 : i32 to index
        %get3A_1232 = arith.index_cast %add3A_1171 : i32 to index
        %get3A_1233 = arith.constant 160 : index
        %get3A_1234 = tpu.vector_load %arg9[%get3A_1231, %get3A_1232, %get3A_1233] {strides = array<i32>} : memref<3x128x256xf32, #tpu.memory_space<vmem>>, vector<16xf32>,
        %mul3A_1235 = arith.mulf %get3A_133, %get3A_1234 : vector<16xf32>
        %add3A_1236 = arith.addf %add3A_1230, %mul3A_1235 : vector<16xf32>
        %get3A_1237 = arith.index_cast %rem3A_66 : i32 to index
        %get3A_1238 = arith.index_cast %add3A_1171 : i32 to index
        %get3A_1239 = arith.constant 176 : index
        %get3A_1240 = tpu.vector_load %arg9[%get3A_1237, %get3A_1238, %get3A_1239] {strides = array<i32>} : memref<3x128x256xf32, #tpu.memory_space<vmem>>, vector<16xf32>,
        %mul3A_1241 = arith.mulf %get3A_137, %get3A_1240 : vector<16xf32>
        %add3A_1242 = arith.addf %add3A_1236, %mul3A_1241 : vector<16xf32>
        %get3A_1243 = arith.index_cast %rem3A_66 : i32 to index
        %get3A_1244 = arith.index_cast %add3A_1171 : i32 to index
        %get3A_1245 = arith.constant 192 : index
        %get3A_1246 = tpu.vector_load %arg9[%get3A_1243, %get3A_1244, %get3A_1245] {strides = array<i32>} : memref<3x128x256xf32, #tpu.memory_space<vmem>>, vector<16xf32>,
        %mul3A_1247 = arith.mulf %get3A_141, %get3A_1246 : vector<16xf32>
        %add3A_1248 = arith.addf %add3A_1242, %mul3A_1247 : vector<16xf32>
        %get3A_1249 = arith.index_cast %rem3A_66 : i32 to index
        %get3A_1250 = arith.index_cast %add3A_1171 : i32 to index
        %get3A_1251 = arith.constant 208 : index
        %get3A_1252 = tpu.vector_load %arg9[%get3A_1249, %get3A_1250, %get3A_1251] {strides = array<i32>} : memref<3x128x256xf32, #tpu.memory_space<vmem>>, vector<16xf32>,
        %mul3A_1253 = arith.mulf %get3A_145, %get3A_1252 : vector<16xf32>
        %add3A_1254 = arith.addf %add3A_1248, %mul3A_1253 : vector<16xf32>
        %get3A_1255 = arith.index_cast %rem3A_66 : i32 to index
        %get3A_1256 = arith.index_cast %add3A_1171 : i32 to index
        %get3A_1257 = arith.constant 224 : index
        %get3A_1258 = tpu.vector_load %arg9[%get3A_1255, %get3A_1256, %get3A_1257] {strides = array<i32>} : memref<3x128x256xf32, #tpu.memory_space<vmem>>, vector<16xf32>,
        %mul3A_1259 = arith.mulf %get3A_149, %get3A_1258 : vector<16xf32>
        %add3A_1260 = arith.addf %add3A_1254, %mul3A_1259 : vector<16xf32>
        %get3A_1261 = arith.index_cast %rem3A_66 : i32 to index
        %get3A_1262 = arith.index_cast %add3A_1171 : i32 to index
        %get3A_1263 = arith.constant 240 : index
        %get3A_1264 = tpu.vector_load %arg9[%get3A_1261, %get3A_1262, %get3A_1263] {strides = array<i32>} : memref<3x128x256xf32, #tpu.memory_space<vmem>>, vector<16xf32>,
        %mul3A_1265 = arith.mulf %get3A_153, %get3A_1264 : vector<16xf32>
        %add3A_1266 = arith.addf %add3A_1260, %mul3A_1265 : vector<16xf32>
        %reduce_sum3A_1267 = arith.constant true
        %reduce_sum3A_1268 = vector.broadcast %reduce_sum3A_1267 : i1 to vector<16xi1>
        %reduce_sum3A_1269 = tpu.scan <sum>, %add3A_1266 masked %reduce_sum3A_1268 : vector<16xf32>, vector<16xi1> -> vector<16xf32>
        %reduce_sum3A_1270 = vector.extract %reduce_sum3A_1269[15] : f32 from vector<16xf32>
        %eq3A_1271 = arith.constant 9 : i32
        %eq3A_1272 = vector.broadcast %eq3A_1271 : i32 to vector<16xi32>
        %eq3A_1273 = arith.cmpi eq, %iota3A, %eq3A_1272 : vector<16xi32>
        %broadcast_in_dim3A_1274 = vector.broadcast %reduce_sum3A_1270 : f32 to vector<16xf32>
        %select_n3A_1275 = arith.select %eq3A_1273, %broadcast_in_dim3A_1274, %select_n3A_1167 : vector<16xi1>, vector<16xf32>
        %mul3A_1276 = arith.constant 16 : i32
        %mul3A_1277 = arith.muli %scan3A_192, %mul3A_1276 : i32
        %add3A_1278 = arith.constant 10 : i32
        %add3A_1279 = arith.addi %mul3A_1277, %add3A_1278 : i32
        %get3A_1280 = arith.index_cast %rem3A_66 : i32 to index
        %get3A_1281 = arith.index_cast %add3A_1279 : i32 to index
        %get3A_1282 = arith.constant 0 : index
        %get3A_1283 = tpu.vector_load %arg9[%get3A_1280, %get3A_1281, %get3A_1282] {strides = array<i32>} : memref<3x128x256xf32, #tpu.memory_space<vmem>>, vector<16xf32>,
        %mul3A_1284 = arith.mulf %get3A_93, %get3A_1283 : vector<16xf32>
        %get3A_1285 = arith.index_cast %rem3A_66 : i32 to index
        %get3A_1286 = arith.index_cast %add3A_1279 : i32 to index
        %get3A_1287 = arith.constant 16 : index
        %get3A_1288 = tpu.vector_load %arg9[%get3A_1285, %get3A_1286, %get3A_1287] {strides = array<i32>} : memref<3x128x256xf32, #tpu.memory_space<vmem>>, vector<16xf32>,
        %mul3A_1289 = arith.mulf %get3A_97, %get3A_1288 : vector<16xf32>
        %add3A_1290 = arith.addf %mul3A_1284, %mul3A_1289 : vector<16xf32>
        %get3A_1291 = arith.index_cast %rem3A_66 : i32 to index
        %get3A_1292 = arith.index_cast %add3A_1279 : i32 to index
        %get3A_1293 = arith.constant 32 : index
        %get3A_1294 = tpu.vector_load %arg9[%get3A_1291, %get3A_1292, %get3A_1293] {strides = array<i32>} : memref<3x128x256xf32, #tpu.memory_space<vmem>>, vector<16xf32>,
        %mul3A_1295 = arith.mulf %get3A_101, %get3A_1294 : vector<16xf32>
        %add3A_1296 = arith.addf %add3A_1290, %mul3A_1295 : vector<16xf32>
        %get3A_1297 = arith.index_cast %rem3A_66 : i32 to index
        %get3A_1298 = arith.index_cast %add3A_1279 : i32 to index
        %get3A_1299 = arith.constant 48 : index
        %get3A_1300 = tpu.vector_load %arg9[%get3A_1297, %get3A_1298, %get3A_1299] {strides = array<i32>} : memref<3x128x256xf32, #tpu.memory_space<vmem>>, vector<16xf32>,
        %mul3A_1301 = arith.mulf %get3A_105, %get3A_1300 : vector<16xf32>
        %add3A_1302 = arith.addf %add3A_1296, %mul3A_1301 : vector<16xf32>
        %get3A_1303 = arith.index_cast %rem3A_66 : i32 to index
        %get3A_1304 = arith.index_cast %add3A_1279 : i32 to index
        %get3A_1305 = arith.constant 64 : index
        %get3A_1306 = tpu.vector_load %arg9[%get3A_1303, %get3A_1304, %get3A_1305] {strides = array<i32>} : memref<3x128x256xf32, #tpu.memory_space<vmem>>, vector<16xf32>,
        %mul3A_1307 = arith.mulf %get3A_109, %get3A_1306 : vector<16xf32>
        %add3A_1308 = arith.addf %add3A_1302, %mul3A_1307 : vector<16xf32>
        %get3A_1309 = arith.index_cast %rem3A_66 : i32 to index
        %get3A_1310 = arith.index_cast %add3A_1279 : i32 to index
        %get3A_1311 = arith.constant 80 : index
        %get3A_1312 = tpu.vector_load %arg9[%get3A_1309, %get3A_1310, %get3A_1311] {strides = array<i32>} : memref<3x128x256xf32, #tpu.memory_space<vmem>>, vector<16xf32>,
        %mul3A_1313 = arith.mulf %get3A_113, %get3A_1312 : vector<16xf32>
        %add3A_1314 = arith.addf %add3A_1308, %mul3A_1313 : vector<16xf32>
        %get3A_1315 = arith.index_cast %rem3A_66 : i32 to index
        %get3A_1316 = arith.index_cast %add3A_1279 : i32 to index
        %get3A_1317 = arith.constant 96 : index
        %get3A_1318 = tpu.vector_load %arg9[%get3A_1315, %get3A_1316, %get3A_1317] {strides = array<i32>} : memref<3x128x256xf32, #tpu.memory_space<vmem>>, vector<16xf32>,
        %mul3A_1319 = arith.mulf %get3A_117, %get3A_1318 : vector<16xf32>
        %add3A_1320 = arith.addf %add3A_1314, %mul3A_1319 : vector<16xf32>
        %get3A_1321 = arith.index_cast %rem3A_66 : i32 to index
        %get3A_1322 = arith.index_cast %add3A_1279 : i32 to index
        %get3A_1323 = arith.constant 112 : index
        %get3A_1324 = tpu.vector_load %arg9[%get3A_1321, %get3A_1322, %get3A_1323] {strides = array<i32>} : memref<3x128x256xf32, #tpu.memory_space<vmem>>, vector<16xf32>,
        %mul3A_1325 = arith.mulf %get3A_121, %get3A_1324 : vector<16xf32>
        %add3A_1326 = arith.addf %add3A_1320, %mul3A_1325 : vector<16xf32>
        %get3A_1327 = arith.index_cast %rem3A_66 : i32 to index
        %get3A_1328 = arith.index_cast %add3A_1279 : i32 to index
        %get3A_1329 = arith.constant 128 : index
        %get3A_1330 = tpu.vector_load %arg9[%get3A_1327, %get3A_1328, %get3A_1329] {strides = array<i32>} : memref<3x128x256xf32, #tpu.memory_space<vmem>>, vector<16xf32>,
        %mul3A_1331 = arith.mulf %get3A_125, %get3A_1330 : vector<16xf32>
        %add3A_1332 = arith.addf %add3A_1326, %mul3A_1331 : vector<16xf32>
        %get3A_1333 = arith.index_cast %rem3A_66 : i32 to index
        %get3A_1334 = arith.index_cast %add3A_1279 : i32 to index
        %get3A_1335 = arith.constant 144 : index
        %get3A_1336 = tpu.vector_load %arg9[%get3A_1333, %get3A_1334, %get3A_1335] {strides = array<i32>} : memref<3x128x256xf32, #tpu.memory_space<vmem>>, vector<16xf32>,
        %mul3A_1337 = arith.mulf %get3A_129, %get3A_1336 : vector<16xf32>
        %add3A_1338 = arith.addf %add3A_1332, %mul3A_1337 : vector<16xf32>
        %get3A_1339 = arith.index_cast %rem3A_66 : i32 to index
        %get3A_1340 = arith.index_cast %add3A_1279 : i32 to index
        %get3A_1341 = arith.constant 160 : index
        %get3A_1342 = tpu.vector_load %arg9[%get3A_1339, %get3A_1340, %get3A_1341] {strides = array<i32>} : memref<3x128x256xf32, #tpu.memory_space<vmem>>, vector<16xf32>,
        %mul3A_1343 = arith.mulf %get3A_133, %get3A_1342 : vector<16xf32>
        %add3A_1344 = arith.addf %add3A_1338, %mul3A_1343 : vector<16xf32>
        %get3A_1345 = arith.index_cast %rem3A_66 : i32 to index
        %get3A_1346 = arith.index_cast %add3A_1279 : i32 to index
        %get3A_1347 = arith.constant 176 : index
        %get3A_1348 = tpu.vector_load %arg9[%get3A_1345, %get3A_1346, %get3A_1347] {strides = array<i32>} : memref<3x128x256xf32, #tpu.memory_space<vmem>>, vector<16xf32>,
        %mul3A_1349 = arith.mulf %get3A_137, %get3A_1348 : vector<16xf32>
        %add3A_1350 = arith.addf %add3A_1344, %mul3A_1349 : vector<16xf32>
        %get3A_1351 = arith.index_cast %rem3A_66 : i32 to index
        %get3A_1352 = arith.index_cast %add3A_1279 : i32 to index
        %get3A_1353 = arith.constant 192 : index
        %get3A_1354 = tpu.vector_load %arg9[%get3A_1351, %get3A_1352, %get3A_1353] {strides = array<i32>} : memref<3x128x256xf32, #tpu.memory_space<vmem>>, vector<16xf32>,
        %mul3A_1355 = arith.mulf %get3A_141, %get3A_1354 : vector<16xf32>
        %add3A_1356 = arith.addf %add3A_1350, %mul3A_1355 : vector<16xf32>
        %get3A_1357 = arith.index_cast %rem3A_66 : i32 to index
        %get3A_1358 = arith.index_cast %add3A_1279 : i32 to index
        %get3A_1359 = arith.constant 208 : index
        %get3A_1360 = tpu.vector_load %arg9[%get3A_1357, %get3A_1358, %get3A_1359] {strides = array<i32>} : memref<3x128x256xf32, #tpu.memory_space<vmem>>, vector<16xf32>,
        %mul3A_1361 = arith.mulf %get3A_145, %get3A_1360 : vector<16xf32>
        %add3A_1362 = arith.addf %add3A_1356, %mul3A_1361 : vector<16xf32>
        %get3A_1363 = arith.index_cast %rem3A_66 : i32 to index
        %get3A_1364 = arith.index_cast %add3A_1279 : i32 to index
        %get3A_1365 = arith.constant 224 : index
        %get3A_1366 = tpu.vector_load %arg9[%get3A_1363, %get3A_1364, %get3A_1365] {strides = array<i32>} : memref<3x128x256xf32, #tpu.memory_space<vmem>>, vector<16xf32>,
        %mul3A_1367 = arith.mulf %get3A_149, %get3A_1366 : vector<16xf32>
        %add3A_1368 = arith.addf %add3A_1362, %mul3A_1367 : vector<16xf32>
        %get3A_1369 = arith.index_cast %rem3A_66 : i32 to index
        %get3A_1370 = arith.index_cast %add3A_1279 : i32 to index
        %get3A_1371 = arith.constant 240 : index
        %get3A_1372 = tpu.vector_load %arg9[%get3A_1369, %get3A_1370, %get3A_1371] {strides = array<i32>} : memref<3x128x256xf32, #tpu.memory_space<vmem>>, vector<16xf32>,
        %mul3A_1373 = arith.mulf %get3A_153, %get3A_1372 : vector<16xf32>
        %add3A_1374 = arith.addf %add3A_1368, %mul3A_1373 : vector<16xf32>
        %reduce_sum3A_1375 = arith.constant true
        %reduce_sum3A_1376 = vector.broadcast %reduce_sum3A_1375 : i1 to vector<16xi1>
        %reduce_sum3A_1377 = tpu.scan <sum>, %add3A_1374 masked %reduce_sum3A_1376 : vector<16xf32>, vector<16xi1> -> vector<16xf32>
        %reduce_sum3A_1378 = vector.extract %reduce_sum3A_1377[15] : f32 from vector<16xf32>
        %eq3A_1379 = arith.constant 10 : i32
        %eq3A_1380 = vector.broadcast %eq3A_1379 : i32 to vector<16xi32>
        %eq3A_1381 = arith.cmpi eq, %iota3A, %eq3A_1380 : vector<16xi32>
        %broadcast_in_dim3A_1382 = vector.broadcast %reduce_sum3A_1378 : f32 to vector<16xf32>
        %select_n3A_1383 = arith.select %eq3A_1381, %broadcast_in_dim3A_1382, %select_n3A_1275 : vector<16xi1>, vector<16xf32>
        %mul3A_1384 = arith.constant 16 : i32
        %mul3A_1385 = arith.muli %scan3A_192, %mul3A_1384 : i32
        %add3A_1386 = arith.constant 11 : i32
        %add3A_1387 = arith.addi %mul3A_1385, %add3A_1386 : i32
        %get3A_1388 = arith.index_cast %rem3A_66 : i32 to index
        %get3A_1389 = arith.index_cast %add3A_1387 : i32 to index
        %get3A_1390 = arith.constant 0 : index
        %get3A_1391 = tpu.vector_load %arg9[%get3A_1388, %get3A_1389, %get3A_1390] {strides = array<i32>} : memref<3x128x256xf32, #tpu.memory_space<vmem>>, vector<16xf32>,
        %mul3A_1392 = arith.mulf %get3A_93, %get3A_1391 : vector<16xf32>
        %get3A_1393 = arith.index_cast %rem3A_66 : i32 to index
        %get3A_1394 = arith.index_cast %add3A_1387 : i32 to index
        %get3A_1395 = arith.constant 16 : index
        %get3A_1396 = tpu.vector_load %arg9[%get3A_1393, %get3A_1394, %get3A_1395] {strides = array<i32>} : memref<3x128x256xf32, #tpu.memory_space<vmem>>, vector<16xf32>,
        %mul3A_1397 = arith.mulf %get3A_97, %get3A_1396 : vector<16xf32>
        %add3A_1398 = arith.addf %mul3A_1392, %mul3A_1397 : vector<16xf32>
        %get3A_1399 = arith.index_cast %rem3A_66 : i32 to index
        %get3A_1400 = arith.index_cast %add3A_1387 : i32 to index
        %get3A_1401 = arith.constant 32 : index
        %get3A_1402 = tpu.vector_load %arg9[%get3A_1399, %get3A_1400, %get3A_1401] {strides = array<i32>} : memref<3x128x256xf32, #tpu.memory_space<vmem>>, vector<16xf32>,
        %mul3A_1403 = arith.mulf %get3A_101, %get3A_1402 : vector<16xf32>
        %add3A_1404 = arith.addf %add3A_1398, %mul3A_1403 : vector<16xf32>
        %get3A_1405 = arith.index_cast %rem3A_66 : i32 to index
        %get3A_1406 = arith.index_cast %add3A_1387 : i32 to index
        %get3A_1407 = arith.constant 48 : index
        %get3A_1408 = tpu.vector_load %arg9[%get3A_1405, %get3A_1406, %get3A_1407] {strides = array<i32>} : memref<3x128x256xf32, #tpu.memory_space<vmem>>, vector<16xf32>,
        %mul3A_1409 = arith.mulf %get3A_105, %get3A_1408 : vector<16xf32>
        %add3A_1410 = arith.addf %add3A_1404, %mul3A_1409 : vector<16xf32>
        %get3A_1411 = arith.index_cast %rem3A_66 : i32 to index
        %get3A_1412 = arith.index_cast %add3A_1387 : i32 to index
        %get3A_1413 = arith.constant 64 : index
        %get3A_1414 = tpu.vector_load %arg9[%get3A_1411, %get3A_1412, %get3A_1413] {strides = array<i32>} : memref<3x128x256xf32, #tpu.memory_space<vmem>>, vector<16xf32>,
        %mul3A_1415 = arith.mulf %get3A_109, %get3A_1414 : vector<16xf32>
        %add3A_1416 = arith.addf %add3A_1410, %mul3A_1415 : vector<16xf32>
        %get3A_1417 = arith.index_cast %rem3A_66 : i32 to index
        %get3A_1418 = arith.index_cast %add3A_1387 : i32 to index
        %get3A_1419 = arith.constant 80 : index
        %get3A_1420 = tpu.vector_load %arg9[%get3A_1417, %get3A_1418, %get3A_1419] {strides = array<i32>} : memref<3x128x256xf32, #tpu.memory_space<vmem>>, vector<16xf32>,
        %mul3A_1421 = arith.mulf %get3A_113, %get3A_1420 : vector<16xf32>
        %add3A_1422 = arith.addf %add3A_1416, %mul3A_1421 : vector<16xf32>
        %get3A_1423 = arith.index_cast %rem3A_66 : i32 to index
        %get3A_1424 = arith.index_cast %add3A_1387 : i32 to index
        %get3A_1425 = arith.constant 96 : index
        %get3A_1426 = tpu.vector_load %arg9[%get3A_1423, %get3A_1424, %get3A_1425] {strides = array<i32>} : memref<3x128x256xf32, #tpu.memory_space<vmem>>, vector<16xf32>,
        %mul3A_1427 = arith.mulf %get3A_117, %get3A_1426 : vector<16xf32>
        %add3A_1428 = arith.addf %add3A_1422, %mul3A_1427 : vector<16xf32>
        %get3A_1429 = arith.index_cast %rem3A_66 : i32 to index
        %get3A_1430 = arith.index_cast %add3A_1387 : i32 to index
        %get3A_1431 = arith.constant 112 : index
        %get3A_1432 = tpu.vector_load %arg9[%get3A_1429, %get3A_1430, %get3A_1431] {strides = array<i32>} : memref<3x128x256xf32, #tpu.memory_space<vmem>>, vector<16xf32>,
        %mul3A_1433 = arith.mulf %get3A_121, %get3A_1432 : vector<16xf32>
        %add3A_1434 = arith.addf %add3A_1428, %mul3A_1433 : vector<16xf32>
        %get3A_1435 = arith.index_cast %rem3A_66 : i32 to index
        %get3A_1436 = arith.index_cast %add3A_1387 : i32 to index
        %get3A_1437 = arith.constant 128 : index
        %get3A_1438 = tpu.vector_load %arg9[%get3A_1435, %get3A_1436, %get3A_1437] {strides = array<i32>} : memref<3x128x256xf32, #tpu.memory_space<vmem>>, vector<16xf32>,
        %mul3A_1439 = arith.mulf %get3A_125, %get3A_1438 : vector<16xf32>
        %add3A_1440 = arith.addf %add3A_1434, %mul3A_1439 : vector<16xf32>
        %get3A_1441 = arith.index_cast %rem3A_66 : i32 to index
        %get3A_1442 = arith.index_cast %add3A_1387 : i32 to index
        %get3A_1443 = arith.constant 144 : index
        %get3A_1444 = tpu.vector_load %arg9[%get3A_1441, %get3A_1442, %get3A_1443] {strides = array<i32>} : memref<3x128x256xf32, #tpu.memory_space<vmem>>, vector<16xf32>,
        %mul3A_1445 = arith.mulf %get3A_129, %get3A_1444 : vector<16xf32>
        %add3A_1446 = arith.addf %add3A_1440, %mul3A_1445 : vector<16xf32>
        %get3A_1447 = arith.index_cast %rem3A_66 : i32 to index
        %get3A_1448 = arith.index_cast %add3A_1387 : i32 to index
        %get3A_1449 = arith.constant 160 : index
        %get3A_1450 = tpu.vector_load %arg9[%get3A_1447, %get3A_1448, %get3A_1449] {strides = array<i32>} : memref<3x128x256xf32, #tpu.memory_space<vmem>>, vector<16xf32>,
        %mul3A_1451 = arith.mulf %get3A_133, %get3A_1450 : vector<16xf32>
        %add3A_1452 = arith.addf %add3A_1446, %mul3A_1451 : vector<16xf32>
        %get3A_1453 = arith.index_cast %rem3A_66 : i32 to index
        %get3A_1454 = arith.index_cast %add3A_1387 : i32 to index
        %get3A_1455 = arith.constant 176 : index
        %get3A_1456 = tpu.vector_load %arg9[%get3A_1453, %get3A_1454, %get3A_1455] {strides = array<i32>} : memref<3x128x256xf32, #tpu.memory_space<vmem>>, vector<16xf32>,
        %mul3A_1457 = arith.mulf %get3A_137, %get3A_1456 : vector<16xf32>
        %add3A_1458 = arith.addf %add3A_1452, %mul3A_1457 : vector<16xf32>
        %get3A_1459 = arith.index_cast %rem3A_66 : i32 to index
        %get3A_1460 = arith.index_cast %add3A_1387 : i32 to index
        %get3A_1461 = arith.constant 192 : index
        %get3A_1462 = tpu.vector_load %arg9[%get3A_1459, %get3A_1460, %get3A_1461] {strides = array<i32>} : memref<3x128x256xf32, #tpu.memory_space<vmem>>, vector<16xf32>,
        %mul3A_1463 = arith.mulf %get3A_141, %get3A_1462 : vector<16xf32>
        %add3A_1464 = arith.addf %add3A_1458, %mul3A_1463 : vector<16xf32>
        %get3A_1465 = arith.index_cast %rem3A_66 : i32 to index
        %get3A_1466 = arith.index_cast %add3A_1387 : i32 to index
        %get3A_1467 = arith.constant 208 : index
        %get3A_1468 = tpu.vector_load %arg9[%get3A_1465, %get3A_1466, %get3A_1467] {strides = array<i32>} : memref<3x128x256xf32, #tpu.memory_space<vmem>>, vector<16xf32>,
        %mul3A_1469 = arith.mulf %get3A_145, %get3A_1468 : vector<16xf32>
        %add3A_1470 = arith.addf %add3A_1464, %mul3A_1469 : vector<16xf32>
        %get3A_1471 = arith.index_cast %rem3A_66 : i32 to index
        %get3A_1472 = arith.index_cast %add3A_1387 : i32 to index
        %get3A_1473 = arith.constant 224 : index
        %get3A_1474 = tpu.vector_load %arg9[%get3A_1471, %get3A_1472, %get3A_1473] {strides = array<i32>} : memref<3x128x256xf32, #tpu.memory_space<vmem>>, vector<16xf32>,
        %mul3A_1475 = arith.mulf %get3A_149, %get3A_1474 : vector<16xf32>
        %add3A_1476 = arith.addf %add3A_1470, %mul3A_1475 : vector<16xf32>
        %get3A_1477 = arith.index_cast %rem3A_66 : i32 to index
        %get3A_1478 = arith.index_cast %add3A_1387 : i32 to index
        %get3A_1479 = arith.constant 240 : index
        %get3A_1480 = tpu.vector_load %arg9[%get3A_1477, %get3A_1478, %get3A_1479] {strides = array<i32>} : memref<3x128x256xf32, #tpu.memory_space<vmem>>, vector<16xf32>,
        %mul3A_1481 = arith.mulf %get3A_153, %get3A_1480 : vector<16xf32>
        %add3A_1482 = arith.addf %add3A_1476, %mul3A_1481 : vector<16xf32>
        %reduce_sum3A_1483 = arith.constant true
        %reduce_sum3A_1484 = vector.broadcast %reduce_sum3A_1483 : i1 to vector<16xi1>
        %reduce_sum3A_1485 = tpu.scan <sum>, %add3A_1482 masked %reduce_sum3A_1484 : vector<16xf32>, vector<16xi1> -> vector<16xf32>
        %reduce_sum3A_1486 = vector.extract %reduce_sum3A_1485[15] : f32 from vector<16xf32>
        %eq3A_1487 = arith.constant 11 : i32
        %eq3A_1488 = vector.broadcast %eq3A_1487 : i32 to vector<16xi32>
        %eq3A_1489 = arith.cmpi eq, %iota3A, %eq3A_1488 : vector<16xi32>
        %broadcast_in_dim3A_1490 = vector.broadcast %reduce_sum3A_1486 : f32 to vector<16xf32>
        %select_n3A_1491 = arith.select %eq3A_1489, %broadcast_in_dim3A_1490, %select_n3A_1383 : vector<16xi1>, vector<16xf32>
        %mul3A_1492 = arith.constant 16 : i32
        %mul3A_1493 = arith.muli %scan3A_192, %mul3A_1492 : i32
        %add3A_1494 = arith.constant 12 : i32
        %add3A_1495 = arith.addi %mul3A_1493, %add3A_1494 : i32
        %get3A_1496 = arith.index_cast %rem3A_66 : i32 to index
        %get3A_1497 = arith.index_cast %add3A_1495 : i32 to index
        %get3A_1498 = arith.constant 0 : index
        %get3A_1499 = tpu.vector_load %arg9[%get3A_1496, %get3A_1497, %get3A_1498] {strides = array<i32>} : memref<3x128x256xf32, #tpu.memory_space<vmem>>, vector<16xf32>,
        %mul3A_1500 = arith.mulf %get3A_93, %get3A_1499 : vector<16xf32>
        %get3A_1501 = arith.index_cast %rem3A_66 : i32 to index
        %get3A_1502 = arith.index_cast %add3A_1495 : i32 to index
        %get3A_1503 = arith.constant 16 : index
        %get3A_1504 = tpu.vector_load %arg9[%get3A_1501, %get3A_1502, %get3A_1503] {strides = array<i32>} : memref<3x128x256xf32, #tpu.memory_space<vmem>>, vector<16xf32>,
        %mul3A_1505 = arith.mulf %get3A_97, %get3A_1504 : vector<16xf32>
        %add3A_1506 = arith.addf %mul3A_1500, %mul3A_1505 : vector<16xf32>
        %get3A_1507 = arith.index_cast %rem3A_66 : i32 to index
        %get3A_1508 = arith.index_cast %add3A_1495 : i32 to index
        %get3A_1509 = arith.constant 32 : index
        %get3A_1510 = tpu.vector_load %arg9[%get3A_1507, %get3A_1508, %get3A_1509] {strides = array<i32>} : memref<3x128x256xf32, #tpu.memory_space<vmem>>, vector<16xf32>,
        %mul3A_1511 = arith.mulf %get3A_101, %get3A_1510 : vector<16xf32>
        %add3A_1512 = arith.addf %add3A_1506, %mul3A_1511 : vector<16xf32>
        %get3A_1513 = arith.index_cast %rem3A_66 : i32 to index
        %get3A_1514 = arith.index_cast %add3A_1495 : i32 to index
        %get3A_1515 = arith.constant 48 : index
        %get3A_1516 = tpu.vector_load %arg9[%get3A_1513, %get3A_1514, %get3A_1515] {strides = array<i32>} : memref<3x128x256xf32, #tpu.memory_space<vmem>>, vector<16xf32>,
        %mul3A_1517 = arith.mulf %get3A_105, %get3A_1516 : vector<16xf32>
        %add3A_1518 = arith.addf %add3A_1512, %mul3A_1517 : vector<16xf32>
        %get3A_1519 = arith.index_cast %rem3A_66 : i32 to index
        %get3A_1520 = arith.index_cast %add3A_1495 : i32 to index
        %get3A_1521 = arith.constant 64 : index
        %get3A_1522 = tpu.vector_load %arg9[%get3A_1519, %get3A_1520, %get3A_1521] {strides = array<i32>} : memref<3x128x256xf32, #tpu.memory_space<vmem>>, vector<16xf32>,
        %mul3A_1523 = arith.mulf %get3A_109, %get3A_1522 : vector<16xf32>
        %add3A_1524 = arith.addf %add3A_1518, %mul3A_1523 : vector<16xf32>
        %get3A_1525 = arith.index_cast %rem3A_66 : i32 to index
        %get3A_1526 = arith.index_cast %add3A_1495 : i32 to index
        %get3A_1527 = arith.constant 80 : index
        %get3A_1528 = tpu.vector_load %arg9[%get3A_1525, %get3A_1526, %get3A_1527] {strides = array<i32>} : memref<3x128x256xf32, #tpu.memory_space<vmem>>, vector<16xf32>,
        %mul3A_1529 = arith.mulf %get3A_113, %get3A_1528 : vector<16xf32>
        %add3A_1530 = arith.addf %add3A_1524, %mul3A_1529 : vector<16xf32>
        %get3A_1531 = arith.index_cast %rem3A_66 : i32 to index
        %get3A_1532 = arith.index_cast %add3A_1495 : i32 to index
        %get3A_1533 = arith.constant 96 : index
        %get3A_1534 = tpu.vector_load %arg9[%get3A_1531, %get3A_1532, %get3A_1533] {strides = array<i32>} : memref<3x128x256xf32, #tpu.memory_space<vmem>>, vector<16xf32>,
        %mul3A_1535 = arith.mulf %get3A_117, %get3A_1534 : vector<16xf32>
        %add3A_1536 = arith.addf %add3A_1530, %mul3A_1535 : vector<16xf32>
        %get3A_1537 = arith.index_cast %rem3A_66 : i32 to index
        %get3A_1538 = arith.index_cast %add3A_1495 : i32 to index
        %get3A_1539 = arith.constant 112 : index
        %get3A_1540 = tpu.vector_load %arg9[%get3A_1537, %get3A_1538, %get3A_1539] {strides = array<i32>} : memref<3x128x256xf32, #tpu.memory_space<vmem>>, vector<16xf32>,
        %mul3A_1541 = arith.mulf %get3A_121, %get3A_1540 : vector<16xf32>
        %add3A_1542 = arith.addf %add3A_1536, %mul3A_1541 : vector<16xf32>
        %get3A_1543 = arith.index_cast %rem3A_66 : i32 to index
        %get3A_1544 = arith.index_cast %add3A_1495 : i32 to index
        %get3A_1545 = arith.constant 128 : index
        %get3A_1546 = tpu.vector_load %arg9[%get3A_1543, %get3A_1544, %get3A_1545] {strides = array<i32>} : memref<3x128x256xf32, #tpu.memory_space<vmem>>, vector<16xf32>,
        %mul3A_1547 = arith.mulf %get3A_125, %get3A_1546 : vector<16xf32>
        %add3A_1548 = arith.addf %add3A_1542, %mul3A_1547 : vector<16xf32>
        %get3A_1549 = arith.index_cast %rem3A_66 : i32 to index
        %get3A_1550 = arith.index_cast %add3A_1495 : i32 to index
        %get3A_1551 = arith.constant 144 : index
        %get3A_1552 = tpu.vector_load %arg9[%get3A_1549, %get3A_1550, %get3A_1551] {strides = array<i32>} : memref<3x128x256xf32, #tpu.memory_space<vmem>>, vector<16xf32>,
        %mul3A_1553 = arith.mulf %get3A_129, %get3A_1552 : vector<16xf32>
        %add3A_1554 = arith.addf %add3A_1548, %mul3A_1553 : vector<16xf32>
        %get3A_1555 = arith.index_cast %rem3A_66 : i32 to index
        %get3A_1556 = arith.index_cast %add3A_1495 : i32 to index
        %get3A_1557 = arith.constant 160 : index
        %get3A_1558 = tpu.vector_load %arg9[%get3A_1555, %get3A_1556, %get3A_1557] {strides = array<i32>} : memref<3x128x256xf32, #tpu.memory_space<vmem>>, vector<16xf32>,
        %mul3A_1559 = arith.mulf %get3A_133, %get3A_1558 : vector<16xf32>
        %add3A_1560 = arith.addf %add3A_1554, %mul3A_1559 : vector<16xf32>
        %get3A_1561 = arith.index_cast %rem3A_66 : i32 to index
        %get3A_1562 = arith.index_cast %add3A_1495 : i32 to index
        %get3A_1563 = arith.constant 176 : index
        %get3A_1564 = tpu.vector_load %arg9[%get3A_1561, %get3A_1562, %get3A_1563] {strides = array<i32>} : memref<3x128x256xf32, #tpu.memory_space<vmem>>, vector<16xf32>,
        %mul3A_1565 = arith.mulf %get3A_137, %get3A_1564 : vector<16xf32>
        %add3A_1566 = arith.addf %add3A_1560, %mul3A_1565 : vector<16xf32>
        %get3A_1567 = arith.index_cast %rem3A_66 : i32 to index
        %get3A_1568 = arith.index_cast %add3A_1495 : i32 to index
        %get3A_1569 = arith.constant 192 : index
        %get3A_1570 = tpu.vector_load %arg9[%get3A_1567, %get3A_1568, %get3A_1569] {strides = array<i32>} : memref<3x128x256xf32, #tpu.memory_space<vmem>>, vector<16xf32>,
        %mul3A_1571 = arith.mulf %get3A_141, %get3A_1570 : vector<16xf32>
        %add3A_1572 = arith.addf %add3A_1566, %mul3A_1571 : vector<16xf32>
        %get3A_1573 = arith.index_cast %rem3A_66 : i32 to index
        %get3A_1574 = arith.index_cast %add3A_1495 : i32 to index
        %get3A_1575 = arith.constant 208 : index
        %get3A_1576 = tpu.vector_load %arg9[%get3A_1573, %get3A_1574, %get3A_1575] {strides = array<i32>} : memref<3x128x256xf32, #tpu.memory_space<vmem>>, vector<16xf32>,
        %mul3A_1577 = arith.mulf %get3A_145, %get3A_1576 : vector<16xf32>
        %add3A_1578 = arith.addf %add3A_1572, %mul3A_1577 : vector<16xf32>
        %get3A_1579 = arith.index_cast %rem3A_66 : i32 to index
        %get3A_1580 = arith.index_cast %add3A_1495 : i32 to index
        %get3A_1581 = arith.constant 224 : index
        %get3A_1582 = tpu.vector_load %arg9[%get3A_1579, %get3A_1580, %get3A_1581] {strides = array<i32>} : memref<3x128x256xf32, #tpu.memory_space<vmem>>, vector<16xf32>,
        %mul3A_1583 = arith.mulf %get3A_149, %get3A_1582 : vector<16xf32>
        %add3A_1584 = arith.addf %add3A_1578, %mul3A_1583 : vector<16xf32>
        %get3A_1585 = arith.index_cast %rem3A_66 : i32 to index
        %get3A_1586 = arith.index_cast %add3A_1495 : i32 to index
        %get3A_1587 = arith.constant 240 : index
        %get3A_1588 = tpu.vector_load %arg9[%get3A_1585, %get3A_1586, %get3A_1587] {strides = array<i32>} : memref<3x128x256xf32, #tpu.memory_space<vmem>>, vector<16xf32>,
        %mul3A_1589 = arith.mulf %get3A_153, %get3A_1588 : vector<16xf32>
        %add3A_1590 = arith.addf %add3A_1584, %mul3A_1589 : vector<16xf32>
        %reduce_sum3A_1591 = arith.constant true
        %reduce_sum3A_1592 = vector.broadcast %reduce_sum3A_1591 : i1 to vector<16xi1>
        %reduce_sum3A_1593 = tpu.scan <sum>, %add3A_1590 masked %reduce_sum3A_1592 : vector<16xf32>, vector<16xi1> -> vector<16xf32>
        %reduce_sum3A_1594 = vector.extract %reduce_sum3A_1593[15] : f32 from vector<16xf32>
        %eq3A_1595 = arith.constant 12 : i32
        %eq3A_1596 = vector.broadcast %eq3A_1595 : i32 to vector<16xi32>
        %eq3A_1597 = arith.cmpi eq, %iota3A, %eq3A_1596 : vector<16xi32>
        %broadcast_in_dim3A_1598 = vector.broadcast %reduce_sum3A_1594 : f32 to vector<16xf32>
        %select_n3A_1599 = arith.select %eq3A_1597, %broadcast_in_dim3A_1598, %select_n3A_1491 : vector<16xi1>, vector<16xf32>
        %mul3A_1600 = arith.constant 16 : i32
        %mul3A_1601 = arith.muli %scan3A_192, %mul3A_1600 : i32
        %add3A_1602 = arith.constant 13 : i32
        %add3A_1603 = arith.addi %mul3A_1601, %add3A_1602 : i32
        %get3A_1604 = arith.index_cast %rem3A_66 : i32 to index
        %get3A_1605 = arith.index_cast %add3A_1603 : i32 to index
        %get3A_1606 = arith.constant 0 : index
        %get3A_1607 = tpu.vector_load %arg9[%get3A_1604, %get3A_1605, %get3A_1606] {strides = array<i32>} : memref<3x128x256xf32, #tpu.memory_space<vmem>>, vector<16xf32>,
        %mul3A_1608 = arith.mulf %get3A_93, %get3A_1607 : vector<16xf32>
        %get3A_1609 = arith.index_cast %rem3A_66 : i32 to index
        %get3A_1610 = arith.index_cast %add3A_1603 : i32 to index
        %get3A_1611 = arith.constant 16 : index
        %get3A_1612 = tpu.vector_load %arg9[%get3A_1609, %get3A_1610, %get3A_1611] {strides = array<i32>} : memref<3x128x256xf32, #tpu.memory_space<vmem>>, vector<16xf32>,
        %mul3A_1613 = arith.mulf %get3A_97, %get3A_1612 : vector<16xf32>
        %add3A_1614 = arith.addf %mul3A_1608, %mul3A_1613 : vector<16xf32>
        %get3A_1615 = arith.index_cast %rem3A_66 : i32 to index
        %get3A_1616 = arith.index_cast %add3A_1603 : i32 to index
        %get3A_1617 = arith.constant 32 : index
        %get3A_1618 = tpu.vector_load %arg9[%get3A_1615, %get3A_1616, %get3A_1617] {strides = array<i32>} : memref<3x128x256xf32, #tpu.memory_space<vmem>>, vector<16xf32>,
        %mul3A_1619 = arith.mulf %get3A_101, %get3A_1618 : vector<16xf32>
        %add3A_1620 = arith.addf %add3A_1614, %mul3A_1619 : vector<16xf32>
        %get3A_1621 = arith.index_cast %rem3A_66 : i32 to index
        %get3A_1622 = arith.index_cast %add3A_1603 : i32 to index
        %get3A_1623 = arith.constant 48 : index
        %get3A_1624 = tpu.vector_load %arg9[%get3A_1621, %get3A_1622, %get3A_1623] {strides = array<i32>} : memref<3x128x256xf32, #tpu.memory_space<vmem>>, vector<16xf32>,
        %mul3A_1625 = arith.mulf %get3A_105, %get3A_1624 : vector<16xf32>
        %add3A_1626 = arith.addf %add3A_1620, %mul3A_1625 : vector<16xf32>
        %get3A_1627 = arith.index_cast %rem3A_66 : i32 to index
        %get3A_1628 = arith.index_cast %add3A_1603 : i32 to index
        %get3A_1629 = arith.constant 64 : index
        %get3A_1630 = tpu.vector_load %arg9[%get3A_1627, %get3A_1628, %get3A_1629] {strides = array<i32>} : memref<3x128x256xf32, #tpu.memory_space<vmem>>, vector<16xf32>,
        %mul3A_1631 = arith.mulf %get3A_109, %get3A_1630 : vector<16xf32>
        %add3A_1632 = arith.addf %add3A_1626, %mul3A_1631 : vector<16xf32>
        %get3A_1633 = arith.index_cast %rem3A_66 : i32 to index
        %get3A_1634 = arith.index_cast %add3A_1603 : i32 to index
        %get3A_1635 = arith.constant 80 : index
        %get3A_1636 = tpu.vector_load %arg9[%get3A_1633, %get3A_1634, %get3A_1635] {strides = array<i32>} : memref<3x128x256xf32, #tpu.memory_space<vmem>>, vector<16xf32>,
        %mul3A_1637 = arith.mulf %get3A_113, %get3A_1636 : vector<16xf32>
        %add3A_1638 = arith.addf %add3A_1632, %mul3A_1637 : vector<16xf32>
        %get3A_1639 = arith.index_cast %rem3A_66 : i32 to index
        %get3A_1640 = arith.index_cast %add3A_1603 : i32 to index
        %get3A_1641 = arith.constant 96 : index
        %get3A_1642 = tpu.vector_load %arg9[%get3A_1639, %get3A_1640, %get3A_1641] {strides = array<i32>} : memref<3x128x256xf32, #tpu.memory_space<vmem>>, vector<16xf32>,
        %mul3A_1643 = arith.mulf %get3A_117, %get3A_1642 : vector<16xf32>
        %add3A_1644 = arith.addf %add3A_1638, %mul3A_1643 : vector<16xf32>
        %get3A_1645 = arith.index_cast %rem3A_66 : i32 to index
        %get3A_1646 = arith.index_cast %add3A_1603 : i32 to index
        %get3A_1647 = arith.constant 112 : index
        %get3A_1648 = tpu.vector_load %arg9[%get3A_1645, %get3A_1646, %get3A_1647] {strides = array<i32>} : memref<3x128x256xf32, #tpu.memory_space<vmem>>, vector<16xf32>,
        %mul3A_1649 = arith.mulf %get3A_121, %get3A_1648 : vector<16xf32>
        %add3A_1650 = arith.addf %add3A_1644, %mul3A_1649 : vector<16xf32>
        %get3A_1651 = arith.index_cast %rem3A_66 : i32 to index
        %get3A_1652 = arith.index_cast %add3A_1603 : i32 to index
        %get3A_1653 = arith.constant 128 : index
        %get3A_1654 = tpu.vector_load %arg9[%get3A_1651, %get3A_1652, %get3A_1653] {strides = array<i32>} : memref<3x128x256xf32, #tpu.memory_space<vmem>>, vector<16xf32>,
        %mul3A_1655 = arith.mulf %get3A_125, %get3A_1654 : vector<16xf32>
        %add3A_1656 = arith.addf %add3A_1650, %mul3A_1655 : vector<16xf32>
        %get3A_1657 = arith.index_cast %rem3A_66 : i32 to index
        %get3A_1658 = arith.index_cast %add3A_1603 : i32 to index
        %get3A_1659 = arith.constant 144 : index
        %get3A_1660 = tpu.vector_load %arg9[%get3A_1657, %get3A_1658, %get3A_1659] {strides = array<i32>} : memref<3x128x256xf32, #tpu.memory_space<vmem>>, vector<16xf32>,
        %mul3A_1661 = arith.mulf %get3A_129, %get3A_1660 : vector<16xf32>
        %add3A_1662 = arith.addf %add3A_1656, %mul3A_1661 : vector<16xf32>
        %get3A_1663 = arith.index_cast %rem3A_66 : i32 to index
        %get3A_1664 = arith.index_cast %add3A_1603 : i32 to index
        %get3A_1665 = arith.constant 160 : index
        %get3A_1666 = tpu.vector_load %arg9[%get3A_1663, %get3A_1664, %get3A_1665] {strides = array<i32>} : memref<3x128x256xf32, #tpu.memory_space<vmem>>, vector<16xf32>,
        %mul3A_1667 = arith.mulf %get3A_133, %get3A_1666 : vector<16xf32>
        %add3A_1668 = arith.addf %add3A_1662, %mul3A_1667 : vector<16xf32>
        %get3A_1669 = arith.index_cast %rem3A_66 : i32 to index
        %get3A_1670 = arith.index_cast %add3A_1603 : i32 to index
        %get3A_1671 = arith.constant 176 : index
        %get3A_1672 = tpu.vector_load %arg9[%get3A_1669, %get3A_1670, %get3A_1671] {strides = array<i32>} : memref<3x128x256xf32, #tpu.memory_space<vmem>>, vector<16xf32>,
        %mul3A_1673 = arith.mulf %get3A_137, %get3A_1672 : vector<16xf32>
        %add3A_1674 = arith.addf %add3A_1668, %mul3A_1673 : vector<16xf32>
        %get3A_1675 = arith.index_cast %rem3A_66 : i32 to index
        %get3A_1676 = arith.index_cast %add3A_1603 : i32 to index
        %get3A_1677 = arith.constant 192 : index
        %get3A_1678 = tpu.vector_load %arg9[%get3A_1675, %get3A_1676, %get3A_1677] {strides = array<i32>} : memref<3x128x256xf32, #tpu.memory_space<vmem>>, vector<16xf32>,
        %mul3A_1679 = arith.mulf %get3A_141, %get3A_1678 : vector<16xf32>
        %add3A_1680 = arith.addf %add3A_1674, %mul3A_1679 : vector<16xf32>
        %get3A_1681 = arith.index_cast %rem3A_66 : i32 to index
        %get3A_1682 = arith.index_cast %add3A_1603 : i32 to index
        %get3A_1683 = arith.constant 208 : index
        %get3A_1684 = tpu.vector_load %arg9[%get3A_1681, %get3A_1682, %get3A_1683] {strides = array<i32>} : memref<3x128x256xf32, #tpu.memory_space<vmem>>, vector<16xf32>,
        %mul3A_1685 = arith.mulf %get3A_145, %get3A_1684 : vector<16xf32>
        %add3A_1686 = arith.addf %add3A_1680, %mul3A_1685 : vector<16xf32>
        %get3A_1687 = arith.index_cast %rem3A_66 : i32 to index
        %get3A_1688 = arith.index_cast %add3A_1603 : i32 to index
        %get3A_1689 = arith.constant 224 : index
        %get3A_1690 = tpu.vector_load %arg9[%get3A_1687, %get3A_1688, %get3A_1689] {strides = array<i32>} : memref<3x128x256xf32, #tpu.memory_space<vmem>>, vector<16xf32>,
        %mul3A_1691 = arith.mulf %get3A_149, %get3A_1690 : vector<16xf32>
        %add3A_1692 = arith.addf %add3A_1686, %mul3A_1691 : vector<16xf32>
        %get3A_1693 = arith.index_cast %rem3A_66 : i32 to index
        %get3A_1694 = arith.index_cast %add3A_1603 : i32 to index
        %get3A_1695 = arith.constant 240 : index
        %get3A_1696 = tpu.vector_load %arg9[%get3A_1693, %get3A_1694, %get3A_1695] {strides = array<i32>} : memref<3x128x256xf32, #tpu.memory_space<vmem>>, vector<16xf32>,
        %mul3A_1697 = arith.mulf %get3A_153, %get3A_1696 : vector<16xf32>
        %add3A_1698 = arith.addf %add3A_1692, %mul3A_1697 : vector<16xf32>
        %reduce_sum3A_1699 = arith.constant true
        %reduce_sum3A_1700 = vector.broadcast %reduce_sum3A_1699 : i1 to vector<16xi1>
        %reduce_sum3A_1701 = tpu.scan <sum>, %add3A_1698 masked %reduce_sum3A_1700 : vector<16xf32>, vector<16xi1> -> vector<16xf32>
        %reduce_sum3A_1702 = vector.extract %reduce_sum3A_1701[15] : f32 from vector<16xf32>
        %eq3A_1703 = arith.constant 13 : i32
        %eq3A_1704 = vector.broadcast %eq3A_1703 : i32 to vector<16xi32>
        %eq3A_1705 = arith.cmpi eq, %iota3A, %eq3A_1704 : vector<16xi32>
        %broadcast_in_dim3A_1706 = vector.broadcast %reduce_sum3A_1702 : f32 to vector<16xf32>
        %select_n3A_1707 = arith.select %eq3A_1705, %broadcast_in_dim3A_1706, %select_n3A_1599 : vector<16xi1>, vector<16xf32>
        %mul3A_1708 = arith.constant 16 : i32
        %mul3A_1709 = arith.muli %scan3A_192, %mul3A_1708 : i32
        %add3A_1710 = arith.constant 14 : i32
        %add3A_1711 = arith.addi %mul3A_1709, %add3A_1710 : i32
        %get3A_1712 = arith.index_cast %rem3A_66 : i32 to index
        %get3A_1713 = arith.index_cast %add3A_1711 : i32 to index
        %get3A_1714 = arith.constant 0 : index
        %get3A_1715 = tpu.vector_load %arg9[%get3A_1712, %get3A_1713, %get3A_1714] {strides = array<i32>} : memref<3x128x256xf32, #tpu.memory_space<vmem>>, vector<16xf32>,
        %mul3A_1716 = arith.mulf %get3A_93, %get3A_1715 : vector<16xf32>
        %get3A_1717 = arith.index_cast %rem3A_66 : i32 to index
        %get3A_1718 = arith.index_cast %add3A_1711 : i32 to index
        %get3A_1719 = arith.constant 16 : index
        %get3A_1720 = tpu.vector_load %arg9[%get3A_1717, %get3A_1718, %get3A_1719] {strides = array<i32>} : memref<3x128x256xf32, #tpu.memory_space<vmem>>, vector<16xf32>,
        %mul3A_1721 = arith.mulf %get3A_97, %get3A_1720 : vector<16xf32>
        %add3A_1722 = arith.addf %mul3A_1716, %mul3A_1721 : vector<16xf32>
        %get3A_1723 = arith.index_cast %rem3A_66 : i32 to index
        %get3A_1724 = arith.index_cast %add3A_1711 : i32 to index
        %get3A_1725 = arith.constant 32 : index
        %get3A_1726 = tpu.vector_load %arg9[%get3A_1723, %get3A_1724, %get3A_1725] {strides = array<i32>} : memref<3x128x256xf32, #tpu.memory_space<vmem>>, vector<16xf32>,
        %mul3A_1727 = arith.mulf %get3A_101, %get3A_1726 : vector<16xf32>
        %add3A_1728 = arith.addf %add3A_1722, %mul3A_1727 : vector<16xf32>
        %get3A_1729 = arith.index_cast %rem3A_66 : i32 to index
        %get3A_1730 = arith.index_cast %add3A_1711 : i32 to index
        %get3A_1731 = arith.constant 48 : index
        %get3A_1732 = tpu.vector_load %arg9[%get3A_1729, %get3A_1730, %get3A_1731] {strides = array<i32>} : memref<3x128x256xf32, #tpu.memory_space<vmem>>, vector<16xf32>,
        %mul3A_1733 = arith.mulf %get3A_105, %get3A_1732 : vector<16xf32>
        %add3A_1734 = arith.addf %add3A_1728, %mul3A_1733 : vector<16xf32>
        %get3A_1735 = arith.index_cast %rem3A_66 : i32 to index
        %get3A_1736 = arith.index_cast %add3A_1711 : i32 to index
        %get3A_1737 = arith.constant 64 : index
        %get3A_1738 = tpu.vector_load %arg9[%get3A_1735, %get3A_1736, %get3A_1737] {strides = array<i32>} : memref<3x128x256xf32, #tpu.memory_space<vmem>>, vector<16xf32>,
        %mul3A_1739 = arith.mulf %get3A_109, %get3A_1738 : vector<16xf32>
        %add3A_1740 = arith.addf %add3A_1734, %mul3A_1739 : vector<16xf32>
        %get3A_1741 = arith.index_cast %rem3A_66 : i32 to index
        %get3A_1742 = arith.index_cast %add3A_1711 : i32 to index
        %get3A_1743 = arith.constant 80 : index
        %get3A_1744 = tpu.vector_load %arg9[%get3A_1741, %get3A_1742, %get3A_1743] {strides = array<i32>} : memref<3x128x256xf32, #tpu.memory_space<vmem>>, vector<16xf32>,
        %mul3A_1745 = arith.mulf %get3A_113, %get3A_1744 : vector<16xf32>
        %add3A_1746 = arith.addf %add3A_1740, %mul3A_1745 : vector<16xf32>
        %get3A_1747 = arith.index_cast %rem3A_66 : i32 to index
        %get3A_1748 = arith.index_cast %add3A_1711 : i32 to index
        %get3A_1749 = arith.constant 96 : index
        %get3A_1750 = tpu.vector_load %arg9[%get3A_1747, %get3A_1748, %get3A_1749] {strides = array<i32>} : memref<3x128x256xf32, #tpu.memory_space<vmem>>, vector<16xf32>,
        %mul3A_1751 = arith.mulf %get3A_117, %get3A_1750 : vector<16xf32>
        %add3A_1752 = arith.addf %add3A_1746, %mul3A_1751 : vector<16xf32>
        %get3A_1753 = arith.index_cast %rem3A_66 : i32 to index
        %get3A_1754 = arith.index_cast %add3A_1711 : i32 to index
        %get3A_1755 = arith.constant 112 : index
        %get3A_1756 = tpu.vector_load %arg9[%get3A_1753, %get3A_1754, %get3A_1755] {strides = array<i32>} : memref<3x128x256xf32, #tpu.memory_space<vmem>>, vector<16xf32>,
        %mul3A_1757 = arith.mulf %get3A_121, %get3A_1756 : vector<16xf32>
        %add3A_1758 = arith.addf %add3A_1752, %mul3A_1757 : vector<16xf32>
        %get3A_1759 = arith.index_cast %rem3A_66 : i32 to index
        %get3A_1760 = arith.index_cast %add3A_1711 : i32 to index
        %get3A_1761 = arith.constant 128 : index
        %get3A_1762 = tpu.vector_load %arg9[%get3A_1759, %get3A_1760, %get3A_1761] {strides = array<i32>} : memref<3x128x256xf32, #tpu.memory_space<vmem>>, vector<16xf32>,
        %mul3A_1763 = arith.mulf %get3A_125, %get3A_1762 : vector<16xf32>
        %add3A_1764 = arith.addf %add3A_1758, %mul3A_1763 : vector<16xf32>
        %get3A_1765 = arith.index_cast %rem3A_66 : i32 to index
        %get3A_1766 = arith.index_cast %add3A_1711 : i32 to index
        %get3A_1767 = arith.constant 144 : index
        %get3A_1768 = tpu.vector_load %arg9[%get3A_1765, %get3A_1766, %get3A_1767] {strides = array<i32>} : memref<3x128x256xf32, #tpu.memory_space<vmem>>, vector<16xf32>,
        %mul3A_1769 = arith.mulf %get3A_129, %get3A_1768 : vector<16xf32>
        %add3A_1770 = arith.addf %add3A_1764, %mul3A_1769 : vector<16xf32>
        %get3A_1771 = arith.index_cast %rem3A_66 : i32 to index
        %get3A_1772 = arith.index_cast %add3A_1711 : i32 to index
        %get3A_1773 = arith.constant 160 : index
        %get3A_1774 = tpu.vector_load %arg9[%get3A_1771, %get3A_1772, %get3A_1773] {strides = array<i32>} : memref<3x128x256xf32, #tpu.memory_space<vmem>>, vector<16xf32>,
        %mul3A_1775 = arith.mulf %get3A_133, %get3A_1774 : vector<16xf32>
        %add3A_1776 = arith.addf %add3A_1770, %mul3A_1775 : vector<16xf32>
        %get3A_1777 = arith.index_cast %rem3A_66 : i32 to index
        %get3A_1778 = arith.index_cast %add3A_1711 : i32 to index
        %get3A_1779 = arith.constant 176 : index
        %get3A_1780 = tpu.vector_load %arg9[%get3A_1777, %get3A_1778, %get3A_1779] {strides = array<i32>} : memref<3x128x256xf32, #tpu.memory_space<vmem>>, vector<16xf32>,
        %mul3A_1781 = arith.mulf %get3A_137, %get3A_1780 : vector<16xf32>
        %add3A_1782 = arith.addf %add3A_1776, %mul3A_1781 : vector<16xf32>
        %get3A_1783 = arith.index_cast %rem3A_66 : i32 to index
        %get3A_1784 = arith.index_cast %add3A_1711 : i32 to index
        %get3A_1785 = arith.constant 192 : index
        %get3A_1786 = tpu.vector_load %arg9[%get3A_1783, %get3A_1784, %get3A_1785] {strides = array<i32>} : memref<3x128x256xf32, #tpu.memory_space<vmem>>, vector<16xf32>,
        %mul3A_1787 = arith.mulf %get3A_141, %get3A_1786 : vector<16xf32>
        %add3A_1788 = arith.addf %add3A_1782, %mul3A_1787 : vector<16xf32>
        %get3A_1789 = arith.index_cast %rem3A_66 : i32 to index
        %get3A_1790 = arith.index_cast %add3A_1711 : i32 to index
        %get3A_1791 = arith.constant 208 : index
        %get3A_1792 = tpu.vector_load %arg9[%get3A_1789, %get3A_1790, %get3A_1791] {strides = array<i32>} : memref<3x128x256xf32, #tpu.memory_space<vmem>>, vector<16xf32>,
        %mul3A_1793 = arith.mulf %get3A_145, %get3A_1792 : vector<16xf32>
        %add3A_1794 = arith.addf %add3A_1788, %mul3A_1793 : vector<16xf32>
        %get3A_1795 = arith.index_cast %rem3A_66 : i32 to index
        %get3A_1796 = arith.index_cast %add3A_1711 : i32 to index
        %get3A_1797 = arith.constant 224 : index
        %get3A_1798 = tpu.vector_load %arg9[%get3A_1795, %get3A_1796, %get3A_1797] {strides = array<i32>} : memref<3x128x256xf32, #tpu.memory_space<vmem>>, vector<16xf32>,
        %mul3A_1799 = arith.mulf %get3A_149, %get3A_1798 : vector<16xf32>
        %add3A_1800 = arith.addf %add3A_1794, %mul3A_1799 : vector<16xf32>
        %get3A_1801 = arith.index_cast %rem3A_66 : i32 to index
        %get3A_1802 = arith.index_cast %add3A_1711 : i32 to index
        %get3A_1803 = arith.constant 240 : index
        %get3A_1804 = tpu.vector_load %arg9[%get3A_1801, %get3A_1802, %get3A_1803] {strides = array<i32>} : memref<3x128x256xf32, #tpu.memory_space<vmem>>, vector<16xf32>,
        %mul3A_1805 = arith.mulf %get3A_153, %get3A_1804 : vector<16xf32>
        %add3A_1806 = arith.addf %add3A_1800, %mul3A_1805 : vector<16xf32>
        %reduce_sum3A_1807 = arith.constant true
        %reduce_sum3A_1808 = vector.broadcast %reduce_sum3A_1807 : i1 to vector<16xi1>
        %reduce_sum3A_1809 = tpu.scan <sum>, %add3A_1806 masked %reduce_sum3A_1808 : vector<16xf32>, vector<16xi1> -> vector<16xf32>
        %reduce_sum3A_1810 = vector.extract %reduce_sum3A_1809[15] : f32 from vector<16xf32>
        %eq3A_1811 = arith.constant 14 : i32
        %eq3A_1812 = vector.broadcast %eq3A_1811 : i32 to vector<16xi32>
        %eq3A_1813 = arith.cmpi eq, %iota3A, %eq3A_1812 : vector<16xi32>
        %broadcast_in_dim3A_1814 = vector.broadcast %reduce_sum3A_1810 : f32 to vector<16xf32>
        %select_n3A_1815 = arith.select %eq3A_1813, %broadcast_in_dim3A_1814, %select_n3A_1707 : vector<16xi1>, vector<16xf32>
        %mul3A_1816 = arith.constant 16 : i32
        %mul3A_1817 = arith.muli %scan3A_192, %mul3A_1816 : i32
        %add3A_1818 = arith.constant 15 : i32
        %add3A_1819 = arith.addi %mul3A_1817, %add3A_1818 : i32
        %get3A_1820 = arith.index_cast %rem3A_66 : i32 to index
        %get3A_1821 = arith.index_cast %add3A_1819 : i32 to index
        %get3A_1822 = arith.constant 0 : index
        %get3A_1823 = tpu.vector_load %arg9[%get3A_1820, %get3A_1821, %get3A_1822] {strides = array<i32>} : memref<3x128x256xf32, #tpu.memory_space<vmem>>, vector<16xf32>,
        %mul3A_1824 = arith.mulf %get3A_93, %get3A_1823 : vector<16xf32>
        %get3A_1825 = arith.index_cast %rem3A_66 : i32 to index
        %get3A_1826 = arith.index_cast %add3A_1819 : i32 to index
        %get3A_1827 = arith.constant 16 : index
        %get3A_1828 = tpu.vector_load %arg9[%get3A_1825, %get3A_1826, %get3A_1827] {strides = array<i32>} : memref<3x128x256xf32, #tpu.memory_space<vmem>>, vector<16xf32>,
        %mul3A_1829 = arith.mulf %get3A_97, %get3A_1828 : vector<16xf32>
        %add3A_1830 = arith.addf %mul3A_1824, %mul3A_1829 : vector<16xf32>
        %get3A_1831 = arith.index_cast %rem3A_66 : i32 to index
        %get3A_1832 = arith.index_cast %add3A_1819 : i32 to index
        %get3A_1833 = arith.constant 32 : index
        %get3A_1834 = tpu.vector_load %arg9[%get3A_1831, %get3A_1832, %get3A_1833] {strides = array<i32>} : memref<3x128x256xf32, #tpu.memory_space<vmem>>, vector<16xf32>,
        %mul3A_1835 = arith.mulf %get3A_101, %get3A_1834 : vector<16xf32>
        %add3A_1836 = arith.addf %add3A_1830, %mul3A_1835 : vector<16xf32>
        %get3A_1837 = arith.index_cast %rem3A_66 : i32 to index
        %get3A_1838 = arith.index_cast %add3A_1819 : i32 to index
        %get3A_1839 = arith.constant 48 : index
        %get3A_1840 = tpu.vector_load %arg9[%get3A_1837, %get3A_1838, %get3A_1839] {strides = array<i32>} : memref<3x128x256xf32, #tpu.memory_space<vmem>>, vector<16xf32>,
        %mul3A_1841 = arith.mulf %get3A_105, %get3A_1840 : vector<16xf32>
        %add3A_1842 = arith.addf %add3A_1836, %mul3A_1841 : vector<16xf32>
        %get3A_1843 = arith.index_cast %rem3A_66 : i32 to index
        %get3A_1844 = arith.index_cast %add3A_1819 : i32 to index
        %get3A_1845 = arith.constant 64 : index
        %get3A_1846 = tpu.vector_load %arg9[%get3A_1843, %get3A_1844, %get3A_1845] {strides = array<i32>} : memref<3x128x256xf32, #tpu.memory_space<vmem>>, vector<16xf32>,
        %mul3A_1847 = arith.mulf %get3A_109, %get3A_1846 : vector<16xf32>
        %add3A_1848 = arith.addf %add3A_1842, %mul3A_1847 : vector<16xf32>
        %get3A_1849 = arith.index_cast %rem3A_66 : i32 to index
        %get3A_1850 = arith.index_cast %add3A_1819 : i32 to index
        %get3A_1851 = arith.constant 80 : index
        %get3A_1852 = tpu.vector_load %arg9[%get3A_1849, %get3A_1850, %get3A_1851] {strides = array<i32>} : memref<3x128x256xf32, #tpu.memory_space<vmem>>, vector<16xf32>,
        %mul3A_1853 = arith.mulf %get3A_113, %get3A_1852 : vector<16xf32>
        %add3A_1854 = arith.addf %add3A_1848, %mul3A_1853 : vector<16xf32>
        %get3A_1855 = arith.index_cast %rem3A_66 : i32 to index
        %get3A_1856 = arith.index_cast %add3A_1819 : i32 to index
        %get3A_1857 = arith.constant 96 : index
        %get3A_1858 = tpu.vector_load %arg9[%get3A_1855, %get3A_1856, %get3A_1857] {strides = array<i32>} : memref<3x128x256xf32, #tpu.memory_space<vmem>>, vector<16xf32>,
        %mul3A_1859 = arith.mulf %get3A_117, %get3A_1858 : vector<16xf32>
        %add3A_1860 = arith.addf %add3A_1854, %mul3A_1859 : vector<16xf32>
        %get3A_1861 = arith.index_cast %rem3A_66 : i32 to index
        %get3A_1862 = arith.index_cast %add3A_1819 : i32 to index
        %get3A_1863 = arith.constant 112 : index
        %get3A_1864 = tpu.vector_load %arg9[%get3A_1861, %get3A_1862, %get3A_1863] {strides = array<i32>} : memref<3x128x256xf32, #tpu.memory_space<vmem>>, vector<16xf32>,
        %mul3A_1865 = arith.mulf %get3A_121, %get3A_1864 : vector<16xf32>
        %add3A_1866 = arith.addf %add3A_1860, %mul3A_1865 : vector<16xf32>
        %get3A_1867 = arith.index_cast %rem3A_66 : i32 to index
        %get3A_1868 = arith.index_cast %add3A_1819 : i32 to index
        %get3A_1869 = arith.constant 128 : index
        %get3A_1870 = tpu.vector_load %arg9[%get3A_1867, %get3A_1868, %get3A_1869] {strides = array<i32>} : memref<3x128x256xf32, #tpu.memory_space<vmem>>, vector<16xf32>,
        %mul3A_1871 = arith.mulf %get3A_125, %get3A_1870 : vector<16xf32>
        %add3A_1872 = arith.addf %add3A_1866, %mul3A_1871 : vector<16xf32>
        %get3A_1873 = arith.index_cast %rem3A_66 : i32 to index
        %get3A_1874 = arith.index_cast %add3A_1819 : i32 to index
        %get3A_1875 = arith.constant 144 : index
        %get3A_1876 = tpu.vector_load %arg9[%get3A_1873, %get3A_1874, %get3A_1875] {strides = array<i32>} : memref<3x128x256xf32, #tpu.memory_space<vmem>>, vector<16xf32>,
        %mul3A_1877 = arith.mulf %get3A_129, %get3A_1876 : vector<16xf32>
        %add3A_1878 = arith.addf %add3A_1872, %mul3A_1877 : vector<16xf32>
        %get3A_1879 = arith.index_cast %rem3A_66 : i32 to index
        %get3A_1880 = arith.index_cast %add3A_1819 : i32 to index
        %get3A_1881 = arith.constant 160 : index
        %get3A_1882 = tpu.vector_load %arg9[%get3A_1879, %get3A_1880, %get3A_1881] {strides = array<i32>} : memref<3x128x256xf32, #tpu.memory_space<vmem>>, vector<16xf32>,
        %mul3A_1883 = arith.mulf %get3A_133, %get3A_1882 : vector<16xf32>
        %add3A_1884 = arith.addf %add3A_1878, %mul3A_1883 : vector<16xf32>
        %get3A_1885 = arith.index_cast %rem3A_66 : i32 to index
        %get3A_1886 = arith.index_cast %add3A_1819 : i32 to index
        %get3A_1887 = arith.constant 176 : index
        %get3A_1888 = tpu.vector_load %arg9[%get3A_1885, %get3A_1886, %get3A_1887] {strides = array<i32>} : memref<3x128x256xf32, #tpu.memory_space<vmem>>, vector<16xf32>,
        %mul3A_1889 = arith.mulf %get3A_137, %get3A_1888 : vector<16xf32>
        %add3A_1890 = arith.addf %add3A_1884, %mul3A_1889 : vector<16xf32>
        %get3A_1891 = arith.index_cast %rem3A_66 : i32 to index
        %get3A_1892 = arith.index_cast %add3A_1819 : i32 to index
        %get3A_1893 = arith.constant 192 : index
        %get3A_1894 = tpu.vector_load %arg9[%get3A_1891, %get3A_1892, %get3A_1893] {strides = array<i32>} : memref<3x128x256xf32, #tpu.memory_space<vmem>>, vector<16xf32>,
        %mul3A_1895 = arith.mulf %get3A_141, %get3A_1894 : vector<16xf32>
        %add3A_1896 = arith.addf %add3A_1890, %mul3A_1895 : vector<16xf32>
        %get3A_1897 = arith.index_cast %rem3A_66 : i32 to index
        %get3A_1898 = arith.index_cast %add3A_1819 : i32 to index
        %get3A_1899 = arith.constant 208 : index
        %get3A_1900 = tpu.vector_load %arg9[%get3A_1897, %get3A_1898, %get3A_1899] {strides = array<i32>} : memref<3x128x256xf32, #tpu.memory_space<vmem>>, vector<16xf32>,
        %mul3A_1901 = arith.mulf %get3A_145, %get3A_1900 : vector<16xf32>
        %add3A_1902 = arith.addf %add3A_1896, %mul3A_1901 : vector<16xf32>
        %get3A_1903 = arith.index_cast %rem3A_66 : i32 to index
        %get3A_1904 = arith.index_cast %add3A_1819 : i32 to index
        %get3A_1905 = arith.constant 224 : index
        %get3A_1906 = tpu.vector_load %arg9[%get3A_1903, %get3A_1904, %get3A_1905] {strides = array<i32>} : memref<3x128x256xf32, #tpu.memory_space<vmem>>, vector<16xf32>,
        %mul3A_1907 = arith.mulf %get3A_149, %get3A_1906 : vector<16xf32>
        %add3A_1908 = arith.addf %add3A_1902, %mul3A_1907 : vector<16xf32>
        %get3A_1909 = arith.index_cast %rem3A_66 : i32 to index
        %get3A_1910 = arith.index_cast %add3A_1819 : i32 to index
        %get3A_1911 = arith.constant 240 : index
        %get3A_1912 = tpu.vector_load %arg9[%get3A_1909, %get3A_1910, %get3A_1911] {strides = array<i32>} : memref<3x128x256xf32, #tpu.memory_space<vmem>>, vector<16xf32>,
        %mul3A_1913 = arith.mulf %get3A_153, %get3A_1912 : vector<16xf32>
        %add3A_1914 = arith.addf %add3A_1908, %mul3A_1913 : vector<16xf32>
        %reduce_sum3A_1915 = arith.constant true
        %reduce_sum3A_1916 = vector.broadcast %reduce_sum3A_1915 : i1 to vector<16xi1>
        %reduce_sum3A_1917 = tpu.scan <sum>, %add3A_1914 masked %reduce_sum3A_1916 : vector<16xf32>, vector<16xi1> -> vector<16xf32>
        %reduce_sum3A_1918 = vector.extract %reduce_sum3A_1917[15] : f32 from vector<16xf32>
        %eq3A_1919 = arith.constant 15 : i32
        %eq3A_1920 = vector.broadcast %eq3A_1919 : i32 to vector<16xi32>
        %eq3A_1921 = arith.cmpi eq, %iota3A, %eq3A_1920 : vector<16xi32>
        %broadcast_in_dim3A_1922 = vector.broadcast %reduce_sum3A_1918 : f32 to vector<16xf32>
        %select_n3A_1923 = arith.select %eq3A_1921, %broadcast_in_dim3A_1922, %select_n3A_1815 : vector<16xi1>, vector<16xf32>
        %rem3A_1924 = arith.constant 16 : i32
        %rem3A_1925 = arith.remsi %scan3A_65, %rem3A_1924 : i32
        %mul3A_1926 = arith.constant 16 : i32
        %mul3A_1927 = arith.muli %scan3A_192, %mul3A_1926 : i32
        %swap3A_1928 = arith.index_cast %rem3A_1925 : i32 to index
        %swap3A_1929 = arith.index_cast %mul3A_1927 : i32 to index
        %swap3A_1930 = tpu.vector_load %arg10[%swap3A_1928, %swap3A_1929] {strides = array<i32>} : memref<16x128xf32, #tpu.memory_space<vmem>>, vector<16xf32>,
        tpu.vector_store %arg10[%swap3A_1928, %swap3A_1929], %select_n3A_1923 {strides = array<i32>} : memref<16x128xf32, #tpu.memory_space<vmem>>, vector<16xf32>,
        %gt3A = arith.cmpf ogt, %select_n3A_1923, %scan3A_193 : vector<16xf32>
        %select_n3A_1931 = arith.select %gt3A, %select_n3A_1923, %scan3A_193 : vector<16xi1>, vector<16xf32>
        %mul3A_1932 = arith.constant 16 : i32
        %mul3A_1933 = arith.muli %scan3A_192, %mul3A_1932 : i32
        %add3A_1934 = vector.broadcast %mul3A_1933 : i32 to vector<16xi32>
        %add3A_1935 = arith.addi %add3A_1934, %iota3A : vector<16xi32>
        %select_n3A_1936 = arith.select %gt3A, %add3A_1935, %scan3A_194 : vector<16xi1>, vector<16xi32>
        scf.yield %select_n3A_1931, %select_n3A_1936 : vector<16xf32>, vector<16xi32>
      }
      %scan3A_162 = arith.constant 8 : i32
      %reduce_max3A = arith.constant true
      %reduce_max3A_163 = vector.broadcast %reduce_max3A : i1 to vector<16xi1>
      %reduce_max3A_164 = tpu.scan <max>, %scan3A_161#0 masked %reduce_max3A_163 : vector<16xf32>, vector<16xi1> -> vector<16xf32>
      %reduce_max3A_165 = vector.extract %reduce_max3A_164[15] : f32 from vector<16xf32>
      %eq3A_166 = vector.broadcast %reduce_max3A_165 : f32 to vector<16xf32>
      %eq3A_167 = arith.cmpf oeq, %scan3A_161#0, %eq3A_166 : vector<16xf32>
      %jit3A = arith.constant 128 : i32
      %broadcast_in_dim3A_168 = vector.broadcast %jit3A : i32 to vector<16xi32>
      %select_n3A = arith.select %eq3A_167, %scan3A_161#1, %broadcast_in_dim3A_168 : vector<16xi1>, vector<16xi32>
      %reduce_min3A = arith.constant true
      %reduce_min3A_169 = vector.broadcast %reduce_min3A : i1 to vector<16xi1>
      %reduce_min3A_170 = arith.constant -2147483648 : i32
      %reduce_min3A_171 = vector.broadcast %reduce_min3A_170 : i32 to vector<16xi32>
      %reduce_min3A_172 = arith.xori %select_n3A, %reduce_min3A_171 : vector<16xi32>
      %reduce_min3A_173 = tpu.scan <min>, %reduce_min3A_172 masked %reduce_min3A_169 : vector<16xi32>, vector<16xi1> -> vector<16xi32>
      %reduce_min3A_174 = arith.xori %reduce_min3A_173, %reduce_min3A_171 : vector<16xi32>
      %reduce_min3A_175 = vector.extract %reduce_min3A_174[15] : i32 from vector<16xi32>
      %broadcast_in_dim3A_176 = vector.broadcast %reduce_min3A_175 : i32 to vector<16xi32>
      %swap3A = arith.index_cast %scan3A_65 : i32 to index
      %swap3A_177 = arith.constant 0 : index
      %swap3A_178 = tpu.vector_load %arg11[%swap3A, %swap3A_177] {strides = array<i32>} : memref<64x16xi32, #tpu.memory_space<vmem>>, vector<16xi32>,
      tpu.vector_store %arg11[%swap3A, %swap3A_177], %broadcast_in_dim3A_176 {strides = array<i32>} : memref<64x16xi32, #tpu.memory_space<vmem>>, vector<16xi32>,
      %rem3A_179 = arith.constant 16 : i32
      %rem3A_180 = arith.remsi %scan3A_65, %rem3A_179 : i32
      %eq3A_181 = arith.constant 15 : i32
      %eq3A_182 = arith.cmpi eq, %rem3A_180, %eq3A_181 : i32
      %convert_element_type3A_183 = arith.extui %eq3A_182 : i1 to i32
      %cond3A_184 = arith.constant 0 : i32
      %cond3A_185 = arith.cmpi ne, %convert_element_type3A_183, %cond3A_184 : i32
      scf.if %cond3A_185 {
        %sub3A = arith.constant 15 : i32
        %sub3A_192 = arith.subi %scan3A_65, %sub3A : i32
        %add3A_193 = arith.addi %mul3A_2, %sub3A_192 : i32
        %multiple_of3A_194 = tpu.assume_multiple %add3A_193, 8 : i32
        "tpu.region"() ({
          %run_scoped3A = tpu.sem_alloc : memref<!tpu.dma_semaphore, #tpu.memory_space<semaphore_mem>>
          %dma_start3A_195 = arith.constant 0 : i32
          %dma_start3A_196 = tpu.memref_slice %arg5[%multiple_of3A_194, %dma_start3A_195] : memref<2048x128xf32, #tpu.memory_space<hbm>> -> memref<16x128xf32, #tpu.memory_space<hbm>>
          %dma_start3A_197 = arith.constant 0 : i32
          %dma_start3A_198 = tpu.memref_slice %arg5[%multiple_of3A_194, %dma_start3A_197] : memref<2048x128xf32, #tpu.memory_space<hbm>> -> memref<16x128xf32, #tpu.memory_space<hbm>>
          tpu.enqueue_dma source(%arg10 : memref<16x128xf32, #tpu.memory_space<vmem>>) target(%dma_start3A_198 : memref<16x128xf32, #tpu.memory_space<hbm>>) target_semaphore(%run_scoped3A : memref<!tpu.dma_semaphore, #tpu.memory_space<semaphore_mem>>)
          %dma_wait3A_199 = arith.constant 0 : i32
          %dma_wait3A_200 = tpu.memref_slice %arg5[%multiple_of3A_194, %dma_wait3A_199] : memref<2048x128xf32, #tpu.memory_space<hbm>> -> memref<16x128xf32, #tpu.memory_space<hbm>>
          %dma_wait3A_201 = arith.constant 0 : i32
          %dma_wait3A_202 = tpu.memref_slice %arg5[%multiple_of3A_194, %dma_wait3A_201] : memref<2048x128xf32, #tpu.memory_space<hbm>> -> memref<16x128xf32, #tpu.memory_space<hbm>>
          tpu.wait_dma2 semaphore(%run_scoped3A : memref<!tpu.dma_semaphore, #tpu.memory_space<semaphore_mem>>) src(%arg10 : memref<16x128xf32, #tpu.memory_space<vmem>>) dst(%dma_wait3A_202 : memref<16x128xf32, #tpu.memory_space<hbm>>)
          tpu.yield
        }) : () -> ()
      } else {
      }
      %add3A_186 = arith.constant 3 : i32
      %add3A_187 = arith.addi %scan3A_65, %add3A_186 : i32
      %lt3A = arith.constant 64 : i32
      %lt3A_188 = arith.cmpi slt, %add3A_187, %lt3A : i32
      %convert_element_type3A_189 = arith.extui %lt3A_188 : i1 to i32
      %cond3A_190 = arith.constant 0 : i32
      %cond3A_191 = arith.cmpi ne, %convert_element_type3A_189, %cond3A_190 : i32
      scf.if %cond3A_191 {
        %eq3A_192 = arith.constant 0 : i32
        %eq3A_193 = arith.cmpi eq, %rem3A_66, %eq3A_192 : i32
        %convert_element_type3A_194 = arith.extui %eq3A_193 : i1 to i32
        %cond3A_195 = arith.constant 0 : i32
        %cond3A_196 = arith.cmpi ne, %convert_element_type3A_194, %cond3A_195 : i32
        scf.if %cond3A_196 {
          %add3A_207 = arith.constant 3 : i32
          %add3A_208 = arith.addi %scan3A_65, %add3A_207 : i32
          %dma_start3A_209 = arith.constant 0 : i32
          %dma_start3A_210 = arith.constant 0 : i32
          %dma_start3A_211 = arith.constant 0 : i32
          %dma_start3A_212 = tpu.memref_slice %arg9[%dma_start3A_209, %dma_start3A_210, %dma_start3A_211] : memref<3x128x256xf32, #tpu.memory_space<vmem>> -> memref<1x128x256xf32, #tpu.memory_space<vmem>>
          %dma_start3A_213 = tpu.memref_squeeze %dma_start3A_212 : memref<1x128x256xf32, #tpu.memory_space<vmem>> -> memref<128x256xf32, #tpu.memory_space<vmem>>
          %dma_start3A_214 = arith.constant 0 : i32
          %dma_start3A_215 = tpu.memref_slice %arg7[%add3A_208, %dma_start3A_214] : memref<64x128xi32, #tpu.memory_space<vmem>> -> memref<1x128xi32, #tpu.memory_space<vmem>>
          %dma_start3A_216 = tpu.memref_squeeze %dma_start3A_215 : memref<1x128xi32, #tpu.memory_space<vmem>> -> memref<128xi32, #tpu.memory_space<vmem>>
          %dma_start3A_217 = arith.constant 0 : i32
          %dma_start3A_218 = arith.constant 0 : i32
          %dma_start3A_219 = tpu.memref_slice %arg2[%dma_start3A_217, %dma_start3A_218] : memref<100000x256xf32, #tpu.memory_space<hbm>> -> memref<100000x256xf32, #tpu.memory_space<hbm>>
          tpu.enqueue_indirect_dma source(%dma_start3A_219 : memref<100000x256xf32, #tpu.memory_space<hbm>>) target(%dma_start3A_213 : memref<128x256xf32, #tpu.memory_space<vmem>>) offsets(%dma_start3A_216 : memref<128xi32, #tpu.memory_space<vmem>>) semaphore(%arg14 : memref<!tpu.dma_semaphore, #tpu.memory_space<semaphore_mem>>)
        } else {
        }
        %eq3A_197 = arith.constant 1 : i32
        %eq3A_198 = arith.cmpi eq, %rem3A_66, %eq3A_197 : i32
        %convert_element_type3A_199 = arith.extui %eq3A_198 : i1 to i32
        %cond3A_200 = arith.constant 0 : i32
        %cond3A_201 = arith.cmpi ne, %convert_element_type3A_199, %cond3A_200 : i32
        scf.if %cond3A_201 {
          %add3A_207 = arith.constant 3 : i32
          %add3A_208 = arith.addi %scan3A_65, %add3A_207 : i32
          %dma_start3A_209 = arith.constant 1 : i32
          %dma_start3A_210 = arith.constant 0 : i32
          %dma_start3A_211 = arith.constant 0 : i32
          %dma_start3A_212 = tpu.memref_slice %arg9[%dma_start3A_209, %dma_start3A_210, %dma_start3A_211] : memref<3x128x256xf32, #tpu.memory_space<vmem>> -> memref<1x128x256xf32, #tpu.memory_space<vmem>>
          %dma_start3A_213 = tpu.memref_squeeze %dma_start3A_212 : memref<1x128x256xf32, #tpu.memory_space<vmem>> -> memref<128x256xf32, #tpu.memory_space<vmem>>
          %dma_start3A_214 = arith.constant 0 : i32
          %dma_start3A_215 = tpu.memref_slice %arg7[%add3A_208, %dma_start3A_214] : memref<64x128xi32, #tpu.memory_space<vmem>> -> memref<1x128xi32, #tpu.memory_space<vmem>>
          %dma_start3A_216 = tpu.memref_squeeze %dma_start3A_215 : memref<1x128xi32, #tpu.memory_space<vmem>> -> memref<128xi32, #tpu.memory_space<vmem>>
          %dma_start3A_217 = arith.constant 0 : i32
          %dma_start3A_218 = arith.constant 0 : i32
          %dma_start3A_219 = tpu.memref_slice %arg2[%dma_start3A_217, %dma_start3A_218] : memref<100000x256xf32, #tpu.memory_space<hbm>> -> memref<100000x256xf32, #tpu.memory_space<hbm>>
          tpu.enqueue_indirect_dma source(%dma_start3A_219 : memref<100000x256xf32, #tpu.memory_space<hbm>>) target(%dma_start3A_213 : memref<128x256xf32, #tpu.memory_space<vmem>>) offsets(%dma_start3A_216 : memref<128xi32, #tpu.memory_space<vmem>>) semaphore(%arg15 : memref<!tpu.dma_semaphore, #tpu.memory_space<semaphore_mem>>)
        } else {
        }
        %eq3A_202 = arith.constant 2 : i32
        %eq3A_203 = arith.cmpi eq, %rem3A_66, %eq3A_202 : i32
        %convert_element_type3A_204 = arith.extui %eq3A_203 : i1 to i32
        %cond3A_205 = arith.constant 0 : i32
        %cond3A_206 = arith.cmpi ne, %convert_element_type3A_204, %cond3A_205 : i32
        scf.if %cond3A_206 {
          %add3A_207 = arith.constant 3 : i32
          %add3A_208 = arith.addi %scan3A_65, %add3A_207 : i32
          %dma_start3A_209 = arith.constant 2 : i32
          %dma_start3A_210 = arith.constant 0 : i32
          %dma_start3A_211 = arith.constant 0 : i32
          %dma_start3A_212 = tpu.memref_slice %arg9[%dma_start3A_209, %dma_start3A_210, %dma_start3A_211] : memref<3x128x256xf32, #tpu.memory_space<vmem>> -> memref<1x128x256xf32, #tpu.memory_space<vmem>>
          %dma_start3A_213 = tpu.memref_squeeze %dma_start3A_212 : memref<1x128x256xf32, #tpu.memory_space<vmem>> -> memref<128x256xf32, #tpu.memory_space<vmem>>
          %dma_start3A_214 = arith.constant 0 : i32
          %dma_start3A_215 = tpu.memref_slice %arg7[%add3A_208, %dma_start3A_214] : memref<64x128xi32, #tpu.memory_space<vmem>> -> memref<1x128xi32, #tpu.memory_space<vmem>>
          %dma_start3A_216 = tpu.memref_squeeze %dma_start3A_215 : memref<1x128xi32, #tpu.memory_space<vmem>> -> memref<128xi32, #tpu.memory_space<vmem>>
          %dma_start3A_217 = arith.constant 0 : i32
          %dma_start3A_218 = arith.constant 0 : i32
          %dma_start3A_219 = tpu.memref_slice %arg2[%dma_start3A_217, %dma_start3A_218] : memref<100000x256xf32, #tpu.memory_space<hbm>> -> memref<100000x256xf32, #tpu.memory_space<hbm>>
          tpu.enqueue_indirect_dma source(%dma_start3A_219 : memref<100000x256xf32, #tpu.memory_space<hbm>>) target(%dma_start3A_213 : memref<128x256xf32, #tpu.memory_space<vmem>>) offsets(%dma_start3A_216 : memref<128xi32, #tpu.memory_space<vmem>>) semaphore(%arg16 : memref<!tpu.dma_semaphore, #tpu.memory_space<semaphore_mem>>)
        } else {
        }
      } else {
      }
    }
    %scan3A_64 = arith.constant 64 : i32
    "tpu.region"() ({
      %run_scoped3A = tpu.sem_alloc : memref<!tpu.dma_semaphore, #tpu.memory_space<semaphore_mem>>
      %dma_start3A_65 = arith.constant 0 : i32
      %dma_start3A_66 = tpu.memref_slice %arg6[%mul3A_2, %dma_start3A_65] : memref<2048x16xi32, #tpu.memory_space<hbm>> -> memref<64x16xi32, #tpu.memory_space<hbm>>
      %dma_start3A_67 = arith.constant 0 : i32
      %dma_start3A_68 = tpu.memref_slice %arg6[%mul3A_2, %dma_start3A_67] : memref<2048x16xi32, #tpu.memory_space<hbm>> -> memref<64x16xi32, #tpu.memory_space<hbm>>
      tpu.enqueue_dma source(%arg11 : memref<64x16xi32, #tpu.memory_space<vmem>>) target(%dma_start3A_68 : memref<64x16xi32, #tpu.memory_space<hbm>>) target_semaphore(%run_scoped3A : memref<!tpu.dma_semaphore, #tpu.memory_space<semaphore_mem>>)
      %dma_wait3A_69 = arith.constant 0 : i32
      %dma_wait3A_70 = tpu.memref_slice %arg6[%mul3A_2, %dma_wait3A_69] : memref<2048x16xi32, #tpu.memory_space<hbm>> -> memref<64x16xi32, #tpu.memory_space<hbm>>
      %dma_wait3A_71 = arith.constant 0 : i32
      %dma_wait3A_72 = tpu.memref_slice %arg6[%mul3A_2, %dma_wait3A_71] : memref<2048x16xi32, #tpu.memory_space<hbm>> -> memref<64x16xi32, #tpu.memory_space<hbm>>
      tpu.wait_dma2 semaphore(%run_scoped3A : memref<!tpu.dma_semaphore, #tpu.memory_space<semaphore_mem>>) src(%arg11 : memref<64x16xi32, #tpu.memory_space<vmem>>) dst(%dma_wait3A_72 : memref<64x16xi32, #tpu.memory_space<hbm>>)
      tpu.yield
    }) : () -> ()
    return
  }
}

module attributes {stable_mosaic.version = 14 : i64} {
  func.func @_tc_transform_body(%arg0: i32, %arg1: memref<4000x256xf32, #tpu.memory_space<vmem>>, %arg2: memref<256x256xf32, #tpu.memory_space<vmem>>, %arg3: memref<1x256xf32, #tpu.memory_space<vmem>>, %arg4: memref<2048x256xf32, #tpu.memory_space<vmem>>, %arg5: memref<256x256xf32, #tpu.memory_space<vmem>>, %arg6: memref<1x256xf32, #tpu.memory_space<vmem>>, %arg7: memref<4000x256xf32, #tpu.memory_space<vmem>>, %arg8: memref<2048x256xf32, #tpu.memory_space<vmem>>) attributes {dimension_semantics = [#tpu.dimension_semantics<arbitrary>], iteration_bounds = array<i64: 25>, scalar_prefetch = 0 : i64, scratch_operands = 0 : i64, tpu.core_type = #tpu.core_type<tc>, window_params = [{transform_indices = @transform_0, window_bounds = array<i64: 4000, 256>}, {pipeline_mode = #tpu.pipeline_mode<synchronous>, transform_indices = @transform_1, window_bounds = array<i64: 256, 256>}, {pipeline_mode = #tpu.pipeline_mode<synchronous>, transform_indices = @transform_2, window_bounds = array<i64: 1, 256>}, {pipeline_mode = #tpu.pipeline_mode<synchronous>, transform_indices = @transform_3, window_bounds = array<i64: 2048, 256>}, {pipeline_mode = #tpu.pipeline_mode<synchronous>, transform_indices = @transform_4, window_bounds = array<i64: 256, 256>}, {pipeline_mode = #tpu.pipeline_mode<synchronous>, transform_indices = @transform_5, window_bounds = array<i64: 1, 256>}, {transform_indices = @transform_6, window_bounds = array<i64: 4000, 256>}, {pipeline_mode = #tpu.pipeline_mode<synchronous>, transform_indices = @transform_7, window_bounds = array<i64: 2048, 256>}]} {
    %get3A = arith.constant 0 : index
    %get3A_0 = arith.constant 0 : index
    %get3A_1 = vector.load %arg1[%get3A, %get3A_0] : memref<4000x256xf32, #tpu.memory_space<vmem>>, vector<4000x256xf32>
    %get3A_2 = arith.constant 0 : index
    %get3A_3 = arith.constant 0 : index
    %get3A_4 = vector.load %arg2[%get3A_2, %get3A_3] : memref<256x256xf32, #tpu.memory_space<vmem>>, vector<256x256xf32>
    %dot_general3A = arith.constant dense<0.000000e+00> : vector<4000x256xf32>
    %dot_general3A_5 = tpu.matmul %get3A_1, %get3A_4, %dot_general3A {dimension_numbers = #tpu.dot_dimension_numbers<[1], [0], [0], [1], [0, 0, 1, 1], [], []>, transpose_lhs_hint = false} : vector<4000x256xf32>, vector<256x256xf32>, vector<4000x256xf32> -> vector<4000x256xf32>
    %get3A_6 = arith.constant 0 : index
    %get3A_7 = arith.constant 0 : index
    %get3A_8 = vector.load %arg3[%get3A_6, %get3A_7] : memref<1x256xf32, #tpu.memory_space<vmem>>, vector<1x256xf32>
    %add3A = vector.broadcast %get3A_8 : vector<1x256xf32> to vector<4000x256xf32>
    %add3A_9 = arith.addf %dot_general3A_5, %add3A : vector<4000x256xf32>
    %max3A = arith.constant 0.000000e+00 : f32
    %max3A_10 = vector.broadcast %max3A : f32 to vector<4000x256xf32>
    %max3A_11 = arith.maximumf %add3A_9, %max3A_10 : vector<4000x256xf32>
    %swap3A = arith.constant 0 : index
    %swap3A_12 = arith.constant 0 : index
    %swap3A_13 = vector.load %arg7[%swap3A, %swap3A_12] : memref<4000x256xf32, #tpu.memory_space<vmem>>, vector<4000x256xf32>
    tpu.vector_store %arg7[%swap3A, %swap3A_12], %max3A_11 {strides = array<i32>} : memref<4000x256xf32, #tpu.memory_space<vmem>>, vector<4000x256xf32>,
    %eq3A = arith.constant 0 : i32
    %eq3A_14 = arith.cmpi eq, %arg0, %eq3A : i32
    %convert_element_type3A = arith.extui %eq3A_14 : i1 to i32
    %cond3A = arith.constant 0 : i32
    %cond3A_15 = arith.cmpi ne, %convert_element_type3A, %cond3A : i32
    scf.if %cond3A_15 {
      %get3A_16 = arith.constant 0 : index
      %get3A_17 = arith.constant 0 : index
      %get3A_18 = vector.load %arg4[%get3A_16, %get3A_17] : memref<2048x256xf32, #tpu.memory_space<vmem>>, vector<2048x256xf32>
      %get3A_19 = arith.constant 0 : index
      %get3A_20 = arith.constant 0 : index
      %get3A_21 = vector.load %arg5[%get3A_19, %get3A_20] : memref<256x256xf32, #tpu.memory_space<vmem>>, vector<256x256xf32>
      %dot_general3A_22 = arith.constant dense<0.000000e+00> : vector<2048x256xf32>
      %dot_general3A_23 = tpu.matmul %get3A_18, %get3A_21, %dot_general3A_22 {dimension_numbers = #tpu.dot_dimension_numbers<[1], [0], [0], [1], [0, 0, 1, 1], [], []>, transpose_lhs_hint = false} : vector<2048x256xf32>, vector<256x256xf32>, vector<2048x256xf32> -> vector<2048x256xf32>
      %get3A_24 = arith.constant 0 : index
      %get3A_25 = arith.constant 0 : index
      %get3A_26 = vector.load %arg6[%get3A_24, %get3A_25] : memref<1x256xf32, #tpu.memory_space<vmem>>, vector<1x256xf32>
      %add3A_27 = vector.broadcast %get3A_26 : vector<1x256xf32> to vector<2048x256xf32>
      %add3A_28 = arith.addf %dot_general3A_23, %add3A_27 : vector<2048x256xf32>
      %max3A_29 = arith.constant 0.000000e+00 : f32
      %max3A_30 = vector.broadcast %max3A_29 : f32 to vector<2048x256xf32>
      %max3A_31 = arith.maximumf %add3A_28, %max3A_30 : vector<2048x256xf32>
      %swap3A_32 = arith.constant 0 : index
      %swap3A_33 = arith.constant 0 : index
      %swap3A_34 = vector.load %arg8[%swap3A_32, %swap3A_33] : memref<2048x256xf32, #tpu.memory_space<vmem>>, vector<2048x256xf32>
      tpu.vector_store %arg8[%swap3A_32, %swap3A_33], %max3A_31 {strides = array<i32>} : memref<2048x256xf32, #tpu.memory_space<vmem>>, vector<2048x256xf32>,
    } else {
    }
    return
  }
  func.func @transform_0(%arg0: i32) -> (i32, i32) {
    %c0_i32 = arith.constant 0 : i32
    %c0_i32_0 = arith.constant 0 : i32
    return %arg0, %c0_i32 : i32, i32
  }
  func.func @transform_1(%arg0: i32) -> (i32, i32) {
    %c0_i32 = arith.constant 0 : i32
    %c0_i32_0 = arith.constant 0 : i32
    %c0_i32_1 = arith.constant 0 : i32
    return %c0_i32, %c0_i32_0 : i32, i32
  }
  func.func @transform_2(%arg0: i32) -> (i32, i32) {
    %c0_i32 = arith.constant 0 : i32
    %c0_i32_0 = arith.constant 0 : i32
    %c0_i32_1 = arith.constant 0 : i32
    return %c0_i32, %c0_i32_0 : i32, i32
  }
  func.func @transform_3(%arg0: i32) -> (i32, i32) {
    %c0_i32 = arith.constant 0 : i32
    %c0_i32_0 = arith.constant 0 : i32
    %c0_i32_1 = arith.constant 0 : i32
    return %c0_i32, %c0_i32_0 : i32, i32
  }
  func.func @transform_4(%arg0: i32) -> (i32, i32) {
    %c0_i32 = arith.constant 0 : i32
    %c0_i32_0 = arith.constant 0 : i32
    %c0_i32_1 = arith.constant 0 : i32
    return %c0_i32, %c0_i32_0 : i32, i32
  }
  func.func @transform_5(%arg0: i32) -> (i32, i32) {
    %c0_i32 = arith.constant 0 : i32
    %c0_i32_0 = arith.constant 0 : i32
    %c0_i32_1 = arith.constant 0 : i32
    return %c0_i32, %c0_i32_0 : i32, i32
  }
  func.func @transform_6(%arg0: i32) -> (i32, i32) {
    %c0_i32 = arith.constant 0 : i32
    %c0_i32_0 = arith.constant 0 : i32
    return %arg0, %c0_i32 : i32, i32
  }
  func.func @transform_7(%arg0: i32) -> (i32, i32) {
    %c0_i32 = arith.constant 0 : i32
    %c0_i32_0 = arith.constant 0 : i32
    %c0_i32_1 = arith.constant 0 : i32
    return %c0_i32, %c0_i32_0 : i32, i32
  }
}

</mosaic_0001>

<sc_bundles>
// kernel: kernel.5.cloned.1.call-start
scs
__scs_entry_jumppad:
0x0: {  	(pc) =	sbr.rel $0x88, $3  }
0x1: {  	(tag) =	ssettag $0x0;
	lr =	simm.s32 $0x1  }
0x2: {  	[smem:$0x3F99] =	sst lr;
	_ =	strace $0xD0000000  }
0x3: {  	_ = 	snop  }
0x4: {  	_ = 	snop  }
0x5: {  	_ = 	snop  }
0x6: {  	_ = 	snop  }
0x7: {  	_ = 	snop  }
__scs_overlays_trampoline_lowered:
0x8: {  	[smem:$0x3FA8] =	sst s0  }
0x9: {  	[smem:$0x3FA9] =	sst s1  }
0xa: {  	[smem:$0x3FAA] =	sst s2  }
0xb: {  	[smem:$0x3FAB] =	sst s3  }
0xc: {  	[smem:$0x3FAC] =	sst s4  }
0xd: {  	[smem:$0x3FAD] =	sst s5  }
0xe: {  	[smem:$0x3FAE] =	sst s6  }
0xf: {  	[smem:$0x3FAF] =	sst s7  }
0x10: {  	[smem:$0x3FB0] =	sst s8  }
0x11: {  	[smem:$0x3FB1] =	sst s9;
	s0 =	simm.s32 @!p0 $0x0  }
0x12: {  	s1 =	sld [smem:$0x3F97];
	s0 =	simm.s32 @p0 $0x1  }
0x13: {  	[smem:$0x3FB2] =	sst s0;
	s0 =	simm.s32 @!p1 $0x0  }
0x14: {  	s2 =	sld [smem:$0x3F96];
	s0 =	simm.s32 @p1 $0x1  }
0x15: {  	[smem:$0x3FB3] =	sst s0;
	s0 =	simm.s32 @!p2 $0x0  }
0x16: {  	s3 =	sld [smem:$0x3FDB];
	s0 =	simm.s32 @p2 $0x1  }
0x17: {  	s4 =	simm.s32 $0x1BF5;
	[smem:$0x3FB5] =	sst s0  }
0x18: {  	s0 =	sld [smem:$0x3F98];
	_ =	swait.ge [sflag:s4], $0x0  }
0x19: {  	s7 =	sld [smem:$0x3F99]  }
0x1a: {  	s8 =	sadd.s32 $0xFFFFE003, lr  }
0x1b: {  	s9 =	sadd.s32 $0xFFFFFEF7, lr;
	s5 =	simm.s32 $0xFFFFFFFF;
	p2 =	slt.u32 s8, $0xFFFFF086  }
0x1c: {  	p1 =	slt.u32 s9, $0xF7A;
	s5 =	simm.s32 @!p2 $0x0  }
0x1d: {  	s5 =	simm.s32 @p1 $0x1;
	p0 =	seq.s32 s7, s2  }
0x1e: {  	s7 =	smul.u32 @!p0 $0xF7A, s2;
	p2 =	seq.s32 @!p0 s5, $0x0  }
0x1f: {  	s9 =	smul.u32 $0xF7A, s1;
	s8 =	simm.s32 @!p0 $0x1BF5;
	p2 =	por !p2, p0  }
0x20: {  	[sflag:s8] =	ssyncset.s32 @!p0 $0xFFFFF086;
	s6 =	sadd.s32 @!p0 s3, s7;
	s7 =	simm.s32 @!p0 $0x108  }
0x21: {  	s3 =	sadd.s32 s3, s9;
	s6 =	sadd.s32 @!p0 $0x88, s6;
	s7 =	simm.s32 @p2 $0x1082  }
0x22: {  	[simem:s7], [sflag:s8] =	dma.local @!p0 [hbm:s6], $0xF7A  }
0x23: {  	s9 =	sor.u32 $0xD0000000, s2;
	s6 =	simm.s32 $0x108;
	_ =	swait.ge @!p0 [sflag:s8], $0x0  }
0x24: {  	s3 =	sadd.s32 $0x88, s3;
	s6 =	simm.s32 @!p1 $0x1082;
	[sflag:s4] =	ssyncset.s32 $0xFFFFF086  }
0x25: {  	[simem:s6], [sflag:s4] =	dma.local [hbm:s3], $0xF7A  }
0x26: {  	[smem:$0x3F99] =	sst s1;
	(tag) =	ssettag s2;
	_ =	strace s9  }
0x27: {  	s1 =	sld [smem:$0x3FA9]  }
0x28: {  	s2 =	sld [smem:$0x3FAA]  }
0x29: {  	s4 =	sld [smem:$0x3FAC]  }
0x2a: {  	p0 =	seq.s32 s5, $0x0;
	s5 =	sld [smem:$0x3FAD]  }
0x2b: {  	s6 =	sld [smem:$0x3FAE]  }
0x2c: {  	s7 =	sld [smem:$0x3FAF]  }
0x2d: {  	s3 =	simm.s32 $0x108;
	s8 =	sld [smem:$0x3FB0]  }
0x2e: {  	s3 =	simm.s32 @!p0 $0x1082;
	s9 =	sld [smem:$0x3FB1]  }
0x2f: {  	lr =	sadd.s32 s0, s3;
	s0 =	sld [smem:$0x3FA8]  }
0x30: {  	s3 =	sld [smem:$0x3FAB]  }
0x31: {  	[smem:$0x3FB4] =	sst s10  }
0x32: {  	s10 =	sld [smem:$0x3FB2];
	_ =	sdelay $0x3  }
0x33: {  	p0 =	seq.s32 s10, $0x1;
	s10 =	sld [smem:$0x3FB4];
	_ =	sdelay $0x3  }
0x34: {  	[smem:$0x3FB4] =	sst s10  }
0x35: {  	s10 =	sld [smem:$0x3FB3];
	_ =	sdelay $0x3  }
0x36: {  	p1 =	seq.s32 s10, $0x1;
	s10 =	sld [smem:$0x3FB4];
	_ =	sdelay $0x3  }
0x37: {  	[smem:$0x3FB4] =	sst s10  }
0x38: {  	s10 =	sld [smem:$0x3FB5]  }
0x39: {  	_ = 	snop;
	(pc) =	sbr.ind lr, $3  }
0x3a: {  	_ = 	snop  }
0x3b: {  	_ = 	snop  }
0x3c: {  	p2 =	seq.s32 s10, $0x1;
	s10 =	sld [smem:$0x3FB4]  }
0x3d: {  	_ =	shalt  }
0x3e: {  	_ =	shalt  }
0x3f: {  	_ =	shalt  }
0x40: {  	_ =	shalt  }
0x41: {  	_ =	shalt  }
0x42: {  	_ =	shalt  }
0x43: {  	_ =	shalt  }
0x44: {  	_ =	shalt  }
0x45: {  	_ =	shalt  }
0x46: {  	_ =	shalt  }
0x47: {  	_ =	shalt  }
0x48: {  	_ =	shalt  }
0x49: {  	_ =	shalt  }
0x4a: {  	_ =	shalt  }
0x4b: {  	_ =	shalt  }
0x4c: {  	_ =	shalt  }
0x4d: {  	_ =	shalt  }
0x4e: {  	_ =	shalt  }
0x4f: {  	_ =	shalt  }
0x50: {  	_ =	shalt  }
0x51: {  	_ =	shalt  }
0x52: {  	_ =	shalt  }
0x53: {  	_ =	shalt  }
0x54: {  	_ =	shalt  }
0x55: {  	_ =	shalt  }
0x56: {  	_ =	shalt  }
0x57: {  	_ =	shalt  }
0x58: {  	_ =	shalt  }
0x59: {  	_ =	shalt  }
0x5a: {  	_ =	shalt  }
0x5b: {  	_ =	shalt  }
0x5c: {  	_ =	shalt  }
0x5d: {  	_ =	shalt  }
0x5e: {  	_ =	shalt  }
0x5f: {  	_ =	shalt  }
0x60: {  	_ =	shalt  }
0x61: {  	_ =	shalt  }
0x62: {  	_ =	shalt  }
0x63: {  	_ =	shalt  }
0x64: {  	_ =	shalt  }
0x65: {  	_ =	shalt  }
0x66: {  	_ =	shalt  }
0x67: {  	_ =	shalt  }
0x68: {  	_ =	shalt  }
0x69: {  	_ =	shalt  }
0x6a: {  	_ =	shalt  }
0x6b: {  	_ =	shalt  }
0x6c: {  	_ =	shalt  }
0x6d: {  	_ =	shalt  }
0x6e: {  	_ =	shalt  }
0x6f: {  	_ =	shalt  }
0x70: {  	_ =	shalt  }
0x71: {  	_ =	shalt  }
0x72: {  	_ =	shalt  }
0x73: {  	_ =	shalt  }
0x74: {  	_ =	shalt  }
0x75: {  	_ =	shalt  }
0x76: {  	_ =	shalt  }
0x77: {  	_ =	shalt  }
0x78: {  	_ =	shalt  }
0x79: {  	_ =	shalt  }
0x7a: {  	_ =	shalt  }
0x7b: {  	_ =	shalt  }
0x7c: {  	_ =	shalt  }
0x7d: {  	_ =	shalt  }
0x7e: {  	_ =	shalt  }
0x7f: {  	_ =	shalt  }
0x80: {  	_ =	shalt  }
0x81: {  	_ =	shalt  }
0x82: {  	_ =	shalt  }
0x83: {  	_ =	shalt  }
0x84: {  	_ =	shalt  }
0x85: {  	_ =	shalt  }
0x86: {  	_ =	shalt  }
0x87: {  	_ =	shalt  }
.Lfunc_end0:
.L_simem_size_0:
called_computation_lowered:
.L_overlay_start_0:
0x88: {  	s2 =	sld [smem:$0x3FD9]  }
0x89: {  	s3 =	sld [smem:$0x3FFE];
	_ =	sdelay $0x1  }
0x8a: {  	s1 =	srdreg.scid  }
0x8b: {  	s0 =	sand.u32 $0x1, s1  }
0x8c: {  	s17 =	sshll.u32 s0, $0xA;
	s2 =	sadd.s32 s3, s2  }
0x8d: {  	s2 =	sadd.s32 s2, s17  }
0x8e: {  	[smem:$0x3FC0] =	sst s2  }
0x8f: {  	_ = 	snop  }
0x90: {  	s2 =	sld [smem:$0x3FC7]  }
0x91: {  	s18 =	sld [smem:$0x3FC6];
	(tm) =	ssettm $0x1  }
0x92: {  	s4 =	sld [smem:$0x3FFB];
	_ =	sdelay $0x3  }
0x93: {  	_ =	strace s4  }
0x94: {  	s4 =	sld [smem:$0x3FFC];
	_ =	sdelay $0x3  }
0x95: {  	_ =	strace s4  }
0x96: {  	s4 =	sld [smem:$0x3FFD];
	_ =	sdelay $0x3  }
0x97: {  	_ =	strace s4  }
0x98: {  	_ =	strace $0x8FFFFFFF  }
0x99: {  	s19 =	sld [smem:$0x3FDB];
	_ =	sdelay $0x1  }
0x9a: {  	s5 =	simm.s32 $_scs_section_size  }
0x9b: {  	s6 =	simm.s32 $_size__tile_overlayer_lowered;
	s7 =	simm.s32 $_tile_overlayer_lowered  }
0x9c: {  	s22 =	simm.s32 $0x1BFF;
	s21 =	sshll.u32 s7, $0x1;
	s4 =	sadd.s32 s5, s19  }
0x9d: {  	s8 =	simm.s32 $0x0;
	s20 =	sshll.u32 s6, $0x1;
	s6 =	sadd.s32 s21, s4  }
0x9e: {  	[timem:s8], [sflag:s22] =	dma.local [hbm:s6], s20  }
0x9f: {  	_ =	swait.ge [sflag:s22], s20  }
0xa0: {  	s5 =	ssub.s32 $0x0, s20;
	[sflag:s22] =	ssyncset.done $0x0  }
0xa1: {  	[sflag:s22] =	ssyncadd.s32 s5;
	_ =	sdelay $0x1  }
0xa2: {  	s23 =	simm.s32 $0x1B8B  }
0xa3: {  	_ =	swait.ge [sflag:s23], $0x1  }
0xa4: {  	[sflag:s23] =	ssyncset.done $0x0  }
0xa5: {  	s25 =	simm.s32 $0x1B8E;
	s24 =	sld [smem:$0x3FFE];
	[sflag:s23] =	ssyncadd.s32 $0xFFFFFFFF  }
0xa6: {  	s26 =	simm.s32 $execute0_lowered;
	[smem:$0x3FD2] =	sst s25  }
0xa7: {  	s6 =	sshll.u32 s26, $0x1;
	_ =	strace $0x80000046;
	[dreg:$0x1] =	wrdreg $0xFFFFFFFF  }
0xa8: {  	s28 =	simm.s32 $_size_execute0_lowered;
	s4 =	sadd.s32 s4, s6;
	[dreg:$0x0] =	wrdreg $0x0  }
0xa9: {  	s6 =	sshll.u32 s28, $0x1;
	[dreg:$0x2] =	wrdreg s4  }
0xaa: {  	[dreg:$0x3] =	wrdreg s6  }
0xab: {  	[dreg:$0x4] =	wrdreg $0xC0  }
0xac: {  	_ =	task [dreg:s8], $0x5FFFF  }
0xad: {  	[dreg:$0x1] =	wrdreg $0xFFFFFFFF  }
0xae: {  	[dreg:$0x0] =	wrdreg $0x60  }
0xaf: {  	[dreg:$0x2] =	wrdreg s2  }
0xb0: {  	[dreg:$0x3] =	wrdreg s18  }
0xb1: {  	[dreg:$0x4] =	wrdreg s24  }
0xb2: {  	[dreg:$0x5] =	wrdreg $0x9  }
0xb3: {  	_ =	task.clear_ibuf [dreg:s8], $0x6FFFF;
	_ =	strace $0x90000046  }
0xb4: {  	s29 =	simm.s32 $0x9;
	_ =	strace $0x80000048  }
0xb5: {  	_ =	swait.ge [sflag:s29], $0x1  }
0xb6: {  	[sflag:s29] =	ssyncadd.s32 $0xFFFFFFFF  }
0xb7: {  	_ =	strace $0x90000048  }
0xb8: {  	_ =	sfence  }
0xb9: {  	s30 =	sld [smem:$0x0];
	_ =	sdelay $0x2  }
0xba: {  	s31 =	sshll.u32 s1, $0xD;
	s1 =	sshrl.u32 s1, $0x2  }
0xbb: {  	s3 =	sand.u32 $0x4000, s31;
	s1 =	sadd.s32 s1, s30  }
0xbc: {  	s0 =	sor.u32 s3, s0;
	s1 =	sshll.u32 s1, $0x11  }
0xbd: {  	s0 =	sor.u32 s1, s0  }
0xbe: {  	s0 =	sadd.s32 $0x8F2B, s0  }
0xbf: {  	[sflag:s0] =	ssyncadd.remote.s32 $0x1  }
0xc0: {  	_ =	sfence.sel $0xFFFF  }
0xc1: {  	[dreg:$0x0] =	wrdreg $0xFFFFFFFF;
	(pc) =	sbr.abs _section_cstart, $3  }
0xc2: {  	[dreg:$0x1] =	wrdreg $0xFFFFFFFF  }
0xc3: {  	_ =	task.clear_ibuf [dreg:s8], $0x2FFFF;
	_ =	strace $0x9FFFFFFF  }
0xc4: {  	(tm) =	ssettm $0x7FFFFFFF  }
0xc5: {  	_ =	shalt  }
tec
execute0_lowered:
.L_overlay_start_1:
0x0: {  	(tag) =	ssettag $0x1  }
0x1: {  	s1 =	rddreg [dreg:$0x0]  }
0x2: {  	s4 =	rddreg [dreg:$0x1]  }
0x3: {  	s5 =	rddreg [dreg:$0x2];
	s3 =	simm.s32 $0x0  }
0x4: {  	s16 =	simm.s32 $0x2080;
	[smem:$0x7FF] =	sst s3  }
0x5: {  	s17 =	simm.s32 $0x100;
	_ =	strace $0x80000047;
	[dreg:$0x6] =	wrdreg s16  }
0x6: {  	s18 =	simm.s32 $0x2100;
	[dreg:$0x7] =	wrdreg s17  }
0x7: {  	s19 =	simm.s32 $0x180;
	[dreg:$0x8] =	wrdreg s18  }
0x8: {  	s20 =	simm.s32 $0x2180;
	[dreg:$0x9] =	wrdreg s19  }
0x9: {  	s21 =	simm.s32 $0x200;
	[dreg:$0xa] =	wrdreg s20  }
0xa: {  	s22 =	simm.s32 $0x2200;
	[dreg:$0xb] =	wrdreg s21  }
0xb: {  	s23 =	simm.s32 $0x280;
	[dreg:$0xc] =	wrdreg s22  }
0xc: {  	s24 =	simm.s32 $0x2280;
	[dreg:$0xd] =	wrdreg s23  }
0xd: {  	s25 =	simm.s32 $0x300;
	[dreg:$0xe] =	wrdreg s24  }
0xe: {  	s2 =	stileid.u32;
	s26 =	simm.s32 $0x2300;
	[dreg:$0xf] =	wrdreg s25  }
0xf: {  	s6 =	sshll.u32 s2, $0xB;
	s2 =	simm.s32 $0x380;
	[dreg:$0x10] =	wrdreg s26  }
0x10: {  	s8 =	simm.s32 $0x480;
	[dreg:$0x11] =	wrdreg s2  }
0x11: {  	s9 =	simm.s32 $0x2480;
	[dreg:$0x15] =	wrdreg s8  }
0x12: {  	s10 =	simm.s32 $0x500;
	[dreg:$0x16] =	wrdreg s9  }
0x13: {  	s11 =	simm.s32 $0x2500;
	[dreg:$0x17] =	wrdreg s10  }
0x14: {  	s12 =	simm.s32 $0x580;
	[dreg:$0x18] =	wrdreg s11  }
0x15: {  	s13 =	simm.s32 $0x2580;
	[dreg:$0x19] =	wrdreg s12  }
0x16: {  	s14 =	simm.s32 $0x600;
	[dreg:$0x1a] =	wrdreg s13  }
0x17: {  	[dreg:$0x1b] =	wrdreg s14;
	s16 =	simm.s32 $0x680  }
0x18: {  	s17 =	simm.s32 $0x2680;
	[dreg:$0x1d] =	wrdreg s16  }
0x19: {  	s18 =	simm.s32 $0x700;
	[dreg:$0x1e] =	wrdreg s17  }
0x1a: {  	s19 =	simm.s32 $0x2700;
	[dreg:$0x1f] =	wrdreg s18  }
0x1b: {  	s20 =	simm.s32 $0x780;
	[smem:$0x7B2] =	sst s19  }
0x1c: {  	s21 =	simm.s32 $0x2780;
	[smem:$0x7B3] =	sst s20  }
0x1d: {  	s22 =	simm.s32 $0x800;
	[smem:$0x7B4] =	sst s21  }
0x1e: {  	s23 =	simm.s32 $0x2800;
	[smem:$0x7B5] =	sst s22  }
0x1f: {  	s24 =	simm.s32 $0x880;
	[smem:$0x7B6] =	sst s23  }
0x20: {  	s25 =	simm.s32 $0x2880;
	[smem:$0x7B7] =	sst s24  }
0x21: {  	s26 =	simm.s32 $0x900;
	[smem:$0x7B8] =	sst s25  }
0x22: {  	s2 =	simm.s32 $0x2900;
	[smem:$0x7B9] =	sst s26  }
0x23: {  	s8 =	simm.s32 $0x2A00;
	[smem:$0x7BA] =	sst s2  }
0x24: {  	s9 =	simm.s32 $0xA80;
	[smem:$0x7BE] =	sst s8  }
0x25: {  	s10 =	simm.s32 $0x2A80;
	[smem:$0x7BF] =	sst s9  }
0x26: {  	s11 =	simm.s32 $0xB00;
	[smem:$0x7C0] =	sst s10  }
0x27: {  	s0 =	srdreg.scid;
	s12 =	simm.s32 $0x2B00;
	[smem:$0x7C1] =	sst s11  }
0x28: {  	s0 =	sand.u32 $0x1, s0;
	s13 =	simm.s32 $0xB80;
	[smem:$0x7C2] =	sst s12  }
0x29: {  	s7 =	sshll.u32 s0, $0xA;
	s14 =	simm.s32 $0x2B80;
	[smem:$0x7C3] =	sst s13  }
0x2a: {  	s6 =	sor.u32 s7, s6;
	s7 =	simm.s32 $0x2400;
	[smem:$0x7C4] =	sst s14  }
0x2b: {  	s16 =	simm.s32 $0x2C00;
	[dreg:$0x14] =	wrdreg s7  }
0x2c: {  	s17 =	simm.s32 $0xC80;
	[smem:$0x7C6] =	sst s16  }
0x2d: {  	s18 =	simm.s32 $0x2C80;
	[smem:$0x7C7] =	sst s17  }
0x2e: {  	s19 =	simm.s32 $0xD00;
	[smem:$0x7C8] =	sst s18  }
0x2f: {  	s20 =	simm.s32 $0x2D00;
	[smem:$0x7C9] =	sst s19  }
0x30: {  	s21 =	simm.s32 $0xD80;
	[smem:$0x7CA] =	sst s20  }
0x31: {  	s22 =	simm.s32 $0x2D80;
	[smem:$0x7CB] =	sst s21  }
0x32: {  	s23 =	simm.s32 $0xE00;
	[smem:$0x7CC] =	sst s22  }
0x33: {  	s24 =	simm.s32 $0x2E00;
	[smem:$0x7CD] =	sst s23  }
0x34: {  	s25 =	simm.s32 $0xE80;
	[smem:$0x7CE] =	sst s24  }
0x35: {  	s26 =	simm.s32 $0x2E80;
	[smem:$0x7CF] =	sst s25  }
0x36: {  	s2 =	simm.s32 $0xF00;
	[smem:$0x7D0] =	sst s26  }
0x37: {  	s8 =	simm.s32 $0x1000;
	[smem:$0x7D1] =	sst s2  }
0x38: {  	s9 =	simm.s32 $0x3000;
	[smem:$0x7D5] =	sst s8  }
0x39: {  	s10 =	simm.s32 $0x1080;
	[smem:$0x7D6] =	sst s9  }
0x3a: {  	s11 =	simm.s32 $0x3080;
	[smem:$0x7D7] =	sst s10  }
0x3b: {  	s12 =	simm.s32 $0x1100;
	[smem:$0x7D8] =	sst s11  }
0x3c: {  	s13 =	simm.s32 $0x3100;
	[smem:$0x7D9] =	sst s12  }
0x3d: {  	s14 =	simm.s32 $0x1180;
	[smem:$0x7DA] =	sst s13  }
0x3e: {  	s4 =	sadd.s32 s4, s6;
	[smem:$0x7DB] =	sst s14  }
0x3f: {  	s5 =	sadd.s32 s6, s5;
	s6 =	simm.s32 $0x400;
	[dreg:$0x4] =	wrdreg s4  }
0x40: {  	s7 =	simm.s32 $0xA00;
	[dreg:$0x13] =	wrdreg s6  }
0x41: {  	s16 =	simm.s32 $0x1200;
	[smem:$0x7BD] =	sst s7  }
0x42: {  	s17 =	simm.s32 $0x3200;
	[smem:$0x7DD] =	sst s16  }
0x43: {  	s18 =	simm.s32 $0x1280;
	[smem:$0x7DE] =	sst s17  }
0x44: {  	s19 =	simm.s32 $0x3280;
	[smem:$0x7DF] =	sst s18  }
0x45: {  	s20 =	simm.s32 $0x1300;
	[smem:$0x7E0] =	sst s19  }
0x46: {  	s21 =	simm.s32 $0x3300;
	[smem:$0x7E1] =	sst s20  }
0x47: {  	s22 =	simm.s32 $0x1380;
	[smem:$0x7E2] =	sst s21  }
0x48: {  	s23 =	simm.s32 $0x3380;
	[smem:$0x7E3] =	sst s22  }
0x49: {  	s24 =	simm.s32 $0x1400;
	[smem:$0x7E4] =	sst s23  }
0x4a: {  	s25 =	simm.s32 $0x3400;
	[smem:$0x7E5] =	sst s24  }
0x4b: {  	s26 =	simm.s32 $0x1480;
	[smem:$0x7E6] =	sst s25  }
0x4c: {  	s2 =	simm.s32 $0x3480;
	[smem:$0x7E7] =	sst s26  }
0x4d: {  	s8 =	simm.s32 $0x3580;
	[smem:$0x7E8] =	sst s2  }
0x4e: {  	s9 =	simm.s32 $0x1600;
	[smem:$0x7EC] =	sst s8  }
0x4f: {  	s10 =	simm.s32 $0x3600;
	[smem:$0x7ED] =	sst s9  }
0x50: {  	s11 =	simm.s32 $0x1680;
	[smem:$0x7EE] =	sst s10  }
0x51: {  	s12 =	simm.s32 $0x3680;
	[smem:$0x7EF] =	sst s11  }
0x52: {  	s13 =	simm.s32 $0x1700;
	[smem:$0x7F0] =	sst s12  }
0x53: {  	s14 =	simm.s32 $0x3700;
	[smem:$0x7F1] =	sst s13  }
0x54: {  	s15 =	sadd.s32 $0x1A00, s5;
	[smem:$0x7F2] =	sst s14  }
0x55: {  	s28 =	simm.s32 $0x3E80;
	s5 =	simm.s32 $0x2380;
	[dreg:$0x5] =	wrdreg s15  }
0x56: {  	s29 =	simm.s32 $0x1F00;
	s6 =	simm.s32 $0x2980;
	[dreg:$0x12] =	wrdreg s5  }
0x57: {  	s30 =	simm.s32 $0x3F00;
	s7 =	simm.s32 $0x2F80;
	[smem:$0x7BC] =	sst s6  }
0x58: {  	s31 =	simm.s32 $0x1F80;
	s16 =	simm.s32 $0x3780;
	[smem:$0x7D4] =	sst s7  }
0x59: {  	s0 =	ssub.s32 $0x2, s0;
	s17 =	simm.s32 $0x1800;
	[smem:$0x7F4] =	sst s16  }
0x5a: {  	s18 =	simm.s32 $0x3800;
	s19 =	sshrl.u32 s0, $0x1;
	[smem:$0x7F5] =	sst s17  }
0x5b: {  	s20 =	simm.s32 $0x1880;
	s21 =	simm.s32 $0x3880;
	[smem:$0x7F6] =	sst s18  }
0x5c: {  	s22 =	simm.s32 $0x1900;
	s23 =	simm.s32 $0x3900;
	[smem:$0x7F7] =	sst s20  }
0x5d: {  	s24 =	simm.s32 $0x1980;
	s25 =	simm.s32 $0x3980;
	[smem:$0x7F8] =	sst s21  }
0x5e: {  	s8 =	simm.s32 $0x1;
	s26 =	simm.s32 $0x1A00;
	[smem:$0x7F9] =	sst s22  }
0x5f: {  	s12 =	simm.s32 $0x1B00;
	s13 =	simm.s32 $0x3B00;
	[smem:$0x7FA] =	sst s23  }
0x60: {  	s14 =	simm.s32 $0x1B80;
	s15 =	simm.s32 $0x2600;
	[smem:$0x7FB] =	sst s24  }
0x61: {  	s5 =	simm.s32 $0x980;
	s6 =	simm.s32 $0xF80;
	[smem:$0x7FC] =	sst s25  }
0x62: {  	s7 =	simm.s32 $0x1580;
	s0 =	ssub.s32 s0, s19;
	[smem:$0x7FD] =	sst s26  }
0x63: {  	s16 =	simm.s32 $0x1C00;
	s17 =	simm.s32 $0x3C00;
	s18 =	simm.s32 $0x1C80  }
0x64: {  	s19 =	simm.s32 $0x3C80;
	s20 =	simm.s32 $0x1D00;
	[dreg:$0x1c] =	wrdreg s15  }
0x65: {  	s21 =	simm.s32 $0x3D00;
	s22 =	simm.s32 $0x1D80;
	[smem:$0x7BB] =	sst s5  }
0x66: {  	s23 =	simm.s32 $0x3D80;
	s24 =	simm.s32 $0x1E00;
	[smem:$0x7D3] =	sst s6  }
0x67: {  	s25 =	simm.s32 $0x3E00;
	s15 =	simm.s32 $0xC00;
	[smem:$0x7EB] =	sst s7  }
0x68: {  	s26 =	simm.s32 $0x1E80;
	s5 =	simm.s32 $0x2F00;
	[smem:$0x7C5] =	sst s15  }
0x69: {  	s6 =	simm.s32 $0x3500;
	s4 =	smax.u32 s0, $0x1;
	[smem:$0x7D2] =	sst s5  }
0x6a: {  	s7 =	simm.s32 $0x2000;
	s15 =	simm.s32 $0x3180;
	[smem:$0x7EA] =	sst s6  }
0x6b: {  	s0 =	simm.s32 $0x3F80;
	s5 =	simm.s32 $0x1500;
	[smem:$0x7DC] =	sst s15  }
0x6c: {  	s6 =	simm.s32 $0x80;
	[smem:$0x7E9] =	sst s5;
	s15 =	simm.s32 $0x1780  }
0x6d: {  	s5 =	simm.s32 $0x2;
	[smem:$0x7F3] =	sst s15;
	s15 =	simm.s32 $0x3B80  }
.LBB2_1:
0x6e: {  	s2 =	rddreg [dreg:$0x4]  }
0x6f: {  	[tilespmem:s3], [sflag:$0x2] =	stream.linear.gather [hbm4b:s2+s3], $0x2000, $0x38;
	[tilespmem:$0x4000] =	vst v63  }
0x70: {  	_ =	swait.ge [sflag:s5], $0x2000  }
0x71: {  	s11 =	rddreg [dreg:$0x6]  }
0x72: {  	[sflag:s5] =	ssyncset.done $0x0;
	s2 =	rddreg [dreg:$0x7]  }
0x73: {  	s9 =	rddreg [dreg:$0x8];
	[sflag:s5] =	ssyncadd.s32 $0xFFFFE000  }
0x74: {  	[tilespmem:s7], [sflag:$0x1] =	stream.indirect.gather [hbm4b:s1+s6], $0x1, s3, s6, $0xb8;
	[tilespmem:$0x4000] =	vst v63  }
0x75: {  	s10 =	rddreg [dreg:$0x9]  }
0x76: {  	[tilespmem:s11], [sflag:$0x1] =	stream.indirect.gather [hbm4b:s1+s6], $0x1, s6, s6, $0xb8;
	[tilespmem:$0x4000] =	vst v63  }
0x77: {  	s11 =	rddreg [dreg:$0xa]  }
0x78: {  	[tilespmem:s9], [sflag:$0x1] =	stream.indirect.gather [hbm4b:s1+s6], $0x1, s2, s6, $0xb8;
	[tilespmem:$0x4000] =	vst v63  }
0x79: {  	s2 =	rddreg [dreg:$0xb]  }
0x7a: {  	s9 =	rddreg [dreg:$0xc]  }
0x7b: {  	[tilespmem:s11], [sflag:$0x1] =	stream.indirect.gather [hbm4b:s1+s6], $0x1, s10, s6, $0xb8;
	[tilespmem:$0x4000] =	vst v63  }
0x7c: {  	s10 =	rddreg [dreg:$0xd]  }
0x7d: {  	s11 =	rddreg [dreg:$0xe]  }
0x7e: {  	[tilespmem:s9], [sflag:$0x1] =	stream.indirect.gather [hbm4b:s1+s6], $0x1, s2, s6, $0xb8;
	[tilespmem:$0x4000] =	vst v63  }
0x7f: {  	s2 =	rddreg [dreg:$0xf]  }
0x80: {  	s9 =	rddreg [dreg:$0x10]  }
0x81: {  	[tilespmem:s11], [sflag:$0x1] =	stream.indirect.gather [hbm4b:s1+s6], $0x1, s10, s6, $0xb8;
	[tilespmem:$0x4000] =	vst v63  }
0x82: {  	s10 =	rddreg [dreg:$0x11]  }
0x83: {  	[tilespmem:s9], [sflag:$0x1] =	stream.indirect.gather [hbm4b:s1+s6], $0x1, s2, s6, $0xb8;
	[tilespmem:$0x4000] =	vst v63  }
0x84: {  	s11 =	rddreg [dreg:$0x12]  }
0x85: {  	[tilespmem:s11], [sflag:$0x1] =	stream.indirect.gather [hbm4b:s1+s6], $0x1, s10, s6, $0xb8;
	[tilespmem:$0x4000] =	vst v63  }
0x86: {  	_ =	swait.ge [sflag:s8], $0x80  }
0x87: {  	[sflag:s8] =	ssyncset.done $0x0  }
0x88: {  	[sflag:s8] =	ssyncadd.s32 $0xFFFFFF80  }
0x89: {  	_ =	swait.ge [sflag:s8], $0x80  }
0x8a: {  	[sflag:s8] =	ssyncset.done $0x0  }
0x8b: {  	[sflag:s8] =	ssyncadd.s32 $0xFFFFFF80  }
0x8c: {  	_ =	swait.ge [sflag:s8], $0x80  }
0x8d: {  	[sflag:s8] =	ssyncset.done $0x0  }
0x8e: {  	[sflag:s8] =	ssyncadd.s32 $0xFFFFFF80  }
0x8f: {  	_ =	swait.ge [sflag:s8], $0x80  }
0x90: {  	[sflag:s8] =	ssyncset.done $0x0  }
0x91: {  	[sflag:s8] =	ssyncadd.s32 $0xFFFFFF80  }
0x92: {  	_ =	swait.ge [sflag:s8], $0x80  }
0x93: {  	[sflag:s8] =	ssyncset.done $0x0  }
0x94: {  	[sflag:s8] =	ssyncadd.s32 $0xFFFFFF80  }
0x95: {  	_ =	swait.ge [sflag:s8], $0x80  }
0x96: {  	[sflag:s8] =	ssyncset.done $0x0  }
0x97: {  	[sflag:s8] =	ssyncadd.s32 $0xFFFFFF80  }
0x98: {  	_ =	swait.ge [sflag:s8], $0x80  }
0x99: {  	[sflag:s8] =	ssyncset.done $0x0  }
0x9a: {  	[sflag:s8] =	ssyncadd.s32 $0xFFFFFF80  }
0x9b: {  	_ =	swait.ge [sflag:s8], $0x80  }
0x9c: {  	s2 =	rddreg [dreg:$0x13]  }
0x9d: {  	s9 =	rddreg [dreg:$0x14]  }
0x9e: {  	[sflag:s8] =	ssyncset.done $0x0;
	s10 =	rddreg [dreg:$0x15]  }
0x9f: {  	s11 =	rddreg [dreg:$0x16];
	[sflag:s8] =	ssyncadd.s32 $0xFFFFFF80  }
0xa0: {  	[tilespmem:s9], [sflag:$0x1] =	stream.indirect.gather [hbm4b:s1+s6], $0x1, s2, s6, $0xb8;
	[tilespmem:$0x4000] =	vst v63  }
0xa1: {  	s2 =	rddreg [dreg:$0x17]  }
0xa2: {  	s9 =	rddreg [dreg:$0x18]  }
0xa3: {  	[tilespmem:s11], [sflag:$0x1] =	stream.indirect.gather [hbm4b:s1+s6], $0x1, s10, s6, $0xb8;
	[tilespmem:$0x4000] =	vst v63  }
0xa4: {  	s10 =	rddreg [dreg:$0x19]  }
0xa5: {  	s11 =	rddreg [dreg:$0x1a]  }
0xa6: {  	[tilespmem:s9], [sflag:$0x1] =	stream.indirect.gather [hbm4b:s1+s6], $0x1, s2, s6, $0xb8;
	[tilespmem:$0x4000] =	vst v63  }
0xa7: {  	s2 =	rddreg [dreg:$0x1b]  }
0xa8: {  	s9 =	rddreg [dreg:$0x1c]  }
0xa9: {  	[tilespmem:s11], [sflag:$0x1] =	stream.indirect.gather [hbm4b:s1+s6], $0x1, s10, s6, $0xb8;
	[tilespmem:$0x4000] =	vst v63  }
0xaa: {  	s10 =	rddreg [dreg:$0x1d]  }
0xab: {  	s11 =	rddreg [dreg:$0x1e]  }
0xac: {  	[tilespmem:s9], [sflag:$0x1] =	stream.indirect.gather [hbm4b:s1+s6], $0x1, s2, s6, $0xb8;
	[tilespmem:$0x4000] =	vst v63  }
0xad: {  	s2 =	rddreg [dreg:$0x1f]  }
0xae: {  	s9 =	sld [smem:$0x7B2]  }
0xaf: {  	[tilespmem:s11], [sflag:$0x1] =	stream.indirect.gather [hbm4b:s1+s6], $0x1, s10, s6, $0xb8;
	[tilespmem:$0x4000] =	vst v63  }
0xb0: {  	s10 =	sld [smem:$0x7B3]  }
0xb1: {  	s11 =	sld [smem:$0x7B4]  }
0xb2: {  	[tilespmem:s9], [sflag:$0x1] =	stream.indirect.gather [hbm4b:s1+s6], $0x1, s2, s6, $0xb8;
	[tilespmem:$0x4000] =	vst v63  }
0xb3: {  	_ = 	snop  }
0xb4: {  	[tilespmem:s11], [sflag:$0x1] =	stream.indirect.gather [hbm4b:s1+s6], $0x1, s10, s6, $0xb8;
	[tilespmem:$0x4000] =	vst v63  }
0xb5: {  	_ =	swait.ge [sflag:s8], $0x80  }
0xb6: {  	[sflag:s8] =	ssyncset.done $0x0  }
0xb7: {  	[sflag:s8] =	ssyncadd.s32 $0xFFFFFF80  }
0xb8: {  	_ =	swait.ge [sflag:s8], $0x80  }
0xb9: {  	[sflag:s8] =	ssyncset.done $0x0  }
0xba: {  	[sflag:s8] =	ssyncadd.s32 $0xFFFFFF80  }
0xbb: {  	_ =	swait.ge [sflag:s8], $0x80  }
0xbc: {  	[sflag:s8] =	ssyncset.done $0x0  }
0xbd: {  	[sflag:s8] =	ssyncadd.s32 $0xFFFFFF80  }
0xbe: {  	_ =	swait.ge [sflag:s8], $0x80  }
0xbf: {  	[sflag:s8] =	ssyncset.done $0x0  }
0xc0: {  	[sflag:s8] =	ssyncadd.s32 $0xFFFFFF80  }
0xc1: {  	_ =	swait.ge [sflag:s8], $0x80  }
0xc2: {  	[sflag:s8] =	ssyncset.done $0x0  }
0xc3: {  	[sflag:s8] =	ssyncadd.s32 $0xFFFFFF80  }
0xc4: {  	_ =	swait.ge [sflag:s8], $0x80  }
0xc5: {  	[sflag:s8] =	ssyncset.done $0x0  }
0xc6: {  	[sflag:s8] =	ssyncadd.s32 $0xFFFFFF80  }
0xc7: {  	_ =	swait.ge [sflag:s8], $0x80  }
0xc8: {  	[sflag:s8] =	ssyncset.done $0x0  }
0xc9: {  	[sflag:s8] =	ssyncadd.s32 $0xFFFFFF80  }
0xca: {  	_ =	swait.ge [sflag:s8], $0x80  }
0xcb: {  	s2 =	sld [smem:$0x7B5]  }
0xcc: {  	s9 =	sld [smem:$0x7B6]  }
0xcd: {  	[sflag:s8] =	ssyncset.done $0x0;
	s10 =	sld [smem:$0x7B7]  }
0xce: {  	s11 =	sld [smem:$0x7B8];
	[sflag:s8] =	ssyncadd.s32 $0xFFFFFF80  }
0xcf: {  	[tilespmem:s9], [sflag:$0x1] =	stream.indirect.gather [hbm4b:s1+s6], $0x1, s2, s6, $0xb8;
	[tilespmem:$0x4000] =	vst v63  }
0xd0: {  	s2 =	sld [smem:$0x7B9]  }
0xd1: {  	s9 =	sld [smem:$0x7BA]  }
0xd2: {  	[tilespmem:s11], [sflag:$0x1] =	stream.indirect.gather [hbm4b:s1+s6], $0x1, s10, s6, $0xb8;
	[tilespmem:$0x4000] =	vst v63  }
0xd3: {  	s10 =	sld [smem:$0x7BB]  }
0xd4: {  	s11 =	sld [smem:$0x7BC]  }
0xd5: {  	[tilespmem:s9], [sflag:$0x1] =	stream.indirect.gather [hbm4b:s1+s6], $0x1, s2, s6, $0xb8;
	[tilespmem:$0x4000] =	vst v63  }
0xd6: {  	s2 =	sld [smem:$0x7BD]  }
0xd7: {  	s9 =	sld [smem:$0x7BE]  }
0xd8: {  	[tilespmem:s11], [sflag:$0x1] =	stream.indirect.gather [hbm4b:s1+s6], $0x1, s10, s6, $0xb8;
	[tilespmem:$0x4000] =	vst v63  }
0xd9: {  	s10 =	sld [smem:$0x7BF]  }
0xda: {  	s11 =	sld [smem:$0x7C0]  }
0xdb: {  	[tilespmem:s9], [sflag:$0x1] =	stream.indirect.gather [hbm4b:s1+s6], $0x1, s2, s6, $0xb8;
	[tilespmem:$0x4000] =	vst v63  }
0xdc: {  	s2 =	sld [smem:$0x7C1]  }
0xdd: {  	s9 =	sld [smem:$0x7C2]  }
0xde: {  	[tilespmem:s11], [sflag:$0x1] =	stream.indirect.gather [hbm4b:s1+s6], $0x1, s10, s6, $0xb8;
	[tilespmem:$0x4000] =	vst v63  }
0xdf: {  	s10 =	sld [smem:$0x7C3]  }
0xe0: {  	s11 =	sld [smem:$0x7C4]  }
0xe1: {  	[tilespmem:s9], [sflag:$0x1] =	stream.indirect.gather [hbm4b:s1+s6], $0x1, s2, s6, $0xb8;
	[tilespmem:$0x4000] =	vst v63  }
0xe2: {  	_ = 	snop  }
0xe3: {  	[tilespmem:s11], [sflag:$0x1] =	stream.indirect.gather [hbm4b:s1+s6], $0x1, s10, s6, $0xb8;
	[tilespmem:$0x4000] =	vst v63  }
0xe4: {  	_ =	swait.ge [sflag:s8], $0x80  }
0xe5: {  	[sflag:s8] =	ssyncset.done $0x0  }
0xe6: {  	[sflag:s8] =	ssyncadd.s32 $0xFFFFFF80  }
0xe7: {  	_ =	swait.ge [sflag:s8], $0x80  }
0xe8: {  	[sflag:s8] =	ssyncset.done $0x0  }
0xe9: {  	[sflag:s8] =	ssyncadd.s32 $0xFFFFFF80  }
0xea: {  	_ =	swait.ge [sflag:s8], $0x80  }
0xeb: {  	[sflag:s8] =	ssyncset.done $0x0  }
0xec: {  	[sflag:s8] =	ssyncadd.s32 $0xFFFFFF80  }
0xed: {  	_ =	swait.ge [sflag:s8], $0x80  }
0xee: {  	[sflag:s8] =	ssyncset.done $0x0  }
0xef: {  	[sflag:s8] =	ssyncadd.s32 $0xFFFFFF80  }
0xf0: {  	_ =	swait.ge [sflag:s8], $0x80  }
0xf1: {  	[sflag:s8] =	ssyncset.done $0x0  }
0xf2: {  	[sflag:s8] =	ssyncadd.s32 $0xFFFFFF80  }
0xf3: {  	_ =	swait.ge [sflag:s8], $0x80  }
0xf4: {  	[sflag:s8] =	ssyncset.done $0x0  }
0xf5: {  	[sflag:s8] =	ssyncadd.s32 $0xFFFFFF80  }
0xf6: {  	_ =	swait.ge [sflag:s8], $0x80  }
0xf7: {  	[sflag:s8] =	ssyncset.done $0x0  }
0xf8: {  	[sflag:s8] =	ssyncadd.s32 $0xFFFFFF80  }
0xf9: {  	_ =	swait.ge [sflag:s8], $0x80  }
0xfa: {  	s2 =	sld [smem:$0x7C5]  }
0xfb: {  	s9 =	sld [smem:$0x7C6]  }
0xfc: {  	[sflag:s8] =	ssyncset.done $0x0;
	s10 =	sld [smem:$0x7C7]  }
0xfd: {  	s11 =	sld [smem:$0x7C8];
	[sflag:s8] =	ssyncadd.s32 $0xFFFFFF80  }
0xfe: {  	[tilespmem:s9], [sflag:$0x1] =	stream.indirect.gather [hbm4b:s1+s6], $0x1, s2, s6, $0xb8;
	[tilespmem:$0x4000] =	vst v63  }
0xff: {  	s2 =	sld [smem:$0x7C9]  }
0x100: {  	s9 =	sld [smem:$0x7CA]  }
0x101: {  	[tilespmem:s11], [sflag:$0x1] =	stream.indirect.gather [hbm4b:s1+s6], $0x1, s10, s6, $0xb8;
	[tilespmem:$0x4000] =	vst v63  }
0x102: {  	s10 =	sld [smem:$0x7CB]  }
0x103: {  	s11 =	sld [smem:$0x7CC]  }
0x104: {  	[tilespmem:s9], [sflag:$0x1] =	stream.indirect.gather [hbm4b:s1+s6], $0x1, s2, s6, $0xb8;
	[tilespmem:$0x4000] =	vst v63  }
0x105: {  	s2 =	sld [smem:$0x7CD]  }
0x106: {  	s9 =	sld [smem:$0x7CE]  }
0x107: {  	[tilespmem:s11], [sflag:$0x1] =	stream.indirect.gather [hbm4b:s1+s6], $0x1, s10, s6, $0xb8;
	[tilespmem:$0x4000] =	vst v63  }
0x108: {  	s10 =	sld [smem:$0x7CF]  }
0x109: {  	s11 =	sld [smem:$0x7D0]  }
0x10a: {  	[tilespmem:s9], [sflag:$0x1] =	stream.indirect.gather [hbm4b:s1+s6], $0x1, s2, s6, $0xb8;
	[tilespmem:$0x4000] =	vst v63  }
0x10b: {  	s2 =	sld [smem:$0x7D1]  }
0x10c: {  	s9 =	sld [smem:$0x7D2]  }
0x10d: {  	[tilespmem:s11], [sflag:$0x1] =	stream.indirect.gather [hbm4b:s1+s6], $0x1, s10, s6, $0xb8;
	[tilespmem:$0x4000] =	vst v63  }
0x10e: {  	s10 =	sld [smem:$0x7D3]  }
0x10f: {  	s11 =	sld [smem:$0x7D4]  }
0x110: {  	[tilespmem:s9], [sflag:$0x1] =	stream.indirect.gather [hbm4b:s1+s6], $0x1, s2, s6, $0xb8;
	[tilespmem:$0x4000] =	vst v63  }
0x111: {  	_ = 	snop  }
0x112: {  	[tilespmem:s11], [sflag:$0x1] =	stream.indirect.gather [hbm4b:s1+s6], $0x1, s10, s6, $0xb8;
	[tilespmem:$0x4000] =	vst v63  }
0x113: {  	_ =	swait.ge [sflag:s8], $0x80  }
0x114: {  	[sflag:s8] =	ssyncset.done $0x0  }
0x115: {  	[sflag:s8] =	ssyncadd.s32 $0xFFFFFF80  }
0x116: {  	_ =	swait.ge [sflag:s8], $0x80  }
0x117: {  	[sflag:s8] =	ssyncset.done $0x0  }
0x118: {  	[sflag:s8] =	ssyncadd.s32 $0xFFFFFF80  }
0x119: {  	_ =	swait.ge [sflag:s8], $0x80  }
0x11a: {  	[sflag:s8] =	ssyncset.done $0x0  }
0x11b: {  	[sflag:s8] =	ssyncadd.s32 $0xFFFFFF80  }
0x11c: {  	_ =	swait.ge [sflag:s8], $0x80  }
0x11d: {  	[sflag:s8] =	ssyncset.done $0x0  }
0x11e: {  	[sflag:s8] =	ssyncadd.s32 $0xFFFFFF80  }
0x11f: {  	_ =	swait.ge [sflag:s8], $0x80  }
0x120: {  	[sflag:s8] =	ssyncset.done $0x0  }
0x121: {  	[sflag:s8] =	ssyncadd.s32 $0xFFFFFF80  }
0x122: {  	_ =	swait.ge [sflag:s8], $0x80  }
0x123: {  	[sflag:s8] =	ssyncset.done $0x0  }
0x124: {  	[sflag:s8] =	ssyncadd.s32 $0xFFFFFF80  }
0x125: {  	_ =	swait.ge [sflag:s8], $0x80  }
0x126: {  	[sflag:s8] =	ssyncset.done $0x0  }
0x127: {  	[sflag:s8] =	ssyncadd.s32 $0xFFFFFF80  }
0x128: {  	_ =	swait.ge [sflag:s8], $0x80  }
0x129: {  	s2 =	sld [smem:$0x7D5]  }
0x12a: {  	s9 =	sld [smem:$0x7D6]  }
0x12b: {  	[sflag:s8] =	ssyncset.done $0x0;
	s10 =	sld [smem:$0x7D7]  }
0x12c: {  	s11 =	sld [smem:$0x7D8];
	[sflag:s8] =	ssyncadd.s32 $0xFFFFFF80  }
0x12d: {  	[tilespmem:s9], [sflag:$0x1] =	stream.indirect.gather [hbm4b:s1+s6], $0x1, s2, s6, $0xb8;
	[tilespmem:$0x4000] =	vst v63  }
0x12e: {  	s2 =	sld [smem:$0x7D9]  }
0x12f: {  	s9 =	sld [smem:$0x7DA]  }
0x130: {  	[tilespmem:s11], [sflag:$0x1] =	stream.indirect.gather [hbm4b:s1+s6], $0x1, s10, s6, $0xb8;
	[tilespmem:$0x4000] =	vst v63  }
0x131: {  	s10 =	sld [smem:$0x7DB]  }
0x132: {  	s11 =	sld [smem:$0x7DC]  }
0x133: {  	[tilespmem:s9], [sflag:$0x1] =	stream.indirect.gather [hbm4b:s1+s6], $0x1, s2, s6, $0xb8;
	[tilespmem:$0x4000] =	vst v63  }
0x134: {  	s2 =	sld [smem:$0x7DD]  }
0x135: {  	s9 =	sld [smem:$0x7DE]  }
0x136: {  	[tilespmem:s11], [sflag:$0x1] =	stream.indirect.gather [hbm4b:s1+s6], $0x1, s10, s6, $0xb8;
	[tilespmem:$0x4000] =	vst v63  }
0x137: {  	s10 =	sld [smem:$0x7DF]  }
0x138: {  	s11 =	sld [smem:$0x7E0]  }
0x139: {  	[tilespmem:s9], [sflag:$0x1] =	stream.indirect.gather [hbm4b:s1+s6], $0x1, s2, s6, $0xb8;
	[tilespmem:$0x4000] =	vst v63  }
0x13a: {  	s2 =	sld [smem:$0x7E1]  }
0x13b: {  	s9 =	sld [smem:$0x7E2]  }
0x13c: {  	[tilespmem:s11], [sflag:$0x1] =	stream.indirect.gather [hbm4b:s1+s6], $0x1, s10, s6, $0xb8;
	[tilespmem:$0x4000] =	vst v63  }
0x13d: {  	s10 =	sld [smem:$0x7E3]  }
0x13e: {  	s11 =	sld [smem:$0x7E4]  }
0x13f: {  	[tilespmem:s9], [sflag:$0x1] =	stream.indirect.gather [hbm4b:s1+s6], $0x1, s2, s6, $0xb8;
	[tilespmem:$0x4000] =	vst v63  }
0x140: {  	_ = 	snop  }
0x141: {  	[tilespmem:s11], [sflag:$0x1] =	stream.indirect.gather [hbm4b:s1+s6], $0x1, s10, s6, $0xb8;
	[tilespmem:$0x4000] =	vst v63  }
0x142: {  	_ =	swait.ge [sflag:s8], $0x80  }
0x143: {  	[sflag:s8] =	ssyncset.done $0x0  }
0x144: {  	[sflag:s8] =	ssyncadd.s32 $0xFFFFFF80  }
0x145: {  	_ =	swait.ge [sflag:s8], $0x80  }
0x146: {  	[sflag:s8] =	ssyncset.done $0x0  }
0x147: {  	[sflag:s8] =	ssyncadd.s32 $0xFFFFFF80  }
0x148: {  	_ =	swait.ge [sflag:s8], $0x80  }
0x149: {  	[sflag:s8] =	ssyncset.done $0x0  }
0x14a: {  	[sflag:s8] =	ssyncadd.s32 $0xFFFFFF80  }
0x14b: {  	_ =	swait.ge [sflag:s8], $0x80  }
0x14c: {  	[sflag:s8] =	ssyncset.done $0x0  }
0x14d: {  	[sflag:s8] =	ssyncadd.s32 $0xFFFFFF80  }
0x14e: {  	_ =	swait.ge [sflag:s8], $0x80  }
0x14f: {  	[sflag:s8] =	ssyncset.done $0x0  }
0x150: {  	[sflag:s8] =	ssyncadd.s32 $0xFFFFFF80  }
0x151: {  	_ =	swait.ge [sflag:s8], $0x80  }
0x152: {  	[sflag:s8] =	ssyncset.done $0x0  }
0x153: {  	[sflag:s8] =	ssyncadd.s32 $0xFFFFFF80  }
0x154: {  	_ =	swait.ge [sflag:s8], $0x80  }
0x155: {  	[sflag:s8] =	ssyncset.done $0x0  }
0x156: {  	[sflag:s8] =	ssyncadd.s32 $0xFFFFFF80  }
0x157: {  	_ =	swait.ge [sflag:s8], $0x80  }
0x158: {  	s2 =	sld [smem:$0x7E5]  }
0x159: {  	s9 =	sld [smem:$0x7E6]  }
0x15a: {  	[sflag:s8] =	ssyncset.done $0x0;
	s10 =	sld [smem:$0x7E7]  }
0x15b: {  	s11 =	sld [smem:$0x7E8];
	[sflag:s8] =	ssyncadd.s32 $0xFFFFFF80  }
0x15c: {  	[tilespmem:s9], [sflag:$0x1] =	stream.indirect.gather [hbm4b:s1+s6], $0x1, s2, s6, $0xb8;
	[tilespmem:$0x4000] =	vst v63  }
0x15d: {  	s2 =	sld [smem:$0x7E9]  }
0x15e: {  	s9 =	sld [smem:$0x7EA]  }
0x15f: {  	[tilespmem:s11], [sflag:$0x1] =	stream.indirect.gather [hbm4b:s1+s6], $0x1, s10, s6, $0xb8;
	[tilespmem:$0x4000] =	vst v63  }
0x160: {  	s10 =	sld [smem:$0x7EB]  }
0x161: {  	s11 =	sld [smem:$0x7EC]  }
0x162: {  	[tilespmem:s9], [sflag:$0x1] =	stream.indirect.gather [hbm4b:s1+s6], $0x1, s2, s6, $0xb8;
	[tilespmem:$0x4000] =	vst v63  }
0x163: {  	s2 =	sld [smem:$0x7ED]  }
0x164: {  	s9 =	sld [smem:$0x7EE]  }
0x165: {  	[tilespmem:s11], [sflag:$0x1] =	stream.indirect.gather [hbm4b:s1+s6], $0x1, s10, s6, $0xb8;
	[tilespmem:$0x4000] =	vst v63  }
0x166: {  	s10 =	sld [smem:$0x7EF]  }
0x167: {  	s11 =	sld [smem:$0x7F0]  }
0x168: {  	[tilespmem:s9], [sflag:$0x1] =	stream.indirect.gather [hbm4b:s1+s6], $0x1, s2, s6, $0xb8;
	[tilespmem:$0x4000] =	vst v63  }
0x169: {  	s2 =	sld [smem:$0x7F1]  }
0x16a: {  	s9 =	sld [smem:$0x7F2]  }
0x16b: {  	[tilespmem:s11], [sflag:$0x1] =	stream.indirect.gather [hbm4b:s1+s6], $0x1, s10, s6, $0xb8;
	[tilespmem:$0x4000] =	vst v63  }
0x16c: {  	s10 =	sld [smem:$0x7F3]  }
0x16d: {  	s11 =	sld [smem:$0x7F4]  }
0x16e: {  	[tilespmem:s9], [sflag:$0x1] =	stream.indirect.gather [hbm4b:s1+s6], $0x1, s2, s6, $0xb8;
	[tilespmem:$0x4000] =	vst v63  }
0x16f: {  	_ = 	snop  }
0x170: {  	[tilespmem:s11], [sflag:$0x1] =	stream.indirect.gather [hbm4b:s1+s6], $0x1, s10, s6, $0xb8;
	[tilespmem:$0x4000] =	vst v63  }
0x171: {  	_ =	swait.ge [sflag:s8], $0x80  }
0x172: {  	[sflag:s8] =	ssyncset.done $0x0  }
0x173: {  	[sflag:s8] =	ssyncadd.s32 $0xFFFFFF80  }
0x174: {  	_ =	swait.ge [sflag:s8], $0x80  }
0x175: {  	[sflag:s8] =	ssyncset.done $0x0  }
0x176: {  	[sflag:s8] =	ssyncadd.s32 $0xFFFFFF80  }
0x177: {  	_ =	swait.ge [sflag:s8], $0x80  }
0x178: {  	[sflag:s8] =	ssyncset.done $0x0  }
0x179: {  	[sflag:s8] =	ssyncadd.s32 $0xFFFFFF80  }
0x17a: {  	_ =	swait.ge [sflag:s8], $0x80  }
0x17b: {  	[sflag:s8] =	ssyncset.done $0x0  }
0x17c: {  	[sflag:s8] =	ssyncadd.s32 $0xFFFFFF80  }
0x17d: {  	_ =	swait.ge [sflag:s8], $0x80  }
0x17e: {  	[sflag:s8] =	ssyncset.done $0x0  }
0x17f: {  	[sflag:s8] =	ssyncadd.s32 $0xFFFFFF80  }
0x180: {  	_ =	swait.ge [sflag:s8], $0x80  }
0x181: {  	[sflag:s8] =	ssyncset.done $0x0  }
0x182: {  	[sflag:s8] =	ssyncadd.s32 $0xFFFFFF80  }
0x183: {  	_ =	swait.ge [sflag:s8], $0x80  }
0x184: {  	[sflag:s8] =	ssyncset.done $0x0  }
0x185: {  	[sflag:s8] =	ssyncadd.s32 $0xFFFFFF80  }
0x186: {  	_ =	swait.ge [sflag:s8], $0x80  }
0x187: {  	s2 =	sld [smem:$0x7F5]  }
0x188: {  	s9 =	sld [smem:$0x7F6]  }
0x189: {  	[sflag:s8] =	ssyncset.done $0x0;
	s10 =	sld [smem:$0x7F7]  }
0x18a: {  	s11 =	sld [smem:$0x7F8];
	[sflag:s8] =	ssyncadd.s32 $0xFFFFFF80  }
0x18b: {  	[tilespmem:s9], [sflag:$0x1] =	stream.indirect.gather [hbm4b:s1+s6], $0x1, s2, s6, $0xb8;
	[tilespmem:$0x4000] =	vst v63  }
0x18c: {  	s2 =	sld [smem:$0x7F9]  }
0x18d: {  	s9 =	sld [smem:$0x7FA]  }
0x18e: {  	[tilespmem:s11], [sflag:$0x1] =	stream.indirect.gather [hbm4b:s1+s6], $0x1, s10, s6, $0xb8;
	[tilespmem:$0x4000] =	vst v63  }
0x18f: {  	s10 =	sld [smem:$0x7FB]  }
0x190: {  	s11 =	sld [smem:$0x7FC]  }
0x191: {  	[tilespmem:s9], [sflag:$0x1] =	stream.indirect.gather [hbm4b:s1+s6], $0x1, s2, s6, $0xb8;
	[tilespmem:$0x4000] =	vst v63  }
0x192: {  	s9 =	sld [smem:$0x7FD]  }
0x193: {  	[tilespmem:s11], [sflag:$0x1] =	stream.indirect.gather [hbm4b:s1+s6], $0x1, s10, s6, $0xb8;
	[tilespmem:$0x4000] =	vst v63  }
0x194: {  	s11 =	simm.s32 $0x3A00  }
0x195: {  	[tilespmem:s11], [sflag:$0x1] =	stream.indirect.gather [hbm4b:s1+s6], $0x1, s9, s6, $0xb8;
	[tilespmem:$0x4000] =	vst v63  }
0x196: {  	s10 =	simm.s32 $0x3A80;
	s9 =	simm.s32 $0x1A80  }
0x197: {  	[tilespmem:s10], [sflag:$0x1] =	stream.indirect.gather [hbm4b:s1+s6], $0x1, s9, s6, $0xb8;
	[tilespmem:$0x4000] =	vst v63  }
0x198: {  	_ = 	snop  }
0x199: {  	[tilespmem:s13], [sflag:$0x1] =	stream.indirect.gather [hbm4b:s1+s6], $0x1, s12, s6, $0xb8;
	[tilespmem:$0x4000] =	vst v63  }
0x19a: {  	_ = 	snop  }
0x19b: {  	[tilespmem:s15], [sflag:$0x1] =	stream.indirect.gather [hbm4b:s1+s6], $0x1, s14, s6, $0xb8;
	[tilespmem:$0x4000] =	vst v63  }
0x19c: {  	_ =	swait.ge [sflag:s8], $0x80  }
0x19d: {  	[sflag:s8] =	ssyncset.done $0x0  }
0x19e: {  	[sflag:s8] =	ssyncadd.s32 $0xFFFFFF80  }
0x19f: {  	_ =	swait.ge [sflag:s8], $0x80  }
0x1a0: {  	[sflag:s8] =	ssyncset.done $0x0  }
0x1a1: {  	[sflag:s8] =	ssyncadd.s32 $0xFFFFFF80  }
0x1a2: {  	_ =	swait.ge [sflag:s8], $0x80  }
0x1a3: {  	[sflag:s8] =	ssyncset.done $0x0  }
0x1a4: {  	[sflag:s8] =	ssyncadd.s32 $0xFFFFFF80  }
0x1a5: {  	_ =	swait.ge [sflag:s8], $0x80  }
0x1a6: {  	[sflag:s8] =	ssyncset.done $0x0  }
0x1a7: {  	[sflag:s8] =	ssyncadd.s32 $0xFFFFFF80  }
0x1a8: {  	_ =	swait.ge [sflag:s8], $0x80  }
0x1a9: {  	[sflag:s8] =	ssyncset.done $0x0  }
0x1aa: {  	[sflag:s8] =	ssyncadd.s32 $0xFFFFFF80  }
0x1ab: {  	_ =	swait.ge [sflag:s8], $0x80  }
0x1ac: {  	[sflag:s8] =	ssyncset.done $0x0  }
0x1ad: {  	[sflag:s8] =	ssyncadd.s32 $0xFFFFFF80  }
0x1ae: {  	_ =	swait.ge [sflag:s8], $0x80  }
0x1af: {  	[sflag:s8] =	ssyncset.done $0x0  }
0x1b0: {  	[sflag:s8] =	ssyncadd.s32 $0xFFFFFF80  }
0x1b1: {  	_ =	swait.ge [sflag:s8], $0x80  }
0x1b2: {  	[sflag:s8] =	ssyncset.done $0x0  }
0x1b3: {  	[sflag:s8] =	ssyncadd.s32 $0xFFFFFF80  }
0x1b4: {  	[tilespmem:s17], [sflag:$0x1] =	stream.indirect.gather [hbm4b:s1+s6], $0x1, s16, s6, $0xb8;
	[tilespmem:$0x4000] =	vst v63  }
0x1b5: {  	_ = 	snop  }
0x1b6: {  	[tilespmem:s19], [sflag:$0x1] =	stream.indirect.gather [hbm4b:s1+s6], $0x1, s18, s6, $0xb8;
	[tilespmem:$0x4000] =	vst v63  }
0x1b7: {  	_ = 	snop  }
0x1b8: {  	[tilespmem:s21], [sflag:$0x1] =	stream.indirect.gather [hbm4b:s1+s6], $0x1, s20, s6, $0xb8;
	[tilespmem:$0x4000] =	vst v63  }
0x1b9: {  	_ = 	snop  }
0x1ba: {  	[tilespmem:s23], [sflag:$0x1] =	stream.indirect.gather [hbm4b:s1+s6], $0x1, s22, s6, $0xb8;
	[tilespmem:$0x4000] =	vst v63  }
0x1bb: {  	_ = 	snop  }
0x1bc: {  	[tilespmem:s25], [sflag:$0x1] =	stream.indirect.gather [hbm4b:s1+s6], $0x1, s24, s6, $0xb8;
	[tilespmem:$0x4000] =	vst v63  }
0x1bd: {  	_ = 	snop  }
0x1be: {  	[tilespmem:s28], [sflag:$0x1] =	stream.indirect.gather [hbm4b:s1+s6], $0x1, s26, s6, $0xb8;
	[tilespmem:$0x4000] =	vst v63  }
0x1bf: {  	_ = 	snop  }
0x1c0: {  	[tilespmem:s30], [sflag:$0x1] =	stream.indirect.gather [hbm4b:s1+s6], $0x1, s29, s6, $0xb8;
	[tilespmem:$0x4000] =	vst v63  }
0x1c1: {  	_ = 	snop  }
0x1c2: {  	[tilespmem:s0], [sflag:$0x1] =	stream.indirect.gather [hbm4b:s1+s6], $0x1, s31, s6, $0xb8;
	[tilespmem:$0x4000] =	vst v63  }
0x1c3: {  	_ =	swait.ge [sflag:s8], $0x80  }
0x1c4: {  	[sflag:s8] =	ssyncset.done $0x0  }
0x1c5: {  	[sflag:s8] =	ssyncadd.s32 $0xFFFFFF80  }
0x1c6: {  	_ =	swait.ge [sflag:s8], $0x80  }
0x1c7: {  	[sflag:s8] =	ssyncset.done $0x0  }
0x1c8: {  	[sflag:s8] =	ssyncadd.s32 $0xFFFFFF80  }
0x1c9: {  	_ =	swait.ge [sflag:s8], $0x80  }
0x1ca: {  	[sflag:s8] =	ssyncset.done $0x0  }
0x1cb: {  	[sflag:s8] =	ssyncadd.s32 $0xFFFFFF80  }
0x1cc: {  	_ =	swait.ge [sflag:s8], $0x80  }
0x1cd: {  	[sflag:s8] =	ssyncset.done $0x0  }
0x1ce: {  	[sflag:s8] =	ssyncadd.s32 $0xFFFFFF80  }
0x1cf: {  	_ =	swait.ge [sflag:s8], $0x80  }
0x1d0: {  	[sflag:s8] =	ssyncset.done $0x0  }
0x1d1: {  	[sflag:s8] =	ssyncadd.s32 $0xFFFFFF80  }
0x1d2: {  	_ =	swait.ge [sflag:s8], $0x80  }
0x1d3: {  	[sflag:s8] =	ssyncset.done $0x0  }
0x1d4: {  	[sflag:s8] =	ssyncadd.s32 $0xFFFFFF80  }
0x1d5: {  	_ =	swait.ge [sflag:s8], $0x80  }
0x1d6: {  	[sflag:s8] =	ssyncset.done $0x0  }
0x1d7: {  	[sflag:s8] =	ssyncadd.s32 $0xFFFFFF80  }
0x1d8: {  	_ =	swait.ge [sflag:s8], $0x80  }
0x1d9: {  	p0 =	sne.s32 s4, $0x1;
	[sflag:s8] =	ssyncset.done $0x0  }
.Ltmp0:
0x1da: {  	s11 =	rddreg [dreg:$0x5];
	[sflag:s8] =	ssyncadd.s32 $0xFFFFFF80;
	(pc) =	sbr.rel @p0 .LBB2_1-.Ltmp0, $4  }
0x1db: {  	[hbm4b:s11+s3] =	stream.linear.scatter [tilespmem:s7], [sflag:$0x2], $0x2000, $0x38;
	[tilespmem:$0x4000] =	vst v63  }
0x1dc: {  	_ =	swait.ge [sflag:s5], $0x2000  }
0x1dd: {  	[sflag:s5] =	ssyncset.done $0x0  }
0x1de: {  	s4 =	sadd.s32 $0xFFFFFFFF, s4;
	[sflag:s5] =	ssyncadd.s32 $0xFFFFE000  }
0x1df: {  	_ =	sfence.sel $0x180000  }
0x1e0: {  	[bflag:$0x0] =	sbarrier.arrive $0xFFFF  }
0x1e1: {  	_ =	strace $0x90000047  }
0x1e2: {  	s0 =	stileid.u32;
	[bflag:$0x2] =	sbarrier.arrive $0xFFFF  }
0x1e3: {  	p0 =	sne.s32 s0, $0x0;
	s0 =	rddreg [dreg:$0x3]  }
0x1e4: {  	s0 =	sadd.s32 @!p0 $0x100000, s0  }
0x1e5: {  	[sflag:s0] =	ssyncadd.tile.s32 @!p0 $0x1;
	_ =	shalt  }
.Lfunc_end2:
_tile_overlayer_lowered:
.L_overlay_start_2:
0x1e6: {  	(tag) =	ssettag $0x2  }
0x1e7: {  	s0 =	rddreg [dreg:$0x0];
	s2 =	stileid.u32  }
0x1e8: {  	s1 =	rddreg [dreg:$0x1];
	p0 =	sne.s32 s2, $0x0  }
0x1e9: {  	s3 =	rddreg [dreg:$0x2];
	[bflag:$0x3] =	sbarrier.arrive $0xFFFF;
	s2 =	simm.s32 @!p0 $0x1C02  }
0x1ea: {  	[timem:s3], [sflag:s2] =	dma.local @!p0 [hbm:s0], s1  }
0x1eb: {  	s0 =	simm.s32 @!p0 $0x2  }
0x1ec: {  	_ =	swait.ge @!p0 [sflag:s0], s1  }
0x1ed: {  	s1 =	ssub.s32 @!p0 $0x0, s1;
	[sflag:s0] =	ssyncset.done @!p0 $0x0  }
0x1ee: {  	[sflag:s0] =	ssyncadd.s32 @!p0 s1  }
0x1ef: {  	[bflag:$0x3] =	sbarrier.arrive $0xFFFF  }
0x1f0: {  	_ =	shalt  }

// kernel: kernel.8.cloned.1.call-start
scs
__scs_entry_jumppad:
0x0: {  	(pc) =	sbr.rel $0x88, $3  }
0x1: {  	(tag) =	ssettag $0x0;
	lr =	simm.s32 $0x1  }
0x2: {  	[smem:$0x3F99] =	sst lr;
	_ =	strace $0xD0000000  }
0x3: {  	_ = 	snop  }
0x4: {  	_ = 	snop  }
0x5: {  	_ = 	snop  }
0x6: {  	_ = 	snop  }
0x7: {  	_ = 	snop  }
__scs_overlays_trampoline_lowered:
0x8: {  	[smem:$0x3FA8] =	sst s0  }
0x9: {  	[smem:$0x3FA9] =	sst s1  }
0xa: {  	[smem:$0x3FAA] =	sst s2  }
0xb: {  	[smem:$0x3FAB] =	sst s3  }
0xc: {  	[smem:$0x3FAC] =	sst s4  }
0xd: {  	[smem:$0x3FAD] =	sst s5  }
0xe: {  	[smem:$0x3FAE] =	sst s6  }
0xf: {  	[smem:$0x3FAF] =	sst s7  }
0x10: {  	[smem:$0x3FB0] =	sst s8  }
0x11: {  	[smem:$0x3FB1] =	sst s9;
	s0 =	simm.s32 @!p0 $0x0  }
0x12: {  	s1 =	sld [smem:$0x3F97];
	s0 =	simm.s32 @p0 $0x1  }
0x13: {  	[smem:$0x3FB2] =	sst s0;
	s0 =	simm.s32 @!p1 $0x0  }
0x14: {  	s2 =	sld [smem:$0x3F96];
	s0 =	simm.s32 @p1 $0x1  }
0x15: {  	[smem:$0x3FB3] =	sst s0;
	s0 =	simm.s32 @!p2 $0x0  }
0x16: {  	s3 =	sld [smem:$0x3FDB];
	s0 =	simm.s32 @p2 $0x1  }
0x17: {  	s4 =	simm.s32 $0x1BF5;
	[smem:$0x3FB5] =	sst s0  }
0x18: {  	s0 =	sld [smem:$0x3F98];
	_ =	swait.ge [sflag:s4], $0x0  }
0x19: {  	s7 =	sld [smem:$0x3F99]  }
0x1a: {  	s8 =	sadd.s32 $0xFFFFE003, lr  }
0x1b: {  	s9 =	sadd.s32 $0xFFFFFEF7, lr;
	s5 =	simm.s32 $0xFFFFFFFF;
	p2 =	slt.u32 s8, $0xFFFFF086  }
0x1c: {  	p1 =	slt.u32 s9, $0xF7A;
	s5 =	simm.s32 @!p2 $0x0  }
0x1d: {  	s5 =	simm.s32 @p1 $0x1;
	p0 =	seq.s32 s7, s2  }
0x1e: {  	s7 =	smul.u32 @!p0 $0xF7A, s2;
	p2 =	seq.s32 @!p0 s5, $0x0  }
0x1f: {  	s9 =	smul.u32 $0xF7A, s1;
	s8 =	simm.s32 @!p0 $0x1BF5;
	p2 =	por !p2, p0  }
0x20: {  	[sflag:s8] =	ssyncset.s32 @!p0 $0xFFFFF086;
	s6 =	sadd.s32 @!p0 s3, s7;
	s7 =	simm.s32 @!p0 $0x108  }
0x21: {  	s3 =	sadd.s32 s3, s9;
	s6 =	sadd.s32 @!p0 $0x88, s6;
	s7 =	simm.s32 @p2 $0x1082  }
0x22: {  	[simem:s7], [sflag:s8] =	dma.local @!p0 [hbm:s6], $0xF7A  }
0x23: {  	s9 =	sor.u32 $0xD0000000, s2;
	s6 =	simm.s32 $0x108;
	_ =	swait.ge @!p0 [sflag:s8], $0x0  }
0x24: {  	s3 =	sadd.s32 $0x88, s3;
	s6 =	simm.s32 @!p1 $0x1082;
	[sflag:s4] =	ssyncset.s32 $0xFFFFF086  }
0x25: {  	[simem:s6], [sflag:s4] =	dma.local [hbm:s3], $0xF7A  }
0x26: {  	[smem:$0x3F99] =	sst s1;
	(tag) =	ssettag s2;
	_ =	strace s9  }
0x27: {  	s1 =	sld [smem:$0x3FA9]  }
0x28: {  	s2 =	sld [smem:$0x3FAA]  }
0x29: {  	s4 =	sld [smem:$0x3FAC]  }
0x2a: {  	p0 =	seq.s32 s5, $0x0;
	s5 =	sld [smem:$0x3FAD]  }
0x2b: {  	s6 =	sld [smem:$0x3FAE]  }
0x2c: {  	s7 =	sld [smem:$0x3FAF]  }
0x2d: {  	s3 =	simm.s32 $0x108;
	s8 =	sld [smem:$0x3FB0]  }
0x2e: {  	s3 =	simm.s32 @!p0 $0x1082;
	s9 =	sld [smem:$0x3FB1]  }
0x2f: {  	lr =	sadd.s32 s0, s3;
	s0 =	sld [smem:$0x3FA8]  }
0x30: {  	s3 =	sld [smem:$0x3FAB]  }
0x31: {  	[smem:$0x3FB4] =	sst s10  }
0x32: {  	s10 =	sld [smem:$0x3FB2];
	_ =	sdelay $0x3  }
0x33: {  	p0 =	seq.s32 s10, $0x1;
	s10 =	sld [smem:$0x3FB4];
	_ =	sdelay $0x3  }
0x34: {  	[smem:$0x3FB4] =	sst s10  }
0x35: {  	s10 =	sld [smem:$0x3FB3];
	_ =	sdelay $0x3  }
0x36: {  	p1 =	seq.s32 s10, $0x1;
	s10 =	sld [smem:$0x3FB4];
	_ =	sdelay $0x3  }
0x37: {  	[smem:$0x3FB4] =	sst s10  }
0x38: {  	s10 =	sld [smem:$0x3FB5]  }
0x39: {  	_ = 	snop;
	(pc) =	sbr.ind lr, $3  }
0x3a: {  	_ = 	snop  }
0x3b: {  	_ = 	snop  }
0x3c: {  	p2 =	seq.s32 s10, $0x1;
	s10 =	sld [smem:$0x3FB4]  }
0x3d: {  	_ =	shalt  }
0x3e: {  	_ =	shalt  }
0x3f: {  	_ =	shalt  }
0x40: {  	_ =	shalt  }
0x41: {  	_ =	shalt  }
0x42: {  	_ =	shalt  }
0x43: {  	_ =	shalt  }
0x44: {  	_ =	shalt  }
0x45: {  	_ =	shalt  }
0x46: {  	_ =	shalt  }
0x47: {  	_ =	shalt  }
0x48: {  	_ =	shalt  }
0x49: {  	_ =	shalt  }
0x4a: {  	_ =	shalt  }
0x4b: {  	_ =	shalt  }
0x4c: {  	_ =	shalt  }
0x4d: {  	_ =	shalt  }
0x4e: {  	_ =	shalt  }
0x4f: {  	_ =	shalt  }
0x50: {  	_ =	shalt  }
0x51: {  	_ =	shalt  }
0x52: {  	_ =	shalt  }
0x53: {  	_ =	shalt  }
0x54: {  	_ =	shalt  }
0x55: {  	_ =	shalt  }
0x56: {  	_ =	shalt  }
0x57: {  	_ =	shalt  }
0x58: {  	_ =	shalt  }
0x59: {  	_ =	shalt  }
0x5a: {  	_ =	shalt  }
0x5b: {  	_ =	shalt  }
0x5c: {  	_ =	shalt  }
0x5d: {  	_ =	shalt  }
0x5e: {  	_ =	shalt  }
0x5f: {  	_ =	shalt  }
0x60: {  	_ =	shalt  }
0x61: {  	_ =	shalt  }
0x62: {  	_ =	shalt  }
0x63: {  	_ =	shalt  }
0x64: {  	_ =	shalt  }
0x65: {  	_ =	shalt  }
0x66: {  	_ =	shalt  }
0x67: {  	_ =	shalt  }
0x68: {  	_ =	shalt  }
0x69: {  	_ =	shalt  }
0x6a: {  	_ =	shalt  }
0x6b: {  	_ =	shalt  }
0x6c: {  	_ =	shalt  }
0x6d: {  	_ =	shalt  }
0x6e: {  	_ =	shalt  }
0x6f: {  	_ =	shalt  }
0x70: {  	_ =	shalt  }
0x71: {  	_ =	shalt  }
0x72: {  	_ =	shalt  }
0x73: {  	_ =	shalt  }
0x74: {  	_ =	shalt  }
0x75: {  	_ =	shalt  }
0x76: {  	_ =	shalt  }
0x77: {  	_ =	shalt  }
0x78: {  	_ =	shalt  }
0x79: {  	_ =	shalt  }
0x7a: {  	_ =	shalt  }
0x7b: {  	_ =	shalt  }
0x7c: {  	_ =	shalt  }
0x7d: {  	_ =	shalt  }
0x7e: {  	_ =	shalt  }
0x7f: {  	_ =	shalt  }
0x80: {  	_ =	shalt  }
0x81: {  	_ =	shalt  }
0x82: {  	_ =	shalt  }
0x83: {  	_ =	shalt  }
0x84: {  	_ =	shalt  }
0x85: {  	_ =	shalt  }
0x86: {  	_ =	shalt  }
0x87: {  	_ =	shalt  }
.Lfunc_end0:
.L_simem_size_0:
called_computation.1_lowered:
.L_overlay_start_0:
0x88: {  	s2 =	sld [smem:$0x3FD9]  }
0x89: {  	s3 =	sld [smem:$0x3FFE];
	_ =	sdelay $0x1  }
0x8a: {  	s1 =	srdreg.scid  }
0x8b: {  	s0 =	sand.u32 $0x1, s1  }
0x8c: {  	s14 =	sshll.u32 s0, $0xA;
	s2 =	sadd.s32 s3, s2  }
0x8d: {  	s2 =	sadd.s32 s2, s14  }
0x8e: {  	[smem:$0x3FC0] =	sst s2  }
0x8f: {  	_ = 	snop  }
0x90: {  	s2 =	sld [smem:$0x3FD0];
	_ =	sdelay $0x2  }
0x91: {  	s15 =	simm.s32 $0xA;
	s4 =	simm.s32 $0x10  }
0x92: {  	[smem:s4], [sflag:s15] =	dma.local [hbm:s2], $0x1  }
0x93: {  	_ =	swait.eq [sflag:s15], $0x1  }
0x94: {  	[sflag:s15] =	ssyncset.done $0x0  }
0x95: {  	[sflag:s15] =	ssyncadd.s32 $0xFFFFFFFF  }
0x96: {  	s16 =	sld [smem:$0x10];
	(tm) =	ssettm $0x1  }
0x97: {  	s17 =	sld [smem:$0x3FFB];
	_ =	sdelay $0x3  }
0x98: {  	_ =	strace s17  }
0x99: {  	s3 =	sld [smem:$0x3FFC];
	_ =	sdelay $0x3  }
0x9a: {  	_ =	strace s3  }
0x9b: {  	s3 =	sld [smem:$0x3FFD];
	_ =	sdelay $0x3  }
0x9c: {  	_ =	strace s3  }
0x9d: {  	_ =	strace $0x8FFFFFFF  }
0x9e: {  	s18 =	sld [smem:$0x3FDB];
	_ =	sdelay $0x1  }
0x9f: {  	s19 =	simm.s32 $_scs_section_size  }
0xa0: {  	s5 =	simm.s32 $_size__tile_overlayer_lowered;
	s6 =	simm.s32 $_tile_overlayer_lowered  }
0xa1: {  	s22 =	simm.s32 $0x1BFF;
	s21 =	sshll.u32 s6, $0x1;
	s3 =	sadd.s32 s19, s18  }
0xa2: {  	s7 =	simm.s32 $0x0;
	s20 =	sshll.u32 s5, $0x1;
	s5 =	sadd.s32 s21, s3  }
0xa3: {  	[timem:s7], [sflag:s22] =	dma.local [hbm:s5], s20  }
0xa4: {  	_ =	swait.ge [sflag:s22], s20  }
0xa5: {  	s4 =	ssub.s32 $0x0, s20;
	[sflag:s22] =	ssyncset.done $0x0  }
0xa6: {  	[sflag:s22] =	ssyncadd.s32 s4;
	_ =	sdelay $0x1  }
0xa7: {  	s23 =	simm.s32 $0x1B8B  }
0xa8: {  	_ =	swait.ge [sflag:s23], $0x1  }
0xa9: {  	[sflag:s23] =	ssyncset.done $0x0  }
0xaa: {  	s25 =	simm.s32 $0x1B8E;
	s24 =	sld [smem:$0x3FFE];
	[sflag:s23] =	ssyncadd.s32 $0xFFFFFFFF  }
0xab: {  	s26 =	simm.s32 $execute0_lowered;
	[smem:$0x3FD2] =	sst s25  }
0xac: {  	s5 =	sshll.u32 s26, $0x1;
	_ =	strace $0x80000049;
	[dreg:$0x1] =	wrdreg $0xFFFFFFFF  }
0xad: {  	s28 =	simm.s32 $_size_execute0_lowered;
	s3 =	sadd.s32 s3, s5;
	[dreg:$0x0] =	wrdreg $0x0  }
0xae: {  	s5 =	sshll.u32 s28, $0x1;
	[dreg:$0x2] =	wrdreg s3  }
0xaf: {  	[dreg:$0x3] =	wrdreg s5  }
0xb0: {  	[dreg:$0x4] =	wrdreg $0xC0  }
0xb1: {  	_ =	task [dreg:s7], $0x5FFFF  }
0xb2: {  	[dreg:$0x1] =	wrdreg $0xFFFFFFFF  }
0xb3: {  	[dreg:$0x0] =	wrdreg $0x60  }
0xb4: {  	[dreg:$0x2] =	wrdreg s24  }
0xb5: {  	[dreg:$0x3] =	wrdreg s16  }
0xb6: {  	[dreg:$0x4] =	wrdreg $0x9  }
0xb7: {  	_ =	task.clear_ibuf [dreg:s7], $0x5FFFF;
	_ =	strace $0x90000049  }
0xb8: {  	s29 =	simm.s32 $0x9;
	_ =	strace $0x8000004B  }
0xb9: {  	_ =	swait.ge [sflag:s29], $0x1  }
0xba: {  	[sflag:s29] =	ssyncadd.s32 $0xFFFFFFFF  }
0xbb: {  	_ =	strace $0x9000004B  }
0xbc: {  	_ =	sfence  }
0xbd: {  	s30 =	sld [smem:$0x0];
	_ =	sdelay $0x2  }
0xbe: {  	s31 =	sshll.u32 s1, $0xD;
	s1 =	sshrl.u32 s1, $0x2  }
0xbf: {  	s3 =	sand.u32 $0x4000, s31;
	s1 =	sadd.s32 s1, s30  }
0xc0: {  	s0 =	sor.u32 s3, s0;
	s1 =	sshll.u32 s1, $0x11  }
0xc1: {  	s0 =	sor.u32 s1, s0  }
0xc2: {  	s0 =	sadd.s32 $0x8F2B, s0  }
0xc3: {  	[sflag:s0] =	ssyncadd.remote.s32 $0x1  }
0xc4: {  	_ =	sfence.sel $0xFFFF  }
0xc5: {  	[dreg:$0x0] =	wrdreg $0xFFFFFFFF;
	(pc) =	sbr.abs _section_cstart, $3  }
0xc6: {  	[dreg:$0x1] =	wrdreg $0xFFFFFFFF  }
0xc7: {  	_ =	task.clear_ibuf [dreg:s7], $0x2FFFF;
	_ =	strace $0x9FFFFFFF  }
0xc8: {  	(tm) =	ssettm $0x7FFFFFFF  }
0xc9: {  	_ =	shalt  }
tec
execute0_lowered:
.L_overlay_start_1:
0x0: {  	(tag) =	ssettag $0x1  }
0x1: {  	s0 =	rddreg [dreg:$0x0]  }
0x2: {  	s2 =	rddreg [dreg:$0x1];
	s1 =	srdreg.scid  }
0x3: {  	s3 =	simm.s32 $0x0;
	s4 =	stileid.u32;
	s20 =	simm.s32 $0x12800  }
0x4: {  	s21 =	simm.s32 $0x13000;
	s22 =	simm.s32 $0x13800;
	s28 =	simm.s32 $0x16000  }
0x5: {  	s29 =	simm.s32 $0x16800;
	s30 =	simm.s32 $0x17000;
	s31 =	simm.s32 $0x17800  }
0x6: {  	s12 =	simm.s32 $0x19000;
	s10 =	simm.s32 $0x1A800;
	s11 =	simm.s32 $0x0  }
0x7: {  	s1 =	sand.u32 $0x1, s1;
	[smem:$0x7FF] =	sst s3;
	s5 =	sshll.u32 s4, $0x7  }
0x8: {  	s4 =	sadd.s32 $0x9A00, s0;
	s6 =	sshll.u32 s1, $0x6;
	_ =	strace $0x8000004A  }
0x9: {  	s1 =	ssub.s32 $0x2, s1;
	s6 =	sor.u32 s6, s5;
	s5 =	sadd.s32 $0x316E00, s0  }
0xa: {  	v1 =	vlaneseq.u32;
	vm0 =	vmmov $0xffff;
	s23 =	sshrl.u32 s1, $0x1;
	s7 =	sshll.u32 s6, $0x4;
	s8 =	sshll.u32 s6, $0x5  }
0xb: {  	v62 =	vimm.s32 $0x0;
	vm1 =	vmmov $0x1;
	vm2 =	vmmov $0x3;
	s1 =	ssub.s32 s1, s23;
	s9 =	sshrl.u32 s6, $0x3;
	s23 =	simm.s32 $0x14000  }
0xc: {  	vm3 =	vmmov $0x7;
	vm4 =	vmmov $0xf;
	vm5 =	vmmov $0x1f;
	s0 =	sadd.s32 s7, s0;
	s24 =	sadd.s32 s5, s8;
	s8 =	sadd.s32 $0xFFFFFFF1, s6  }
.Ltmp0:
0xd: {  	vm6 =	vmmov $0x3f;
	v0 =	vand.u32 $0x7, v1;
	v61 =	vshrl.u32 v1, $0x3;
	s26 =	smax.u32 s1, $0x1;
	s1 =	simm.s32 $0x18800;
	(pc) =	sbr.rel .LBB2_1-.Ltmp0, $4  }
0xe: {  	vm7 =	vmmov $0x7f;
	v63 =	vor.u32 $0x8, v1;
	[tilespmem:$0x1FFC0] =	vst v0;
	v0 =	vmul.u32 $0x8, v61;
	s6 =	simm.s32 $0x19800;
	s7 =	simm.s32 $0x1A000;
	[dreg:$0x3] =	wrdreg s24  }
0xf: {  	vm8 =	vmmov $0xff;
	vm9 =	vmmov $0x1ff;
	vm10 =	vmmov $0x3ff;
	[tilespmem:$0x1FFF0] =	vst v63;
	s25 =	sadd.s32 $0x1A00, s0;
	s0 =	sadd.s32 $0x326E00, s0;
	[dreg:$0x6] =	wrdreg s26  }
0x10: {  	vm11 =	vmmov $0x7ff;
	vm12 =	vmmov $0xfff;
	[tilespmem:$0x1FFD0] =	vst v0;
	v0 =	vsel vm0, $0xFFFFFFFF, v62;
	s24 =	simm.s32 $0x14800;
	s26 =	simm.s32 $0x15800;
	[dreg:$0x4] =	wrdreg s25  }
0x11: {  	vm13 =	vmmov $0x1fff;
	vm14 =	vmmov $0x3fff;
	vm15 =	vmmov $0x7fff;
	[tilespmem:$0x1FFE0] =	vst v0;
	[dreg:$0x5] =	wrdreg s0;
	s25 =	simm.s32 $0x15000;
	s0 =	simm.s32 $0x18000  }
.LBB2_12:
0x12: {  	s13 =	rddreg [dreg:$0x5];
	s14 =	simm.s32 $0x1B800;
	s18 =	simm.s32 $0x6  }
0x13: {  	[hbm4b:s13+s3] =	stream.linear.scatter [tilespmem:s14], [sflag:$0x6], $0x2000, $0x38;
	[tilespmem:$0x1D800] =	vst v63  }
0x14: {  	_ =	swait.ge [sflag:s18], $0x2000  }
0x15: {  	s11 =	sadd.s32 $0x1, s11;
	s19 =	rddreg [dreg:$0x6]  }
0x16: {  	p0 =	sne.s32 s11, s19  }
.Ltmp1:
0x17: {  	_ = 	snop;
	(pc) =	sbr.rel @!p0 .LBB2_13-.Ltmp1, $3  }
0x18: {  	_ =	sdelay $0x1  }
0x19: {  	[sflag:s18] =	ssyncset.done $0x0  }
0x1a: {  	[sflag:s18] =	ssyncadd.s32 $0xFFFFE000  }
.LBB2_1:
0x1b: {  	s13 =	rddreg [dreg:$0x3];
	s14 =	simm.s32 $0x2000  }
0x1c: {  	[tilespmem:s14], [sflag:$0x2] =	stream.linear.gather [hbm4b:s13+s3], $0x800, $0x38;
	[tilespmem:$0x1D800] =	vst v63  }
0x1d: {  	s17 =	rddreg [dreg:$0x4];
	s18 =	simm.s32 $0x1  }
0x1e: {  	[tilespmem:s3], [sflag:$0x1] =	stream.linear.gather [hbm4b:s17+s3], $0x2000, $0x38;
	[tilespmem:$0x1D800] =	vst v63  }
0x1f: {  	_ =	swait.ge [sflag:s18], $0x2000  }
0x20: {  	[sflag:s18] =	ssyncset.done $0x0  }
0x21: {  	[sflag:s18] =	ssyncadd.s32 $0xFFFFE000  }
0x22: {  	v0 =	vld [tilespmem:$0x0];
	_ =	sdelay $0x2  }
0x23: {  	v2 =	vld [tilespmem:$0x1FFC0]  }
0x24: {  	v3 =	vld [tilespmem:$0x1FFD0]  }
0x25: {  	v4 =	vld [tilespmem:$0x1FFF0];
	v1 =	vshll.u32 v0, $0x1  }
0x26: {  	v0 =	vand.u32 $0x7, v0;
	v1 =	vand.u32 $0xFFFFFFF0, v1  }
0x27: {  	v0 =	vor.u32 v0, v1  }
0x28: {  	v1 =	vperm.xlane v0, v2  }
0x29: {  	v5 =	vld [tilespmem:$0x1FFE0]  }
0x2a: {  	v0 =	vperm.xlane v0, v4;
	v1 =	vadd.s32 v3, v1;
	_ =	sdelay $0x1  }
0x2b: {  	v0 =	vadd.s32 v3, v0;
	_ =	sdelay $0x1  }
0x2c: {  	s19 =	simm.s32 $0x3000;
	vm0 =	vnez.u8 v5  }
0x2d: {  	[tilespmem:s19], [sflag:$0x3] =	stream.indirect_vreg.gather [hbm4b:s4+s3], $0x80, v1, vm0, $0xb8;
	[tilespmem:$0x1D800] =	vst v63  }
0x2e: {  	s14 =	simm.s32 $0x3800  }
0x2f: {  	[tilespmem:s14], [sflag:$0x3] =	stream.indirect_vreg.gather [hbm4b:s4+s3], $0x80, v0, vm0, $0xb8;
	[tilespmem:$0x1D800] =	vst v63  }
0x30: {  	v0 =	vld [tilespmem:$0x10];
	_ =	sdelay $0x4  }
0x31: {  	v41 =	vshll.u32 v0, $0x1  }
0x32: {  	v0 =	vand.u32 $0x7, v0;
	v1 =	vand.u32 $0xFFFFFFF0, v41  }
0x33: {  	v0 =	vor.u32 v0, v1  }
0x34: {  	v1 =	vperm.xlane v0, v2;
	_ =	sdelay $0x1  }
0x35: {  	v0 =	vperm.xlane v0, v4;
	v1 =	vadd.s32 v3, v1;
	_ =	sdelay $0x1  }
0x36: {  	v0 =	vadd.s32 v3, v0;
	_ =	sdelay $0x1  }
0x37: {  	s15 =	simm.s32 $0x4000  }
0x38: {  	[tilespmem:s15], [sflag:$0x3] =	stream.indirect_vreg.gather [hbm4b:s4+s3], $0x80, v1, vm0, $0xb8;
	[tilespmem:$0x1D800] =	vst v63  }
0x39: {  	s16 =	simm.s32 $0x4800  }
0x3a: {  	[tilespmem:s16], [sflag:$0x3] =	stream.indirect_vreg.gather [hbm4b:s4+s3], $0x80, v0, vm0, $0xb8;
	[tilespmem:$0x1D800] =	vst v63  }
0x3b: {  	v0 =	vld [tilespmem:$0x20];
	_ =	sdelay $0x4  }
0x3c: {  	v42 =	vshll.u32 v0, $0x1  }
0x3d: {  	v0 =	vand.u32 $0x7, v0;
	v1 =	vand.u32 $0xFFFFFFF0, v42  }
0x3e: {  	v0 =	vor.u32 v0, v1  }
0x3f: {  	v1 =	vperm.xlane v0, v2;
	_ =	sdelay $0x1  }
0x40: {  	v0 =	vperm.xlane v0, v4;
	v1 =	vadd.s32 v3, v1;
	_ =	sdelay $0x1  }
0x41: {  	v0 =	vadd.s32 v3, v0;
	_ =	sdelay $0x1  }
0x42: {  	s17 =	simm.s32 $0x5000  }
0x43: {  	[tilespmem:s17], [sflag:$0x3] =	stream.indirect_vreg.gather [hbm4b:s4+s3], $0x80, v1, vm0, $0xb8;
	[tilespmem:$0x1D800] =	vst v63  }
0x44: {  	s18 =	simm.s32 $0x5800  }
0x45: {  	[tilespmem:s18], [sflag:$0x3] =	stream.indirect_vreg.gather [hbm4b:s4+s3], $0x80, v0, vm0, $0xb8;
	[tilespmem:$0x1D800] =	vst v63  }
0x46: {  	v0 =	vld [tilespmem:$0x30];
	_ =	sdelay $0x4  }
0x47: {  	v43 =	vshll.u32 v0, $0x1  }
0x48: {  	v0 =	vand.u32 $0x7, v0;
	v1 =	vand.u32 $0xFFFFFFF0, v43  }
0x49: {  	v0 =	vor.u32 v0, v1  }
0x4a: {  	v1 =	vperm.xlane v0, v2;
	_ =	sdelay $0x1  }
0x4b: {  	v0 =	vperm.xlane v0, v4;
	v1 =	vadd.s32 v3, v1;
	_ =	sdelay $0x1  }
0x4c: {  	v0 =	vadd.s32 v3, v0;
	_ =	sdelay $0x1  }
0x4d: {  	s19 =	simm.s32 $0x6000  }
0x4e: {  	[tilespmem:s19], [sflag:$0x3] =	stream.indirect_vreg.gather [hbm4b:s4+s3], $0x80, v1, vm0, $0xb8;
	[tilespmem:$0x1D800] =	vst v63  }
0x4f: {  	s14 =	simm.s32 $0x6800  }
0x50: {  	[tilespmem:s14], [sflag:$0x3] =	stream.indirect_vreg.gather [hbm4b:s4+s3], $0x80, v0, vm0, $0xb8;
	[tilespmem:$0x1D800] =	vst v63  }
0x51: {  	v0 =	vld [tilespmem:$0x40];
	_ =	sdelay $0x4  }
0x52: {  	v44 =	vshll.u32 v0, $0x1  }
0x53: {  	v0 =	vand.u32 $0x7, v0;
	v1 =	vand.u32 $0xFFFFFFF0, v44  }
0x54: {  	v0 =	vor.u32 v0, v1  }
0x55: {  	v1 =	vperm.xlane v0, v2;
	_ =	sdelay $0x1  }
0x56: {  	v0 =	vperm.xlane v0, v4;
	v1 =	vadd.s32 v3, v1;
	_ =	sdelay $0x1  }
0x57: {  	v0 =	vadd.s32 v3, v0;
	_ =	sdelay $0x1  }
0x58: {  	s15 =	simm.s32 $0x7000  }
0x59: {  	[tilespmem:s15], [sflag:$0x3] =	stream.indirect_vreg.gather [hbm4b:s4+s3], $0x80, v1, vm0, $0xb8;
	[tilespmem:$0x1D800] =	vst v63  }
0x5a: {  	s16 =	simm.s32 $0x7800  }
0x5b: {  	[tilespmem:s16], [sflag:$0x3] =	stream.indirect_vreg.gather [hbm4b:s4+s3], $0x80, v0, vm0, $0xb8;
	[tilespmem:$0x1D800] =	vst v63  }
0x5c: {  	v0 =	vld [tilespmem:$0x50];
	_ =	sdelay $0x4  }
0x5d: {  	v45 =	vshll.u32 v0, $0x1  }
0x5e: {  	v0 =	vand.u32 $0x7, v0;
	v1 =	vand.u32 $0xFFFFFFF0, v45  }
0x5f: {  	v0 =	vor.u32 v0, v1  }
0x60: {  	v1 =	vperm.xlane v0, v2;
	_ =	sdelay $0x1  }
0x61: {  	v0 =	vperm.xlane v0, v4;
	v1 =	vadd.s32 v3, v1;
	_ =	sdelay $0x1  }
0x62: {  	v0 =	vadd.s32 v3, v0;
	_ =	sdelay $0x1  }
0x63: {  	s17 =	simm.s32 $0x8000  }
0x64: {  	[tilespmem:s17], [sflag:$0x3] =	stream.indirect_vreg.gather [hbm4b:s4+s3], $0x80, v1, vm0, $0xb8;
	[tilespmem:$0x1D800] =	vst v63  }
0x65: {  	s18 =	simm.s32 $0x8800  }
0x66: {  	[tilespmem:s18], [sflag:$0x3] =	stream.indirect_vreg.gather [hbm4b:s4+s3], $0x80, v0, vm0, $0xb8;
	[tilespmem:$0x1D800] =	vst v63  }
0x67: {  	v0 =	vld [tilespmem:$0x60];
	_ =	sdelay $0x4  }
0x68: {  	v46 =	vshll.u32 v0, $0x1  }
0x69: {  	v0 =	vand.u32 $0x7, v0;
	v1 =	vand.u32 $0xFFFFFFF0, v46  }
0x6a: {  	v0 =	vor.u32 v0, v1  }
0x6b: {  	v1 =	vperm.xlane v0, v2;
	_ =	sdelay $0x1  }
0x6c: {  	v0 =	vperm.xlane v0, v4;
	v1 =	vadd.s32 v3, v1;
	_ =	sdelay $0x1  }
0x6d: {  	v0 =	vadd.s32 v3, v0;
	_ =	sdelay $0x1  }
0x6e: {  	s19 =	simm.s32 $0x9000  }
0x6f: {  	[tilespmem:s19], [sflag:$0x3] =	stream.indirect_vreg.gather [hbm4b:s4+s3], $0x80, v1, vm0, $0xb8;
	[tilespmem:$0x1D800] =	vst v63  }
0x70: {  	s14 =	simm.s32 $0x9800  }
0x71: {  	[tilespmem:s14], [sflag:$0x3] =	stream.indirect_vreg.gather [hbm4b:s4+s3], $0x80, v0, vm0, $0xb8;
	[tilespmem:$0x1D800] =	vst v63  }
0x72: {  	v0 =	vld [tilespmem:$0x70];
	_ =	sdelay $0x4  }
0x73: {  	v47 =	vshll.u32 v0, $0x1  }
0x74: {  	v0 =	vand.u32 $0x7, v0;
	v1 =	vand.u32 $0xFFFFFFF0, v47  }
0x75: {  	v0 =	vor.u32 v0, v1  }
0x76: {  	v1 =	vperm.xlane v0, v2;
	_ =	sdelay $0x1  }
0x77: {  	v0 =	vperm.xlane v0, v4;
	v1 =	vadd.s32 v3, v1;
	_ =	sdelay $0x1  }
0x78: {  	v0 =	vadd.s32 v3, v0;
	_ =	sdelay $0x1  }
0x79: {  	s15 =	simm.s32 $0xA000  }
0x7a: {  	[tilespmem:s15], [sflag:$0x3] =	stream.indirect_vreg.gather [hbm4b:s4+s3], $0x80, v1, vm0, $0xb8;
	[tilespmem:$0x1D800] =	vst v63  }
0x7b: {  	s16 =	simm.s32 $0xA800  }
0x7c: {  	[tilespmem:s16], [sflag:$0x3] =	stream.indirect_vreg.gather [hbm4b:s4+s3], $0x80, v0, vm0, $0xb8;
	[tilespmem:$0x1D800] =	vst v63  }
0x7d: {  	v0 =	vld [tilespmem:$0x80];
	_ =	sdelay $0x4  }
0x7e: {  	v48 =	vshll.u32 v0, $0x1  }
0x7f: {  	v0 =	vand.u32 $0x7, v0;
	v1 =	vand.u32 $0xFFFFFFF0, v48  }
0x80: {  	v0 =	vor.u32 v0, v1  }
0x81: {  	v1 =	vperm.xlane v0, v2;
	_ =	sdelay $0x1  }
0x82: {  	v0 =	vperm.xlane v0, v4;
	v1 =	vadd.s32 v3, v1;
	_ =	sdelay $0x1  }
0x83: {  	v0 =	vadd.s32 v3, v0;
	_ =	sdelay $0x1  }
0x84: {  	s17 =	simm.s32 $0xB000  }
0x85: {  	[tilespmem:s17], [sflag:$0x4] =	stream.indirect_vreg.gather [hbm4b:s4+s3], $0x80, v1, vm0, $0xb8;
	[tilespmem:$0x1D800] =	vst v63  }
0x86: {  	s18 =	simm.s32 $0xB800  }
0x87: {  	[tilespmem:s18], [sflag:$0x4] =	stream.indirect_vreg.gather [hbm4b:s4+s3], $0x80, v0, vm0, $0xb8;
	[tilespmem:$0x1D800] =	vst v63  }
0x88: {  	v0 =	vld [tilespmem:$0x90];
	_ =	sdelay $0x4  }
0x89: {  	v49 =	vshll.u32 v0, $0x1  }
0x8a: {  	v0 =	vand.u32 $0x7, v0;
	v1 =	vand.u32 $0xFFFFFFF0, v49  }
0x8b: {  	v0 =	vor.u32 v0, v1  }
0x8c: {  	v1 =	vperm.xlane v0, v2;
	_ =	sdelay $0x1  }
0x8d: {  	v0 =	vperm.xlane v0, v4;
	v1 =	vadd.s32 v3, v1;
	_ =	sdelay $0x1  }
0x8e: {  	v0 =	vadd.s32 v3, v0;
	_ =	sdelay $0x1  }
0x8f: {  	s19 =	simm.s32 $0xC000  }
0x90: {  	[tilespmem:s19], [sflag:$0x4] =	stream.indirect_vreg.gather [hbm4b:s4+s3], $0x80, v1, vm0, $0xb8;
	[tilespmem:$0x1D800] =	vst v63  }
0x91: {  	s14 =	simm.s32 $0xC800  }
0x92: {  	[tilespmem:s14], [sflag:$0x4] =	stream.indirect_vreg.gather [hbm4b:s4+s3], $0x80, v0, vm0, $0xb8;
	[tilespmem:$0x1D800] =	vst v63  }
0x93: {  	v0 =	vld [tilespmem:$0xA0];
	_ =	sdelay $0x4  }
0x94: {  	v50 =	vshll.u32 v0, $0x1  }
0x95: {  	v0 =	vand.u32 $0x7, v0;
	v1 =	vand.u32 $0xFFFFFFF0, v50  }
0x96: {  	v0 =	vor.u32 v0, v1  }
0x97: {  	v1 =	vperm.xlane v0, v2;
	_ =	sdelay $0x1  }
0x98: {  	v0 =	vperm.xlane v0, v4;
	v1 =	vadd.s32 v3, v1;
	_ =	sdelay $0x1  }
0x99: {  	v0 =	vadd.s32 v3, v0;
	_ =	sdelay $0x1  }
0x9a: {  	s15 =	simm.s32 $0xD000  }
0x9b: {  	[tilespmem:s15], [sflag:$0x4] =	stream.indirect_vreg.gather [hbm4b:s4+s3], $0x80, v1, vm0, $0xb8;
	[tilespmem:$0x1D800] =	vst v63  }
0x9c: {  	s16 =	simm.s32 $0xD800  }
0x9d: {  	[tilespmem:s16], [sflag:$0x4] =	stream.indirect_vreg.gather [hbm4b:s4+s3], $0x80, v0, vm0, $0xb8;
	[tilespmem:$0x1D800] =	vst v63  }
0x9e: {  	v0 =	vld [tilespmem:$0xB0];
	_ =	sdelay $0x4  }
0x9f: {  	v51 =	vshll.u32 v0, $0x1  }
0xa0: {  	v0 =	vand.u32 $0x7, v0;
	v1 =	vand.u32 $0xFFFFFFF0, v51  }
0xa1: {  	v0 =	vor.u32 v0, v1  }
0xa2: {  	v1 =	vperm.xlane v0, v2;
	_ =	sdelay $0x1  }
0xa3: {  	v0 =	vperm.xlane v0, v4;
	v1 =	vadd.s32 v3, v1;
	_ =	sdelay $0x1  }
0xa4: {  	v0 =	vadd.s32 v3, v0;
	_ =	sdelay $0x1  }
0xa5: {  	s17 =	simm.s32 $0xE000  }
0xa6: {  	[tilespmem:s17], [sflag:$0x4] =	stream.indirect_vreg.gather [hbm4b:s4+s3], $0x80, v1, vm0, $0xb8;
	[tilespmem:$0x1D800] =	vst v63  }
0xa7: {  	s18 =	simm.s32 $0xE800  }
0xa8: {  	[tilespmem:s18], [sflag:$0x4] =	stream.indirect_vreg.gather [hbm4b:s4+s3], $0x80, v0, vm0, $0xb8;
	[tilespmem:$0x1D800] =	vst v63  }
0xa9: {  	v0 =	vld [tilespmem:$0xC0];
	_ =	sdelay $0x4  }
0xaa: {  	v52 =	vshll.u32 v0, $0x1  }
0xab: {  	v0 =	vand.u32 $0x7, v0;
	v1 =	vand.u32 $0xFFFFFFF0, v52  }
0xac: {  	v0 =	vor.u32 v0, v1  }
0xad: {  	v1 =	vperm.xlane v0, v2;
	_ =	sdelay $0x1  }
0xae: {  	v0 =	vperm.xlane v0, v4;
	v1 =	vadd.s32 v3, v1;
	_ =	sdelay $0x1  }
0xaf: {  	v0 =	vadd.s32 v3, v0;
	_ =	sdelay $0x1  }
0xb0: {  	s19 =	simm.s32 $0xF000  }
0xb1: {  	[tilespmem:s19], [sflag:$0x4] =	stream.indirect_vreg.gather [hbm4b:s4+s3], $0x80, v1, vm0, $0xb8;
	[tilespmem:$0x1D800] =	vst v63  }
0xb2: {  	s14 =	simm.s32 $0xF800  }
0xb3: {  	[tilespmem:s14], [sflag:$0x4] =	stream.indirect_vreg.gather [hbm4b:s4+s3], $0x80, v0, vm0, $0xb8;
	[tilespmem:$0x1D800] =	vst v63  }
0xb4: {  	v0 =	vld [tilespmem:$0xD0];
	_ =	sdelay $0x4  }
0xb5: {  	v53 =	vshll.u32 v0, $0x1  }
0xb6: {  	v0 =	vand.u32 $0x7, v0;
	v1 =	vand.u32 $0xFFFFFFF0, v53  }
0xb7: {  	v0 =	vor.u32 v0, v1  }
0xb8: {  	v1 =	vperm.xlane v0, v2;
	_ =	sdelay $0x1  }
0xb9: {  	v0 =	vperm.xlane v0, v4;
	v1 =	vadd.s32 v3, v1;
	_ =	sdelay $0x1  }
0xba: {  	v0 =	vadd.s32 v3, v0;
	_ =	sdelay $0x1  }
0xbb: {  	s15 =	simm.s32 $0x10000  }
0xbc: {  	[tilespmem:s15], [sflag:$0x4] =	stream.indirect_vreg.gather [hbm4b:s4+s3], $0x80, v1, vm0, $0xb8;
	[tilespmem:$0x1D800] =	vst v63  }
0xbd: {  	s16 =	simm.s32 $0x10800  }
0xbe: {  	[tilespmem:s16], [sflag:$0x4] =	stream.indirect_vreg.gather [hbm4b:s4+s3], $0x80, v0, vm0, $0xb8;
	[tilespmem:$0x1D800] =	vst v63  }
0xbf: {  	v0 =	vld [tilespmem:$0xE0];
	_ =	sdelay $0x4  }
0xc0: {  	v54 =	vshll.u32 v0, $0x1  }
0xc1: {  	v0 =	vand.u32 $0x7, v0;
	v1 =	vand.u32 $0xFFFFFFF0, v54  }
0xc2: {  	v0 =	vor.u32 v0, v1  }
0xc3: {  	v1 =	vperm.xlane v0, v2;
	_ =	sdelay $0x1  }
0xc4: {  	v0 =	vperm.xlane v0, v4;
	v1 =	vadd.s32 v3, v1;
	_ =	sdelay $0x1  }
0xc5: {  	v0 =	vadd.s32 v3, v0;
	_ =	sdelay $0x1  }
0xc6: {  	s17 =	simm.s32 $0x11000  }
0xc7: {  	[tilespmem:s17], [sflag:$0x4] =	stream.indirect_vreg.gather [hbm4b:s4+s3], $0x80, v1, vm0, $0xb8;
	[tilespmem:$0x1D800] =	vst v63  }
0xc8: {  	s18 =	simm.s32 $0x11800  }
0xc9: {  	[tilespmem:s18], [sflag:$0x4] =	stream.indirect_vreg.gather [hbm4b:s4+s3], $0x80, v0, vm0, $0xb8;
	[tilespmem:$0x1D800] =	vst v63  }
0xca: {  	v0 =	vld [tilespmem:$0xF0];
	_ =	sdelay $0x4  }
0xcb: {  	v55 =	vshll.u32 v0, $0x1  }
0xcc: {  	v0 =	vand.u32 $0x7, v0;
	v1 =	vand.u32 $0xFFFFFFF0, v55  }
0xcd: {  	v0 =	vor.u32 v0, v1  }
0xce: {  	v1 =	vperm.xlane v0, v2;
	_ =	sdelay $0x1  }
0xcf: {  	v0 =	vperm.xlane v0, v4;
	v1 =	vadd.s32 v3, v1;
	_ =	sdelay $0x1  }
0xd0: {  	v0 =	vadd.s32 v3, v0;
	_ =	sdelay $0x1  }
0xd1: {  	s19 =	simm.s32 $0x12000  }
0xd2: {  	[tilespmem:s19], [sflag:$0x4] =	stream.indirect_vreg.gather [hbm4b:s4+s3], $0x80, v1, vm0, $0xb8;
	[tilespmem:$0x1D800] =	vst v63  }
0xd3: {  	_ = 	snop  }
0xd4: {  	[tilespmem:s20], [sflag:$0x4] =	stream.indirect_vreg.gather [hbm4b:s4+s3], $0x80, v0, vm0, $0xb8;
	[tilespmem:$0x1D800] =	vst v63  }
0xd5: {  	v0 =	vld [tilespmem:$0x100];
	_ =	sdelay $0x4  }
0xd6: {  	v56 =	vshll.u32 v0, $0x1  }
0xd7: {  	v0 =	vand.u32 $0x7, v0;
	v1 =	vand.u32 $0xFFFFFFF0, v56  }
0xd8: {  	v0 =	vor.u32 v0, v1  }
0xd9: {  	v1 =	vperm.xlane v0, v2;
	_ =	sdelay $0x1  }
0xda: {  	v0 =	vperm.xlane v0, v4;
	v1 =	vadd.s32 v3, v1;
	_ =	sdelay $0x1  }
0xdb: {  	v0 =	vadd.s32 v3, v0;
	_ =	sdelay $0x2  }
0xdc: {  	[tilespmem:s21], [sflag:$0x5] =	stream.indirect_vreg.gather [hbm4b:s4+s3], $0x80, v1, vm0, $0xb8;
	[tilespmem:$0x1D800] =	vst v63  }
0xdd: {  	_ = 	snop  }
0xde: {  	[tilespmem:s22], [sflag:$0x5] =	stream.indirect_vreg.gather [hbm4b:s4+s3], $0x80, v0, vm0, $0xb8;
	[tilespmem:$0x1D800] =	vst v63  }
0xdf: {  	v0 =	vld [tilespmem:$0x110];
	_ =	sdelay $0x4  }
0xe0: {  	v57 =	vshll.u32 v0, $0x1  }
0xe1: {  	v0 =	vand.u32 $0x7, v0;
	v1 =	vand.u32 $0xFFFFFFF0, v57  }
0xe2: {  	v0 =	vor.u32 v0, v1  }
0xe3: {  	v1 =	vperm.xlane v0, v2;
	_ =	sdelay $0x1  }
0xe4: {  	v0 =	vperm.xlane v0, v4;
	v1 =	vadd.s32 v3, v1;
	_ =	sdelay $0x1  }
0xe5: {  	v0 =	vadd.s32 v3, v0;
	_ =	sdelay $0x2  }
0xe6: {  	[tilespmem:s23], [sflag:$0x5] =	stream.indirect_vreg.gather [hbm4b:s4+s3], $0x80, v1, vm0, $0xb8;
	[tilespmem:$0x1D800] =	vst v63  }
0xe7: {  	_ = 	snop  }
0xe8: {  	[tilespmem:s24], [sflag:$0x5] =	stream.indirect_vreg.gather [hbm4b:s4+s3], $0x80, v0, vm0, $0xb8;
	[tilespmem:$0x1D800] =	vst v63  }
0xe9: {  	v0 =	vld [tilespmem:$0x120];
	_ =	sdelay $0x4  }
0xea: {  	v58 =	vshll.u32 v0, $0x1  }
0xeb: {  	v0 =	vand.u32 $0x7, v0;
	v1 =	vand.u32 $0xFFFFFFF0, v58  }
0xec: {  	v0 =	vor.u32 v0, v1  }
0xed: {  	v1 =	vperm.xlane v0, v2;
	_ =	sdelay $0x1  }
0xee: {  	v0 =	vperm.xlane v0, v4;
	v1 =	vadd.s32 v3, v1;
	_ =	sdelay $0x1  }
0xef: {  	v0 =	vadd.s32 v3, v0;
	_ =	sdelay $0x2  }
0xf0: {  	[tilespmem:s25], [sflag:$0x5] =	stream.indirect_vreg.gather [hbm4b:s4+s3], $0x80, v1, vm0, $0xb8;
	[tilespmem:$0x1D800] =	vst v63  }
0xf1: {  	_ = 	snop  }
0xf2: {  	[tilespmem:s26], [sflag:$0x5] =	stream.indirect_vreg.gather [hbm4b:s4+s3], $0x80, v0, vm0, $0xb8;
	[tilespmem:$0x1D800] =	vst v63  }
0xf3: {  	v0 =	vld [tilespmem:$0x130];
	_ =	sdelay $0x4  }
0xf4: {  	v59 =	vshll.u32 v0, $0x1  }
0xf5: {  	v0 =	vand.u32 $0x7, v0;
	v1 =	vand.u32 $0xFFFFFFF0, v59  }
0xf6: {  	v0 =	vor.u32 v0, v1  }
0xf7: {  	v1 =	vperm.xlane v0, v2;
	_ =	sdelay $0x1  }
0xf8: {  	v0 =	vperm.xlane v0, v4;
	v1 =	vadd.s32 v3, v1;
	_ =	sdelay $0x1  }
0xf9: {  	v0 =	vadd.s32 v3, v0;
	_ =	sdelay $0x2  }
0xfa: {  	[tilespmem:s28], [sflag:$0x5] =	stream.indirect_vreg.gather [hbm4b:s4+s3], $0x80, v1, vm0, $0xb8;
	[tilespmem:$0x1D800] =	vst v63  }
0xfb: {  	_ = 	snop  }
0xfc: {  	[tilespmem:s29], [sflag:$0x5] =	stream.indirect_vreg.gather [hbm4b:s4+s3], $0x80, v0, vm0, $0xb8;
	[tilespmem:$0x1D800] =	vst v63  }
0xfd: {  	v0 =	vld [tilespmem:$0x140];
	_ =	sdelay $0x4  }
0xfe: {  	v60 =	vshll.u32 v0, $0x1  }
0xff: {  	v0 =	vand.u32 $0x7, v0;
	v1 =	vand.u32 $0xFFFFFFF0, v60  }
0x100: {  	v0 =	vor.u32 v0, v1  }
0x101: {  	v1 =	vperm.xlane v0, v2;
	_ =	sdelay $0x1  }
0x102: {  	v0 =	vperm.xlane v0, v4;
	v1 =	vadd.s32 v3, v1;
	_ =	sdelay $0x1  }
0x103: {  	v0 =	vadd.s32 v3, v0;
	_ =	sdelay $0x2  }
0x104: {  	[tilespmem:s30], [sflag:$0x5] =	stream.indirect_vreg.gather [hbm4b:s4+s3], $0x80, v1, vm0, $0xb8;
	[tilespmem:$0x1D800] =	vst v63  }
0x105: {  	_ = 	snop  }
0x106: {  	[tilespmem:s31], [sflag:$0x5] =	stream.indirect_vreg.gather [hbm4b:s4+s3], $0x80, v0, vm0, $0xb8;
	[tilespmem:$0x1D800] =	vst v63  }
0x107: {  	v0 =	vld [tilespmem:$0x150];
	_ =	sdelay $0x4  }
0x108: {  	v61 =	vshll.u32 v0, $0x1  }
0x109: {  	v0 =	vand.u32 $0x7, v0;
	v1 =	vand.u32 $0xFFFFFFF0, v61  }
0x10a: {  	v0 =	vor.u32 v0, v1  }
0x10b: {  	v1 =	vperm.xlane v0, v2;
	_ =	sdelay $0x1  }
0x10c: {  	v0 =	vperm.xlane v0, v4;
	v1 =	vadd.s32 v3, v1;
	_ =	sdelay $0x1  }
0x10d: {  	v0 =	vadd.s32 v3, v0;
	_ =	sdelay $0x2  }
0x10e: {  	[tilespmem:s0], [sflag:$0x5] =	stream.indirect_vreg.gather [hbm4b:s4+s3], $0x80, v1, vm0, $0xb8;
	[tilespmem:$0x1D800] =	vst v63  }
0x10f: {  	_ = 	snop  }
0x110: {  	[tilespmem:s1], [sflag:$0x5] =	stream.indirect_vreg.gather [hbm4b:s4+s3], $0x80, v0, vm0, $0xb8;
	[tilespmem:$0x1D800] =	vst v63  }
0x111: {  	v0 =	vld [tilespmem:$0x160];
	_ =	sdelay $0x4  }
0x112: {  	v62 =	vshll.u32 v0, $0x1  }
0x113: {  	v0 =	vand.u32 $0x7, v0;
	v1 =	vand.u32 $0xFFFFFFF0, v62  }
0x114: {  	v0 =	vor.u32 v0, v1  }
0x115: {  	v1 =	vperm.xlane v0, v2;
	_ =	sdelay $0x1  }
0x116: {  	v0 =	vperm.xlane v0, v4;
	v1 =	vadd.s32 v3, v1;
	_ =	sdelay $0x1  }
0x117: {  	v0 =	vadd.s32 v3, v0;
	_ =	sdelay $0x2  }
0x118: {  	[tilespmem:s12], [sflag:$0x5] =	stream.indirect_vreg.gather [hbm4b:s4+s3], $0x80, v1, vm0, $0xb8;
	[tilespmem:$0x1D800] =	vst v63  }
0x119: {  	_ = 	snop  }
0x11a: {  	[tilespmem:s6], [sflag:$0x5] =	stream.indirect_vreg.gather [hbm4b:s4+s3], $0x80, v0, vm0, $0xb8;
	[tilespmem:$0x1D800] =	vst v63  }
0x11b: {  	v0 =	vld [tilespmem:$0x170];
	_ =	sdelay $0x4  }
0x11c: {  	v63 =	vshll.u32 v0, $0x1  }
0x11d: {  	v0 =	vand.u32 $0x7, v0;
	v1 =	vand.u32 $0xFFFFFFF0, v63  }
0x11e: {  	v0 =	vor.u32 v0, v1  }
0x11f: {  	v1 =	vperm.xlane v0, v2;
	_ =	sdelay $0x1  }
0x120: {  	v0 =	vperm.xlane v0, v4;
	v1 =	vadd.s32 v3, v1;
	_ =	sdelay $0x1  }
0x121: {  	v0 =	vadd.s32 v3, v0  }
.Ltmp2:
0x122: {  	_ = 	snop;
	(pc) =	sbr.rel .LBB2_2-.Ltmp2, $4  }
0x123: {  	_ = 	snop  }
0x124: {  	[tilespmem:s7], [sflag:$0x5] =	stream.indirect_vreg.gather [hbm4b:s4+s3], $0x80, v1, vm0, $0xb8;
	[tilespmem:$0x1D800] =	vst v63  }
0x125: {  	s13 =	simm.s32 $0x0  }
0x126: {  	[tilespmem:s10], [sflag:$0x5] =	stream.indirect_vreg.gather [hbm4b:s4+s3], $0x80, v0, vm0, $0xb8;
	[tilespmem:$0x1D800] =	vst v63  }
.LBB2_11:
0x127: {  	s13 =	sadd.s32 $0x1, s13  }
0x128: {  	p0 =	sne.s32 s13, $0x40  }
.Ltmp3:
0x129: {  	_ = 	snop;
	(pc) =	sbr.rel @!p0 .LBB2_12-.Ltmp3, $1  }
0x12a: {  	_ =	sdelay $0x3  }
.LBB2_2:
0x12b: {  	s15 =	sand.u32 $0x7, s13  }
0x12c: {  	s14 =	smul.u32 $0xAB, s13;
	p1 =	sne.s32 s15, $0x0  }
0x12d: {  	p0 =	sgt.u32 @!p1 s13, $0x37  }
0x12e: {  	s14 =	sshrl.u32 s14, $0x9;
	s16 =	simm.s32 @!p1 $0x2;
	p0 =	por p0, p1  }
0x12f: {  	s14 =	sand.u32 $0x7F, s14;
	_ =	swait.ge @!p1 [sflag:s16], $0x800;
	s15 =	sshrl.u32 @!p0 s13, $0x3  }
0x130: {  	s14 =	smul.u32 $0x3, s14;
	[sflag:s16] =	ssyncset.done @!p1 $0x0;
	s15 =	sadd.s32 @!p0 $0x1, s15  }
0x131: {  	[sflag:s16] =	ssyncadd.s32 @!p1 $0xFFFFF800;
	s17 =	sadd.s32 @!p0 s9, s15  }
0x132: {  	s14 =	ssub.s32 s13, s14;
	s15 =	sshll.u32 @!p0 s15, $0xB;
	s17 =	sshll.u32 @!p0 s17, $0x8  }
0x133: {  	s14 =	sand.u32 $0xFF, s14;
	s15 =	sand.u32 @!p0 $0x800, s15;
	s16 =	sand.u32 @!p0 $0x1FFFFF00, s17  }
0x134: {  	s15 =	sor.u32 @!p0 $0x2000, s15;
	s17 =	simm.s32 @!p0 $0x0;
	s16 =	sadd.s32 @!p0 s5, s16  }
0x135: {  	[tilespmem:s15], [sflag:$0x2] =	stream.linear.gather @!p0 [hbm4b:s16+s17], $0x800, $0x38;
	[tilespmem:$0x1D800] =	vst v63  }
0x136: {  	s19 =	sshll.u32 s13, $0x8;
	p0 =	seq.s32 s14, $0x1;
	s16 =	sshll.u32 s13, $0x7  }
0x137: {  	s17 =	sand.u32 $0x800, s19;
	s19 =	sshll.u32 s14, $0xF;
	s18 =	sand.u32 $0x380, s16  }
0x138: {  	s15 =	simm.s32 $0x4;
	s18 =	sor.u32 s18, s17;
	s17 =	sor.u32 $0x3000, s19  }
0x139: {  	p1 =	seq.s32 s14, $0x0;
	s15 =	simm.s32 @!p0 $0x5;
	v6 =	vmov s17  }
0x13a: {  	s15 =	simm.s32 @p1 $0x3  }
0x13b: {  	_ =	swait.ge [sflag:s15], $0x8000  }
0x13c: {  	[sflag:s15] =	ssyncset.done $0x0  }
0x13d: {  	[sflag:s15] =	ssyncadd.s32 $0xFFFF8000;
	s15 =	simm.s32 $0x0  }
0x13e: {  	v0 =	vld.idx.msk [tilespmem:v6+s15+$0xFC0 ss:$0x1], $0xffff;
	_ =	sdelay $0x4  }
0x13f: {  	[tilespmem:$0x1F9A0] =	vst v0;
	v0 =	vld.idx.msk [tilespmem:v6+s15+$0xE70 ss:$0x1], $0xffff;
	_ =	sdelay $0x4  }
0x140: {  	[tilespmem:$0x1FA40] =	vst v0;
	v0 =	vld.idx.msk [tilespmem:v6+s15+$0xEE0 ss:$0x1], $0xffff;
	_ =	sdelay $0x4  }
0x141: {  	[tilespmem:$0x1F9B0] =	vst v0;
	v0 =	vld.idx.msk [tilespmem:v6+s15+$0xFB0 ss:$0x1], $0xffff;
	_ =	sdelay $0x4  }
0x142: {  	[tilespmem:$0x1FB50] =	vst v0;
	v0 =	vld.idx.msk [tilespmem:v6+s15+$0xDF0 ss:$0x1], $0xffff;
	_ =	sdelay $0x4  }
0x143: {  	[tilespmem:$0x1FAB0] =	vst v0;
	v0 =	vld.idx.msk [tilespmem:v6+s15+$0xE60 ss:$0x1], $0xffff;
	_ =	sdelay $0x4  }
0x144: {  	[tilespmem:$0x1FA20] =	vst v0;
	v0 =	vld.idx.msk [tilespmem:v6+s15+$0xFA0 ss:$0x1], $0xffff;
	_ =	sdelay $0x4  }
0x145: {  	[tilespmem:$0x1FB70] =	vst v0;
	v0 =	vld.idx.msk [tilespmem:v6+s15+$0xDE0 ss:$0x1], $0xffff;
	_ =	sdelay $0x4  }
0x146: {  	[tilespmem:$0x1FA80] =	vst v0;
	v0 =	vld.idx.msk [tilespmem:v6+s15+$0xEC0 ss:$0x1], $0xffff;
	_ =	sdelay $0x4  }
0x147: {  	[tilespmem:$0x1FB80] =	vst v0;
	v0 =	vld.idx.msk [tilespmem:v6+s15+$0xCF0 ss:$0x1], $0xffff;
	_ =	sdelay $0x4  }
0x148: {  	[tilespmem:$0x1FB90] =	vst v0;
	v0 =	vld.idx.msk [tilespmem:v6+s15+$0xD60 ss:$0x1], $0xffff;
	_ =	sdelay $0x4  }
0x149: {  	[tilespmem:$0x1F9C0] =	vst v0;
	v0 =	vld.idx.msk [tilespmem:v6+s15+$0xDD0 ss:$0x1], $0xffff;
	_ =	sdelay $0x4  }
0x14a: {  	[tilespmem:$0x1FA70] =	vst v0;
	v0 =	vld.idx.msk [tilespmem:v6+s15+$0xEB0 ss:$0x1], $0xffff;
	_ =	sdelay $0x4  }
0x14b: {  	[tilespmem:$0x1FBA0] =	vst v0;
	v0 =	vld.idx.msk [tilespmem:v6+s15+$0xC70 ss:$0x1], $0xffff;
	_ =	sdelay $0x4  }
0x14c: {  	[tilespmem:$0x1FBC0] =	vst v0;
	v0 =	vld.idx.msk [tilespmem:v6+s15+$0xCE0 ss:$0x1], $0xffff;
	_ =	sdelay $0x4  }
0x14d: {  	[tilespmem:$0x1FB40] =	vst v0;
	v0 =	vld.idx.msk [tilespmem:v6+s15+$0xDC0 ss:$0x1], $0xffff;
	_ =	sdelay $0x4  }
0x14e: {  	[tilespmem:$0x1FA60] =	vst v0;
	v0 =	vld.idx.msk [tilespmem:v6+s15+$0xEA0 ss:$0x1], $0xffff;
	_ =	sdelay $0x4  }
0x14f: {  	[tilespmem:$0x1FBE0] =	vst v0;
	v0 =	vld.idx.msk [tilespmem:v6+s15+$0xC60 ss:$0x1], $0xffff;
	_ =	sdelay $0x4  }
0x150: {  	[tilespmem:$0x1FC00] =	vst v0;
	v0 =	vld.idx.msk [tilespmem:v6+s15+$0xCD0 ss:$0x1], $0xffff;
	_ =	sdelay $0x4  }
0x151: {  	[tilespmem:$0x1FB20] =	vst v0;
	v0 =	vld.idx.msk [tilespmem:v6+s15+$0xD40 ss:$0x1], $0xffff;
	_ =	sdelay $0x4  }
0x152: {  	[tilespmem:$0x1FC10] =	vst v0;
	v0 =	vld.idx.msk [tilespmem:v6+s15+$0xDB0 ss:$0x1], $0xffff;
	_ =	sdelay $0x4  }
0x153: {  	[tilespmem:$0x1FA50] =	vst v0;
	v0 =	vld.idx.msk [tilespmem:v6+s15+$0x770 ss:$0x1], $0xffff;
	_ =	sdelay $0x4  }
0x154: {  	[tilespmem:$0x1FC40] =	vst v0;
	v0 =	vld.idx.msk [tilespmem:v6+s15+$0x7E0 ss:$0x1], $0xffff;
	_ =	sdelay $0x4  }
0x155: {  	[tilespmem:$0x1F9D0] =	vst v0;
	v0 =	vld.idx.msk [tilespmem:v6+s15+$0xC50 ss:$0x1], $0xffff;
	_ =	sdelay $0x4  }
0x156: {  	[tilespmem:$0x1FC70] =	vst v0;
	v0 =	vld.idx.msk [tilespmem:v6+s15+$0xCC0 ss:$0x1], $0xffff;
	_ =	sdelay $0x4  }
0x157: {  	[tilespmem:$0x1FB00] =	vst v0;
	v0 =	vld.idx.msk [tilespmem:v6+s15+$0xD30 ss:$0x1], $0xffff;
	_ =	sdelay $0x4  }
0x158: {  	[tilespmem:$0x1FC80] =	vst v0;
	v0 =	vld.idx.msk [tilespmem:v6+s15+$0x6F0 ss:$0x1], $0xffff;
	_ =	sdelay $0x4  }
0x159: {  	[tilespmem:$0x1FCA0] =	vst v0;
	v0 =	vld.idx.msk [tilespmem:v6+s15+$0x760 ss:$0x1], $0xffff;
	_ =	sdelay $0x4  }
0x15a: {  	[tilespmem:$0x1FCC0] =	vst v0;
	v0 =	vld.idx.msk [tilespmem:v6+s15+$0xC40 ss:$0x1], $0xffff;
	_ =	sdelay $0x4  }
0x15b: {  	[tilespmem:$0x1FC30] =	vst v0;
	v0 =	vld.idx.msk [tilespmem:v6+s15+$0xCB0 ss:$0x1], $0xffff;
	_ =	sdelay $0x4  }
0x15c: {  	[tilespmem:$0x1FAE0] =	vst v0;
	v0 =	vld.idx.msk [tilespmem:v6+s15+$0xD20 ss:$0x1], $0xffff;
	_ =	sdelay $0x4  }
0x15d: {  	[tilespmem:$0x1FCD0] =	vst v0;
	v0 =	vld.idx.msk [tilespmem:v6+s15+$0x6E0 ss:$0x1], $0xffff;
	_ =	sdelay $0x4  }
0x15e: {  	[tilespmem:$0x1FCF0] =	vst v0;
	v0 =	vld.idx.msk [tilespmem:v6+s15+$0x750 ss:$0x1], $0xffff;
	_ =	sdelay $0x4  }
0x15f: {  	[tilespmem:$0x1FD10] =	vst v0;
	v0 =	vld.idx.msk [tilespmem:v6+s15+$0x7C0 ss:$0x1], $0xffff;
	_ =	sdelay $0x4  }
0x160: {  	[tilespmem:$0x1FD20] =	vst v0;
	v0 =	vld.idx.msk [tilespmem:v6+s15+$0xC30 ss:$0x1], $0xffff;
	_ =	sdelay $0x4  }
0x161: {  	[tilespmem:$0x1FBD0] =	vst v0;
	v0 =	vld.idx.msk [tilespmem:v6+s15+$0xCA0 ss:$0x1], $0xffff;
	_ =	sdelay $0x4  }
0x162: {  	[tilespmem:$0x1FAC0] =	vst v0;
	v0 =	vld.idx.msk [tilespmem:v6+s15+$0xD10 ss:$0x1], $0xffff;
	_ =	sdelay $0x4  }
0x163: {  	[tilespmem:$0x1FB10] =	vst v0;
	v0 =	vld.idx.msk [tilespmem:v6+s15+$0x5F0 ss:$0x1], $0xffff;
	_ =	sdelay $0x4  }
0x164: {  	[tilespmem:$0x1FD40] =	vst v0;
	v0 =	vld.idx.msk [tilespmem:v6+s15+$0x660 ss:$0x1], $0xffff;
	_ =	sdelay $0x4  }
0x165: {  	[tilespmem:$0x1F9E0] =	vst v0;
	v0 =	vld.idx.msk [tilespmem:v6+s15+$0x6D0 ss:$0x1], $0xffff;
	_ =	sdelay $0x4  }
0x166: {  	[tilespmem:$0x1FD60] =	vst v0;
	v0 =	vld.idx.msk [tilespmem:v6+s15+$0x740 ss:$0x1], $0xffff;
	_ =	sdelay $0x4  }
0x167: {  	[tilespmem:$0x1FD70] =	vst v0;
	v0 =	vld.idx.msk [tilespmem:v6+s15+$0x7B0 ss:$0x1], $0xffff;
	_ =	sdelay $0x4  }
0x168: {  	[tilespmem:$0x1FD80] =	vst v0;
	v0 =	vld.idx.msk [tilespmem:v6+s15+$0xC20 ss:$0x1], $0xffff;
	_ =	sdelay $0x4  }
0x169: {  	[tilespmem:$0x1FB60] =	vst v0;
	v0 =	vld.idx.msk [tilespmem:v6+s15+$0xC90 ss:$0x1], $0xffff;
	_ =	sdelay $0x2  }
0x16a: {  	v47 =	vld [tilespmem:s18+$0x2000]  }
0x16b: {  	v46 =	vld [tilespmem:s18+$0x2010]  }
0x16c: {  	[tilespmem:$0x1FA90] =	vst v0;
	v0 =	vld.idx.msk [tilespmem:v6+s15+$0xD00 ss:$0x1], $0xffff  }
0x16d: {  	v23 =	vld [tilespmem:s18+$0x2020]  }
0x16e: {  	v39 =	vld [tilespmem:s18+$0x2030]  }
0x16f: {  	v45 =	vld [tilespmem:s18+$0x2040]  }
0x170: {  	v37 =	vld [tilespmem:s18+$0x2050]  }
0x171: {  	[tilespmem:$0x1FAF0] =	vst v0;
	v0 =	vld.idx.msk [tilespmem:v6+s15+$0x570 ss:$0x1], $0xffff  }
0x172: {  	v32 =	vld [tilespmem:s18+$0x2060]  }
0x173: {  	v30 =	vld [tilespmem:s18+$0x2070]  }
0x174: {  	v29 =	vld [tilespmem:s18+$0x2400]  }
0x175: {  	v24 =	vld [tilespmem:s18+$0x2410]  }
0x176: {  	[tilespmem:$0x1FDA0] =	vst v0;
	v0 =	vld.idx.msk [tilespmem:v6+s15+$0x5E0 ss:$0x1], $0xffff  }
0x177: {  	v35 =	vld [tilespmem:s18+$0x2420]  }
0x178: {  	v31 =	vld [tilespmem:s18+$0x2430]  }
0x179: {  	v36 =	vld [tilespmem:s18+$0x2440]  }
0x17a: {  	v42 =	vld [tilespmem:s18+$0x2450]  }
0x17b: {  	[tilespmem:$0x1FDC0] =	vst v0;
	v0 =	vld.idx.msk [tilespmem:v6+s15+$0x6C0 ss:$0x1], $0xffff  }
0x17c: {  	v40 =	vld [tilespmem:s18+$0x2460]  }
0x17d: {  	v34 =	vld [tilespmem:s18+$0x2470]  }
0x17e: {  	v53 =	vld.idx.msk [tilespmem:v6+s15+$0xF70 ss:$0x1], $0xffff  }
0x17f: {  	v58 =	vld.idx.msk [tilespmem:v6+s15+$0xF60 ss:$0x1], $0xffff  }
0x180: {  	[tilespmem:$0x1FDE0] =	vst v0;
	v0 =	vld.idx.msk [tilespmem:v6+s15+$0x730 ss:$0x1], $0xffff  }
0x181: {  	v33 =	vld.idx.msk [tilespmem:v6+s15+$0xF50 ss:$0x1], $0xffff  }
0x182: {  	v15 =	vld.idx.msk [tilespmem:v6+s15+$0xF40 ss:$0x1], $0xffff  }
0x183: {  	v18 =	vld.idx.msk [tilespmem:v6+s15+$0xF30 ss:$0x1], $0xffff  }
0x184: {  	v13 =	vld.idx.msk [tilespmem:v6+s15+$0xF90 ss:$0x1], $0xffff  }
0x185: {  	[tilespmem:$0x1FDF0] =	vst v0;
	v0 =	vld.idx.msk [tilespmem:v6+s15+$0x7A0 ss:$0x1], $0xffff  }
0x186: {  	v56 =	vld.idx.msk [tilespmem:v6+s15+$0xE40 ss:$0x1], $0xffff  }
0x187: {  	v16 =	vld.idx.msk [tilespmem:v6+s15+$0xF20 ss:$0x1], $0xffff  }
0x188: {  	v20 =	vld.idx.msk [tilespmem:v6+s15+$0xF80 ss:$0x1], $0xffff  }
0x189: {  	v55 =	vld.idx.msk [tilespmem:v6+s15+$0xE30 ss:$0x1], $0xffff  }
0x18a: {  	[tilespmem:$0x1FE00] =	vst v0;
	v0 =	vld.idx.msk [tilespmem:v6+s15+$0xC10 ss:$0x1], $0xffff  }
0x18b: {  	v22 =	vld.idx.msk [tilespmem:v6+s15+$0xF10 ss:$0x1], $0xffff  }
0x18c: {  	v26 =	vld.idx.msk [tilespmem:v6+s15+$0xBF0 ss:$0x1], $0xffff  }
0x18d: {  	v21 =	vld.idx.msk [tilespmem:v6+s15+$0xB00 ss:$0x1], $0xffff  }
0x18e: {  	v50 =	vld.idx.msk [tilespmem:v6+s15+$0xB10 ss:$0x1], $0xffff  }
0x18f: {  	[tilespmem:$0x1FB30] =	vst v0;
	v0 =	vld.idx.msk [tilespmem:v6+s15+$0x970 ss:$0x1], $0xffff  }
0x190: {  	v49 =	vld.idx.msk [tilespmem:v6+s15+$0xE20 ss:$0x1], $0xffff  }
0x191: {  	v1 =	vld.idx.msk [tilespmem:v6+s15+$0xB20 ss:$0x1], $0xffff  }
0x192: {  	v3 =	vld.idx.msk [tilespmem:v6+s15+$0xB30 ss:$0x1], $0xffff  }
0x193: {  	v4 =	vld.idx.msk [tilespmem:v6+s15+$0xB80 ss:$0x1], $0xffff  }
0x194: {  	v2 =	vld.idx.msk [tilespmem:v6+s15+$0xB90 ss:$0x1], $0xffff;
	v50 =	vmul.f32 v50, v46;
	[tilespmem:$0x1FAD0] =	vst v0;
	v0 =	vmul.f32 v21, v47  }
0x195: {  	v5 =	vld.idx.msk [tilespmem:v6+s15+$0xB40 ss:$0x1], $0xffff  }
0x196: {  	v7 =	vld.idx.msk [tilespmem:v6+s15+$0xBA0 ss:$0x1], $0xffff;
	v1 =	vmul.f32 v1, v23;
	v0 =	vadd.f32 v50, v0  }
0x197: {  	v51 =	vld.idx.msk [tilespmem:v6+s15+$0xB50 ss:$0x1], $0xffff  }
0x198: {  	v63 =	vld.idx.msk [tilespmem:v6+s15+$0xBB0 ss:$0x1], $0xffff;
	v0 =	vadd.f32 v1, v0;
	v1 =	vmul.f32 v3, v39  }
0x199: {  	v8 =	vld.idx.msk [tilespmem:v6+s15+$0xB60 ss:$0x1], $0xffff;
	v2 =	vmul.f32 v2, v46;
	v3 =	vmul.f32 v4, v47  }
0x19a: {  	v60 =	vld.idx.msk [tilespmem:v6+s15+$0xBC0 ss:$0x1], $0xffff;
	v0 =	vadd.f32 v1, v0;
	v1 =	vmul.f32 v5, v45  }
0x19b: {  	v10 =	vld.idx.msk [tilespmem:v6+s15+$0xB70 ss:$0x1], $0xffff;
	v2 =	vadd.f32 v2, v3;
	v3 =	vmul.f32 v7, v23  }
0x19c: {  	v48 =	vld.idx.msk [tilespmem:v6+s15+$0xBD0 ss:$0x1], $0xffff;
	v0 =	vadd.f32 v1, v0;
	v1 =	vmul.f32 v51, v37  }
0x19d: {  	v41 =	vld.idx.msk [tilespmem:v6+s15+$0xF00 ss:$0x1], $0xffff;
	v2 =	vadd.f32 v3, v2;
	v3 =	vmul.f32 v63, v39  }
0x19e: {  	v44 =	vld.idx.msk [tilespmem:v6+s15+$0xBE0 ss:$0x1], $0xffff;
	v0 =	vadd.f32 v1, v0;
	v1 =	vmul.f32 v8, v32  }
0x19f: {  	v5 =	vld.idx.msk [tilespmem:v6+s15+$0xA00 ss:$0x1], $0xffff;
	v2 =	vadd.f32 v3, v2;
	v3 =	vmul.f32 v60, v45  }
0x1a0: {  	v7 =	vld.idx.msk [tilespmem:v6+s15+$0xA10 ss:$0x1], $0xffff;
	v0 =	vadd.f32 v1, v0;
	v1 =	vmul.f32 v10, v30  }
0x1a1: {  	v57 =	vld.idx.msk [tilespmem:v6+s15+$0xE90 ss:$0x1], $0xffff;
	v2 =	vadd.f32 v3, v2;
	v3 =	vmul.f32 v48, v37  }
0x1a2: {  	v8 =	vld.idx.msk [tilespmem:v6+s15+$0xA20 ss:$0x1], $0xffff;
	v0 =	vadd.f32 v1, v0;
	v1 =	vmul.f32 v41, v29  }
0x1a3: {  	v38 =	vld.idx.msk [tilespmem:v6+s15+$0xE10 ss:$0x1], $0xffff;
	v2 =	vadd.f32 v3, v2;
	v3 =	vmul.f32 v44, v32  }
0x1a4: {  	v48 =	vld.idx.msk [tilespmem:v6+s15+$0xA30 ss:$0x1], $0xffff;
	v0 =	vadd.f32 v1, v0;
	v1 =	vmul.f32 v22, v24  }
0x1a5: {  	v22 =	vld.idx.msk [tilespmem:v6+s15+$0xA80 ss:$0x1], $0xffff;
	v2 =	vadd.f32 v3, v2;
	v3 =	vmul.f32 v5, v47;
	v5 =	vmul.f32 v7, v46  }
0x1a6: {  	v9 =	vld.idx.msk [tilespmem:v6+s15+$0xA50 ss:$0x1], $0xffff;
	v26 =	vmul.f32 v26, v30;
	v0 =	vadd.f32 v1, v0;
	v1 =	vmul.f32 v16, v35  }
0x1a7: {  	v3 =	vadd.f32 v5, v3;
	v5 =	vmul.f32 v8, v23;
	v8 =	vld.idx.msk [tilespmem:v6+s15+$0xA40 ss:$0x1], $0xffff  }
0x1a8: {  	v2 =	vadd.f32 v26, v2;
	v0 =	vadd.f32 v1, v0;
	v1 =	vmul.f32 v20, v29;
	v20 =	vld.idx.msk [tilespmem:v6+s15+$0xAA0 ss:$0x1], $0xffff  }
0x1a9: {  	v13 =	vmul.f32 v13, v24;
	v7 =	vld.idx.msk [tilespmem:v6+s15+$0xA90 ss:$0x1], $0xffff;
	v3 =	vadd.f32 v5, v3;
	v5 =	vmul.f32 v18, v31  }
0x1aa: {  	v18 =	vmul.f32 v48, v39;
	v1 =	vadd.f32 v1, v2;
	v2 =	vmul.f32 v22, v47;
	v22 =	vld.idx.msk [tilespmem:v6+s15+$0x980 ss:$0x1], $0xffff  }
0x1ab: {  	v0 =	vadd.f32 v5, v0;
	v5 =	vmul.f32 v15, v36;
	v15 =	vld.idx.msk [tilespmem:v6+s15+$0x990 ss:$0x1], $0xffff  }
0x1ac: {  	v25 =	vld.idx.msk [tilespmem:v6+s15+$0xE00 ss:$0x1], $0xffff;
	v3 =	vadd.f32 v18, v3;
	v8 =	vmul.f32 v8, v45;
	v1 =	vadd.f32 v13, v1  }
0x1ad: {  	v18 =	vmul.f32 v20, v23;
	v20 =	vld.idx.msk [tilespmem:v6+s15+$0x9A0 ss:$0x1], $0xffff  }
0x1ae: {  	v26 =	vld.idx.msk [tilespmem:v6+s15+$0xAB0 ss:$0x1], $0xffff;
	[tilespmem:$0x1FA00] =	vst v1;
	v1 =	vadd.f32 v8, v3;
	v3 =	vmul.f32 v9, v37  }
0x1af: {  	v28 =	vld.idx.msk [tilespmem:v6+s15+$0xAF0 ss:$0x1], $0xffff;
	v7 =	vmul.f32 v7, v46  }
0x1b0: {  	v11 =	vld.idx.msk [tilespmem:v6+s15+$0xA60 ss:$0x1], $0xffff;
	v9 =	vmul.f32 v15, v46;
	v1 =	vadd.f32 v3, v1;
	v3 =	vmul.f32 v22, v47  }
0x1b1: {  	v19 =	vld.idx.msk [tilespmem:v6+s15+$0xA70 ss:$0x1], $0xffff;
	v7 =	vadd.f32 v7, v2;
	v0 =	vadd.f32 v5, v0;
	v5 =	vmul.f32 v33, v42  }
0x1b2: {  	v12 =	vld.idx.msk [tilespmem:v6+s15+$0xAC0 ss:$0x1], $0xffff;
	v3 =	vadd.f32 v9, v3;
	v10 =	vmul.f32 v20, v23  }
0x1b3: {  	v13 =	vld.idx.msk [tilespmem:v6+s15+$0x9B0 ss:$0x1], $0xffff;
	v0 =	vadd.f32 v5, v0;
	v5 =	vmul.f32 v26, v39;
	v7 =	vadd.f32 v18, v7  }
0x1b4: {  	v3 =	vadd.f32 v10, v3;
	v10 =	vld.idx.msk [tilespmem:v6+s15+$0x630 ss:$0x1], $0xffff  }
0x1b5: {  	v14 =	vld.idx.msk [tilespmem:v6+s15+$0xAD0 ss:$0x1], $0xffff;
	v11 =	vmul.f32 v11, v32;
	v5 =	vadd.f32 v5, v7;
	v7 =	vmul.f32 v58, v40  }
0x1b6: {  	v15 =	vld.idx.msk [tilespmem:v6+s15+$0x9C0 ss:$0x1], $0xffff  }
0x1b7: {  	v17 =	vld.idx.msk [tilespmem:v6+s15+$0xAE0 ss:$0x1], $0xffff;
	v1 =	vadd.f32 v11, v1;
	v0 =	vadd.f32 v7, v0;
	v7 =	vmul.f32 v19, v30  }
0x1b8: {  	v8 =	vld.idx.msk [tilespmem:v6+s15+$0x9D0 ss:$0x1], $0xffff;
	v9 =	vmul.f32 v12, v45  }
0x1b9: {  	v1 =	vadd.f32 v7, v1;
	v7 =	vmul.f32 v53, v34;
	[tilespmem:$0x1FA10] =	vst v10;
	v10 =	vmul.f32 v13, v39  }
0x1ba: {  	v21 =	vld.idx.msk [tilespmem:v6+s15+$0x9E0 ss:$0x1], $0xffff;
	v11 =	vmul.f32 v25, v29;
	v5 =	vadd.f32 v9, v5;
	v9 =	vmul.f32 v14, v37  }
0x1bb: {  	v27 =	vld.idx.msk [tilespmem:v6+s15+$0x9F0 ss:$0x1], $0xffff;
	v0 =	vadd.f32 v7, v0;
	v7 =	vmul.f32 v15, v45;
	v3 =	vadd.f32 v10, v3  }
0x1bc: {  	v52 =	vld.idx.msk [tilespmem:v6+s15+$0xE80 ss:$0x1], $0xffff;
	v12 =	vmul.f32 v17, v32;
	v9 =	vadd.f32 v9, v5  }
0x1bd: {  	v8 =	vmul.f32 v8, v37;
	v1 =	vadd.f32 v11, v1;
	v11 =	vld.idx.msk [tilespmem:v6+s15+$0x880 ss:$0x1], $0xffff;
	v3 =	vadd.f32 v7, v3  }
0x1be: {  	v43 =	vld.idx.msk [tilespmem:v6+s15+$0xD80 ss:$0x1], $0xffff;
	v9 =	vadd.f32 v12, v9;
	v10 =	vmul.f32 v38, v24  }
0x1bf: {  	v12 =	vld.idx.msk [tilespmem:v6+s15+$0x890 ss:$0x1], $0xffff;
	v7 =	vmul.f32 v28, v30;
	v3 =	vadd.f32 v8, v3;
	v8 =	vmul.f32 v21, v32  }
0x1c0: {  	v15 =	vmul.f32 v27, v30;
	(xrf2) =	vadd.scan.msk.f32 $0xffff, v0;
	v0 =	vadd.f32 v10, v1;
	v1 =	vmul.f32 v49, v35  }
0x1c1: {  	v62 =	vld.idx.msk [tilespmem:v6+s15+$0xE50 ss:$0x1], $0xffff;
	v7 =	vadd.f32 v7, v9;
	v3 =	vadd.f32 v8, v3;
	v8 =	vmul.f32 v52, v29  }
0x1c2: {  	v14 =	vld.idx.msk [tilespmem:v6+s15+$0x8A0 ss:$0x1], $0xffff;
	v13 =	vmul.f32 v55, v31;
	v11 =	vmul.f32 v11, v47;
	v0 =	vadd.f32 v1, v0  }
0x1c3: {  	v7 =	vadd.f32 v8, v7;
	v3 =	vadd.f32 v15, v3;
	v8 =	vmul.f32 v43, v29  }
0x1c4: {  	v12 =	vmul.f32 v12, v46;
	v1 =	vmul.f32 v56, v36;
	v0 =	vadd.f32 v13, v0;
	v13 =	vld.idx.msk [tilespmem:v6+s15+$0x8B0 ss:$0x1], $0xffff  }
0x1c5: {  	v3 =	vadd.f32 v8, v3;
	v8 =	vmul.f32 v57, v24  }
0x1c6: {  	v59 =	vld.idx.msk [tilespmem:v6+s15+$0xDA0 ss:$0x1], $0xffff;
	v0 =	vadd.f32 v1, v0;
	v1 =	vadd.f32 v12, v11;
	v11 =	vmul.f32 v62, v42  }
0x1c7: {  	v54 =	vld.idx.msk [tilespmem:v6+s15+$0xD90 ss:$0x1], $0xffff;
	v14 =	vmul.f32 v14, v23;
	v7 =	vadd.f32 v8, v7  }
0x1c8: {  	v0 =	vadd.f32 v11, v0;
	v11 =	vld [tilespmem:$0x1FA20]  }
0x1c9: {  	v18 =	vld.idx.msk [tilespmem:v6+s15+$0x910 ss:$0x1], $0xffff;
	v1 =	vadd.f32 v14, v1;
	[tilespmem:$0x1FA30] =	vst v7;
	v7 =	vmul.f32 v13, v39  }
0x1ca: {  	v15 =	vld.idx.msk [tilespmem:v6+s15+$0x8C0 ss:$0x1], $0xffff  }
0x1cb: {  	v1 =	vadd.f32 v7, v1;
	v7 =	vld [tilespmem:$0x1FA40]  }
0x1cc: {  	v12 =	vld.idx.msk [tilespmem:v6+s15+$0x900 ss:$0x1], $0xffff  }
0x1cd: {  	v19 =	vmul.f32 v54, v24;
	v11 =	vmul.f32 v11, v40  }
0x1ce: {  	v17 =	vld.idx.msk [tilespmem:v6+s15+$0x8D0 ss:$0x1], $0xffff  }
0x1cf: {  	v3 =	vadd.f32 v19, v3;
	v0 =	vadd.f32 v11, v0;
	v11 =	vmul.f32 v59, v35  }
0x1d0: {  	v16 =	vld.idx.msk [tilespmem:v6+s15+$0x8F0 ss:$0x1], $0xffff;
	v14 =	vmul.f32 v15, v45;
	v7 =	vmul.f32 v7, v34  }
0x1d1: {  	v9 =	vld.idx.msk [tilespmem:v6+s15+$0x8E0 ss:$0x1], $0xffff;
	v3 =	vadd.f32 v11, v3;
	v11 =	vmul.f32 v12, v47;
	v12 =	vmul.f32 v18, v46  }
0x1d2: {  	v7 =	vadd.f32 v7, v0;
	v0 =	vld [tilespmem:$0x1FA50]  }
0x1d3: {  	v8 =	vld.idx.msk [tilespmem:v6+s15+$0x800 ss:$0x1], $0xffff;
	v1 =	vadd.f32 v14, v1;
	v11 =	vadd.f32 v12, v11;
	v12 =	vmul.f32 v17, v37  }
0x1d4: {  	v13 =	vld.idx.msk [tilespmem:v6+s15+$0x810 ss:$0x1], $0xffff  }
0x1d5: {  	v1 =	vadd.f32 v12, v1;
	v12 =	vld [tilespmem:$0x1FA60]  }
0x1d6: {  	v20 =	vld.idx.msk [tilespmem:v6+s15+$0x920 ss:$0x1], $0xffff  }
0x1d7: {  	v19 =	vld.idx.msk [tilespmem:v6+s15+$0x820 ss:$0x1], $0xffff;
	v14 =	vmul.f32 v0, v31  }
0x1d8: {  	v9 =	vmul.f32 v9, v32;
	v18 =	vld.idx.msk [tilespmem:v6+s15+$0x930 ss:$0x1], $0xffff  }
0x1d9: {  	v14 =	vadd.f32 v14, v3;
	v3 =	vmul.f32 v8, v47;
	v8 =	vmul.f32 v13, v46;
	v13 =	vld.idx.msk [tilespmem:v6+s15+$0x940 ss:$0x1], $0xffff  }
0x1da: {  	v12 =	vmul.f32 v12, v36  }
0x1db: {  	v16 =	vmul.f32 v16, v30;
	v17 =	vmul.f32 v20, v23;
	v9 =	vadd.f32 v9, v1;
	v1 =	vld [tilespmem:$0x1FA70]  }
0x1dc: {  	v61 =	vld.idx.msk [tilespmem:v6+s15+$0xC80 ss:$0x1], $0xffff;
	v8 =	vadd.f32 v8, v3;
	v12 =	vadd.f32 v12, v14;
	v14 =	vmul.f32 v19, v23  }
0x1dd: {  	v4 =	vld.idx.msk [tilespmem:v6+s15+$0x560 ss:$0x1], $0xffff;
	v11 =	vadd.f32 v17, v11;
	v17 =	vmul.f32 v18, v39  }
0x1de: {  	(xrf2) =	vadd.scan.msk.f32 $0xffff, v7;
	v7 =	vadd.f32 v14, v8;
	v8 =	vmul.f32 v13, v45;
	v13 =	vadd.f32 v16, v9;
	v9 =	vld [tilespmem:$0x1FA80];
	_ =	sdelay $0x1  }
0x1df: {  	v11 =	vadd.f32 v17, v11;
	v17 =	vmul.f32 v1, v42;
	_ =	sdelay $0x1  }
0x1e0: {  	[tilespmem:$0x1FE40] =	vst v4;
	v20 =	vld.idx.msk [tilespmem:v6+s15+$0x830 ss:$0x1], $0xffff;
	v12 =	vadd.f32 v17, v12  }
0x1e1: {  	v4 =	vld.idx.msk [tilespmem:v6+s15+$0x5D0 ss:$0x1], $0xffff;
	v17 =	vmul.f32 v61, v29;
	v8 =	vadd.f32 v8, v11;
	v11 =	vmul.f32 v9, v40  }
0x1e2: {  	v15 =	vld.idx.msk [tilespmem:v6+s15+$0x950 ss:$0x1], $0xffff  }
0x1e3: {  	v11 =	vadd.f32 v11, v12;
	v12 =	vadd.f32 v17, v13;
	v13 =	vld [tilespmem:$0x1FA90];
	_ =	sdelay $0x1  }
0x1e4: {  	v14 =	vmul.f32 v20, v39  }
0x1e5: {  	[tilespmem:$0x1FE60] =	vst v4;
	v4 =	vld.idx.msk [tilespmem:v6+s15+$0x640 ss:$0x1], $0xffff  }
0x1e6: {  	v18 =	vld.idx.msk [tilespmem:v6+s15+$0x840 ss:$0x1], $0xffff;
	v7 =	vadd.f32 v14, v7;
	v14 =	vmul.f32 v15, v37  }
0x1e7: {  	v16 =	vld.idx.msk [tilespmem:v6+s15+$0x850 ss:$0x1], $0xffff;
	v13 =	vmul.f32 v13, v24  }
0x1e8: {  	v8 =	vadd.f32 v14, v8;
	v14 =	vld.idx.msk [tilespmem:v6+s15+$0x440 ss:$0x1], $0xffff  }
0x1e9: {  	v12 =	vadd.f32 v13, v12;
	v13 =	vld [tilespmem:$0x1FAB0]  }
0x1ea: {  	[tilespmem:$0x1F9F0] =	vst v4;
	v4 =	vld.idx.msk [tilespmem:v6+s15+$0x6B0 ss:$0x1], $0xffff  }
0x1eb: {  	v15 =	vmul.f32 v18, v45;
	v18 =	vld.idx.msk [tilespmem:v6+s15+$0x860 ss:$0x1], $0xffff  }
0x1ec: {  	v2 =	vld.idx.msk [tilespmem:v6+s15+$0x960 ss:$0x1], $0xffff  }
0x1ed: {  	v10 =	vld.idx.msk [tilespmem:v6+s15+$0x870 ss:$0x1], $0xffff  }
0x1ee: {  	v7 =	vadd.f32 v15, v7;
	[tilespmem:$0x1FAA0] =	vst v14;
	v14 =	vmul.f32 v16, v37;
	v13 =	vmul.f32 v13, v34;
	_ =	sdelay $0x1  }
0x1ef: {  	v16 =	vld [tilespmem:$0x1FAD0];
	v7 =	vadd.f32 v14, v7;
	v11 =	vadd.f32 v13, v11;
	v13 =	vmul.f32 v18, v32  }
0x1f0: {  	[tilespmem:$0x1FE80] =	vst v4;
	v4 =	vld.idx.msk [tilespmem:v6+s15+$0x790 ss:$0x1], $0xffff;
	v2 =	vmul.f32 v2, v32  }
0x1f1: {  	v10 =	vmul.f32 v10, v30;
	v7 =	vadd.f32 v13, v7;
	v13 =	vld [tilespmem:$0x1FAF0]  }
0x1f2: {  	v2 =	vadd.f32 v2, v8;
	v8 =	vld [tilespmem:$0x1FAC0]  }
0x1f3: {  	v10 =	vadd.f32 v10, v7;
	v7 =	vld [tilespmem:$0x1FB10]  }
0x1f4: {  	v16 =	vmul.f32 v16, v30  }
0x1f5: {  	[tilespmem:$0x1FE90] =	vst v4;
	v4 =	vld.idx.msk [tilespmem:v6+s15+$0xC00 ss:$0x1], $0xffff  }
0x1f6: {  	v2 =	vadd.f32 v16, v2;
	v13 =	vmul.f32 v13, v29  }
0x1f7: {  	v17 =	vld.idx.msk [tilespmem:v6+s15+$0x300 ss:$0x1], $0xffff;
	v8 =	vmul.f32 v8, v35  }
0x1f8: {  	v14 =	vld.idx.msk [tilespmem:v6+s15+$0x310 ss:$0x1], $0xffff;
	v2 =	vadd.f32 v13, v2;
	v13 =	vmul.f32 v7, v24  }
0x1f9: {  	v8 =	vadd.f32 v8, v12;
	v12 =	vld [tilespmem:$0x1FAE0]  }
0x1fa: {  	v33 =	vadd.f32 v13, v2;
	v13 =	vmul.f32 v4, v29;
	v4 =	vld [tilespmem:$0x1FB30]  }
0x1fb: {  	(xrf2) =	vadd.scan.msk.f32 $0xffff, v11;
	v11 =	vld [tilespmem:$0x1FB00]  }
0x1fc: {  	v16 =	vld.idx.msk [tilespmem:v6+s15+$0x320 ss:$0x1], $0xffff  }
0x1fd: {  	v17 =	vmul.f32 v17, v47;
	v14 =	vmul.f32 v14, v46;
	v2 =	vld [tilespmem:$0x1FB20]  }
0x1fe: {  	v12 =	vmul.f32 v12, v31  }
0x1ff: {  	v14 =	vadd.f32 v14, v17;
	v17 =	vmul.f32 v4, v24;
	v4 =	vld [tilespmem:$0x1FB40]  }
0x200: {  	v8 =	vadd.f32 v12, v8;
	v11 =	vmul.f32 v11, v36;
	_ =	sdelay $0x1  }
0x201: {  	v16 =	vmul.f32 v16, v23;
	v11 =	vadd.f32 v11, v8;
	v2 =	vmul.f32 v2, v42;
	_ =	sdelay $0x1  }
0x202: {  	v2 =	vadd.f32 v2, v11;
	v11 =	vadd.f32 v16, v14;
	v14 =	vmul.f32 v4, v40;
	v4 =	vld [tilespmem:$0x1FB50];
	_ =	sdelay $0x4  }
0x203: {  	v56 =	vmul.f32 v4, v31;
	v4 =	vld [tilespmem:$0x1FB60];
	_ =	sdelay $0x4  }
0x204: {  	v2 =	vadd.f32 v14, v2;
	v14 =	vmul.f32 v4, v35;
	v4 =	vld [tilespmem:$0x1FB70];
	_ =	sdelay $0x4  }
0x205: {  	v61 =	vmul.f32 v4, v35;
	v4 =	vld [tilespmem:$0x1FB80];
	_ =	sdelay $0x4  }
0x206: {  	v62 =	vmul.f32 v4, v36;
	v4 =	vld [tilespmem:$0x1FB90]  }
0x207: {  	v10 =	vadd.f32 v13, v10;
	_ =	sdelay $0x1  }
0x208: {  	v10 =	vadd.f32 v17, v10;
	_ =	sdelay $0x1  }
0x209: {  	v10 =	vadd.f32 v14, v10;
	v14 =	vmul.f32 v4, v34;
	v4 =	vld [tilespmem:$0x1FBA0];
	_ =	sdelay $0x4  }
0x20a: {  	v4 =	vmul.f32 v4, v31;
	_ =	sdelay $0x1  }
0x20b: {  	[tilespmem:$0x1FBB0] =	vst v4;
	v4 =	vld [tilespmem:$0x1FBC0];
	_ =	sdelay $0x4  }
0x20c: {  	v2 =	vadd.f32 v14, v2;
	v14 =	vmul.f32 v4, v34;
	v4 =	vld [tilespmem:$0x1FBD0];
	_ =	sdelay $0x4  }
0x20d: {  	v22 =	vmul.f32 v4, v31;
	v4 =	vld [tilespmem:$0x1FBE0];
	_ =	sdelay $0x4  }
0x20e: {  	v4 =	vmul.f32 v4, v35;
	_ =	sdelay $0x1  }
0x20f: {  	[tilespmem:$0x1FBF0] =	vst v4;
	v4 =	vld [tilespmem:$0x1FC00]  }
0x210: {  	v18 =	vld.idx.msk [tilespmem:v6+s15+$0x280 ss:$0x1], $0xffff  }
0x211: {  	v12 =	vld.idx.msk [tilespmem:v6+s15+$0x290 ss:$0x1], $0xffff;
	_ =	sdelay $0x1  }
0x212: {  	v19 =	vld.idx.msk [tilespmem:v6+s15+$0x330 ss:$0x1], $0xffff  }
0x213: {  	v10 =	vadd.f32 v22, v10;
	v22 =	vmul.f32 v4, v40;
	v4 =	vld [tilespmem:$0x1FC10]  }
0x214: {  	v20 =	vld.idx.msk [tilespmem:v6+s15+$0x2A0 ss:$0x1], $0xffff  }
0x215: {  	v12 =	vmul.f32 v12, v46;
	v13 =	vmul.f32 v18, v47  }
0x216: {  	v16 =	vld.idx.msk [tilespmem:v6+s15+$0x340 ss:$0x1], $0xffff  }
0x217: {  	v12 =	vadd.f32 v12, v13;
	v13 =	vmul.f32 v19, v39  }
0x218: {  	v19 =	vld.idx.msk [tilespmem:v6+s15+$0x2B0 ss:$0x1], $0xffff;
	v4 =	vmul.f32 v4, v36  }
0x219: {  	v11 =	vadd.f32 v13, v11;
	v13 =	vmul.f32 v20, v23  }
0x21a: {  	[tilespmem:$0x1FC20] =	vst v4;
	v4 =	vld [tilespmem:$0x1FC30]  }
0x21b: {  	v12 =	vadd.f32 v13, v12;
	v13 =	vmul.f32 v16, v45;
	_ =	sdelay $0x1  }
0x21c: {  	v11 =	vadd.f32 v13, v11;
	v13 =	vmul.f32 v19, v39;
	_ =	sdelay $0x1  }
0x21d: {  	v12 =	vadd.f32 v13, v12;
	v13 =	vmul.f32 v4, v36;
	v4 =	vld [tilespmem:$0x1FC40];
	_ =	sdelay $0x4  }
0x21e: {  	v4 =	vmul.f32 v4, v34;
	_ =	sdelay $0x1  }
0x21f: {  	[tilespmem:$0x1FC50] =	vst v4;
	v4 =	vld.idx.msk [tilespmem:v6+s15+$0x430 ss:$0x1], $0xffff  }
0x220: {  	v20 =	vld.idx.msk [tilespmem:v6+s15+$0x350 ss:$0x1], $0xffff;
	_ =	sdelay $0x1  }
0x221: {  	v21 =	vld.idx.msk [tilespmem:v6+s15+$0x2C0 ss:$0x1], $0xffff;
	_ =	sdelay $0x1  }
0x222: {  	[tilespmem:$0x1FC60] =	vst v4;
	v4 =	vld [tilespmem:$0x1FC70]  }
0x223: {  	v20 =	vmul.f32 v20, v37;
	_ =	sdelay $0x1  }
0x224: {  	v11 =	vadd.f32 v20, v11;
	v20 =	vmul.f32 v21, v45;
	_ =	sdelay $0x1  }
0x225: {  	v12 =	vadd.f32 v20, v12;
	v20 =	vmul.f32 v4, v42;
	v4 =	vld [tilespmem:$0x1FC80];
	_ =	sdelay $0x4  }
0x226: {  	v4 =	vmul.f32 v4, v31;
	_ =	sdelay $0x1  }
0x227: {  	[tilespmem:$0x1FC90] =	vst v4;
	v4 =	vld [tilespmem:$0x1FCA0];
	_ =	sdelay $0x4  }
0x228: {  	v4 =	vmul.f32 v4, v34;
	_ =	sdelay $0x1  }
0x229: {  	[tilespmem:$0x1FCB0] =	vst v4;
	v4 =	vld [tilespmem:$0x1FCC0];
	_ =	sdelay $0x4  }
0x22a: {  	v53 =	vmul.f32 v4, v40;
	v4 =	vld [tilespmem:$0x1FCD0];
	_ =	sdelay $0x4  }
0x22b: {  	v4 =	vmul.f32 v4, v35;
	_ =	sdelay $0x1  }
0x22c: {  	[tilespmem:$0x1FCE0] =	vst v4;
	v4 =	vld [tilespmem:$0x1FCF0];
	_ =	sdelay $0x1  }
0x22d: {  	v25 =	vld.idx.msk [tilespmem:v6+s15+$0x390 ss:$0x1], $0xffff  }
0x22e: {  	v16 =	vld.idx.msk [tilespmem:v6+s15+$0x380 ss:$0x1], $0xffff;
	_ =	sdelay $0x1  }
0x22f: {  	v21 =	vld.idx.msk [tilespmem:v6+s15+$0x3A0 ss:$0x1], $0xffff;
	v4 =	vmul.f32 v4, v40;
	_ =	sdelay $0x1  }
0x230: {  	[tilespmem:$0x1FD00] =	vst v4;
	v4 =	vld [tilespmem:$0x1FD10]  }
0x231: {  	v10 =	vadd.f32 v13, v10;
	v13 =	vmul.f32 v16, v47;
	v16 =	vmul.f32 v25, v46;
	_ =	sdelay $0x1  }
0x232: {  	v13 =	vadd.f32 v16, v13;
	v10 =	vadd.f32 v20, v10;
	v20 =	vmul.f32 v21, v23;
	_ =	sdelay $0x1  }
0x233: {  	v13 =	vadd.f32 v20, v13;
	v20 =	vmul.f32 v4, v42;
	v4 =	vld [tilespmem:$0x1FD20];
	_ =	sdelay $0x4  }
0x234: {  	v4 =	vmul.f32 v4, v36;
	_ =	sdelay $0x1  }
0x235: {  	[tilespmem:$0x1FD30] =	vst v4;
	v4 =	vld [tilespmem:$0x1FD40];
	_ =	sdelay $0x4  }
0x236: {  	v4 =	vmul.f32 v4, v34  }
0x237: {  	v19 =	vld.idx.msk [tilespmem:v6+s15+$0x360 ss:$0x1], $0xffff  }
0x238: {  	[tilespmem:$0x1FD50] =	vst v4;
	v4 =	vld [tilespmem:$0x1FD60]  }
0x239: {  	v27 =	vld.idx.msk [tilespmem:v6+s15+$0x2D0 ss:$0x1], $0xffff;
	_ =	sdelay $0x1  }
0x23a: {  	v16 =	vld.idx.msk [tilespmem:v6+s15+$0x2E0 ss:$0x1], $0xffff  }
0x23b: {  	v19 =	vmul.f32 v19, v32  }
0x23c: {  	v54 =	vmul.f32 v4, v42;
	v4 =	vld [tilespmem:$0x1FD70]  }
0x23d: {  	v11 =	vadd.f32 v19, v11;
	v19 =	vmul.f32 v27, v37;
	_ =	sdelay $0x1  }
0x23e: {  	v12 =	vadd.f32 v19, v12;
	v16 =	vmul.f32 v16, v32;
	_ =	sdelay $0x1  }
0x23f: {  	v12 =	vadd.f32 v16, v12;
	v16 =	vmul.f32 v4, v36;
	v4 =	vld [tilespmem:$0x1FD80];
	_ =	sdelay $0x2  }
0x240: {  	v50 =	vld.idx.msk [tilespmem:v6+s15+$0x470 ss:$0x1], $0xffff  }
0x241: {  	v51 =	vld.idx.msk [tilespmem:v6+s15+$0x720 ss:$0x1], $0xffff  }
0x242: {  	v63 =	vld.idx.msk [tilespmem:v6+s15+$0x780 ss:$0x1], $0xffff;
	v4 =	vmul.f32 v4, v31  }
0x243: {  	v60 =	vld.idx.msk [tilespmem:v6+s15+$0x5C0 ss:$0x1], $0xffff  }
0x244: {  	[tilespmem:$0x1FD90] =	vst v4;
	v4 =	vld [tilespmem:$0x1FDA0]  }
0x245: {  	v41 =	vld.idx.msk [tilespmem:v6+s15+$0x460 ss:$0x1], $0xffff  }
0x246: {  	v44 =	vld.idx.msk [tilespmem:v6+s15+$0x510 ss:$0x1], $0xffff  }
0x247: {  	v48 =	vld.idx.msk [tilespmem:v6+s15+$0x6A0 ss:$0x1], $0xffff  }
0x248: {  	v26 =	vld.idx.msk [tilespmem:v6+s15+$0x3E0 ss:$0x1], $0xffff  }
0x249: {  	v58 =	vld.idx.msk [tilespmem:v6+s15+$0x550 ss:$0x1], $0xffff;
	v4 =	vmul.f32 v4, v34  }
0x24a: {  	v5 =	vld.idx.msk [tilespmem:v6+s15+$0x710 ss:$0x1], $0xffff  }
0x24b: {  	[tilespmem:$0x1FDB0] =	vst v4;
	v4 =	vld [tilespmem:$0x1FDC0]  }
0x24c: {  	v38 =	vld.idx.msk [tilespmem:v6+s15+$0x690 ss:$0x1], $0xffff  }
0x24d: {  	v28 =	vld.idx.msk [tilespmem:v6+s15+$0x2F0 ss:$0x1], $0xffff  }
0x24e: {  	v52 =	vld.idx.msk [tilespmem:v6+s15+$0x270 ss:$0x1], $0xffff  }
0x24f: {  	v43 =	vld.idx.msk [tilespmem:v6+s15+$0x3F0 ss:$0x1], $0xffff  }
0x250: {  	v57 =	vld.idx.msk [tilespmem:v6+s15+$0x180 ss:$0x1], $0xffff;
	v4 =	vmul.f32 v4, v40  }
0x251: {  	v17 =	vld.idx.msk [tilespmem:v6+s15+$0x370 ss:$0x1], $0xffff  }
0x252: {  	[tilespmem:$0x1FDD0] =	vst v4;
	v4 =	vld [tilespmem:$0x1FDE0]  }
0x253: {  	v9 =	vld.idx.msk [tilespmem:v6+s15+$0x700 ss:$0x1], $0xffff  }
0x254: {  	v0 =	vld.idx.msk [tilespmem:v6+s15+$0x450 ss:$0x1], $0xffff  }
0x255: {  	v1 =	vld.idx.msk [tilespmem:v6+s15+$0x5B0 ss:$0x1], $0xffff  }
0x256: {  	v3 =	vld.idx.msk [tilespmem:v6+s15+$0x540 ss:$0x1], $0xffff;
	v17 =	vmul.f32 v17, v30  }
0x257: {  	v49 =	vmul.f32 v4, v36;
	v4 =	vld [tilespmem:$0x1FDF0]  }
0x258: {  	v15 =	vld.idx.msk [tilespmem:v6+s15+$0x530 ss:$0x1], $0xffff;
	v9 =	vmul.f32 v9, v29;
	v11 =	vadd.f32 v17, v11  }
0x259: {  	v7 =	vld.idx.msk [tilespmem:v6+s15+$0x5A0 ss:$0x1], $0xffff  }
0x25a: {  	v8 =	vld.idx.msk [tilespmem:v6+s15+$0x610 ss:$0x1], $0xffff;
	v9 =	vadd.f32 v9, v11;
	v11 =	vmul.f32 v28, v30  }
0x25b: {  	[tilespmem:$0x1FE20] =	vst v34;
	v18 =	vld.idx.msk [tilespmem:v6+s15+$0x680 ss:$0x1], $0xffff  }
0x25c: {  	[tilespmem:$0x1FEA0] =	vst v23;
	v11 =	vadd.f32 v11, v12;
	v12 =	vmul.f32 v4, v31;
	v4 =	vld [tilespmem:$0x1FE00]  }
0x25d: {  	[tilespmem:$0x1FEB0] =	vst v40;
	v27 =	vld.idx.msk [tilespmem:v6+s15+$0x3B0 ss:$0x1], $0xffff  }
0x25e: {  	[tilespmem:$0x1FEE0] =	vst v42;
	v19 =	vld.idx.msk [tilespmem:v6+s15+$0x600 ss:$0x1], $0xffff  }
0x25f: {  	[tilespmem:$0x1FEF0] =	vst v39;
	v17 =	vld.idx.msk [tilespmem:v6+s15+$0x3C0 ss:$0x1], $0xffff  }
0x260: {  	[tilespmem:$0x1FF00] =	vst v36;
	v28 =	vld.idx.msk [tilespmem:v6+s15+$0x210 ss:$0x1], $0xffff  }
0x261: {  	[tilespmem:$0x1FF10] =	vst v31;
	v25 =	vld.idx.msk [tilespmem:v6+s15+$0x520 ss:$0x1], $0xffff;
	v4 =	vmul.f32 v4, v35  }
0x262: {  	[tilespmem:$0x1FF20] =	vst v35;
	v21 =	vld.idx.msk [tilespmem:v6+s15+$0x590 ss:$0x1], $0xffff;
	v10 =	vadd.f32 v22, v10;
	v22 =	vmul.f32 v27, v39  }
0x263: {  	v27 =	vld.idx.msk [tilespmem:v6+s15+$0x3D0 ss:$0x1], $0xffff;
	[tilespmem:$0x1FE10] =	vst v4;
	v4 =	vmul.f32 v50, v34  }
0x264: {  	[tilespmem:$0x1FF30] =	vst v24;
	v13 =	vadd.f32 v22, v13;
	v22 =	vld.idx.msk [tilespmem:v6+s15+$0x200 ss:$0x1], $0xffff  }
0x265: {  	v14 =	vadd.f32 v14, v10;
	v10 =	vmul.f32 v17, v45;
	[tilespmem:$0x1FE30] =	vst v4;
	v4 =	vld [tilespmem:$0x1FE40]  }
0x266: {  	[tilespmem:$0x1FF40] =	vst v29;
	v5 =	vmul.f32 v5, v24;
	v17 =	vld.idx.msk [tilespmem:v6+s15+$0x580 ss:$0x1], $0xffff  }
0x267: {  	[tilespmem:$0x1FF50] =	vst v30;
	v10 =	vadd.f32 v10, v13;
	v13 =	vmul.f32 v18, v29;
	v18 =	vld.idx.msk [tilespmem:v6+s15+$0x500 ss:$0x1], $0xffff  }
0x268: {  	[tilespmem:$0x1FF60] =	vst v32;
	v5 =	vadd.f32 v5, v9;
	v9 =	vmul.f32 v27, v37;
	v27 =	vld.idx.msk [tilespmem:v6+s15+$0x220 ss:$0x1], $0xffff  }
0x269: {  	v11 =	vadd.f32 v13, v11;
	v13 =	vmul.f32 v22, v47;
	v22 =	vmul.f32 v28, v46;
	v28 =	vld.idx.msk [tilespmem:v6+s15+$0x1F0 ss:$0x1], $0xffff  }
0x26a: {  	v9 =	vadd.f32 v9, v10;
	v10 =	vmul.f32 v51, v35;
	v51 =	vld.idx.msk [tilespmem:v6+s15+$0x170 ss:$0x1], $0xffff;
	v4 =	vmul.f32 v4, v40  }
0x26b: {  	v26 =	vmul.f32 v26, v32;
	v13 =	vadd.f32 v22, v13;
	v22 =	vmul.f32 v38, v24;
	v38 =	vld.idx.msk [tilespmem:v6+s15+$0x1E0 ss:$0x1], $0xffff  }
0x26c: {  	[tilespmem:$0x1FE50] =	vst v4;
	v4 =	vld [tilespmem:$0x1FE60]  }
0x26d: {  	v58 =	vmul.f32 v58, v42;
	v55 =	vmul.f32 v0, v42;
	v9 =	vadd.f32 v26, v9;
	v26 =	vld.idx.msk [tilespmem:v6+s15+$0x250 ss:$0x1], $0xffff  }
0x26e: {  	v59 =	vmul.f32 v3, v36;
	v11 =	vadd.f32 v22, v11;
	v22 =	vmul.f32 v27, v23;
	v34 =	vld.idx.msk [tilespmem:v6+s15+$0x230 ss:$0x1], $0xffff  }
0x26f: {  	[tilespmem:$0x1FF70] =	vst v37;
	v3 =	vmul.f32 v1, v31;
	v23 =	vmul.f32 v41, v40;
	v27 =	vld.idx.msk [tilespmem:v6+s15+$0x240 ss:$0x1], $0xffff  }
0x270: {  	v41 =	vmul.f32 v17, v29;
	v17 =	vld.idx.msk [tilespmem:v6+s15+$0x120 ss:$0x1], $0xffff;
	v13 =	vadd.f32 v22, v13;
	v22 =	vmul.f32 v60, v36  }
0x271: {  	v1 =	vmul.f32 v15, v31;
	[tilespmem:$0x1FEC0] =	vst v23;
	v60 =	vld.idx.msk [tilespmem:v6+s15+$0x160 ss:$0x1], $0xffff;
	v4 =	vmul.f32 v4, v42  }
0x272: {  	v23 =	vmul.f32 v43, v30;
	[tilespmem:$0x1FED0] =	vst v22;
	v22 =	vmul.f32 v48, v35;
	v48 =	vld.idx.msk [tilespmem:v6+s15+$0x150 ss:$0x1], $0xffff  }
0x273: {  	v25 =	vmul.f32 v25, v35;
	v5 =	vadd.f32 v10, v5;
	v0 =	vmul.f32 v34, v39;
	[tilespmem:$0x1FE70] =	vst v4;
	v4 =	vld [tilespmem:$0x1FE80]  }
0x274: {  	v28 =	vmul.f32 v28, v30;
	v9 =	vadd.f32 v23, v9;
	v15 =	vmul.f32 v27, v45;
	v50 =	vld.idx.msk [tilespmem:v6+s15+$0x260 ss:$0x1], $0xffff  }
0x275: {  	v27 =	vmul.f32 v19, v29;
	v11 =	vadd.f32 v22, v11;
	v0 =	vadd.f32 v0, v13;
	v13 =	vld.idx.msk [tilespmem:v6+s15+$0x1C0 ss:$0x1], $0xffff  }
0x276: {  	v22 =	vld.idx.msk [tilespmem:v6+s15+$0x1D0 ss:$0x1], $0xffff;
	v23 =	vmul.f32 v60, v32;
	v36 =	vmul.f32 v52, v30;
	v5 =	vadd.f32 v12, v5  }
0x277: {  	v12 =	vmul.f32 v63, v29;
	v19 =	vadd.f32 v15, v0;
	v15 =	vmul.f32 v18, v29;
	v18 =	vld.idx.msk [tilespmem:v6+s15+$0x190 ss:$0x1], $0xffff  }
0x278: {  	[tilespmem:$0x1FF80] =	vst v45;
	v5 =	vadd.f32 v16, v5;
	v39 =	vmul.f32 v8, v24;
	v10 =	vmul.f32 v4, v31;
	v4 =	vld [tilespmem:$0x1FE90]  }
0x279: {  	v16 =	vadd.f32 v12, v9;
	v12 =	vld.idx.msk [tilespmem:v6+s15+$0x1A0 ss:$0x1], $0xffff;
	v34 =	vmul.f32 v21, v24;
	v9 =	vmul.f32 v50, v32  }
0x27a: {  	v8 =	vld.idx.msk [tilespmem:v6+s15+$0x140 ss:$0x1], $0xffff;
	v13 =	vmul.f32 v13, v45;
	v42 =	vmul.f32 v7, v35;
	v11 =	vadd.f32 v10, v11  }
0x27b: {  	v5 =	vadd.f32 v20, v5;
	v35 =	vmul.f32 v44, v24;
	v7 =	vld.idx.msk [tilespmem:v6+s15+$0x130 ss:$0x1], $0xffff;
	v31 =	vmul.f32 v38, v32  }
0x27c: {  	v32 =	vmul.f32 v18, v46;
	v18 =	vld.idx.msk [tilespmem:v6+s15+$0x0 ss:$0x1], $0xffff;
	v20 =	vadd.f32 v49, v11;
	v11 =	vmul.f32 v26, v37  }
0x27d: {  	s16 =	sand.u32 $0x780, s16;
	[tilespmem:$0x1FF90] =	vst v47;
	v43 =	vimm.s32 $0x0;
	v10 =	vld.idx.msk [tilespmem:v6+s15+$0x1B0 ss:$0x1], $0xffff;
	v4 =	vmul.f32 v4, v24;
	v24 =	vmul.f32 v51, v30  }
0x27e: {  	s19 =	sor.u32 $0x1B000, s16;
	v60, _, _ =	vpop (xrf2);
	v30 =	vmul.f32 v57, v47;
	v21 =	vadd.f32 v11, v19;
	v11 =	vmul.f32 v22, v37;
	v19 =	vld.idx.msk [tilespmem:v6+s15+$0x110 ss:$0x1], $0xffff  }
0x27f: {  	[tilespmem:$0x1FFA0] =	vst v46;
	v38, _, _ =	vpop (xrf2);
	v26 =	vadd.f32 v54, v20;
	v20 =	vld.idx.msk [tilespmem:v6+s15+$0x10 ss:$0x1], $0xffff;
	v0 =	vadd.f32 v4, v16;
	v4 =	vmov s19  }
0x280: {  	s16 =	sshll.u32 s13, $0x9;
	s17 =	simm.s32 $0x0;
	s18 =	simm.s32 $0x1;
	v44 =	vimm.f32 $-1.000000000e+00;
	v29, _, _ =	vpop (xrf2);
	v22 =	vadd.f32 v53, v5;
	v5 =	vmul.f32 v48, v37;
	v16 =	vld.idx.msk [tilespmem:v6+s15+$0x100 ss:$0x1], $0xffff;
	[tilespmem:$0x1FFB0] =	vst v4  }
.LBB2_3:
0x281: {  	v37 =	vld.idx.msk [tilespmem:v6+s15+$0x20 ss:$0x1], $0xffff  }
0x282: {  	v57 =	vld [tilespmem:$0x1FF80]  }
0x283: {  	v4 =	vld [tilespmem:$0x1FC50]  }
0x284: {  	v52 =	vld [tilespmem:$0x1FEA0]  }
0x285: {  	v46 =	vld.idx.msk [tilespmem:v6+s15+$0x90 ss:$0x1], $0xffff  }
0x286: {  	v54 =	vld [tilespmem:$0x1FF90]  }
0x287: {  	v53 =	vld [tilespmem:$0x1FFA0]  }
0x288: {  	v47 =	vld.idx.msk [tilespmem:v6+s15+$0x30 ss:$0x1], $0xffff  }
0x289: {  	v9 =	vadd.f32 v9, v21;
	v50 =	vld [tilespmem:$0x1FEF0]  }
0x28a: {  	v49 =	vld [tilespmem:$0x1FF70]  }
0x28b: {  	v48 =	vld [tilespmem:$0x1FF60];
	v9 =	vadd.f32 v36, v9  }
0x28c: {  	v40 =	vld [tilespmem:$0x1FF50]  }
0x28d: {  	v30 =	vadd.f32 v32, v30;
	v9 =	vadd.f32 v27, v9;
	v27 =	vld.idx.msk [tilespmem:v6+s15+$0xC0 ss:$0x1], $0xffff;
	v12 =	vmul.f32 v12, v52  }
0x28e: {  	v21 =	vadd.f32 v4, v22;
	v4 =	vld [tilespmem:$0x1FD00];
	v16 =	vmul.f32 v16, v54;
	v19 =	vmul.f32 v19, v53  }
0x28f: {  	v8 =	vmul.f32 v8, v57;
	v22 =	vld.idx.msk [tilespmem:v6+s15+$0x80 ss:$0x1], $0xffff;
	v10 =	vmul.f32 v10, v50  }
0x290: {  	v17 =	vmul.f32 v17, v52;
	v12 =	vadd.f32 v12, v30;
	v30 =	vld.idx.msk [tilespmem:v6+s15+$0xA0 ss:$0x1], $0xffff;
	v16 =	vadd.f32 v19, v16  }
0x291: {  	v18 =	vmul.f32 v18, v54;
	v19 =	vmul.f32 v20, v53;
	v20 =	vld.idx.msk [tilespmem:v6+s15+$0x40 ss:$0x1], $0xffff  }
0x292: {  	v7 =	vmul.f32 v7, v50;
	v10 =	vadd.f32 v10, v12;
	v12 =	vld.idx.msk [tilespmem:v6+s15+$0xB0 ss:$0x1], $0xffff;
	v16 =	vadd.f32 v17, v16  }
0x293: {  	v17 =	vadd.f32 v19, v18;
	v18 =	vmul.f32 v37, v52;
	v19 =	vld.idx.msk [tilespmem:v6+s15+$0x50 ss:$0x1], $0xffff;
	v26 =	vadd.f32 v4, v26  }
0x294: {  	v4 =	vld [tilespmem:$0x1FCB0];
	v10 =	vadd.f32 v13, v10;
	v13 =	vmul.f32 v22, v54;
	v22 =	vmul.f32 v46, v53  }
0x295: {  	v7 =	vadd.f32 v7, v16;
	v16 =	vadd.f32 v18, v17;
	v17 =	vmul.f32 v47, v50;
	v18 =	vld.idx.msk [tilespmem:v6+s15+$0x60 ss:$0x1], $0xffff  }
0x296: {  	v10 =	vadd.f32 v11, v10;
	v11 =	vadd.f32 v22, v13;
	v13 =	vmul.f32 v30, v52;
	v22 =	vld.idx.msk [tilespmem:v6+s15+$0xD0 ss:$0x1], $0xffff  }
0x297: {  	v7 =	vadd.f32 v8, v7;
	v8 =	vadd.f32 v17, v16;
	v16 =	vmul.f32 v20, v57;
	v17 =	vld.idx.msk [tilespmem:v6+s15+$0x70 ss:$0x1], $0xffff  }
0x298: {  	v11 =	vadd.f32 v13, v11;
	v13 =	vld.idx.msk [tilespmem:v6+s15+$0xE0 ss:$0x1], $0xffff  }
0x299: {  	v5 =	vadd.f32 v5, v7;
	v7 =	vadd.f32 v16, v8;
	v16 =	vld.idx.msk [tilespmem:v6+s15+$0x400 ss:$0x1], $0xffff  }
0x29a: {  	v8 =	vmul.f32 v19, v49;
	v19 =	vld.idx.msk [tilespmem:v6+s15+$0xF0 ss:$0x1], $0xffff  }
0x29b: {  	v12 =	vmul.f32 v12, v50;
	v4 =	vadd.f32 v4, v26;
	v10 =	vadd.f32 v31, v10;
	v31 =	vld [tilespmem:$0x1FF40]  }
0x29c: {  	v26 =	vld [tilespmem:$0x1FF30];
	v5 =	vadd.f32 v23, v5;
	v7 =	vadd.f32 v8, v7;
	v8 =	vmul.f32 v18, v48  }
0x29d: {  	v11 =	vadd.f32 v12, v11;
	v12 =	vmul.f32 v27, v57;
	v18 =	vld.idx.msk [tilespmem:v6+s15+$0x410 ss:$0x1], $0xffff  }
0x29e: {  	v5 =	vadd.f32 v24, v5;
	v7 =	vadd.f32 v8, v7;
	v8 =	vmul.f32 v17, v40;
	v17 =	vld.idx.msk [tilespmem:v6+s15+$0x420 ss:$0x1], $0xffff  }
0x29f: {  	v11 =	vadd.f32 v12, v11;
	v12 =	vmul.f32 v22, v49;
	v24 =	vld [tilespmem:$0x1FF20]  }
0x2a0: {  	v5 =	vadd.f32 v15, v5;
	v7 =	vadd.f32 v8, v7;
	v8 =	vmul.f32 v16, v31  }
0x2a1: {  	(xrf2) =	vadd.scan.msk.f32 $0xffff, v2;
	v10 =	vadd.f32 v28, v10;
	v11 =	vadd.f32 v12, v11;
	v12 =	vmul.f32 v13, v48  }
0x2a2: {  	(xrf2) =	vadd.scan.msk.f32 $0xffff, v14;
	v14 =	vld [tilespmem:$0x1FDD0];
	v5 =	vadd.f32 v35, v5;
	v7 =	vadd.f32 v8, v7;
	v8 =	vmul.f32 v18, v26  }
0x2a3: {  	v20 =	vld.idx.msk [tilespmem:v6+s15+$0x480 ss:$0x1], $0xffff;
	v10 =	vadd.f32 v41, v10;
	v2 =	vadd.f32 v12, v11;
	v11 =	vmul.f32 v19, v40  }
0x2a4: {  	v23 =	vld [tilespmem:$0x1FF10];
	v5 =	vadd.f32 v25, v5;
	v7 =	vadd.f32 v8, v7;
	v8 =	vmul.f32 v17, v24  }
0x2a5: {  	v10 =	vadd.f32 v34, v10;
	v2 =	vadd.f32 v11, v2;
	v11 =	vld [tilespmem:$0x1FED0]  }
0x2a6: {  	v1 =	vadd.f32 v1, v5;
	v5 =	vadd.f32 v8, v7;
	v7 =	vld [tilespmem:$0x1FC60]  }
0x2a7: {  	v13 =	vld.idx.msk [tilespmem:v6+s15+$0x490 ss:$0x1], $0xffff;
	v10 =	vadd.f32 v42, v10  }
0x2a8: {  	(xrf2) =	vadd.scan.msk.f32 $0xffff, v21;
	v8 =	vld [tilespmem:$0x1FE70]  }
0x2a9: {  	(xrf2) =	vadd.scan.msk.f32 $0xffff, v4;
	v4 =	vld [tilespmem:$0x1FE50];
	v3 =	vadd.f32 v3, v10  }
0x2aa: {  	v12 =	vld.idx.msk [tilespmem:v6+s15+$0x4A0 ss:$0x1], $0xffff;
	v10 =	vmul.f32 v20, v31  }
0x2ab: {  	v22 =	vld [tilespmem:$0x1FF00];
	v3 =	vadd.f32 v11, v3;
	v7 =	vmul.f32 v7, v23  }
0x2ac: {  	v15 =	vld.idx.msk [tilespmem:v6+s15+$0x4B0 ss:$0x1], $0xffff;
	v2 =	vadd.f32 v10, v2;
	v10 =	vmul.f32 v13, v26;
	v1 =	vadd.f32 v59, v1  }
0x2ad: {  	v3 =	vadd.f32 v8, v3;
	v5 =	vadd.f32 v7, v5;
	v7 =	vld [tilespmem:$0x1FAA0]  }
0x2ae: {  	v2 =	vadd.f32 v10, v2  }
0x2af: {  	v11 =	vld.idx.msk [tilespmem:v6+s15+$0x620 ss:$0x1], $0xffff;
	v8 =	vmul.f32 v12, v24;
	v3 =	vadd.f32 v14, v3;
	v14 =	vadd.f32 v58, v1;
	_ =	sdelay $0x1  }
0x2b0: {  	v2 =	vadd.f32 v8, v2;
	v8 =	vmul.f32 v15, v23;
	v15 =	vadd.f32 v4, v14;
	v4 =	vld [tilespmem:$0x1FA10]  }
0x2b1: {  	v7 =	vmul.f32 v7, v22;
	_ =	sdelay $0x1  }
0x2b2: {  	v9 =	vadd.f32 v39, v9;
	v13 =	vld.idx.msk [tilespmem:v6+s15+$0x4C0 ss:$0x1], $0xffff;
	v5 =	vadd.f32 v7, v5;
	v7 =	vmul.f32 v11, v24;
	_ =	sdelay $0x1  }
0x2b3: {  	v7 =	vadd.f32 v7, v9;
	v9 =	vmul.f32 v4, v23;
	v4 =	vld [tilespmem:$0x1FDB0];
	_ =	sdelay $0x2  }
0x2b4: {  	v2 =	vadd.f32 v8, v2;
	v8 =	vmul.f32 v13, v22;
	_ =	sdelay $0x1  }
0x2b5: {  	v2 =	vadd.f32 v8, v2;
	v8 =	vadd.f32 v4, v15;
	v4 =	vld [tilespmem:$0x1FEC0];
	_ =	sdelay $0x2  }
0x2b6: {  	v5 =	vadd.f32 v55, v5;
	_ =	sdelay $0x1  }
0x2b7: {  	v5 =	vadd.f32 v4, v5;
	v4 =	vld [tilespmem:$0x1F9F0];
	_ =	sdelay $0x4  }
0x2b8: {  	v7 =	vadd.f32 v9, v7;
	v9 =	vmul.f32 v4, v22;
	v4 =	vld [tilespmem:$0x1FE10];
	_ =	sdelay $0x2  }
0x2b9: {  	v21 =	vld [tilespmem:$0x1FEE0]  }
0x2ba: {  	v1 =	vld [tilespmem:$0x1FD50]  }
0x2bb: {  	v0 =	vadd.f32 v4, v0;
	v4 =	vld [tilespmem:$0x1FE30]  }
0x2bc: {  	v10 =	vld.idx.msk [tilespmem:v6+s15+$0x4D0 ss:$0x1], $0xffff  }
0x2bd: {  	v19 =	vld [tilespmem:$0x1FEB0]  }
0x2be: {  	v12 =	vld.idx.msk [tilespmem:v6+s15+$0x4E0 ss:$0x1], $0xffff  }
0x2bf: {  	v13 =	vld.idx.msk [tilespmem:v6+s15+$0x4F0 ss:$0x1], $0xffff;
	v3 =	vadd.f32 v1, v3  }
0x2c0: {  	v5 =	vadd.f32 v4, v5;
	v4 =	vld [tilespmem:$0x1FE20]  }
0x2c1: {  	v1, _, _ =	vpop (xrf2);
	(xrf2) =	vadd.scan.msk.f32 $0xffff, v3;
	v3 =	vmul.f32 v10, v21;
	_ =	sdelay $0x1  }
0x2c2: {  	v2 =	vadd.f32 v3, v2;
	v3 =	vmul.f32 v12, v19  }
0x2c3: {  	v11 =	vld.idx.msk [tilespmem:v6+s15+$0x650 ss:$0x1], $0xffff  }
0x2c4: {  	v12 =	vld [tilespmem:$0x1FD90];
	v2 =	vadd.f32 v3, v2;
	v3 =	vmul.f32 v13, v4  }
0x2c5: {  	v10 =	vld.idx.msk [tilespmem:v6+s15+$0x7D0 ss:$0x1], $0xffff  }
0x2c6: {  	v2 =	vadd.f32 v3, v2;
	v3 =	vld [tilespmem:$0x1FD30];
	_ =	sdelay $0x1  }
0x2c7: {  	v14, _, _ =	vpop (xrf2);
	(xrf2) =	vadd.scan.msk.f32 $0xffff, v8;
	v8 =	vmul.f32 v11, v21;
	v7 =	vadd.f32 v9, v7  }
0x2c8: {  	v0 =	vadd.f32 v12, v0  }
0x2c9: {  	v7 =	vadd.f32 v8, v7;
	v8 =	vld [tilespmem:$0x1F9E0]  }
0x2ca: {  	v16 =	vld [tilespmem:$0x1FBF0];
	v0 =	vadd.f32 v3, v0;
	v3 =	vmul.f32 v10, v21  }
0x2cb: {  	v15 =	vld.idx.msk [tilespmem:v6+s15+$0x670 ss:$0x1], $0xffff  }
0x2cc: {  	v0 =	vadd.f32 v3, v0;
	v3 =	vld [tilespmem:$0x1F9D0]  }
0x2cd: {  	v12 =	vld.idx.msk [tilespmem:v6+s15+$0x7F0 ss:$0x1], $0xffff  }
0x2ce: {  	v8 =	vmul.f32 v8, v19;
	v13 =	vld [tilespmem:$0x1FCE0]  }
0x2cf: {  	v17 =	vld [tilespmem:$0x1FA30]  }
0x2d0: {  	v7 =	vadd.f32 v8, v7;
	v8 =	vmul.f32 v15, v4;
	v15 =	vld [tilespmem:$0x1FC90]  }
0x2d1: {  	v11, _, _ =	vpop (xrf2);
	v9 =	vld.idx.msk [tilespmem:v6+s15+$0xD50 ss:$0x1], $0xffff;
	(xrf2) =	vadd.scan.msk.f32 $0xffff, v5;
	v3 =	vmul.f32 v3, v19  }
0x2d2: {  	v10, _, _ =	vpop (xrf2);
	(xrf2) =	vadd.scan.msk.f32 $0xffff, v2;
	v2 =	vadd.f32 v8, v7;
	v7 =	vld [tilespmem:$0x1FC20]  }
0x2d3: {  	v13 =	vadd.f32 v13, v33;
	v0 =	vadd.f32 v3, v0;
	v3 =	vmul.f32 v12, v4;
	v12 =	vld [tilespmem:$0x1FBB0];
	_ =	sdelay $0x1  }
0x2d4: {  	v5 =	vld.idx.msk [tilespmem:v6+s15+$0xED0 ss:$0x1], $0xffff;
	v18 =	vadd.f32 v15, v13  }
0x2d5: {  	v16 =	vadd.f32 v16, v17;
	v15 =	vld.idx.msk [tilespmem:v6+s15+$0xD70 ss:$0x1], $0xffff  }
0x2d6: {  	v8 =	vmul.f32 v9, v21;
	v9 =	vld.idx.msk [tilespmem:v6+s15+$0xFD0 ss:$0x1], $0xffff;
	v7 =	vadd.f32 v7, v18  }
0x2d7: {  	v13, _, _ =	vpop (xrf2);
	v18 =	vadd.f32 v12, v16;
	v16 =	vld.idx.msk [tilespmem:v6+s15+$0xEF0 ss:$0x1], $0xffff  }
0x2d8: {  	v7 =	vadd.f32 v8, v7;
	v8 =	vld [tilespmem:$0x1F9C0]  }
0x2d9: {  	v0 =	vadd.f32 v3, v0;
	v3 =	vmul.f32 v5, v21;
	v17 =	vld [tilespmem:$0x1FA00];
	(xrf2) =	vadd.scan.msk.f32 $0xffff, v2;
	v2 =	vadd.f32 v62, v18  }
0x2da: {  	v20 =	vmul.f32 v15, v4;
	v15 =	vld [tilespmem:$0x1F9A0]  }
0x2db: {  	v2 =	vadd.f32 v3, v2;
	v3 =	vld [tilespmem:$0x1F9B0];
	_ =	sdelay $0x1  }
0x2dc: {  	v8 =	vmul.f32 v8, v19  }
0x2dd: {  	v17 =	vadd.f32 v61, v17  }
0x2de: {  	v5 =	vld.idx.msk [tilespmem:v6+s15+$0xFE0 ss:$0x1], $0xffff;
	v7 =	vadd.f32 v8, v7  }
0x2df: {  	v12, _, _ =	vpop (xrf2);
	(xrf2) =	vadd.scan.msk.f32 $0xffff, v0;
	v15 =	vmul.f32 v15, v22;
	v17 =	vadd.f32 v56, v17;
	v3 =	vmul.f32 v3, v19  }
0x2e0: {  	v18 =	vld.idx.msk [tilespmem:v6+s15+$0xFF0 ss:$0x1], $0xffff;
	v0 =	vadd.f32 v20, v7;
	v7 =	vmul.f32 v9, v21  }
0x2e1: {  	v9 =	vadd.f32 v15, v17;
	v2 =	vadd.f32 v3, v2;
	v3 =	vmul.f32 v16, v4  }
0x2e2: {  	v8, _, _ =	vpop (xrf2);
	(xrf2) =	vadd.scan.msk.f32 $0xffff, v0  }
0x2e3: {  	v0 =	vadd.f32 v3, v2;
	v2 =	vadd.f32 v7, v9;
	v3 =	vmul.f32 v5, v19;
	v5, _, _ =	vpop (xrf2)  }
0x2e4: {  	v9 =	vbroadcast v8, $0xF;
	v5 =	vbroadcast v5, $0xF  }
0x2e5: {  	v8 =	vbroadcast v12, $0xF;
	v2 =	vadd.f32 v3, v2;
	v3 =	vmul.f32 v18, v4;
	(xrf2) =	vadd.scan.msk.f32 $0xffff, v0  }
0x2e6: {  	v7, _, _ =	vpop (xrf2);
	v0 =	vsel vm1, v9, v5;
	v5 =	vbroadcast v13, $0xF  }
0x2e7: {  	v0 =	vsel vm2, v0, v8;
	v8 =	vbroadcast v7, $0xF;
	v2 =	vadd.f32 v3, v2  }
0x2e8: {  	v3 =	vbroadcast v10, $0xF;
	v0 =	vsel vm3, v0, v5  }
0x2e9: {  	v7, _, _ =	vpop (xrf2);
	v5 =	vbroadcast v11, $0xF;
	v0 =	vsel vm4, v0, v8;
	(xrf2) =	vadd.scan.msk.f32 $0xffff, v2  }
0x2ea: {  	v7 =	vbroadcast v7, $0xF;
	v0 =	vsel vm5, v0, v3  }
0x2eb: {  	v3 =	vbroadcast v14, $0xF;
	v0 =	vsel vm6, v0, v5  }
0x2ec: {  	v1 =	vbroadcast v1, $0xF;
	v2, _, _ =	vpop (xrf2);
	v0 =	vsel vm7, v0, v7  }
0x2ed: {  	v2 =	vbroadcast v2, $0xF;
	v0 =	vsel vm8, v0, v3  }
0x2ee: {  	v0 =	vsel vm9, v0, v1;
	v1 =	vbroadcast v29, $0xF  }
0x2ef: {  	v0 =	vsel vm10, v0, v2;
	v2 =	vbroadcast v38, $0xF;
	v3, _, _ =	vpop (xrf2)  }
0x2f0: {  	v0 =	vsel vm11, v0, v1;
	v3 =	vbroadcast v3, $0xF  }
0x2f1: {  	v0 =	vsel vm12, v0, v2;
	v2 =	vbroadcast v60, $0xF  }
0x2f2: {  	v0 =	vsel vm13, v0, v3  }
0x2f3: {  	v0 =	vsel vm14, v0, v2;
	v1, _, _ =	vpop (xrf2)  }
0x2f4: {  	v0 =	vsel vm15, v0, v1;
	v1 =	vld [tilespmem:$0x1FFB0];
	_ =	sdelay $0x6  }
0x2f5: {  	s19 =	sshll.u32 s17, $0x4;
	s15 =	sshll.u32 s18, $0xE  }
0x2f6: {  	s15 =	sshra.s32 s15, $0x2;
	[tilespmem:v1+s19+$0x0 ss:$0x1] =	vst.idx.msk $0xffff, v0  }
0x2f7: {  	v12 =	vld.idx.msk [tilespmem:v6+s15+$0x660 ss:$0x1], $0xffff;
	_ =	sdelay $0x4  }
0x2f8: {  	[tilespmem:$0x1F9E0] =	vst v12;
	v12 =	vld.idx.msk [tilespmem:v6+s15+$0x740 ss:$0x1], $0xffff;
	_ =	sdelay $0x4  }
0x2f9: {  	[tilespmem:$0x1F400] =	vst v12;
	v12 =	vld.idx.msk [tilespmem:v6+s15+$0x7B0 ss:$0x1], $0xffff;
	_ =	sdelay $0x4  }
0x2fa: {  	[tilespmem:$0x1F410] =	vst v12;
	v12 =	vld.idx.msk [tilespmem:v6+s15+$0xC20 ss:$0x1], $0xffff;
	_ =	sdelay $0x4  }
0x2fb: {  	[tilespmem:$0x1F420] =	vst v12;
	v12 =	vld.idx.msk [tilespmem:v6+s15+$0xC90 ss:$0x1], $0xffff;
	_ =	sdelay $0x4  }
0x2fc: {  	[tilespmem:$0x1F430] =	vst v12;
	v12 =	vld.idx.msk [tilespmem:v6+s15+$0xD00 ss:$0x1], $0xffff;
	_ =	sdelay $0x4  }
0x2fd: {  	[tilespmem:$0x1F440] =	vst v12;
	v12 =	vld.idx.msk [tilespmem:v6+s15+$0x9F0 ss:$0x1], $0xffff;
	_ =	sdelay $0x4  }
0x2fe: {  	[tilespmem:$0x1F450] =	vst v12;
	v12 =	vld.idx.msk [tilespmem:v6+s15+$0xA60 ss:$0x1], $0xffff;
	_ =	sdelay $0x4  }
0x2ff: {  	[tilespmem:$0x1F460] =	vst v12;
	v12 =	vld.idx.msk [tilespmem:v6+s15+$0xAD0 ss:$0x1], $0xffff;
	_ =	sdelay $0x4  }
0x300: {  	[tilespmem:$0x1F470] =	vst v12;
	v12 =	vld.idx.msk [tilespmem:v6+s15+$0xB40 ss:$0x1], $0xffff;
	_ =	sdelay $0x4  }
0x301: {  	[tilespmem:$0x1F480] =	vst v12;
	v12 =	vld.idx.msk [tilespmem:v6+s15+$0x570 ss:$0x1], $0xffff;
	_ =	sdelay $0x4  }
0x302: {  	[tilespmem:$0x1F490] =	vst v12;
	v12 =	vld.idx.msk [tilespmem:v6+s15+$0x5E0 ss:$0x1], $0xffff;
	_ =	sdelay $0x4  }
0x303: {  	[tilespmem:$0x1F4A0] =	vst v12;
	v12 =	vld.idx.msk [tilespmem:v6+s15+$0x6C0 ss:$0x1], $0xffff;
	_ =	sdelay $0x4  }
0x304: {  	[tilespmem:$0x1F4B0] =	vst v12;
	v12 =	vld.idx.msk [tilespmem:v6+s15+$0x730 ss:$0x1], $0xffff;
	_ =	sdelay $0x4  }
0x305: {  	[tilespmem:$0x1F4C0] =	vst v12;
	v12 =	vld.idx.msk [tilespmem:v6+s15+$0x7A0 ss:$0x1], $0xffff;
	_ =	sdelay $0x4  }
0x306: {  	[tilespmem:$0x1F4D0] =	vst v12;
	v12 =	vld.idx.msk [tilespmem:v6+s15+$0xC10 ss:$0x1], $0xffff;
	_ =	sdelay $0x4  }
0x307: {  	[tilespmem:$0x1F4E0] =	vst v12;
	v12 =	vld.idx.msk [tilespmem:v6+s15+$0xC80 ss:$0x1], $0xffff;
	_ =	sdelay $0x4  }
0x308: {  	[tilespmem:$0x1F4F0] =	vst v12;
	v12 =	vld.idx.msk [tilespmem:v6+s15+$0x970 ss:$0x1], $0xffff;
	_ =	sdelay $0x4  }
0x309: {  	[tilespmem:$0x1F500] =	vst v12;
	v12 =	vld.idx.msk [tilespmem:v6+s15+$0x9E0 ss:$0x1], $0xffff;
	_ =	sdelay $0x2  }
0x30a: {  	vm0 =	vgt.f32 v0, v44;
	v62 =	vld.idx.msk [tilespmem:v6+s15+$0xF70 ss:$0x1], $0xffff  }
0x30b: {  	v44 =	vsel vm0, v0, v44;
	v0 =	vld.idx.msk [tilespmem:v6+s15+$0xFC0 ss:$0x1], $0xffff  }
0x30c: {  	[tilespmem:$0x1F510] =	vst v12;
	v12 =	vld.idx.msk [tilespmem:v6+s15+$0xA50 ss:$0x1], $0xffff;
	_ =	sdelay $0x1  }
0x30d: {  	v59 =	vld.idx.msk [tilespmem:v6+s15+$0xE70 ss:$0x1], $0xffff;
	_ =	sdelay $0x1  }
0x30e: {  	[tilespmem:$0x1F9A0] =	vst v0  }
0x30f: {  	v0 =	vld.idx.msk [tilespmem:v6+s15+$0xEE0 ss:$0x1], $0xffff;
	[tilespmem:$0x1F520] =	vst v12;
	v12 =	vmul.f32 v62, v4;
	_ =	sdelay $0x1  }
0x310: {  	[tilespmem:$0x1F610] =	vst v12;
	v12 =	vmul.f32 v59, v4  }
0x311: {  	v34 =	vld.idx.msk [tilespmem:v6+s15+$0xF60 ss:$0x1], $0xffff  }
0x312: {  	[tilespmem:$0x1F720] =	vst v12;
	v12 =	vld.idx.msk [tilespmem:v6+s15+$0xAC0 ss:$0x1], $0xffff  }
0x313: {  	[tilespmem:$0x1F9B0] =	vst v0;
	v0 =	vld.idx.msk [tilespmem:v6+s15+$0xF50 ss:$0x1], $0xffff;
	_ =	sdelay $0x3  }
0x314: {  	[tilespmem:$0x1F540] =	vst v12;
	v12 =	vmul.f32 v34, v19  }
0x315: {  	[tilespmem:$0x1F2A0] =	vst v0  }
0x316: {  	[tilespmem:$0x1F600] =	vst v12;
	v12 =	vld [tilespmem:$0x1F2A0]  }
0x317: {  	v0 =	vld.idx.msk [tilespmem:v6+s15+$0xFB0 ss:$0x1], $0xffff;
	_ =	sdelay $0x3  }
0x318: {  	v12 =	vmul.f32 v12, v21  }
0x319: {  	[tilespmem:$0x1F2B0] =	vst v0  }
0x31a: {  	[tilespmem:$0x1F5F0] =	vst v12;
	v12 =	vld [tilespmem:$0x1F2B0]  }
0x31b: {  	v0 =	vld.idx.msk [tilespmem:v6+s15+$0xDF0 ss:$0x1], $0xffff;
	_ =	sdelay $0x3  }
0x31c: {  	v12 =	vmul.f32 v12, v23  }
0x31d: {  	v2 =	vld.idx.msk [tilespmem:v6+s15+$0xD30 ss:$0x1], $0xffff;
	[tilespmem:$0x1F2C0] =	vst v0  }
0x31e: {  	[tilespmem:$0x1F760] =	vst v12;
	v12 =	vld [tilespmem:$0x1F2C0]  }
0x31f: {  	v0 =	vld.idx.msk [tilespmem:v6+s15+$0xF40 ss:$0x1], $0xffff;
	_ =	sdelay $0x1  }
0x320: {  	v61 =	vld.idx.msk [tilespmem:v6+s15+$0xDA0 ss:$0x1], $0xffff;
	_ =	sdelay $0x1  }
0x321: {  	v10 =	vld.idx.msk [tilespmem:v6+s15+$0xE10 ss:$0x1], $0xffff;
	v12 =	vmul.f32 v12, v4  }
0x322: {  	v33 =	vld.idx.msk [tilespmem:v6+s15+$0xE80 ss:$0x1], $0xffff;
	v2 =	vmul.f32 v2, v23;
	[tilespmem:$0x1F2D0] =	vst v0  }
0x323: {  	[tilespmem:$0x1F790] =	vst v12;
	v12 =	vld [tilespmem:$0x1F2D0]  }
0x324: {  	[tilespmem:$0x1FC90] =	vst v2;
	v2 =	vmul.f32 v61, v24;
	v0 =	vld.idx.msk [tilespmem:v6+s15+$0xFA0 ss:$0x1], $0xffff;
	_ =	sdelay $0x1  }
0x325: {  	[tilespmem:$0x1F710] =	vst v2;
	v2 =	vmul.f32 v10, v26;
	_ =	sdelay $0x1  }
0x326: {  	[tilespmem:$0x1F650] =	vst v2;
	v12 =	vmul.f32 v12, v22  }
0x327: {  	v2 =	vmul.f32 v33, v31;
	[tilespmem:$0x1F2E0] =	vst v0;
	v0 =	vld.idx.msk [tilespmem:v6+s15+$0xDE0 ss:$0x1], $0xffff  }
0x328: {  	[tilespmem:$0x1F5E0] =	vst v12;
	v12 =	vld [tilespmem:$0x1F2E0]  }
0x329: {  	[tilespmem:$0x1F680] =	vst v2;
	v2 =	vld.idx.msk [tilespmem:v6+s15+$0x630 ss:$0x1], $0xffff  }
0x32a: {  	v58 =	vld.idx.msk [tilespmem:v6+s15+$0x760 ss:$0x1], $0xffff;
	_ =	sdelay $0x1  }
0x32b: {  	v17 =	vld.idx.msk [tilespmem:v6+s15+$0xC40 ss:$0x1], $0xffff  }
0x32c: {  	[tilespmem:$0x1F2F0] =	vst v0;
	v0 =	vld.idx.msk [tilespmem:v6+s15+$0xE50 ss:$0x1], $0xffff;
	v12 =	vmul.f32 v12, v24  }
0x32d: {  	v32 =	vld.idx.msk [tilespmem:v6+s15+$0xCB0 ss:$0x1], $0xffff;
	[tilespmem:$0x1FA10] =	vst v2  }
0x32e: {  	v2 =	vmul.f32 v58, v19;
	[tilespmem:$0x1F8D0] =	vst v12;
	v12 =	vld.idx.msk [tilespmem:v6+s15+$0x470 ss:$0x1], $0xffff;
	_ =	sdelay $0x1  }
0x32f: {  	v18 =	vld.idx.msk [tilespmem:v6+s15+$0xD20 ss:$0x1], $0xffff;
	[tilespmem:$0x1F980] =	vst v2;
	v2 =	vmul.f32 v17, v22  }
0x330: {  	[tilespmem:$0x1F300] =	vst v0;
	v0 =	vld.idx.msk [tilespmem:v6+s15+$0xEC0 ss:$0x1], $0xffff  }
0x331: {  	v28 =	vld.idx.msk [tilespmem:v6+s15+$0xD90 ss:$0x1], $0xffff;
	[tilespmem:$0x1F880] =	vst v2  }
0x332: {  	v2 =	vmul.f32 v32, v23;
	[tilespmem:$0x1F530] =	vst v12;
	v12 =	vld [tilespmem:$0x1F2F0];
	_ =	sdelay $0x1  }
0x333: {  	v3 =	vld.idx.msk [tilespmem:v6+s15+$0xE00 ss:$0x1], $0xffff;
	[tilespmem:$0x1F7D0] =	vst v2;
	v2 =	vmul.f32 v18, v24  }
0x334: {  	[tilespmem:$0x1F310] =	vst v0;
	v0 =	vld.idx.msk [tilespmem:v6+s15+$0xF30 ss:$0x1], $0xffff  }
0x335: {  	v30 =	vld.idx.msk [tilespmem:v6+s15+$0xAF0 ss:$0x1], $0xffff;
	[tilespmem:$0x1FCE0] =	vst v2;
	v2 =	vmul.f32 v28, v26  }
0x336: {  	v5 =	vld.idx.msk [tilespmem:v6+s15+$0xBC0 ss:$0x1], $0xffff;
	v12 =	vmul.f32 v12, v19  }
0x337: {  	v37 =	vld.idx.msk [tilespmem:v6+s15+$0x6E0 ss:$0x1], $0xffff;
	[tilespmem:$0x1F6F0] =	vst v2  }
0x338: {  	v1 =	vlaneseq.u32;
	[tilespmem:$0x1F770] =	vst v12;
	v12 =	vld [tilespmem:$0x1F300]  }
0x339: {  	v1 =	vor.u32 s19, v1;
	v2 =	vmul.f32 v3, v31;
	[tilespmem:$0x1F320] =	vst v0;
	v0 =	vld.idx.msk [tilespmem:v6+s15+$0xF90 ss:$0x1], $0xffff  }
0x33a: {  	v43 =	vsel vm0, v1, v43;
	v1 =	vld.idx.msk [tilespmem:v6+s15+$0xE60 ss:$0x1], $0xffff  }
0x33b: {  	[tilespmem:$0x1F630] =	vst v2;
	v2 =	vmul.f32 v30, v40  }
0x33c: {  	v15 =	vld.idx.msk [tilespmem:v6+s15+$0x750 ss:$0x1], $0xffff;
	[tilespmem:$0x1F3F0] =	vst v5  }
0x33d: {  	v13 =	vld.idx.msk [tilespmem:v6+s15+$0xBB0 ss:$0x1], $0xffff;
	[tilespmem:$0x1F660] =	vst v2;
	v12 =	vmul.f32 v12, v21  }
0x33e: {  	v2 =	vmul.f32 v37, v19;
	[tilespmem:$0x1F330] =	vst v0;
	v0 =	vld.idx.msk [tilespmem:v6+s15+$0xD60 ss:$0x1], $0xffff  }
0x33f: {  	v1 =	vmul.f32 v1, v19;
	[tilespmem:$0x1F6E0] =	vst v12;
	v12 =	vld.idx.msk [tilespmem:v6+s15+$0x560 ss:$0x1], $0xffff  }
0x340: {  	[tilespmem:$0x1FD00] =	vst v2;
	v2 =	vld [tilespmem:$0x1F3F0]  }
0x341: {  	[tilespmem:$0x1F700] =	vst v1;
	v1 =	vld.idx.msk [tilespmem:v6+s15+$0xB80 ss:$0x1], $0xffff;
	_ =	sdelay $0x1  }
0x342: {  	[tilespmem:$0x1F9C0] =	vst v0;
	v0 =	vld.idx.msk [tilespmem:v6+s15+$0xDD0 ss:$0x1], $0xffff  }
0x343: {  	[tilespmem:$0x1F550] =	vst v12;
	v12 =	vld [tilespmem:$0x1F310]  }
0x344: {  	v30 =	vmul.f32 v2, v57;
	v2 =	vmul.f32 v15, v21  }
0x345: {  	v15 =	vmul.f32 v13, v50;
	v13 =	vmul.f32 v1, v54;
	v1 =	vld [tilespmem:$0x1F400];
	_ =	sdelay $0x2  }
0x346: {  	[tilespmem:$0x1F340] =	vst v0;
	v0 =	vld.idx.msk [tilespmem:v6+s15+$0xF80 ss:$0x1], $0xffff;
	v12 =	vmul.f32 v12, v22;
	_ =	sdelay $0x1  }
0x347: {  	v1 =	vmul.f32 v1, v22;
	[tilespmem:$0x1F8B0] =	vst v12;
	v12 =	vld [tilespmem:$0x1F320];
	_ =	sdelay $0x1  }
0x348: {  	[tilespmem:$0x1F910] =	vst v1;
	v1 =	vld [tilespmem:$0x1F410]  }
0x349: {  	[tilespmem:$0x1F350] =	vst v0;
	v0 =	vld.idx.msk [tilespmem:v6+s15+$0xCE0 ss:$0x1], $0xffff;
	_ =	sdelay $0x1  }
0x34a: {  	v12 =	vmul.f32 v12, v23  }
0x34b: {  	v63 =	vld.idx.msk [tilespmem:v6+s15+$0xCF0 ss:$0x1], $0xffff  }
0x34c: {  	v1 =	vmul.f32 v1, v23;
	[tilespmem:$0x1F5D0] =	vst v12;
	v12 =	vld.idx.msk [tilespmem:v6+s15+$0x5D0 ss:$0x1], $0xffff  }
0x34d: {  	[tilespmem:$0x1F360] =	vst v0;
	v0 =	vld.idx.msk [tilespmem:v6+s15+$0xE30 ss:$0x1], $0xffff  }
0x34e: {  	[tilespmem:$0x1FD90] =	vst v1;
	v1 =	vld [tilespmem:$0x1F420];
	_ =	sdelay $0x2  }
0x34f: {  	v29 =	vld.idx.msk [tilespmem:v6+s15+$0xE40 ss:$0x1], $0xffff;
	[tilespmem:$0x1F560] =	vst v12;
	v12 =	vmul.f32 v63, v4  }
0x350: {  	[tilespmem:$0x1F370] =	vst v0;
	v0 =	vld.idx.msk [tilespmem:v6+s15+$0xF10 ss:$0x1], $0xffff  }
0x351: {  	v1 =	vmul.f32 v1, v24;
	[tilespmem:$0x1F860] =	vst v12;
	v12 =	vld [tilespmem:$0x1F330]  }
0x352: {  	v60 =	vld.idx.msk [tilespmem:v6+s15+$0xEB0 ss:$0x1], $0xffff  }
0x353: {  	[tilespmem:$0x1F850] =	vst v1;
	v1 =	vld [tilespmem:$0x1F430]  }
0x354: {  	v7 =	vld.idx.msk [tilespmem:v6+s15+$0xC50 ss:$0x1], $0xffff  }
0x355: {  	v27 =	vld.idx.msk [tilespmem:v6+s15+$0xB70 ss:$0x1], $0xffff  }
0x356: {  	[tilespmem:$0x1F380] =	vst v0;
	v0 =	vld.idx.msk [tilespmem:v6+s15+$0xC60 ss:$0x1], $0xffff;
	v12 =	vmul.f32 v12, v26  }
0x357: {  	v5 =	vld.idx.msk [tilespmem:v6+s15+$0x7C0 ss:$0x1], $0xffff  }
0x358: {  	v1 =	vmul.f32 v1, v26;
	[tilespmem:$0x1F5A0] =	vst v12;
	v12 =	vld.idx.msk [tilespmem:v6+s15+$0x640 ss:$0x1], $0xffff  }
0x359: {  	v56 =	vld.idx.msk [tilespmem:v6+s15+$0xC30 ss:$0x1], $0xffff  }
0x35a: {  	[tilespmem:$0x1F7A0] =	vst v1;
	v1 =	vld [tilespmem:$0x1F440]  }
0x35b: {  	[tilespmem:$0x1F390] =	vst v0;
	v0 =	vld.idx.msk [tilespmem:v6+s15+$0xDB0 ss:$0x1], $0xffff  }
0x35c: {  	v8 =	vld.idx.msk [tilespmem:v6+s15+$0xCA0 ss:$0x1], $0xffff;
	[tilespmem:$0x1F940] =	vst v2  }
0x35d: {  	v2 =	vmul.f32 v5, v22;
	[tilespmem:$0x1F9F0] =	vst v12;
	v12 =	vld [tilespmem:$0x1F340]  }
0x35e: {  	v55 =	vld.idx.msk [tilespmem:v6+s15+$0xD10 ss:$0x1], $0xffff;
	[tilespmem:$0x1F930] =	vst v43  }
0x35f: {  	v20 =	vld.idx.msk [tilespmem:v6+s15+$0xD80 ss:$0x1], $0xffff;
	[tilespmem:$0x1FD30] =	vst v2;
	v2 =	vmul.f32 v56, v23  }
0x360: {  	v1 =	vmul.f32 v1, v31;
	[tilespmem:$0x1F3A0] =	vst v0;
	v0 =	vld.idx.msk [tilespmem:v6+s15+$0xE20 ss:$0x1], $0xffff  }
0x361: {  	v14 =	vld.idx.msk [tilespmem:v6+s15+$0x5F0 ss:$0x1], $0xffff;
	[tilespmem:$0x1F870] =	vst v2;
	v2 =	vmul.f32 v8, v24  }
0x362: {  	[tilespmem:$0x1F7E0] =	vst v1;
	v1 =	vld [tilespmem:$0x1F450];
	v12 =	vmul.f32 v12, v21  }
0x363: {  	v5 =	vld.idx.msk [tilespmem:v6+s15+$0xB00 ss:$0x1], $0xffff;
	[tilespmem:$0x1F7B0] =	vst v2  }
0x364: {  	v8 =	vld.idx.msk [tilespmem:v6+s15+$0xB10 ss:$0x1], $0xffff;
	[tilespmem:$0x1F750] =	vst v12;
	v12 =	vmul.f32 v29, v22  }
0x365: {  	v7 =	vmul.f32 v7, v21;
	[tilespmem:$0x1F3B0] =	vst v0;
	v0 =	vld.idx.msk [tilespmem:v6+s15+$0xE90 ss:$0x1], $0xffff  }
0x366: {  	v2 =	vmul.f32 v55, v26;
	[tilespmem:$0x1F6C0] =	vst v12;
	v12 =	vld.idx.msk [tilespmem:v6+s15+$0x6B0 ss:$0x1], $0xffff  }
0x367: {  	[tilespmem:$0x1F890] =	vst v7;
	v7 =	vld.idx.msk [tilespmem:v6+s15+$0xB20 ss:$0x1], $0xffff;
	v1 =	vmul.f32 v1, v40  }
0x368: {  	v43 =	vld.idx.msk [tilespmem:v6+s15+$0xF20 ss:$0x1], $0xffff;
	[tilespmem:$0x1F800] =	vst v2  }
0x369: {  	v5 =	vmul.f32 v5, v54;
	[tilespmem:$0x1F6B0] =	vst v1;
	v1 =	vld [tilespmem:$0x1F460]  }
0x36a: {  	v2 =	vmul.f32 v20, v31;
	v20 =	vmul.f32 v8, v53;
	v59 =	vld.idx.msk [tilespmem:v6+s15+$0xB90 ss:$0x1], $0xffff;
	[tilespmem:$0x1F3C0] =	vst v0  }
0x36b: {  	v0 =	vld.idx.msk [tilespmem:v6+s15+$0xF00 ss:$0x1], $0xffff;
	[tilespmem:$0x1F570] =	vst v12;
	v12 =	vmul.f32 v60, v23  }
0x36c: {  	[tilespmem:$0x1F950] =	vst v44;
	v25 =	vld.idx.msk [tilespmem:v6+s15+$0xBA0 ss:$0x1], $0xffff;
	v7 =	vmul.f32 v7, v52;
	v5 =	vadd.f32 v20, v5  }
0x36d: {  	v44 =	vld.idx.msk [tilespmem:v6+s15+$0xC70 ss:$0x1], $0xffff;
	[tilespmem:$0x1FBB0] =	vst v12;
	v12 =	vmul.f32 v43, v24  }
0x36e: {  	v10 =	vmul.f32 v27, v40;
	v27 =	vadd.f32 v7, v5;
	v5 =	vmul.f32 v1, v48;
	v1 =	vld [tilespmem:$0x1F470]  }
0x36f: {  	v3 =	vmul.f32 v14, v4;
	v14 =	vmul.f32 v59, v53;
	[tilespmem:$0x1F5C0] =	vst v12;
	v12 =	vld.idx.msk [tilespmem:v6+s15+$0x720 ss:$0x1], $0xffff  }
0x370: {  	[tilespmem:$0x1F3D0] =	vst v0;
	v0 =	vld.idx.msk [tilespmem:v6+s15+$0xBE0 ss:$0x1], $0xffff  }
0x371: {  	v25 =	vmul.f32 v25, v52;
	v14 =	vadd.f32 v14, v13;
	_ =	sdelay $0x1  }
0x372: {  	v25 =	vadd.f32 v25, v14  }
0x373: {  	v7 =	vmul.f32 v1, v49;
	v1 =	vld [tilespmem:$0x1F480];
	[tilespmem:$0x1F580] =	vst v12;
	v12 =	vmul.f32 v44, v4  }
0x374: {  	v15 =	vadd.f32 v15, v25;
	[tilespmem:$0x1F3E0] =	vst v0;
	v0 =	vld.idx.msk [tilespmem:v6+s15+$0x7E0 ss:$0x1], $0xffff  }
0x375: {  	[tilespmem:$0x1F8C0] =	vst v12;
	v12 =	vld [tilespmem:$0x1F350]  }
0x376: {  	v30 =	vadd.f32 v30, v15;
	v15 =	vld [tilespmem:$0x1F520];
	_ =	sdelay $0x1  }
0x377: {  	v39 =	vld.idx.msk [tilespmem:v6+s15+$0x770 ss:$0x1], $0xffff  }
0x378: {  	v55 =	vmul.f32 v1, v57;
	v1 =	vld [tilespmem:$0x1F490]  }
0x379: {  	[tilespmem:$0x1F9D0] =	vst v0;
	v0 =	vld.idx.msk [tilespmem:v6+s15+$0x6F0 ss:$0x1], $0xffff;
	v12 =	vmul.f32 v12, v31  }
0x37a: {  	v56 =	vmul.f32 v15, v49;
	v15 =	vld [tilespmem:$0x1F530]  }
0x37b: {  	[tilespmem:$0x1F590] =	vst v12;
	v12 =	vld [tilespmem:$0x1F360];
	_ =	sdelay $0x1  }
0x37c: {  	v38 =	vld.idx.msk [tilespmem:v6+s15+$0xDC0 ss:$0x1], $0xffff  }
0x37d: {  	v39 =	vmul.f32 v39, v4;
	v1 =	vmul.f32 v1, v4;
	v34 =	vld.idx.msk [tilespmem:v6+s15+$0xB30 ss:$0x1], $0xffff  }
0x37e: {  	v0 =	vmul.f32 v0, v4;
	v4 =	vmul.f32 v15, v4  }
0x37f: {  	v12 =	vmul.f32 v12, v19  }
0x380: {  	[tilespmem:$0x1FE30] =	vst v4  }
0x381: {  	v4 =	vld [tilespmem:$0x1F540];
	[tilespmem:$0x1F840] =	vst v12;
	v12 =	vmul.f32 v38, v22  }
0x382: {  	v34 =	vmul.f32 v34, v50  }
0x383: {  	[tilespmem:$0x1F740] =	vst v12;
	v12 =	vld [tilespmem:$0x1F370]  }
0x384: {  	v34 =	vadd.f32 v34, v27  }
0x385: {  	v42 =	vld.idx.msk [tilespmem:v6+s15+$0xEA0 ss:$0x1], $0xffff  }
0x386: {  	v34 =	vadd.f32 v55, v34;
	v55 =	vmul.f32 v4, v57;
	v4 =	vld [tilespmem:$0x1F550];
	_ =	sdelay $0x1  }
0x387: {  	v12 =	vmul.f32 v12, v23;
	_ =	sdelay $0x1  }
0x388: {  	[tilespmem:$0x1F690] =	vst v12;
	v12 =	vmul.f32 v42, v24  }
0x389: {  	v4 =	vmul.f32 v4, v19  }
0x38a: {  	[tilespmem:$0x1FBF0] =	vst v12;
	v12 =	vld [tilespmem:$0x1F380]  }
0x38b: {  	[tilespmem:$0x1FE50] =	vst v4;
	v4 =	vld [tilespmem:$0x1F560];
	_ =	sdelay $0x3  }
0x38c: {  	v12 =	vmul.f32 v12, v26  }
0x38d: {  	v4 =	vmul.f32 v4, v21  }
0x38e: {  	[tilespmem:$0x1F5B0] =	vst v12;
	v12 =	vld [tilespmem:$0x1F390]  }
0x38f: {  	[tilespmem:$0x1FE70] =	vst v4;
	v4 =	vld.idx.msk [tilespmem:v6+s15+$0x440 ss:$0x1], $0xffff  }
0x390: {  	v35 =	vld.idx.msk [tilespmem:v6+s15+$0xCD0 ss:$0x1], $0xffff;
	_ =	sdelay $0x1  }
0x391: {  	v46 =	vld.idx.msk [tilespmem:v6+s15+$0xD40 ss:$0x1], $0xffff  }
0x392: {  	[tilespmem:$0x1FDB0] =	vst v1;
	v12 =	vmul.f32 v12, v19  }
0x393: {  	[tilespmem:$0x1FAA0] =	vst v4;
	v4 =	vld [tilespmem:$0x1F570]  }
0x394: {  	v1 =	vld [tilespmem:$0x1F4A0];
	[tilespmem:$0x1F8A0] =	vst v12;
	v12 =	vmul.f32 v35, v21;
	_ =	sdelay $0x1  }
0x395: {  	[tilespmem:$0x1F820] =	vst v12;
	v12 =	vmul.f32 v46, v22  }
0x396: {  	v51 =	vld.idx.msk [tilespmem:v6+s15+$0xBF0 ss:$0x1], $0xffff  }
0x397: {  	v4 =	vmul.f32 v4, v23;
	[tilespmem:$0x1FC20] =	vst v12;
	v12 =	vld [tilespmem:$0x1F3A0]  }
0x398: {  	v16 =	vld.idx.msk [tilespmem:v6+s15+$0xBD0 ss:$0x1], $0xffff;
	v1 =	vmul.f32 v1, v19  }
0x399: {  	[tilespmem:$0x1F920] =	vst v4;
	v4 =	vld [tilespmem:$0x1F580]  }
0x39a: {  	[tilespmem:$0x1FDD0] =	vst v1;
	v1 =	vld [tilespmem:$0x1F4B0]  }
0x39b: {  	v60 =	vld.idx.msk [tilespmem:v6+s15+$0x790 ss:$0x1], $0xffff  }
0x39c: {  	v29 =	vld.idx.msk [tilespmem:v6+s15+$0xC00 ss:$0x1], $0xffff;
	v12 =	vmul.f32 v12, v23  }
0x39d: {  	v38 =	vmul.f32 v51, v40;
	v51 =	vld [tilespmem:$0x1F3E0]  }
0x39e: {  	v4 =	vmul.f32 v4, v24;
	[tilespmem:$0x1F730] =	vst v12;
	v12 =	vld [tilespmem:$0x1F3B0];
	_ =	sdelay $0x1  }
0x39f: {  	[tilespmem:$0x1F8E0] =	vst v4;
	v4 =	vmul.f32 v60, v26  }
0x3a0: {  	v45 =	vld.idx.msk [tilespmem:v6+s15+$0xA70 ss:$0x1], $0xffff;
	v1 =	vmul.f32 v1, v22;
	[tilespmem:$0x1FCB0] =	vst v0;
	v0 =	vmul.f32 v16, v49  }
0x3a1: {  	v9 =	vld.idx.msk [tilespmem:v6+s15+$0xAE0 ss:$0x1], $0xffff;
	[tilespmem:$0x1F970] =	vst v4;
	v4 =	vmul.f32 v29, v31  }
0x3a2: {  	[tilespmem:$0x1F960] =	vst v1;
	v1 =	vld [tilespmem:$0x1F4C0];
	v30 =	vadd.f32 v0, v30;
	v51 =	vmul.f32 v51, v48;
	v12 =	vmul.f32 v12, v24  }
0x3a3: {  	[tilespmem:$0x1F810] =	vst v4;
	v4 =	vld [tilespmem:$0x1F590]  }
0x3a4: {  	v30 =	vadd.f32 v51, v30;
	[tilespmem:$0x1F670] =	vst v12;
	v12 =	vld [tilespmem:$0x1F3C0]  }
0x3a5: {  	v36 =	vld.idx.msk [tilespmem:v6+s15+$0xB50 ss:$0x1], $0xffff;
	[tilespmem:$0x1F6D0] =	vst v2;
	v2 =	vmul.f32 v45, v40  }
0x3a6: {  	v0 =	vld [tilespmem:$0x1F4F0];
	v30 =	vadd.f32 v38, v30  }
0x3a7: {  	v11 =	vld.idx.msk [tilespmem:v6+s15+$0xB60 ss:$0x1], $0xffff;
	[tilespmem:$0x1F620] =	vst v2;
	v2 =	vmul.f32 v9, v48  }
0x3a8: {  	v1 =	vmul.f32 v1, v23;
	v30 =	vadd.f32 v4, v30;
	v4 =	vld [tilespmem:$0x1F5A0]  }
0x3a9: {  	[tilespmem:$0x1F640] =	vst v2;
	v12 =	vmul.f32 v12, v26  }
0x3aa: {  	v2 =	vmul.f32 v36, v49;
	[tilespmem:$0x1F8F0] =	vst v1;
	v1 =	vld [tilespmem:$0x1F4D0]  }
0x3ab: {  	v0 =	vmul.f32 v0, v31;
	[tilespmem:$0x1F6A0] =	vst v12;
	v12 =	vld [tilespmem:$0x1F3D0]  }
0x3ac: {  	v28 =	vmul.f32 v11, v48;
	v2 =	vadd.f32 v2, v34  }
0x3ad: {  	[tilespmem:$0x1F780] =	vst v0;
	v0 =	vld [tilespmem:$0x1F500];
	v4 =	vadd.f32 v4, v30  }
0x3ae: {  	[tilespmem:$0x1FC50] =	vst v39;
	v39 =	vld.idx.msk [tilespmem:v6+s15+$0x460 ss:$0x1], $0xffff;
	v2 =	vadd.f32 v28, v2  }
0x3af: {  	[tilespmem:$0x1FA00] =	vst v4;
	v4 =	vld [tilespmem:$0x1F5B0]  }
0x3b0: {  	v2 =	vadd.f32 v10, v2;
	v1 =	vmul.f32 v1, v24;
	v12 =	vmul.f32 v12, v31;
	_ =	sdelay $0x1  }
0x3b1: {  	[tilespmem:$0x1FE10] =	vst v1;
	v1 =	vld [tilespmem:$0x1F4E0];
	v0 =	vmul.f32 v0, v40;
	v2 =	vadd.f32 v12, v2  }
0x3b2: {  	v47 =	vld.idx.msk [tilespmem:v6+s15+$0x6D0 ss:$0x1], $0xffff  }
0x3b3: {  	[tilespmem:$0x1F7C0] =	vst v0;
	v0 =	vld [tilespmem:$0x1F510];
	v2 =	vadd.f32 v4, v2;
	v4 =	vmul.f32 v39, v19  }
0x3b4: {  	v35 =	vld.idx.msk [tilespmem:v6+s15+$0x5C0 ss:$0x1], $0xffff  }
0x3b5: {  	[tilespmem:$0x1FEC0] =	vst v4;
	v4 =	vld [tilespmem:$0x1F5C0]  }
0x3b6: {  	v41 =	vld.idx.msk [tilespmem:v6+s15+$0xCC0 ss:$0x1], $0xffff;
	v1 =	vmul.f32 v1, v26  }
0x3b7: {  	v61 =	vld.idx.msk [tilespmem:v6+s15+$0x6A0 ss:$0x1], $0xffff;
	[tilespmem:$0x1FD50] =	vst v3  }
0x3b8: {  	v3 =	vmul.f32 v47, v21;
	[tilespmem:$0x1F830] =	vst v1;
	v1 =	vld.idx.msk [tilespmem:v6+s15+$0xA00 ss:$0x1], $0xffff  }
0x3b9: {  	v34 =	vmul.f32 v0, v48;
	v0 =	vld.idx.msk [tilespmem:v6+s15+$0xA10 ss:$0x1], $0xffff  }
0x3ba: {  	[tilespmem:$0x1F990] =	vst v3;
	v3 =	vld.idx.msk [tilespmem:v6+s15+$0xA20 ss:$0x1], $0xffff;
	v2 =	vadd.f32 v4, v2;
	v4 =	vmul.f32 v35, v22  }
0x3bb: {  	v45 =	vld.idx.msk [tilespmem:v6+s15+$0xA90 ss:$0x1], $0xffff  }
0x3bc: {  	[tilespmem:$0x1FED0] =	vst v4;
	v4 =	vld [tilespmem:$0x1F5D0]  }
0x3bd: {  	v9 =	vld.idx.msk [tilespmem:v6+s15+$0xA30 ss:$0x1], $0xffff;
	v1 =	vmul.f32 v1, v54  }
0x3be: {  	v0 =	vmul.f32 v0, v53;
	v46 =	vmul.f32 v41, v22;
	v41 =	vld.idx.msk [tilespmem:v6+s15+$0x550 ss:$0x1], $0xffff  }
0x3bf: {  	v51 =	vld.idx.msk [tilespmem:v6+s15+$0xA80 ss:$0x1], $0xffff  }
0x3c0: {  	v0 =	vadd.f32 v0, v1  }
0x3c1: {  	v11 =	vld.idx.msk [tilespmem:v6+s15+$0xAA0 ss:$0x1], $0xffff;
	v1 =	vmul.f32 v3, v52;
	v2 =	vadd.f32 v4, v2;
	v4 =	vmul.f32 v61, v24  }
0x3c2: {  	v62 =	vld.idx.msk [tilespmem:v6+s15+$0xAB0 ss:$0x1], $0xffff  }
0x3c3: {  	v0 =	vadd.f32 v1, v0;
	v1 =	vmul.f32 v9, v50;
	v15 =	vmul.f32 v41, v21;
	[tilespmem:$0x1F900] =	vst v4;
	v4 =	vld [tilespmem:$0x1F5E0]  }
0x3c4: {  	v41 =	vmul.f32 v51, v54;
	v51 =	vmul.f32 v45, v53  }
0x3c5: {  	v18 =	vld.idx.msk [tilespmem:v6+s15+$0x870 ss:$0x1], $0xffff  }
0x3c6: {  	v11 =	vmul.f32 v11, v52;
	v0 =	vadd.f32 v1, v0;
	v1 =	vadd.f32 v51, v41;
	v39 =	vld.idx.msk [tilespmem:v6+s15+$0x980 ss:$0x1], $0xffff  }
0x3c7: {  	v35 =	vld.idx.msk [tilespmem:v6+s15+$0x990 ss:$0x1], $0xffff  }
0x3c8: {  	v3 =	vmul.f32 v62, v50;
	v1 =	vadd.f32 v11, v1;
	v2 =	vadd.f32 v4, v2;
	v4 =	vld [tilespmem:$0x1F5F0]  }
0x3c9: {  	v42 =	vld.idx.msk [tilespmem:v6+s15+$0xA40 ss:$0x1], $0xffff  }
0x3ca: {  	v1 =	vadd.f32 v3, v1;
	v3 =	vld [tilespmem:$0x1F600];
	_ =	sdelay $0x1  }
0x3cb: {  	v30 =	vmul.f32 v18, v40;
	v19 =	vld.idx.msk [tilespmem:v6+s15+$0x9A0 ss:$0x1], $0xffff  }
0x3cc: {  	v11 =	vmul.f32 v39, v54;
	v18 =	vmul.f32 v35, v53;
	v2 =	vadd.f32 v4, v2;
	v4 =	vld.idx.msk [tilespmem:v6+s15+$0x430 ss:$0x1], $0xffff  }
0x3cd: {  	v59 =	vld.idx.msk [tilespmem:v6+s15+$0x9B0 ss:$0x1], $0xffff  }
0x3ce: {  	v42 =	vmul.f32 v42, v57;
	v2 =	vadd.f32 v3, v2;
	v3 =	vadd.f32 v18, v11;
	v11 =	vld [tilespmem:$0x1F610]  }
0x3cf: {  	v13 =	vld.idx.msk [tilespmem:v6+s15+$0x700 ss:$0x1], $0xffff  }
0x3d0: {  	v0 =	vadd.f32 v42, v0;
	[tilespmem:$0x1F7F0] =	vst v46;
	v46 =	vld.idx.msk [tilespmem:v6+s15+$0x9C0 ss:$0x1], $0xffff  }
0x3d1: {  	[tilespmem:$0x1FC60] =	vst v4;
	v4 =	vmul.f32 v19, v52  }
0x3d2: {  	v0 =	vadd.f32 v56, v0;
	v1 =	vadd.f32 v55, v1;
	v12 =	vld [tilespmem:$0x1F640]  }
0x3d3: {  	v2 =	vadd.f32 v11, v2;
	v3 =	vadd.f32 v4, v3;
	v4 =	vmul.f32 v59, v50;
	v11 =	vld [tilespmem:$0x1F620]  }
0x3d4: {  	v62 =	vmul.f32 v13, v31;
	v13 =	vld [tilespmem:$0x1F660];
	v0 =	vadd.f32 v5, v0  }
0x3d5: {  	v5 =	vmul.f32 v46, v57;
	v1 =	vadd.f32 v7, v1;
	v4 =	vadd.f32 v4, v3;
	v3 =	vld [tilespmem:$0x1F630]  }
0x3d6: {  	v32 =	vld.idx.msk [tilespmem:v6+s15+$0x450 ss:$0x1], $0xffff  }
0x3d7: {  	v1 =	vadd.f32 v12, v1;
	v4 =	vadd.f32 v5, v4;
	v5 =	vld [tilespmem:$0x1F650]  }
0x3d8: {  	v20 =	vld.idx.msk [tilespmem:v6+s15+$0x860 ss:$0x1], $0xffff;
	v0 =	vadd.f32 v11, v0  }
0x3d9: {  	v13 =	vadd.f32 v13, v1;
	v1 =	vld [tilespmem:$0x1F670]  }
0x3da: {  	v7 =	vadd.f32 v3, v0  }
0x3db: {  	v55 =	vmul.f32 v32, v21;
	v21 =	vld [tilespmem:$0x1F690]  }
0x3dc: {  	v7 =	vadd.f32 v5, v7;
	_ =	sdelay $0x1  }
0x3dd: {  	v46 =	vmul.f32 v20, v48;
	v20 =	vld [tilespmem:$0x1F680];
	v7 =	vadd.f32 v1, v7  }
0x3de: {  	v63 =	vld.idx.msk [tilespmem:v6+s15+$0x9D0 ss:$0x1], $0xffff  }
0x3df: {  	v7 =	vadd.f32 v21, v7;
	v21 =	vld [tilespmem:$0x1F6A0];
	_ =	sdelay $0x1  }
0x3e0: {  	v33 =	vld.idx.msk [tilespmem:v6+s15+$0x780 ss:$0x1], $0xffff  }
0x3e1: {  	v58 =	vld.idx.msk [tilespmem:v6+s15+$0x8E0 ss:$0x1], $0xffff;
	v13 =	vadd.f32 v20, v13  }
0x3e2: {  	v8 =	vld.idx.msk [tilespmem:v6+s15+$0x690 ss:$0x1], $0xffff;
	v29 =	vmul.f32 v63, v49  }
0x3e3: {  	v13 =	vadd.f32 v21, v13;
	v21 =	vld [tilespmem:$0x1F6B0]  }
0x3e4: {  	v14 =	vld.idx.msk [tilespmem:v6+s15+$0x3F0 ss:$0x1], $0xffff;
	v4 =	vadd.f32 v29, v4  }
0x3e5: {  	v43 =	vld.idx.msk [tilespmem:v6+s15+$0x960 ss:$0x1], $0xffff  }
0x3e6: {  	v25 =	vld.idx.msk [tilespmem:v6+s15+$0x8D0 ss:$0x1], $0xffff;
	v4 =	vadd.f32 v34, v4  }
0x3e7: {  	v10 =	vld.idx.msk [tilespmem:v6+s15+$0x530 ss:$0x1], $0xffff  }
0x3e8: {  	v29 =	vadd.f32 v21, v4;
	v4 =	vld [tilespmem:$0x1F6C0]  }
0x3e9: {  	v9 =	vld.idx.msk [tilespmem:v6+s15+$0x3E0 ss:$0x1], $0xffff  }
0x3ea: {  	v47 =	vmul.f32 v43, v48;
	v43 =	vmul.f32 v33, v31;
	v33 =	vld.idx.msk [tilespmem:v6+s15+$0x800 ss:$0x1], $0xffff  }
0x3eb: {  	v63 =	vld.idx.msk [tilespmem:v6+s15+$0x370 ss:$0x1], $0xffff  }
0x3ec: {  	(xrf2) =	vadd.scan.msk.f32 $0xffff, v2;
	v2 =	vld.idx.msk [tilespmem:v6+s15+$0x880 ss:$0x1], $0xffff  }
0x3ed: {  	v7 =	vadd.f32 v4, v7;
	v4 =	vld [tilespmem:$0x1F6D0]  }
0x3ee: {  	v0 =	vmul.f32 v8, v26;
	v8 =	vld.idx.msk [tilespmem:v6+s15+$0x890 ss:$0x1], $0xffff  }
0x3ef: {  	v41 =	vld.idx.msk [tilespmem:v6+s15+$0x8C0 ss:$0x1], $0xffff  }
0x3f0: {  	v12 =	vld.idx.msk [tilespmem:v6+s15+$0x8A0 ss:$0x1], $0xffff  }
0x3f1: {  	v20 =	vld.idx.msk [tilespmem:v6+s15+$0x900 ss:$0x1], $0xffff  }
0x3f2: {  	v2 =	vmul.f32 v2, v54;
	v29 =	vadd.f32 v4, v29;
	v4 =	vld [tilespmem:$0x1F6E0]  }
0x3f3: {  	v1 =	vmul.f32 v10, v23;
	v10 =	vld.idx.msk [tilespmem:v6+s15+$0x8B0 ss:$0x1], $0xffff;
	v8 =	vmul.f32 v8, v53  }
0x3f4: {  	v21 =	vld [tilespmem:$0x1F700]  }
0x3f5: {  	v12 =	vmul.f32 v12, v52;
	v34 =	vld.idx.msk [tilespmem:v6+s15+$0x810 ss:$0x1], $0xffff;
	v2 =	vadd.f32 v8, v2  }
0x3f6: {  	v5 =	vmul.f32 v14, v40;
	v14 =	vmul.f32 v25, v49;
	v25 =	vld.idx.msk [tilespmem:v6+s15+$0x910 ss:$0x1], $0xffff  }
0x3f7: {  	v2 =	vadd.f32 v12, v2;
	v12 =	vld [tilespmem:$0x1F6F0];
	v7 =	vadd.f32 v4, v7  }
0x3f8: {  	[tilespmem:$0x1FA30] =	vst v13;
	v13 =	vld.idx.msk [tilespmem:v6+s15+$0x920 ss:$0x1], $0xffff  }
0x3f9: {  	v4 =	vmul.f32 v9, v48;
	v9 =	vmul.f32 v10, v50;
	v7 =	vadd.f32 v21, v7;
	v21 =	vld [tilespmem:$0x1F710]  }
0x3fa: {  	v10 =	vmul.f32 v41, v57  }
0x3fb: {  	v37 =	vld.idx.msk [tilespmem:v6+s15+$0x5B0 ss:$0x1], $0xffff;
	v2 =	vadd.f32 v9, v2;
	v9 =	vmul.f32 v20, v54;
	v20 =	vmul.f32 v25, v53  }
0x3fc: {  	v58 =	vmul.f32 v58, v48;
	v36 =	vld.idx.msk [tilespmem:v6+s15+$0x540 ss:$0x1], $0xffff;
	v8 =	vmul.f32 v63, v40;
	v12 =	vadd.f32 v12, v29  }
0x3fd: {  	v38 =	vld.idx.msk [tilespmem:v6+s15+$0x5A0 ss:$0x1], $0xffff;
	v2 =	vadd.f32 v10, v2;
	v9 =	vadd.f32 v20, v9;
	v10 =	vmul.f32 v13, v52  }
0x3fe: {  	v13 =	vmul.f32 v33, v54;
	v20 =	vmul.f32 v34, v53;
	v63 =	vadd.f32 v21, v12;
	v21 =	vld [tilespmem:$0x1F730]  }
0x3ff: {  	v60 =	vld.idx.msk [tilespmem:v6+s15+$0x680 ss:$0x1], $0xffff  }
0x400: {  	v2 =	vadd.f32 v14, v2;
	v20 =	vadd.f32 v20, v13;
	v13 =	vld [tilespmem:$0x1F740]  }
0x401: {  	v59 =	vmul.f32 v36, v22;
	v36 =	vld.idx.msk [tilespmem:v6+s15+$0x820 ss:$0x1], $0xffff  }
0x402: {  	v2 =	vadd.f32 v58, v2;
	v58 =	vmov v15;
	v15 =	vld [tilespmem:$0x1F750]  }
0x403: {  	v42 =	vmul.f32 v38, v24;
	v12 =	vld [tilespmem:$0x1F720];
	v38 =	vadd.f32 v21, v63  }
0x404: {  	v51 =	vld.idx.msk [tilespmem:v6+s15+$0x930 ss:$0x1], $0xffff  }
0x405: {  	v25 =	vld.idx.msk [tilespmem:v6+s15+$0x830 ss:$0x1], $0xffff;
	v33 =	vadd.f32 v13, v38  }
0x406: {  	v32 =	vld.idx.msk [tilespmem:v6+s15+$0x840 ss:$0x1], $0xffff  }
0x407: {  	v33 =	vadd.f32 v15, v33;
	v15 =	vld [tilespmem:$0x1F770]  }
0x408: {  	v44 =	vld.idx.msk [tilespmem:v6+s15+$0x8F0 ss:$0x1], $0xffff;
	v41 =	vmul.f32 v36, v52;
	v7 =	vadd.f32 v12, v7  }
0x409: {  	v3 =	vmul.f32 v37, v23  }
0x40a: {  	v23 =	vmul.f32 v60, v31;
	v60, _, _ =	vpop (xrf2);
	v21 =	vmul.f32 v25, v50;
	(xrf2) =	vadd.scan.msk.f32 $0xffff, v7;
	v7 =	vadd.f32 v41, v20  }
0x40b: {  	v17 =	vld.idx.msk [tilespmem:v6+s15+$0x950 ss:$0x1], $0xffff;
	v14 =	vmul.f32 v51, v50  }
0x40c: {  	v7 =	vadd.f32 v21, v7;
	v21 =	vmul.f32 v32, v57;
	v51 =	vadd.f32 v15, v33;
	v15 =	vld [tilespmem:$0x1F780]  }
0x40d: {  	v27 =	vld.idx.msk [tilespmem:v6+s15+$0x940 ss:$0x1], $0xffff;
	v28 =	vmul.f32 v44, v40  }
0x40e: {  	v7 =	vadd.f32 v21, v7;
	v21 =	vld [tilespmem:$0x1F7A0]  }
0x40f: {  	v16 =	vld.idx.msk [tilespmem:v6+s15+$0x710 ss:$0x1], $0xffff;
	v2 =	vadd.f32 v28, v2  }
0x410: {  	v9 =	vadd.f32 v10, v9;
	v28 =	vld [tilespmem:$0x1F7B0]  }
0x411: {  	v2 =	vadd.f32 v15, v2  }
0x412: {  	v27 =	vmul.f32 v27, v57;
	v9 =	vadd.f32 v14, v9  }
0x413: {  	v2 =	vadd.f32 v21, v2  }
0x414: {  	v61 =	vmul.f32 v16, v26;
	v16 =	vmul.f32 v17, v49;
	v9 =	vadd.f32 v27, v9  }
0x415: {  	v2 =	vadd.f32 v28, v2;
	v28 =	vld [tilespmem:$0x1F7C0]  }
0x416: {  	v9 =	vadd.f32 v16, v9;
	_ =	sdelay $0x1  }
0x417: {  	v9 =	vadd.f32 v47, v9;
	_ =	sdelay $0x1  }
0x418: {  	v9 =	vadd.f32 v28, v9;
	v28 =	vld [tilespmem:$0x1F7D0];
	_ =	sdelay $0x2  }
0x419: {  	v44 =	vld.idx.msk [tilespmem:v6+s15+$0x610 ss:$0x1], $0xffff  }
0x41a: {  	v56 =	vld.idx.msk [tilespmem:v6+s15+$0x520 ss:$0x1], $0xffff  }
0x41b: {  	v2 =	vadd.f32 v28, v2;
	v28 =	vld [tilespmem:$0x1F7E0]  }
0x41c: {  	v17 =	vld.idx.msk [tilespmem:v6+s15+$0x590 ss:$0x1], $0xffff  }
0x41d: {  	v18 =	vld.idx.msk [tilespmem:v6+s15+$0x600 ss:$0x1], $0xffff  }
0x41e: {  	v19 =	vld.idx.msk [tilespmem:v6+s15+$0x2F0 ss:$0x1], $0xffff  }
0x41f: {  	v16 =	vld [tilespmem:$0x1F790]  }
0x420: {  	v9 =	vadd.f32 v28, v9;
	v28 =	vld [tilespmem:$0x1F7F0]  }
0x421: {  	v45 =	vld.idx.msk [tilespmem:v6+s15+$0x850 ss:$0x1], $0xffff  }
0x422: {  	v34 =	vmul.f32 v17, v26;
	v17 =	vld.idx.msk [tilespmem:v6+s15+$0x300 ss:$0x1], $0xffff  }
0x423: {  	v15 =	vld.idx.msk [tilespmem:v6+s15+$0x310 ss:$0x1], $0xffff  }
0x424: {  	v27 =	vmul.f32 v18, v31;
	v18 =	vmul.f32 v19, v40;
	v19 =	vld.idx.msk [tilespmem:v6+s15+$0x320 ss:$0x1], $0xffff  }
0x425: {  	v16 =	vadd.f32 v16, v51;
	v2 =	vadd.f32 v28, v2;
	v28 =	vld [tilespmem:$0x1F800]  }
0x426: {  	v35 =	vld.idx.msk [tilespmem:v6+s15+$0x510 ss:$0x1], $0xffff  }
0x427: {  	v37 =	vmul.f32 v45, v49;
	(xrf2) =	vadd.scan.msk.f32 $0xffff, v16;
	v16 =	vld.idx.msk [tilespmem:v6+s15+$0x330 ss:$0x1], $0xffff  }
0x428: {  	v17 =	vmul.f32 v17, v54;
	v63 =	vld.idx.msk [tilespmem:v6+s15+$0x290 ss:$0x1], $0xffff;
	v15 =	vmul.f32 v15, v53  }
0x429: {  	v7 =	vadd.f32 v37, v7;
	v21 =	vld.idx.msk [tilespmem:v6+s15+$0x280 ss:$0x1], $0xffff  }
0x42a: {  	v33 =	vadd.f32 v28, v9;
	v9 =	vadd.f32 v15, v17;
	v15 =	vmul.f32 v19, v52;
	v19 =	vld [tilespmem:$0x1F810]  }
0x42b: {  	v39 =	vmul.f32 v44, v26;
	v35 =	vmul.f32 v35, v26;
	v26 =	vld.idx.msk [tilespmem:v6+s15+$0x2A0 ss:$0x1], $0xffff;
	v7 =	vadd.f32 v46, v7  }
0x42c: {  	v9 =	vadd.f32 v15, v9;
	v15 =	vmul.f32 v16, v50;
	v16 =	vld [tilespmem:$0x1F830]  }
0x42d: {  	v11 =	vld.idx.msk [tilespmem:v6+s15+$0x360 ss:$0x1], $0xffff;
	v7 =	vadd.f32 v30, v7  }
0x42e: {  	v29 =	vld.idx.msk [tilespmem:v6+s15+$0x580 ss:$0x1], $0xffff  }
0x42f: {  	v30 =	vld [tilespmem:$0x1F820];
	v7 =	vadd.f32 v19, v7;
	v19 =	vmul.f32 v21, v54;
	v21 =	vmul.f32 v63, v53  }
0x430: {  	v25 =	vmul.f32 v56, v24;
	v24 =	vld.idx.msk [tilespmem:v6+s15+$0x340 ss:$0x1], $0xffff  }
0x431: {  	v7 =	vadd.f32 v16, v7;
	v16 =	vadd.f32 v21, v19;
	v19 =	vmul.f32 v26, v52;
	v26 =	vld [tilespmem:$0x1F840]  }
0x432: {  	v45 =	vld.idx.msk [tilespmem:v6+s15+$0x350 ss:$0x1], $0xffff  }
0x433: {  	v41 =	vmul.f32 v29, v31;
	v29 =	vld.idx.msk [tilespmem:v6+s15+$0x2B0 ss:$0x1], $0xffff  }
0x434: {  	v37 =	vld.idx.msk [tilespmem:v6+s15+$0x2C0 ss:$0x1], $0xffff;
	v2 =	vadd.f32 v30, v2  }
0x435: {  	v30 =	vld [tilespmem:$0x1F880]  }
0x436: {  	v9 =	vadd.f32 v15, v9;
	v15 =	vmul.f32 v24, v57;
	v2 =	vadd.f32 v26, v2;
	v26 =	vld [tilespmem:$0x1F850]  }
0x437: {  	v17 =	vld.idx.msk [tilespmem:v6+s15+$0x380 ss:$0x1], $0xffff  }
0x438: {  	v51 =	vmul.f32 v45, v49;
	v9 =	vadd.f32 v15, v9;
	v15 =	vld [tilespmem:$0x1F870]  }
0x439: {  	v28 =	vld.idx.msk [tilespmem:v6+s15+$0x390 ss:$0x1], $0xffff  }
0x43a: {  	v11 =	vmul.f32 v11, v48;
	v24 =	vld.idx.msk [tilespmem:v6+s15+$0x3B0 ss:$0x1], $0xffff;
	v9 =	vadd.f32 v51, v9  }
0x43b: {  	v21 =	vld.idx.msk [tilespmem:v6+s15+$0x3A0 ss:$0x1], $0xffff;
	v7 =	vadd.f32 v26, v7  }
0x43c: {  	v16 =	vadd.f32 v19, v16;
	v19 =	vmul.f32 v29, v50;
	v9 =	vadd.f32 v11, v9;
	v11 =	vld [tilespmem:$0x1F890]  }
0x43d: {  	v63 =	vld.idx.msk [tilespmem:v6+s15+$0x2D0 ss:$0x1], $0xffff;
	v7 =	vadd.f32 v15, v7  }
0x43e: {  	v8 =	vadd.f32 v8, v9;
	v9 =	vld [tilespmem:$0x1F8A0];
	v15 =	vadd.f32 v19, v16  }
0x43f: {  	v12 =	vld.idx.msk [tilespmem:v6+s15+$0x2E0 ss:$0x1], $0xffff;
	v16 =	vmul.f32 v17, v54;
	v17 =	vmul.f32 v28, v53;
	v7 =	vadd.f32 v30, v7  }
0x440: {  	v10 =	vld.idx.msk [tilespmem:v6+s15+$0x3C0 ss:$0x1], $0xffff;
	v37 =	vmul.f32 v37, v57  }
0x441: {  	v22 =	vld.idx.msk [tilespmem:v6+s15+$0x3D0 ss:$0x1], $0xffff;
	v16 =	vadd.f32 v17, v16;
	v17 =	vmul.f32 v21, v52;
	v7 =	vadd.f32 v11, v7  }
0x442: {  	v14 =	vld.idx.msk [tilespmem:v6+s15+$0x1F0 ss:$0x1], $0xffff;
	v28 =	vmul.f32 v63, v49;
	v15 =	vadd.f32 v37, v15  }
0x443: {  	v16 =	vadd.f32 v17, v16;
	v17 =	vmul.f32 v24, v50;
	v7 =	vadd.f32 v9, v7;
	v9 =	vld [tilespmem:$0x1F8C0]  }
0x444: {  	v12 =	vmul.f32 v12, v48;
	v28 =	vadd.f32 v28, v15  }
0x445: {  	v10 =	vmul.f32 v10, v57;
	v21 =	vld.idx.msk [tilespmem:v6+s15+$0x210 ss:$0x1], $0xffff;
	v16 =	vadd.f32 v17, v16  }
0x446: {  	v12 =	vadd.f32 v12, v28  }
0x447: {  	v22 =	vmul.f32 v22, v49;
	v10 =	vadd.f32 v10, v16  }
0x448: {  	v28 =	vmul.f32 v14, v40;
	v14 =	vadd.f32 v9, v7;
	v7 =	vadd.f32 v18, v12;
	_ =	sdelay $0x1  }
0x449: {  	v16 =	vmul.f32 v21, v53;
	v22 =	vadd.f32 v22, v10;
	v21 =	vadd.f32 v23, v7;
	v7 =	vld [tilespmem:$0x1F8E0]  }
0x44a: {  	v44 =	vld.idx.msk [tilespmem:v6+s15+$0x270 ss:$0x1], $0xffff;
	v8 =	vadd.f32 v62, v8  }
0x44b: {  	v0 =	vadd.f32 v0, v21;
	v21 =	vadd.f32 v4, v22;
	v4 =	vld [tilespmem:$0x1F8F0]  }
0x44c: {  	v18 =	vadd.f32 v61, v8;
	_ =	sdelay $0x1  }
0x44d: {  	v18 =	vadd.f32 v7, v18  }
0x44e: {  	v36 =	vmul.f32 v44, v40;
	v44 =	vld.idx.msk [tilespmem:v6+s15+$0x150 ss:$0x1], $0xffff  }
0x44f: {  	v18 =	vadd.f32 v4, v18;
	v4 =	vld [tilespmem:$0x1F900]  }
0x450: {  	v56 =	vld [tilespmem:$0x1F760]  }
0x451: {  	v13 =	vld.idx.msk [tilespmem:v6+s15+$0x500 ss:$0x1], $0xffff  }
0x452: {  	v20 =	vld.idx.msk [tilespmem:v6+s15+$0x260 ss:$0x1], $0xffff  }
0x453: {  	v32 =	vld.idx.msk [tilespmem:v6+s15+$0x200 ss:$0x1], $0xffff  }
0x454: {  	v0 =	vadd.f32 v4, v0;
	v4 =	vld [tilespmem:$0x1F910]  }
0x455: {  	v46 =	vld.idx.msk [tilespmem:v6+s15+$0x250 ss:$0x1], $0xffff  }
0x456: {  	v45 =	vld.idx.msk [tilespmem:v6+s15+$0x1E0 ss:$0x1], $0xffff  }
0x457: {  	v51 =	vld.idx.msk [tilespmem:v6+s15+$0x220 ss:$0x1], $0xffff  }
0x458: {  	v29 =	vld [tilespmem:$0x1F860]  }
0x459: {  	v18 =	vadd.f32 v4, v18;
	v4 =	vld [tilespmem:$0x1F920]  }
0x45a: {  	v62 =	vld [tilespmem:$0x1F8B0]  }
0x45b: {  	v26 =	vld.idx.msk [tilespmem:v6+s15+$0x170 ss:$0x1], $0xffff  }
0x45c: {  	v19 =	vld.idx.msk [tilespmem:v6+s15+$0x160 ss:$0x1], $0xffff  }
0x45d: {  	v11 =	vld.idx.msk [tilespmem:v6+s15+$0x1D0 ss:$0x1], $0xffff  }
0x45e: {  	v0 =	vadd.f32 v4, v0;
	v4 =	vld [tilespmem:$0x1F940]  }
0x45f: {  	v15 =	vmul.f32 v13, v31;
	v13 =	vld.idx.msk [tilespmem:v6+s15+$0x240 ss:$0x1], $0xffff  }
0x460: {  	v24 =	vmul.f32 v26, v40;
	v26 =	vld.idx.msk [tilespmem:v6+s15+$0x180 ss:$0x1], $0xffff  }
0x461: {  	v17 =	vld.idx.msk [tilespmem:v6+s15+$0x230 ss:$0x1], $0xffff;
	v12 =	vmul.f32 v32, v54  }
0x462: {  	v10 =	vld.idx.msk [tilespmem:v6+s15+$0x1B0 ss:$0x1], $0xffff  }
0x463: {  	v12 =	vadd.f32 v16, v12;
	v16 =	vmul.f32 v51, v52;
	v52 =	vadd.f32 v4, v18;
	v4 =	vld [tilespmem:$0x1F960]  }
0x464: {  	v9 =	vmul.f32 v20, v48;
	v20 =	vld.idx.msk [tilespmem:v6+s15+$0x1C0 ss:$0x1], $0xffff  }
0x465: {  	v61 =	vld [tilespmem:$0x1F8D0]  }
0x466: {  	v8 =	vld.idx.msk [tilespmem:v6+s15+$0x140 ss:$0x1], $0xffff  }
0x467: {  	v51 =	vld.idx.msk [tilespmem:v6+s15+$0x190 ss:$0x1], $0xffff  }
0x468: {  	v17 =	vmul.f32 v17, v50;
	v16 =	vadd.f32 v16, v12;
	v63 =	vadd.f32 v4, v0;
	v0 =	vld [tilespmem:$0x1F970]  }
0x469: {  	v5 =	vadd.f32 v5, v21;
	v4 =	vld [tilespmem:$0x1F980]  }
0x46a: {  	v13 =	vmul.f32 v13, v57;
	v23 =	vmul.f32 v19, v48;
	v19 =	vld.idx.msk [tilespmem:v6+s15+$0x110 ss:$0x1], $0xffff;
	v17 =	vadd.f32 v17, v16  }
0x46b: {  	v12 =	vld.idx.msk [tilespmem:v6+s15+$0x1A0 ss:$0x1], $0xffff;
	v21 =	vadd.f32 v43, v5  }
0x46c: {  	v22 =	vmul.f32 v46, v49;
	v16 =	vld.idx.msk [tilespmem:v6+s15+$0x100 ss:$0x1], $0xffff;
	v30 =	vadd.f32 v13, v17  }
0x46d: {  	v7 =	vld.idx.msk [tilespmem:v6+s15+$0x130 ss:$0x1], $0xffff;
	v0 =	vadd.f32 v0, v21  }
0x46e: {  	p1 =	sne.s32 s18, $0x7;
	v21 =	vadd.f32 v22, v30;
	v22 =	vadd.f32 v4, v52;
	v4 =	vld [tilespmem:$0x1F990]  }
.Ltmp4:
0x46f: {  	v43 =	vld [tilespmem:$0x1F930];
	(pc) =	sbr.rel @p1 .LBB2_3-.Ltmp4, $4  }
0x470: {  	v17 =	vld.idx.msk [tilespmem:v6+s15+$0x120 ss:$0x1], $0xffff  }
0x471: {  	v31 =	vmul.f32 v45, v48;
	v5 =	vmul.f32 v44, v49;
	v44 =	vld [tilespmem:$0x1F950]  }
0x472: {  	v38, _, _ =	vpop (xrf2);
	v2 =	vadd.f32 v29, v2;
	v11 =	vmul.f32 v11, v49;
	v13 =	vmul.f32 v20, v57;
	v20 =	vld.idx.msk [tilespmem:v6+s15+$0x10 ss:$0x1], $0xffff  }
0x473: {  	s17 =	smov.u32 s18;
	s18 =	sadd.s32 $0x1, s18;
	v29, _, _ =	vpop (xrf2);
	v32 =	vmul.f32 v51, v53;
	v18 =	vld.idx.msk [tilespmem:v6+s15+$0x0 ss:$0x1], $0xffff;
	v30 =	vmul.f32 v26, v54;
	v26 =	vadd.f32 v4, v63  }
0x474: {  	v4 =	vld [tilespmem:$0x1FC50]  }
0x475: {  	v45 =	vld [tilespmem:$0x1FD00]  }
0x476: {  	v37 =	vld [tilespmem:$0x1FF90]  }
0x477: {  	v46 =	vld [tilespmem:$0x1FFA0]  }
0x478: {  	v47 =	vld.idx.msk [tilespmem:v6+s15+$0x20 ss:$0x1], $0xffff  }
0x479: {  	v48 =	vld [tilespmem:$0x1FCB0]  }
0x47a: {  	v49 =	vld.idx.msk [tilespmem:v6+s15+$0x80 ss:$0x1], $0xffff  }
0x47b: {  	v50 =	vld [tilespmem:$0x1FEF0]  }
0x47c: {  	v51 =	vld.idx.msk [tilespmem:v6+s15+$0x90 ss:$0x1], $0xffff  }
0x47d: {  	v52 =	vld.idx.msk [tilespmem:v6+s15+$0x30 ss:$0x1], $0xffff  }
0x47e: {  	v53 =	vld.idx.msk [tilespmem:v6+s15+$0xA0 ss:$0x1], $0xffff  }
0x47f: {  	v21 =	vadd.f32 v9, v21;
	v54 =	vld.idx.msk [tilespmem:v6+s15+$0x40 ss:$0x1], $0xffff  }
0x480: {  	v40 =	vadd.f32 v32, v30;
	v32 =	vld [tilespmem:$0x1FEA0]  }
0x481: {  	v30 =	vld [tilespmem:$0x1FF50];
	v21 =	vadd.f32 v36, v21;
	v16 =	vmul.f32 v16, v37  }
0x482: {  	v18 =	vmul.f32 v18, v37;
	v57 =	vmul.f32 v49, v37;
	v37 =	vld.idx.msk [tilespmem:v6+s15+$0xB0 ss:$0x1], $0xffff  }
0x483: {  	v21 =	vadd.f32 v27, v21;
	v49 =	vld.idx.msk [tilespmem:v6+s15+$0xD0 ss:$0x1], $0xffff  }
0x484: {  	v26 =	vadd.f32 v45, v26;
	v45 =	vmul.f32 v52, v50;
	v52 =	vld [tilespmem:$0x1FF70]  }
0x485: {  	v19 =	vmul.f32 v19, v46;
	v21 =	vadd.f32 v39, v21;
	v39 =	vld [tilespmem:$0x1FF80]  }
0x486: {  	v63 =	vmul.f32 v47, v32;
	v47 =	vld.idx.msk [tilespmem:v6+s15+$0x60 ss:$0x1], $0xffff  }
0x487: {  	v20 =	vmul.f32 v20, v46;
	v16 =	vadd.f32 v19, v16;
	v19 =	vmul.f32 v51, v46;
	v46 =	vld.idx.msk [tilespmem:v6+s15+$0xC0 ss:$0x1], $0xffff  }
0x488: {  	v12 =	vmul.f32 v12, v32;
	v51 =	vld.idx.msk [tilespmem:v6+s15+$0x70 ss:$0x1], $0xffff  }
0x489: {  	v18 =	vadd.f32 v20, v18;
	v20 =	vld [tilespmem:$0x1FD50]  }
0x48a: {  	v9 =	vadd.f32 v4, v22;
	v17 =	vmul.f32 v17, v32;
	v22 =	vadd.f32 v12, v40;
	v40 =	vld.idx.msk [tilespmem:v6+s15+$0x50 ss:$0x1], $0xffff  }
0x48b: {  	v12 =	vadd.f32 v48, v26;
	v26 =	vld.idx.msk [tilespmem:v6+s15+$0xF0 ss:$0x1], $0xffff  }
0x48c: {  	v10 =	vmul.f32 v10, v50;
	v16 =	vadd.f32 v17, v16;
	v17 =	vmul.f32 v53, v32;
	v53 =	vld.idx.msk [tilespmem:v6+s15+$0xE0 ss:$0x1], $0xffff  }
0x48d: {  	v18 =	vadd.f32 v63, v18;
	v63 =	vld [tilespmem:$0x1FF60]  }
0x48e: {  	v7 =	vmul.f32 v7, v50;
	v10 =	vadd.f32 v10, v22;
	v50 =	vmul.f32 v37, v50;
	v37 =	vld [tilespmem:$0x1FF40]  }
0x48f: {  	v22 =	vld.idx.msk [tilespmem:v6+s15+$0x4E0 ss:$0x1], $0xffff  }
0x490: {  	v10 =	vadd.f32 v13, v10;
	v13 =	vadd.f32 v19, v57;
	v57 =	vld.idx.msk [tilespmem:v6+s15+$0x400 ss:$0x1], $0xffff  }
0x491: {  	v48 =	vmul.f32 v54, v39;
	v54 =	vmul.f32 v46, v39;
	v46 =	vld [tilespmem:$0x1FED0]  }
0x492: {  	v19 =	vld [tilespmem:$0x1FF00]  }
0x493: {  	v7 =	vadd.f32 v7, v16;
	v16 =	vmul.f32 v40, v52;
	v40 =	vld.idx.msk [tilespmem:v6+s15+$0x490 ss:$0x1], $0xffff  }
0x494: {  	v27 =	vmul.f32 v49, v52;
	v8 =	vmul.f32 v8, v39;
	v52 =	vld.idx.msk [tilespmem:v6+s15+$0x4C0 ss:$0x1], $0xffff  }
0x495: {  	v10 =	vadd.f32 v11, v10;
	v11 =	vadd.f32 v45, v18;
	v45 =	vld.idx.msk [tilespmem:v6+s15+$0x4A0 ss:$0x1], $0xffff  }
0x496: {  	v7 =	vadd.f32 v8, v7;
	v8 =	vmul.f32 v47, v63;
	v47 =	vld.idx.msk [tilespmem:v6+s15+$0x4B0 ss:$0x1], $0xffff  }
0x497: {  	v32 =	vmul.f32 v53, v63;
	v53 =	vld [tilespmem:$0x1FF10]  }
0x498: {  	v63 =	vld [tilespmem:$0x1FAA0]  }
0x499: {  	v18 =	vld [tilespmem:$0x1FEE0]  }
0x49a: {  	v13 =	vadd.f32 v17, v13;
	v17 =	vld [tilespmem:$0x1FEB0]  }
0x49b: {  	v5 =	vadd.f32 v5, v7;
	v7 =	vmul.f32 v51, v30;
	v51 =	vld [tilespmem:$0x1FE70]  }
0x49c: {  	v10 =	vadd.f32 v31, v10;
	v31 =	vld.idx.msk [tilespmem:v6+s15+$0x480 ss:$0x1], $0xffff  }
0x49d: {  	v11 =	vadd.f32 v48, v11;
	v48 =	vld [tilespmem:$0x1FF20]  }
0x49e: {  	v13 =	vadd.f32 v50, v13;
	v50 =	vld.idx.msk [tilespmem:v6+s15+$0x620 ss:$0x1], $0xffff  }
0x49f: {  	v39 =	vmul.f32 v57, v37;
	v57 =	vld [tilespmem:$0x1FDD0]  }
0x4a0: {  	v5 =	vadd.f32 v23, v5;
	v23 =	vld [tilespmem:$0x1FE50]  }
0x4a1: {  	v10 =	vadd.f32 v28, v10;
	v28 =	vld.idx.msk [tilespmem:v6+s15+$0x410 ss:$0x1], $0xffff  }
0x4a2: {  	v13 =	vadd.f32 v54, v13;
	v54 =	vld [tilespmem:$0x1FC60]  }
0x4a3: {  	v11 =	vadd.f32 v16, v11;
	v16 =	vmul.f32 v26, v30;
	v26 =	vld [tilespmem:$0x1FA10]  }
0x4a4: {  	v30 =	vld [tilespmem:$0x1FEC0]  }
0x4a5: {  	v5 =	vadd.f32 v24, v5;
	v24 =	vld.idx.msk [tilespmem:v6+s15+$0x650 ss:$0x1], $0xffff  }
0x4a6: {  	v10 =	vadd.f32 v41, v10;
	v41 =	vld [tilespmem:$0x1FF30]  }
0x4a7: {  	v13 =	vadd.f32 v27, v13;
	v27 =	vld [tilespmem:$0x1FDB0]  }
0x4a8: {  	v8 =	vadd.f32 v8, v11;
	v11 =	vmul.f32 v31, v37;
	v31 =	vld.idx.msk [tilespmem:v6+s15+$0x7D0 ss:$0x1], $0xffff  }
0x4a9: {  	v10 =	vadd.f32 v34, v10;
	v34 =	vld.idx.msk [tilespmem:v6+s15+$0x420 ss:$0x1], $0xffff  }
0x4aa: {  	v5 =	vadd.f32 v15, v5;
	v13 =	vadd.f32 v32, v13;
	v32 =	vld [tilespmem:$0x1F9F0]  }
0x4ab: {  	v7 =	vadd.f32 v7, v8;
	v8 =	vmul.f32 v47, v53;
	v47 =	vld [tilespmem:$0x1FCE0]  }
0x4ac: {  	v5 =	vadd.f32 v35, v5;
	v35 =	vld [tilespmem:$0x1FE10]  }
0x4ad: {  	v7 =	vadd.f32 v39, v7;
	v39 =	vld [tilespmem:$0x1FD90]  }
0x4ae: {  	v36 =	vadd.f32 v42, v10;
	v13 =	vadd.f32 v16, v13;
	v16 =	vmul.f32 v54, v53;
	v54 =	vld.idx.msk [tilespmem:v6+s15+$0xED0 ss:$0x1], $0xffff  }
0x4af: {  	v42 =	vmul.f32 v28, v41;
	v5 =	vadd.f32 v25, v5;
	v28 =	vld.idx.msk [tilespmem:v6+s15+$0x4F0 ss:$0x1], $0xffff  }
0x4b0: {  	v49 =	vmul.f32 v40, v41;
	v40 =	vld.idx.msk [tilespmem:v6+s15+$0x670 ss:$0x1], $0xffff;
	v3 =	vadd.f32 v3, v36;
	v11 =	vadd.f32 v11, v13  }
0x4b1: {  	v41 =	vld.idx.msk [tilespmem:v6+s15+$0xD50 ss:$0x1], $0xffff;
	v7 =	vadd.f32 v42, v7;
	v15 =	vmul.f32 v34, v48;
	v1 =	vadd.f32 v1, v5  }
0x4b2: {  	v36 =	vld [tilespmem:$0x1FE30];
	v5 =	vmul.f32 v50, v48;
	v3 =	vadd.f32 v46, v3;
	v11 =	vadd.f32 v49, v11  }
0x4b3: {  	v42 =	vld [tilespmem:$0x1FE20];
	v0 =	vadd.f32 v35, v0;
	v7 =	vadd.f32 v15, v7  }
0x4b4: {  	v10 =	vmul.f32 v45, v48;
	v48 =	vld [tilespmem:$0x1FD30];
	v1 =	vadd.f32 v59, v1;
	v5 =	vadd.f32 v5, v21  }
0x4b5: {  	v59 =	vld.idx.msk [tilespmem:v6+s15+$0x4D0 ss:$0x1], $0xffff;
	v3 =	vadd.f32 v51, v3;
	v7 =	vadd.f32 v16, v7;
	v16 =	vmul.f32 v63, v19  }
0x4b6: {  	v50 =	vld.idx.msk [tilespmem:v6+s15+$0x7F0 ss:$0x1], $0xffff;
	v10 =	vadd.f32 v10, v11;
	v0 =	vadd.f32 v39, v0  }
0x4b7: {  	v37 =	vmul.f32 v24, v18;
	v46 =	vld [tilespmem:$0x1F9E0];
	v1 =	vadd.f32 v58, v1;
	v7 =	vadd.f32 v16, v7  }
0x4b8: {  	(xrf2) =	vadd.scan.msk.f32 $0xffff, v2;
	v15 =	vmul.f32 v52, v19;
	v52 =	vld [tilespmem:$0x1FBF0];
	v3 =	vadd.f32 v57, v3;
	v8 =	vadd.f32 v8, v10  }
0x4b9: {  	v21 =	vld.idx.msk [tilespmem:v6+s15+$0xEF0 ss:$0x1], $0xffff;
	v0 =	vadd.f32 v48, v0;
	v25 =	vadd.f32 v55, v7;
	v7 =	vmul.f32 v26, v53  }
0x4ba: {  	(xrf2) =	vadd.scan.msk.f32 $0xffff, v14;
	v51 =	vld [tilespmem:$0x1FC90];
	v1 =	vadd.f32 v23, v1;
	v8 =	vadd.f32 v15, v8;
	v13 =	vmul.f32 v59, v18  }
0x4bb: {  	(xrf2) =	vadd.scan.msk.f32 $0xffff, v9;
	v34 =	vmul.f32 v32, v19;
	v3 =	vadd.f32 v20, v3;
	v55 =	vld [tilespmem:$0x1F9D0];
	v5 =	vadd.f32 v7, v5  }
0x4bc: {  	v11 =	vmul.f32 v22, v17;
	v58 =	vld.idx.msk [tilespmem:v6+s15+$0xD70 ss:$0x1], $0xffff;
	v1 =	vadd.f32 v27, v1;
	v8 =	vadd.f32 v13, v8  }
0x4bd: {  	(xrf2) =	vadd.scan.msk.f32 $0xffff, v12;
	v45 =	vmul.f32 v28, v42;
	v53 =	vld [tilespmem:$0x1FA30];
	v2 =	vadd.f32 v30, v25;
	v5 =	vadd.f32 v34, v5  }
0x4be: {  	v57 =	vld [tilespmem:$0x1FC20];
	(xrf2) =	vadd.scan.msk.f32 $0xffff, v3;
	v3 =	vadd.f32 v47, v33;
	v7 =	vmul.f32 v31, v18;
	v8 =	vadd.f32 v11, v8  }
0x4bf: {  	v12 =	vmul.f32 v46, v17;
	v59 =	vld [tilespmem:$0x1FBB0];
	v2 =	vadd.f32 v36, v2;
	v5 =	vadd.f32 v37, v5  }
0x4c0: {  	v22 =	vld [tilespmem:$0x1F9C0];
	(xrf2) =	vadd.scan.msk.f32 $0xffff, v1;
	v0 =	vadd.f32 v7, v0;
	v49 =	vadd.f32 v45, v8;
	v11 =	vmul.f32 v55, v17  }
0x4c1: {  	v10 =	vmul.f32 v40, v42;
	v16 =	vld [tilespmem:$0x1FA00];
	(xrf2) =	vadd.scan.msk.f32 $0xffff, v2;
	v2 =	vadd.f32 v51, v3;
	v5 =	vadd.f32 v12, v5  }
0x4c2: {  	v9 =	vmul.f32 v41, v18;
	v25 =	vld [tilespmem:$0x1F9A0];
	v3 =	vadd.f32 v52, v53;
	(xrf2) =	vadd.scan.msk.f32 $0xffff, v49;
	v0 =	vadd.f32 v11, v0  }
0x4c3: {  	v30 =	vld [tilespmem:$0x1F9B0];
	v8 =	vmul.f32 v50, v42;
	v1 =	vadd.f32 v57, v2;
	v5 =	vadd.f32 v10, v5  }
0x4c4: {  	v63 =	vld.idx.msk [tilespmem:v6+s15+$0xFD0 ss:$0x1], $0xffff;
	v3 =	vadd.f32 v59, v3  }
0x4c5: {  	v20, _, _ =	vpop (xrf2);
	v12 =	vmul.f32 v22, v17;
	v0 =	vadd.f32 v8, v0;
	v1 =	vadd.f32 v9, v1;
	(xrf2) =	vadd.scan.msk.f32 $0xffff, v5  }
0x4c6: {  	v23, _, _ =	vpop (xrf2);
	v7 =	vmul.f32 v54, v18;
	v10 =	vadd.f32 v61, v16;
	v3 =	vadd.f32 v62, v3  }
0x4c7: {  	v26 =	vld.idx.msk [tilespmem:v6+s15+$0xFE0 ss:$0x1], $0xffff;
	v24, _, _ =	vpop (xrf2);
	v13 =	vmul.f32 v25, v19;
	v2 =	vmul.f32 v58, v42;
	v1 =	vadd.f32 v12, v1  }
0x4c8: {  	v28, _, _ =	vpop (xrf2);
	v3 =	vadd.f32 v7, v3;
	v27 =	vadd.f32 v56, v10;
	v10 =	vmul.f32 v30, v17;
	(xrf2) =	vadd.scan.msk.f32 $0xffff, v0  }
0x4c9: {  	v33 =	vld.idx.msk [tilespmem:v6+s15+$0xFF0 ss:$0x1], $0xffff;
	v31 =	vmul.f32 v63, v18;
	v32, _, _ =	vpop (xrf2);
	v1 =	vadd.f32 v2, v1  }
0x4ca: {  	v34, _, _ =	vpop (xrf2);
	v5 =	vmul.f32 v21, v42;
	v3 =	vadd.f32 v10, v3;
	v7 =	vadd.f32 v13, v27  }
0x4cb: {  	(xrf2) =	vadd.scan.msk.f32 $0xffff, v1;
	v35, _, _ =	vpop (xrf2)  }
0x4cc: {  	v36 =	vmul.f32 v26, v17;
	v3 =	vadd.f32 v5, v3;
	v2 =	vadd.f32 v31, v7;
	v37, _, _ =	vpop (xrf2)  }
0x4cd: {  	v1 =	vbroadcast v35, $0xF;
	v7 =	vbroadcast v37, $0xF  }
0x4ce: {  	v39 =	vmul.f32 v33, v42;
	v40 =	vbroadcast v34, $0xF;
	v2 =	vadd.f32 v36, v2;
	(xrf2) =	vadd.scan.msk.f32 $0xffff, v3  }
0x4cf: {  	v41 =	vbroadcast v32, $0xF;
	v1 =	vsel vm1, v1, v7;
	v42, _, _ =	vpop (xrf2)  }
0x4d0: {  	v2 =	vadd.f32 v39, v2;
	v1 =	vsel vm2, v1, v40;
	v45 =	vbroadcast v42, $0xF  }
0x4d1: {  	v0 =	vbroadcast v28, $0xF;
	v1 =	vsel vm3, v1, v41  }
0x4d2: {  	v46 =	vbroadcast v24, $0xF;
	(xrf2) =	vadd.scan.msk.f32 $0xffff, v2;
	v47, _, _ =	vpop (xrf2);
	v1 =	vsel vm4, v1, v45  }
0x4d3: {  	v48 =	vbroadcast v47, $0xF;
	v0 =	vsel vm5, v1, v0  }
0x4d4: {  	v49 =	vbroadcast v23, $0xF;
	v0 =	vsel vm6, v0, v46  }
0x4d5: {  	v50 =	vbroadcast v20, $0xF;
	v51, _, _ =	vpop (xrf2);
	v0 =	vsel vm7, v0, v48  }
0x4d6: {  	v52 =	vbroadcast v51, $0xF;
	v0 =	vsel vm8, v0, v49  }
0x4d7: {  	v53 =	vbroadcast v29, $0xF;
	v0 =	vsel vm9, v0, v50  }
0x4d8: {  	v54 =	vbroadcast v38, $0xF;
	v55, _, _ =	vpop (xrf2);
	v0 =	vsel vm10, v0, v52  }
0x4d9: {  	v56 =	vbroadcast v55, $0xF;
	v0 =	vsel vm11, v0, v53  }
0x4da: {  	v57 =	vbroadcast v60, $0xF;
	v0 =	vsel vm12, v0, v54  }
0x4db: {  	v0 =	vsel vm13, v0, v56  }
0x4dc: {  	v58, _, _ =	vpop (xrf2);
	v0 =	vsel vm14, v0, v57  }
0x4dd: {  	v0 =	vsel vm15, v0, v58  }
0x4de: {  	vm0 =	vgt.f32 v0, v44  }
0x4df: {  	v1 =	vsel vm0, v0, v44  }
0x4e0: {  	(xrf0) =	vmax.scan.msk.f32 $0xffff, v1;
	_ =	sdelay $0x5  }
0x4e1: {  	s15 =	sshll.u32 s17, $0x4;
	v60 =	vlaneseq.u32;
	v59, _, _ =	vpop (xrf0)  }
0x4e2: {  	v3 =	vor.u32 s15, v60;
	v2 =	vbroadcast v59, $0xF  }
0x4e3: {  	v3 =	vsel vm0, v3, v43  }
0x4e4: {  	v61 =	vxor.u32 $0x80000000, v3;
	vm0 =	veq.f32 v1, v2  }
0x4e5: {  	v1 =	vnsel vm0, $0x80000080, v61  }
0x4e6: {  	(xrf0) =	vmin.scan.msk.u32 $0xffff, v1;
	_ =	sdelay $0x5  }
0x4e7: {  	v1, _, _ =	vpop (xrf0)  }
0x4e8: {  	(v2sf) =	vpush v1, $0xF;
	_ =	sdelay $0x8  }
0x4e9: {  	v62 =	vld [tilespmem:$0x1FFB0];
	_ =	sdelay $0x4  }
0x4ea: {  	s19 =	sand.u32 $0xF, s13  }
0x4eb: {  	p1 =	sne.s32 s19, $0xF;
	s18 =	spop (v2sf)  }
0x4ec: {  	s19 =	sxor.u32 $0x80000000, s18;
	s18 =	sadd.s32 @!p1 s8, s13  }
0x4ed: {  	p2 =	sgt.u32 s13, $0x3C;
	[tilespmem:v62+s15+$0x0 ss:$0x1] =	vst.idx.msk $0xffff, v0;
	v63 =	vmov s19;
	s19 =	sshrl.u32 s16, $0x2;
	s16 =	sshll.u32 @!p1 s18, $0x4  }
0x4ee: {  	s17 =	simm.s32 @!p1 $0x1B000;
	[tilespmem:s19+$0x1B800] =	vst v63;
	s15 =	sadd.s32 @!p1 s2, s16;
	s16 =	simm.s32 @!p1 $0x0  }
0x4ef: {  	[hbm4b:s15+s16] =	stream.linear.scatter @!p1 [tilespmem:s17], [sflag:$0x6], $0x800, $0x38;
	[tilespmem:$0x1D800] =	vst v63  }
.Ltmp5:
0x4f0: {  	_ = 	snop;
	(pc) =	sbr.rel @p2 .LBB2_11-.Ltmp5, $4  }
0x4f1: {  	s15 =	simm.s32 @!p1 $0x6  }
0x4f2: {  	_ =	swait.ge @!p1 [sflag:s15], $0x800  }
0x4f3: {  	[sflag:s15] =	ssyncset.done @!p1 $0x0  }
0x4f4: {  	[sflag:s15] =	ssyncadd.s32 @!p1 $0xFFFFF800  }
.Ltmp6:
0x4f5: {  	(pc) =	sbr.rel @p0 .LBB2_8-.Ltmp6, $2  }
0x4f6: {  	_ =	sdelay $0x2  }
0x4f7: {  	s15 =	sadd.s32 $0x3, s13  }
0x4f8: {  	p0 =	sne.s32 s14, $0x0  }
.Ltmp7:
0x4f9: {  	_ = 	snop;
	(pc) =	sbr.rel @p0 .LBB2_9-.Ltmp7, $1  }
0x4fa: {  	_ =	sdelay $0x3  }
0x4fb: {  	s16 =	sshll.u32 s15, $0x7  }
0x4fc: {  	s16 =	sand.u32 $0x3FFFFF80, s16  }
0x4fd: {  	v0 =	vld [tilespmem:s16+$0x0];
	_ =	sdelay $0x2  }
0x4fe: {  	v2 =	vld [tilespmem:$0x1FFC0]  }
0x4ff: {  	v3 =	vld [tilespmem:$0x1FFD0]  }
0x500: {  	v4 =	vld [tilespmem:$0x1FFF0];
	v1 =	vshll.u32 v0, $0x1  }
0x501: {  	v0 =	vand.u32 $0x7, v0;
	v1 =	vand.u32 $0xFFFFFFF0, v1  }
0x502: {  	v0 =	vor.u32 v0, v1  }
0x503: {  	v1 =	vperm.xlane v0, v2  }
0x504: {  	v5 =	vld [tilespmem:$0x1FFE0]  }
0x505: {  	v0 =	vperm.xlane v0, v4;
	v1 =	vadd.s32 v3, v1;
	_ =	sdelay $0x1  }
0x506: {  	v0 =	vadd.s32 v3, v0;
	_ =	sdelay $0x1  }
0x507: {  	s17 =	simm.s32 $0x3000;
	vm0 =	vnez.u8 v5  }
0x508: {  	[tilespmem:s17], [sflag:$0x3] =	stream.indirect_vreg.gather [hbm4b:s4+s3], $0x80, v1, vm0, $0xb8;
	[tilespmem:$0x1D800] =	vst v63  }
0x509: {  	s19 =	simm.s32 $0x3800  }
0x50a: {  	[tilespmem:s19], [sflag:$0x3] =	stream.indirect_vreg.gather [hbm4b:s4+s3], $0x80, v0, vm0, $0xb8;
	[tilespmem:$0x1D800] =	vst v63  }
0x50b: {  	v0 =	vld [tilespmem:s16+$0x10];
	_ =	sdelay $0x4  }
0x50c: {  	v57 =	vshll.u32 v0, $0x1  }
0x50d: {  	v0 =	vand.u32 $0x7, v0;
	v1 =	vand.u32 $0xFFFFFFF0, v57  }
0x50e: {  	v0 =	vor.u32 v0, v1  }
0x50f: {  	v1 =	vperm.xlane v0, v2;
	_ =	sdelay $0x1  }
0x510: {  	v0 =	vperm.xlane v0, v4;
	v1 =	vadd.s32 v3, v1;
	_ =	sdelay $0x1  }
0x511: {  	v0 =	vadd.s32 v3, v0;
	_ =	sdelay $0x1  }
0x512: {  	s18 =	simm.s32 $0x4000  }
0x513: {  	[tilespmem:s18], [sflag:$0x3] =	stream.indirect_vreg.gather [hbm4b:s4+s3], $0x80, v1, vm0, $0xb8;
	[tilespmem:$0x1D800] =	vst v63  }
0x514: {  	s19 =	simm.s32 $0x4800  }
0x515: {  	[tilespmem:s19], [sflag:$0x3] =	stream.indirect_vreg.gather [hbm4b:s4+s3], $0x80, v0, vm0, $0xb8;
	[tilespmem:$0x1D800] =	vst v63  }
0x516: {  	v0 =	vld [tilespmem:s16+$0x20];
	_ =	sdelay $0x4  }
0x517: {  	v58 =	vshll.u32 v0, $0x1  }
0x518: {  	v0 =	vand.u32 $0x7, v0;
	v1 =	vand.u32 $0xFFFFFFF0, v58  }
0x519: {  	v0 =	vor.u32 v0, v1  }
0x51a: {  	v1 =	vperm.xlane v0, v2;
	_ =	sdelay $0x1  }
0x51b: {  	v0 =	vperm.xlane v0, v4;
	v1 =	vadd.s32 v3, v1;
	_ =	sdelay $0x1  }
0x51c: {  	v0 =	vadd.s32 v3, v0;
	_ =	sdelay $0x1  }
0x51d: {  	s18 =	simm.s32 $0x5000  }
0x51e: {  	[tilespmem:s18], [sflag:$0x3] =	stream.indirect_vreg.gather [hbm4b:s4+s3], $0x80, v1, vm0, $0xb8;
	[tilespmem:$0x1D800] =	vst v63  }
0x51f: {  	s19 =	simm.s32 $0x5800  }
0x520: {  	[tilespmem:s19], [sflag:$0x3] =	stream.indirect_vreg.gather [hbm4b:s4+s3], $0x80, v0, vm0, $0xb8;
	[tilespmem:$0x1D800] =	vst v63  }
0x521: {  	v0 =	vld [tilespmem:s16+$0x30];
	_ =	sdelay $0x4  }
0x522: {  	v59 =	vshll.u32 v0, $0x1  }
0x523: {  	v0 =	vand.u32 $0x7, v0;
	v1 =	vand.u32 $0xFFFFFFF0, v59  }
0x524: {  	v0 =	vor.u32 v0, v1  }
0x525: {  	v1 =	vperm.xlane v0, v2;
	_ =	sdelay $0x1  }
0x526: {  	v0 =	vperm.xlane v0, v4;
	v1 =	vadd.s32 v3, v1;
	_ =	sdelay $0x1  }
0x527: {  	v0 =	vadd.s32 v3, v0;
	_ =	sdelay $0x1  }
0x528: {  	s18 =	simm.s32 $0x6000  }
0x529: {  	[tilespmem:s18], [sflag:$0x3] =	stream.indirect_vreg.gather [hbm4b:s4+s3], $0x80, v1, vm0, $0xb8;
	[tilespmem:$0x1D800] =	vst v63  }
0x52a: {  	s19 =	simm.s32 $0x6800  }
0x52b: {  	[tilespmem:s19], [sflag:$0x3] =	stream.indirect_vreg.gather [hbm4b:s4+s3], $0x80, v0, vm0, $0xb8;
	[tilespmem:$0x1D800] =	vst v63  }
0x52c: {  	v0 =	vld [tilespmem:s16+$0x40];
	_ =	sdelay $0x4  }
0x52d: {  	v60 =	vshll.u32 v0, $0x1  }
0x52e: {  	v0 =	vand.u32 $0x7, v0;
	v1 =	vand.u32 $0xFFFFFFF0, v60  }
0x52f: {  	v0 =	vor.u32 v0, v1  }
0x530: {  	v1 =	vperm.xlane v0, v2;
	_ =	sdelay $0x1  }
0x531: {  	v0 =	vperm.xlane v0, v4;
	v1 =	vadd.s32 v3, v1;
	_ =	sdelay $0x1  }
0x532: {  	v0 =	vadd.s32 v3, v0;
	_ =	sdelay $0x1  }
0x533: {  	s18 =	simm.s32 $0x7000  }
0x534: {  	[tilespmem:s18], [sflag:$0x3] =	stream.indirect_vreg.gather [hbm4b:s4+s3], $0x80, v1, vm0, $0xb8;
	[tilespmem:$0x1D800] =	vst v63  }
0x535: {  	s19 =	simm.s32 $0x7800  }
0x536: {  	[tilespmem:s19], [sflag:$0x3] =	stream.indirect_vreg.gather [hbm4b:s4+s3], $0x80, v0, vm0, $0xb8;
	[tilespmem:$0x1D800] =	vst v63  }
0x537: {  	v0 =	vld [tilespmem:s16+$0x50];
	_ =	sdelay $0x4  }
0x538: {  	v61 =	vshll.u32 v0, $0x1  }
0x539: {  	v0 =	vand.u32 $0x7, v0;
	v1 =	vand.u32 $0xFFFFFFF0, v61  }
0x53a: {  	v0 =	vor.u32 v0, v1  }
0x53b: {  	v1 =	vperm.xlane v0, v2;
	_ =	sdelay $0x1  }
0x53c: {  	v0 =	vperm.xlane v0, v4;
	v1 =	vadd.s32 v3, v1;
	_ =	sdelay $0x1  }
0x53d: {  	v0 =	vadd.s32 v3, v0;
	_ =	sdelay $0x1  }
0x53e: {  	s18 =	simm.s32 $0x8000  }
0x53f: {  	[tilespmem:s18], [sflag:$0x3] =	stream.indirect_vreg.gather [hbm4b:s4+s3], $0x80, v1, vm0, $0xb8;
	[tilespmem:$0x1D800] =	vst v63  }
0x540: {  	s19 =	simm.s32 $0x8800  }
0x541: {  	[tilespmem:s19], [sflag:$0x3] =	stream.indirect_vreg.gather [hbm4b:s4+s3], $0x80, v0, vm0, $0xb8;
	[tilespmem:$0x1D800] =	vst v63  }
0x542: {  	v0 =	vld [tilespmem:s16+$0x60];
	_ =	sdelay $0x4  }
0x543: {  	v62 =	vshll.u32 v0, $0x1  }
0x544: {  	v0 =	vand.u32 $0x7, v0;
	v1 =	vand.u32 $0xFFFFFFF0, v62  }
0x545: {  	v0 =	vor.u32 v0, v1  }
0x546: {  	v1 =	vperm.xlane v0, v2;
	_ =	sdelay $0x1  }
0x547: {  	v0 =	vperm.xlane v0, v4;
	v1 =	vadd.s32 v3, v1;
	_ =	sdelay $0x1  }
0x548: {  	v0 =	vadd.s32 v3, v0;
	_ =	sdelay $0x1  }
0x549: {  	s18 =	simm.s32 $0x9000  }
0x54a: {  	[tilespmem:s18], [sflag:$0x3] =	stream.indirect_vreg.gather [hbm4b:s4+s3], $0x80, v1, vm0, $0xb8;
	[tilespmem:$0x1D800] =	vst v63  }
0x54b: {  	s19 =	simm.s32 $0x9800  }
0x54c: {  	[tilespmem:s19], [sflag:$0x3] =	stream.indirect_vreg.gather [hbm4b:s4+s3], $0x80, v0, vm0, $0xb8;
	[tilespmem:$0x1D800] =	vst v63  }
0x54d: {  	v0 =	vld [tilespmem:s16+$0x70];
	_ =	sdelay $0x4  }
0x54e: {  	v63 =	vshll.u32 v0, $0x1  }
0x54f: {  	v0 =	vand.u32 $0x7, v0;
	v1 =	vand.u32 $0xFFFFFFF0, v63  }
0x550: {  	v0 =	vor.u32 v0, v1  }
0x551: {  	v1 =	vperm.xlane v0, v2;
	_ =	sdelay $0x1  }
0x552: {  	v0 =	vperm.xlane v0, v4;
	v1 =	vadd.s32 v3, v1;
	_ =	sdelay $0x1  }
0x553: {  	v0 =	vadd.s32 v3, v0  }
.Ltmp8:
0x554: {  	_ = 	snop;
	(pc) =	sbr.rel .LBB2_9-.Ltmp8, $4  }
0x555: {  	s18 =	simm.s32 $0xA000  }
0x556: {  	[tilespmem:s18], [sflag:$0x3] =	stream.indirect_vreg.gather [hbm4b:s4+s3], $0x80, v1, vm0, $0xb8;
	[tilespmem:$0x1D800] =	vst v63  }
0x557: {  	s19 =	simm.s32 $0xA800  }
0x558: {  	[tilespmem:s19], [sflag:$0x3] =	stream.indirect_vreg.gather [hbm4b:s4+s3], $0x80, v0, vm0, $0xb8;
	[tilespmem:$0x1D800] =	vst v63  }
.LBB2_8:
0x559: {  	s16 =	sshll.u32 s15, $0x7  }
0x55a: {  	s16 =	sand.u32 $0x3FFFFF80, s16  }
0x55b: {  	v0 =	vld [tilespmem:s16+$0x0];
	_ =	sdelay $0x2  }
0x55c: {  	v2 =	vld [tilespmem:$0x1FFC0]  }
0x55d: {  	v3 =	vld [tilespmem:$0x1FFD0]  }
0x55e: {  	v4 =	vld [tilespmem:$0x1FFF0];
	v1 =	vshll.u32 v0, $0x1  }
0x55f: {  	v0 =	vand.u32 $0x7, v0;
	v1 =	vand.u32 $0xFFFFFFF0, v1  }
0x560: {  	v0 =	vor.u32 v0, v1  }
0x561: {  	v1 =	vperm.xlane v0, v2  }
0x562: {  	v5 =	vld [tilespmem:$0x1FFE0]  }
0x563: {  	v0 =	vperm.xlane v0, v4;
	v1 =	vadd.s32 v3, v1;
	_ =	sdelay $0x1  }
0x564: {  	v0 =	vadd.s32 v3, v0;
	_ =	sdelay $0x1  }
0x565: {  	s17 =	simm.s32 $0xB000;
	vm0 =	vnez.u8 v5  }
0x566: {  	[tilespmem:s17], [sflag:$0x4] =	stream.indirect_vreg.gather [hbm4b:s4+s3], $0x80, v1, vm0, $0xb8;
	[tilespmem:$0x1D800] =	vst v63  }
0x567: {  	s18 =	simm.s32 $0xB800  }
0x568: {  	[tilespmem:s18], [sflag:$0x4] =	stream.indirect_vreg.gather [hbm4b:s4+s3], $0x80, v0, vm0, $0xb8;
	[tilespmem:$0x1D800] =	vst v63  }
0x569: {  	v0 =	vld [tilespmem:s16+$0x10];
	_ =	sdelay $0x4  }
0x56a: {  	v57 =	vshll.u32 v0, $0x1  }
0x56b: {  	v0 =	vand.u32 $0x7, v0;
	v1 =	vand.u32 $0xFFFFFFF0, v57  }
0x56c: {  	v0 =	vor.u32 v0, v1  }
0x56d: {  	v1 =	vperm.xlane v0, v2;
	_ =	sdelay $0x1  }
0x56e: {  	v0 =	vperm.xlane v0, v4;
	v1 =	vadd.s32 v3, v1;
	_ =	sdelay $0x1  }
0x56f: {  	v0 =	vadd.s32 v3, v0;
	_ =	sdelay $0x1  }
0x570: {  	s19 =	simm.s32 $0xC000  }
0x571: {  	[tilespmem:s19], [sflag:$0x4] =	stream.indirect_vreg.gather [hbm4b:s4+s3], $0x80, v1, vm0, $0xb8;
	[tilespmem:$0x1D800] =	vst v63  }
0x572: {  	s18 =	simm.s32 $0xC800  }
0x573: {  	[tilespmem:s18], [sflag:$0x4] =	stream.indirect_vreg.gather [hbm4b:s4+s3], $0x80, v0, vm0, $0xb8;
	[tilespmem:$0x1D800] =	vst v63  }
0x574: {  	v0 =	vld [tilespmem:s16+$0x20];
	_ =	sdelay $0x4  }
0x575: {  	v58 =	vshll.u32 v0, $0x1  }
0x576: {  	v0 =	vand.u32 $0x7, v0;
	v1 =	vand.u32 $0xFFFFFFF0, v58  }
0x577: {  	v0 =	vor.u32 v0, v1  }
0x578: {  	v1 =	vperm.xlane v0, v2;
	_ =	sdelay $0x1  }
0x579: {  	v0 =	vperm.xlane v0, v4;
	v1 =	vadd.s32 v3, v1;
	_ =	sdelay $0x1  }
0x57a: {  	v0 =	vadd.s32 v3, v0;
	_ =	sdelay $0x1  }
0x57b: {  	s19 =	simm.s32 $0xD000  }
0x57c: {  	[tilespmem:s19], [sflag:$0x4] =	stream.indirect_vreg.gather [hbm4b:s4+s3], $0x80, v1, vm0, $0xb8;
	[tilespmem:$0x1D800] =	vst v63  }
0x57d: {  	s18 =	simm.s32 $0xD800  }
0x57e: {  	[tilespmem:s18], [sflag:$0x4] =	stream.indirect_vreg.gather [hbm4b:s4+s3], $0x80, v0, vm0, $0xb8;
	[tilespmem:$0x1D800] =	vst v63  }
0x57f: {  	v0 =	vld [tilespmem:s16+$0x30];
	_ =	sdelay $0x4  }
0x580: {  	v59 =	vshll.u32 v0, $0x1  }
0x581: {  	v0 =	vand.u32 $0x7, v0;
	v1 =	vand.u32 $0xFFFFFFF0, v59  }
0x582: {  	v0 =	vor.u32 v0, v1  }
0x583: {  	v1 =	vperm.xlane v0, v2;
	_ =	sdelay $0x1  }
0x584: {  	v0 =	vperm.xlane v0, v4;
	v1 =	vadd.s32 v3, v1;
	_ =	sdelay $0x1  }
0x585: {  	v0 =	vadd.s32 v3, v0;
	_ =	sdelay $0x1  }
0x586: {  	s19 =	simm.s32 $0xE000  }
0x587: {  	[tilespmem:s19], [sflag:$0x4] =	stream.indirect_vreg.gather [hbm4b:s4+s3], $0x80, v1, vm0, $0xb8;
	[tilespmem:$0x1D800] =	vst v63  }
0x588: {  	s18 =	simm.s32 $0xE800  }
0x589: {  	[tilespmem:s18], [sflag:$0x4] =	stream.indirect_vreg.gather [hbm4b:s4+s3], $0x80, v0, vm0, $0xb8;
	[tilespmem:$0x1D800] =	vst v63  }
0x58a: {  	v0 =	vld [tilespmem:s16+$0x40];
	_ =	sdelay $0x4  }
0x58b: {  	v60 =	vshll.u32 v0, $0x1  }
0x58c: {  	v0 =	vand.u32 $0x7, v0;
	v1 =	vand.u32 $0xFFFFFFF0, v60  }
0x58d: {  	v0 =	vor.u32 v0, v1  }
0x58e: {  	v1 =	vperm.xlane v0, v2;
	_ =	sdelay $0x1  }
0x58f: {  	v0 =	vperm.xlane v0, v4;
	v1 =	vadd.s32 v3, v1;
	_ =	sdelay $0x1  }
0x590: {  	v0 =	vadd.s32 v3, v0;
	_ =	sdelay $0x1  }
0x591: {  	s19 =	simm.s32 $0xF000  }
0x592: {  	[tilespmem:s19], [sflag:$0x4] =	stream.indirect_vreg.gather [hbm4b:s4+s3], $0x80, v1, vm0, $0xb8;
	[tilespmem:$0x1D800] =	vst v63  }
0x593: {  	s18 =	simm.s32 $0xF800  }
0x594: {  	[tilespmem:s18], [sflag:$0x4] =	stream.indirect_vreg.gather [hbm4b:s4+s3], $0x80, v0, vm0, $0xb8;
	[tilespmem:$0x1D800] =	vst v63  }
0x595: {  	v0 =	vld [tilespmem:s16+$0x50];
	_ =	sdelay $0x4  }
0x596: {  	v61 =	vshll.u32 v0, $0x1  }
0x597: {  	v0 =	vand.u32 $0x7, v0;
	v1 =	vand.u32 $0xFFFFFFF0, v61  }
0x598: {  	v0 =	vor.u32 v0, v1  }
0x599: {  	v1 =	vperm.xlane v0, v2;
	_ =	sdelay $0x1  }
0x59a: {  	v0 =	vperm.xlane v0, v4;
	v1 =	vadd.s32 v3, v1;
	_ =	sdelay $0x1  }
0x59b: {  	v0 =	vadd.s32 v3, v0;
	_ =	sdelay $0x1  }
0x59c: {  	s19 =	simm.s32 $0x10000  }
0x59d: {  	[tilespmem:s19], [sflag:$0x4] =	stream.indirect_vreg.gather [hbm4b:s4+s3], $0x80, v1, vm0, $0xb8;
	[tilespmem:$0x1D800] =	vst v63  }
0x59e: {  	s18 =	simm.s32 $0x10800  }
0x59f: {  	[tilespmem:s18], [sflag:$0x4] =	stream.indirect_vreg.gather [hbm4b:s4+s3], $0x80, v0, vm0, $0xb8;
	[tilespmem:$0x1D800] =	vst v63  }
0x5a0: {  	v0 =	vld [tilespmem:s16+$0x60];
	_ =	sdelay $0x4  }
0x5a1: {  	v62 =	vshll.u32 v0, $0x1  }
0x5a2: {  	v0 =	vand.u32 $0x7, v0;
	v1 =	vand.u32 $0xFFFFFFF0, v62  }
0x5a3: {  	v0 =	vor.u32 v0, v1  }
0x5a4: {  	v1 =	vperm.xlane v0, v2;
	_ =	sdelay $0x1  }
0x5a5: {  	v0 =	vperm.xlane v0, v4;
	v1 =	vadd.s32 v3, v1;
	_ =	sdelay $0x1  }
0x5a6: {  	v0 =	vadd.s32 v3, v0;
	_ =	sdelay $0x1  }
0x5a7: {  	s19 =	simm.s32 $0x11000  }
0x5a8: {  	[tilespmem:s19], [sflag:$0x4] =	stream.indirect_vreg.gather [hbm4b:s4+s3], $0x80, v1, vm0, $0xb8;
	[tilespmem:$0x1D800] =	vst v63  }
0x5a9: {  	s18 =	simm.s32 $0x11800  }
0x5aa: {  	[tilespmem:s18], [sflag:$0x4] =	stream.indirect_vreg.gather [hbm4b:s4+s3], $0x80, v0, vm0, $0xb8;
	[tilespmem:$0x1D800] =	vst v63  }
0x5ab: {  	v0 =	vld [tilespmem:s16+$0x70];
	_ =	sdelay $0x4  }
0x5ac: {  	v63 =	vshll.u32 v0, $0x1  }
0x5ad: {  	v0 =	vand.u32 $0x7, v0;
	v1 =	vand.u32 $0xFFFFFFF0, v63  }
0x5ae: {  	v0 =	vor.u32 v0, v1  }
0x5af: {  	v1 =	vperm.xlane v0, v2;
	_ =	sdelay $0x1  }
0x5b0: {  	v0 =	vperm.xlane v0, v4;
	v1 =	vadd.s32 v3, v1;
	_ =	sdelay $0x1  }
0x5b1: {  	v0 =	vadd.s32 v3, v0;
	_ =	sdelay $0x1  }
0x5b2: {  	s19 =	simm.s32 $0x12000  }
0x5b3: {  	[tilespmem:s19], [sflag:$0x4] =	stream.indirect_vreg.gather [hbm4b:s4+s3], $0x80, v1, vm0, $0xb8;
	[tilespmem:$0x1D800] =	vst v63  }
0x5b4: {  	_ = 	snop  }
0x5b5: {  	[tilespmem:s20], [sflag:$0x4] =	stream.indirect_vreg.gather [hbm4b:s4+s3], $0x80, v0, vm0, $0xb8;
	[tilespmem:$0x1D800] =	vst v63  }
.LBB2_9:
0x5b6: {  	p0 =	slt.u32 s14, $0x2  }
.Ltmp9:
0x5b7: {  	_ = 	snop;
	(pc) =	sbr.rel @p0 .LBB2_11-.Ltmp9, $1  }
0x5b8: {  	_ =	sdelay $0x3  }
0x5b9: {  	s14 =	sshll.u32 s15, $0x7  }
0x5ba: {  	s14 =	sand.u32 $0x3FFFFF80, s14  }
0x5bb: {  	v0 =	vld [tilespmem:s14+$0x0];
	_ =	sdelay $0x2  }
0x5bc: {  	v2 =	vld [tilespmem:$0x1FFC0]  }
0x5bd: {  	v3 =	vld [tilespmem:$0x1FFD0]  }
0x5be: {  	v4 =	vld [tilespmem:$0x1FFF0];
	v1 =	vshll.u32 v0, $0x1  }
0x5bf: {  	v0 =	vand.u32 $0x7, v0;
	v1 =	vand.u32 $0xFFFFFFF0, v1  }
0x5c0: {  	v0 =	vor.u32 v0, v1  }
0x5c1: {  	v1 =	vperm.xlane v0, v2  }
0x5c2: {  	v5 =	vld [tilespmem:$0x1FFE0]  }
0x5c3: {  	v0 =	vperm.xlane v0, v4;
	v1 =	vadd.s32 v3, v1;
	_ =	sdelay $0x1  }
0x5c4: {  	v0 =	vadd.s32 v3, v0;
	_ =	sdelay $0x1  }
0x5c5: {  	vm0 =	vnez.u8 v5  }
0x5c6: {  	[tilespmem:s21], [sflag:$0x5] =	stream.indirect_vreg.gather [hbm4b:s4+s3], $0x80, v1, vm0, $0xb8;
	[tilespmem:$0x1D800] =	vst v63  }
0x5c7: {  	_ = 	snop  }
0x5c8: {  	[tilespmem:s22], [sflag:$0x5] =	stream.indirect_vreg.gather [hbm4b:s4+s3], $0x80, v0, vm0, $0xb8;
	[tilespmem:$0x1D800] =	vst v63  }
0x5c9: {  	v0 =	vld [tilespmem:s14+$0x10];
	_ =	sdelay $0x4  }
0x5ca: {  	v57 =	vshll.u32 v0, $0x1  }
0x5cb: {  	v0 =	vand.u32 $0x7, v0;
	v1 =	vand.u32 $0xFFFFFFF0, v57  }
0x5cc: {  	v0 =	vor.u32 v0, v1  }
0x5cd: {  	v1 =	vperm.xlane v0, v2;
	_ =	sdelay $0x1  }
0x5ce: {  	v0 =	vperm.xlane v0, v4;
	v1 =	vadd.s32 v3, v1;
	_ =	sdelay $0x1  }
0x5cf: {  	v0 =	vadd.s32 v3, v0;
	_ =	sdelay $0x2  }
0x5d0: {  	[tilespmem:s23], [sflag:$0x5] =	stream.indirect_vreg.gather [hbm4b:s4+s3], $0x80, v1, vm0, $0xb8;
	[tilespmem:$0x1D800] =	vst v63  }
0x5d1: {  	_ = 	snop  }
0x5d2: {  	[tilespmem:s24], [sflag:$0x5] =	stream.indirect_vreg.gather [hbm4b:s4+s3], $0x80, v0, vm0, $0xb8;
	[tilespmem:$0x1D800] =	vst v63  }
0x5d3: {  	v0 =	vld [tilespmem:s14+$0x20];
	_ =	sdelay $0x4  }
0x5d4: {  	v58 =	vshll.u32 v0, $0x1  }
0x5d5: {  	v0 =	vand.u32 $0x7, v0;
	v1 =	vand.u32 $0xFFFFFFF0, v58  }
0x5d6: {  	v0 =	vor.u32 v0, v1  }
0x5d7: {  	v1 =	vperm.xlane v0, v2;
	_ =	sdelay $0x1  }
0x5d8: {  	v0 =	vperm.xlane v0, v4;
	v1 =	vadd.s32 v3, v1;
	_ =	sdelay $0x1  }
0x5d9: {  	v0 =	vadd.s32 v3, v0;
	_ =	sdelay $0x2  }
0x5da: {  	[tilespmem:s25], [sflag:$0x5] =	stream.indirect_vreg.gather [hbm4b:s4+s3], $0x80, v1, vm0, $0xb8;
	[tilespmem:$0x1D800] =	vst v63  }
0x5db: {  	_ = 	snop  }
0x5dc: {  	[tilespmem:s26], [sflag:$0x5] =	stream.indirect_vreg.gather [hbm4b:s4+s3], $0x80, v0, vm0, $0xb8;
	[tilespmem:$0x1D800] =	vst v63  }
0x5dd: {  	v0 =	vld [tilespmem:s14+$0x30];
	_ =	sdelay $0x4  }
0x5de: {  	v59 =	vshll.u32 v0, $0x1  }
0x5df: {  	v0 =	vand.u32 $0x7, v0;
	v1 =	vand.u32 $0xFFFFFFF0, v59  }
0x5e0: {  	v0 =	vor.u32 v0, v1  }
0x5e1: {  	v1 =	vperm.xlane v0, v2;
	_ =	sdelay $0x1  }
0x5e2: {  	v0 =	vperm.xlane v0, v4;
	v1 =	vadd.s32 v3, v1;
	_ =	sdelay $0x1  }
0x5e3: {  	v0 =	vadd.s32 v3, v0;
	_ =	sdelay $0x2  }
0x5e4: {  	[tilespmem:s28], [sflag:$0x5] =	stream.indirect_vreg.gather [hbm4b:s4+s3], $0x80, v1, vm0, $0xb8;
	[tilespmem:$0x1D800] =	vst v63  }
0x5e5: {  	_ = 	snop  }
0x5e6: {  	[tilespmem:s29], [sflag:$0x5] =	stream.indirect_vreg.gather [hbm4b:s4+s3], $0x80, v0, vm0, $0xb8;
	[tilespmem:$0x1D800] =	vst v63  }
0x5e7: {  	v0 =	vld [tilespmem:s14+$0x40];
	_ =	sdelay $0x4  }
0x5e8: {  	v60 =	vshll.u32 v0, $0x1  }
0x5e9: {  	v0 =	vand.u32 $0x7, v0;
	v1 =	vand.u32 $0xFFFFFFF0, v60  }
0x5ea: {  	v0 =	vor.u32 v0, v1  }
0x5eb: {  	v1 =	vperm.xlane v0, v2;
	_ =	sdelay $0x1  }
0x5ec: {  	v0 =	vperm.xlane v0, v4;
	v1 =	vadd.s32 v3, v1;
	_ =	sdelay $0x1  }
0x5ed: {  	v0 =	vadd.s32 v3, v0;
	_ =	sdelay $0x2  }
0x5ee: {  	[tilespmem:s30], [sflag:$0x5] =	stream.indirect_vreg.gather [hbm4b:s4+s3], $0x80, v1, vm0, $0xb8;
	[tilespmem:$0x1D800] =	vst v63  }
0x5ef: {  	_ = 	snop  }
0x5f0: {  	[tilespmem:s31], [sflag:$0x5] =	stream.indirect_vreg.gather [hbm4b:s4+s3], $0x80, v0, vm0, $0xb8;
	[tilespmem:$0x1D800] =	vst v63  }
0x5f1: {  	v0 =	vld [tilespmem:s14+$0x50];
	_ =	sdelay $0x4  }
0x5f2: {  	v61 =	vshll.u32 v0, $0x1  }
0x5f3: {  	v0 =	vand.u32 $0x7, v0;
	v1 =	vand.u32 $0xFFFFFFF0, v61  }
0x5f4: {  	v0 =	vor.u32 v0, v1  }
0x5f5: {  	v1 =	vperm.xlane v0, v2;
	_ =	sdelay $0x1  }
0x5f6: {  	v0 =	vperm.xlane v0, v4;
	v1 =	vadd.s32 v3, v1;
	_ =	sdelay $0x1  }
0x5f7: {  	v0 =	vadd.s32 v3, v0;
	_ =	sdelay $0x2  }
0x5f8: {  	[tilespmem:s0], [sflag:$0x5] =	stream.indirect_vreg.gather [hbm4b:s4+s3], $0x80, v1, vm0, $0xb8;
	[tilespmem:$0x1D800] =	vst v63  }
0x5f9: {  	_ = 	snop  }
0x5fa: {  	[tilespmem:s1], [sflag:$0x5] =	stream.indirect_vreg.gather [hbm4b:s4+s3], $0x80, v0, vm0, $0xb8;
	[tilespmem:$0x1D800] =	vst v63  }
0x5fb: {  	v0 =	vld [tilespmem:s14+$0x60];
	_ =	sdelay $0x4  }
0x5fc: {  	v62 =	vshll.u32 v0, $0x1  }
0x5fd: {  	v0 =	vand.u32 $0x7, v0;
	v1 =	vand.u32 $0xFFFFFFF0, v62  }
0x5fe: {  	v0 =	vor.u32 v0, v1  }
0x5ff: {  	v1 =	vperm.xlane v0, v2;
	_ =	sdelay $0x1  }
0x600: {  	v0 =	vperm.xlane v0, v4;
	v1 =	vadd.s32 v3, v1;
	_ =	sdelay $0x1  }
0x601: {  	v0 =	vadd.s32 v3, v0;
	_ =	sdelay $0x2  }
0x602: {  	[tilespmem:s12], [sflag:$0x5] =	stream.indirect_vreg.gather [hbm4b:s4+s3], $0x80, v1, vm0, $0xb8;
	[tilespmem:$0x1D800] =	vst v63  }
0x603: {  	_ = 	snop  }
0x604: {  	[tilespmem:s6], [sflag:$0x5] =	stream.indirect_vreg.gather [hbm4b:s4+s3], $0x80, v0, vm0, $0xb8;
	[tilespmem:$0x1D800] =	vst v63  }
0x605: {  	v0 =	vld [tilespmem:s14+$0x70];
	_ =	sdelay $0x4  }
0x606: {  	v63 =	vshll.u32 v0, $0x1  }
0x607: {  	v0 =	vand.u32 $0x7, v0;
	v1 =	vand.u32 $0xFFFFFFF0, v63  }
0x608: {  	v0 =	vor.u32 v0, v1  }
0x609: {  	v1 =	vperm.xlane v0, v2;
	_ =	sdelay $0x1  }
0x60a: {  	v0 =	vperm.xlane v0, v4;
	v1 =	vadd.s32 v3, v1;
	_ =	sdelay $0x1  }
0x60b: {  	v0 =	vadd.s32 v3, v0  }
.Ltmp10:
0x60c: {  	_ = 	snop;
	(pc) =	sbr.rel .LBB2_11-.Ltmp10, $4  }
0x60d: {  	_ = 	snop  }
0x60e: {  	[tilespmem:s7], [sflag:$0x5] =	stream.indirect_vreg.gather [hbm4b:s4+s3], $0x80, v1, vm0, $0xb8;
	[tilespmem:$0x1D800] =	vst v63  }
0x60f: {  	_ = 	snop  }
0x610: {  	[tilespmem:s10], [sflag:$0x5] =	stream.indirect_vreg.gather [hbm4b:s4+s3], $0x80, v0, vm0, $0xb8;
	[tilespmem:$0x1D800] =	vst v63  }
.LBB2_13:
0x611: {  	_ =	sfence.sel $0x180000  }
0x612: {  	[bflag:$0x0] =	sbarrier.arrive $0xFFFF  }
0x613: {  	_ =	strace $0x9000004A  }
0x614: {  	s0 =	stileid.u32;
	[bflag:$0x2] =	sbarrier.arrive $0xFFFF  }
0x615: {  	p0 =	sne.s32 s0, $0x0;
	s0 =	rddreg [dreg:$0x2]  }
0x616: {  	s0 =	sadd.s32 @!p0 $0x100000, s0  }
0x617: {  	[sflag:s0] =	ssyncadd.tile.s32 @!p0 $0x1;
	_ =	shalt  }
.Lfunc_end2:
_tile_overlayer_lowered:
.L_overlay_start_2:
0x618: {  	(tag) =	ssettag $0x2  }
0x619: {  	s0 =	rddreg [dreg:$0x0];
	s2 =	stileid.u32  }
0x61a: {  	s1 =	rddreg [dreg:$0x1];
	p0 =	sne.s32 s2, $0x0  }
0x61b: {  	s3 =	rddreg [dreg:$0x2];
	[bflag:$0x3] =	sbarrier.arrive $0xFFFF;
	s2 =	simm.s32 @!p0 $0x1C06  }
0x61c: {  	[timem:s3], [sflag:s2] =	dma.local @!p0 [hbm:s0], s1  }
0x61d: {  	s0 =	simm.s32 @!p0 $0x6  }
0x61e: {  	_ =	swait.ge @!p0 [sflag:s0], s1  }
0x61f: {  	s1 =	ssub.s32 @!p0 $0x0, s1;
	[sflag:s0] =	ssyncset.done @!p0 $0x0  }
0x620: {  	[sflag:s0] =	ssyncadd.s32 @!p0 s1  }
0x621: {  	[bflag:$0x3] =	sbarrier.arrive $0xFFFF  }
0x622: {  	_ =	shalt  }

</sc_bundles>
